<compile_context>
chip_gen: v7x
topology: tpu7x:2x2x1
jax: 0.10.2.dev20260603
libtpu: 0.0.44.dev20260713+nightly
codegen_flags: <defaults>
</compile_context>

<pallas_src>
import functools

import jax
import jax.numpy as jnp
from jax import lax
from jax.experimental import pallas as pl
from jax.experimental.pallas import tpu as pltpu
from jax.experimental.pallas import tpu_sc as plsc

N_NODES = 10000
N_EDGES = 320000
D = 128
DH = 64
NC = 2
NT = 16
N_PAD = 10240
E_PAD = 327680
BK = 128
EB = E_PAD // NT // BK
CH = 4
NCH = EB // CH
T = 12800
TBK = 80
TB = T // NT // TBK
ROWS_PT = N_PAD // NT


def _rsqrt16(v):
    i = lax.bitcast_convert_type(v, jnp.int32)
    i = 0x5F3759DF - lax.shift_right_logical(i, 1)
    y = lax.bitcast_convert_type(i, jnp.float32)
    vh = v * 0.5
    for _ in range(3):
        y = y * (1.5 - vh * y * y)
    return jnp.where(v > 0.0, y, 0.0)


def _sc_body(xs, row3, col3, ew4, et4, tok4, b12,
             out, h1s, h2s,
             row_v, col_v, coef_v, ewc, etc, dis_v, tokc, gbuf, gbb,
             b_v, zdeg, sga, sgb, deg_s, h_s):
    c = lax.axis_index("c")
    s = lax.axis_index("s")
    z16 = jnp.zeros((16,), jnp.float32)

    def zero_gbuf():
        def zr(j, _):
            for k in range(DH // 16):
                gbuf[j, pl.ds(k * 16, 16)] = z16
            return 0

        lax.fori_loop(0, BK, zr, 0)

    def zero_h():
        def zh(m, _):
            pltpu.sync_copy(gbuf, h_s.at[pl.ds(s * ROWS_PT + m * BK, BK)])
            return 0

        lax.fori_loop(0, ROWS_PT // BK, zh, 0)

    def dump_h(dst, bias_v):
        def dm(m, _):
            base = s * ROWS_PT + m * BK
            pltpu.sync_copy(h_s.at[pl.ds(base, BK)], gbuf)

            def brow(j, _):
                for k in range(DH // 16):
                    sl = pl.ds(k * 16, 16)
                    gbuf[j, sl] = gbuf[j, sl] + bias_v[sl]
                return 0

            lax.fori_loop(0, BK, brow, 0)
            pltpu.sync_copy(gbuf, dst.at[pl.ds(c * N_PAD + base, BK)])
            return 0

        lax.fori_loop(0, ROWS_PT // BK, dm, 0)

    def conv_layer(table):
        def scale(buf, b):
            def srow(g, _):
                cvec = coef_v[b, pl.ds(g * 16, 16)]
                for jj in range(16):
                    cf = cvec[jj]
                    j = g * 16 + jj
                    for k in range(DH // 16):
                        sl = pl.ds(k * 16, 16)
                        buf[j, sl] = buf[j, sl] * cf
                return 0

            lax.fori_loop(0, BK // 16, srow, 0)

        pltpu.async_copy(table.at[row_v.at[0]], gbuf, sga)

        def pair(g, _):
            b0 = 2 * g
            pltpu.async_copy(table.at[row_v.at[b0 + 1]], gbb, sgb)
            pltpu.make_async_copy(table.at[row_v.at[b0]], gbuf, sga).wait()
            scale(gbuf, b0)
            pltpu.sync_copy(gbuf, h_s.at[col_v.at[b0]], add=True)

            @pl.when(g < EB // 2 - 1)
            def _():
                pltpu.async_copy(table.at[row_v.at[b0 + 2]], gbuf, sga)

            pltpu.make_async_copy(table.at[row_v.at[b0 + 1]], gbb, sgb).wait()
            scale(gbb, b0 + 1)
            pltpu.sync_copy(gbb, h_s.at[col_v.at[b0 + 1]], add=True)
            return 0

        lax.fori_loop(0, EB // 2, pair, 0)

    pltpu.sync_copy(row3.at[s], row_v)
    pltpu.sync_copy(col3.at[s], col_v)
    pltpu.sync_copy(b12.at[pl.ds(c * DH, DH)], b_v)
    zdeg[pl.ds(0, 16)] = z16
    zero_gbuf()

    def zd(i, _):
        pltpu.sync_copy(zdeg, deg_s.at[pl.ds(s * ROWS_PT + i * 16, 16)])
        return 0

    lax.fori_loop(0, ROWS_PT // 16, zd, 0)
    zero_h()
    plsc.subcore_barrier()

    _sc1 = jax.named_scope("ph1_deg"); _sc1.__enter__()

    def deg_ch(ch, _):
        pltpu.sync_copy(ew4.at[s * NCH + ch], ewc)
        for b8 in range(CH):
            pltpu.sync_copy(ewc.at[b8], deg_s.at[row_v.at[ch * CH + b8]],
                            add=True)
        return 0

    lax.fori_loop(0, NCH, deg_ch, 0)
    plsc.subcore_barrier()
    _sc1.__exit__(None, None, None)

    pltpu.sync_copy(deg_s, dis_v)

    def dis_blk(i, _):
        sl = pl.ds(i * 16, 16)
        dis_v[sl] = _rsqrt16(dis_v[sl])
        return 0

    lax.fori_loop(0, N_PAD // 16, dis_blk, 0)

    _sc2 = jax.named_scope("ph2_coef"); _sc2.__enter__()

    def coef_ch(ch, _):
        pltpu.sync_copy(ew4.at[s * NCH + ch], ewc)
        pltpu.sync_copy(et4.at[s * NCH + ch], etc)
        for b8 in range(CH):
            b = ch * CH + b8
            for k in range(BK // 16):
                sl = pl.ds(k * 16, 16)
                d1 = plsc.load_gather(dis_v, [row_v[b, sl]])
                d2 = plsc.load_gather(dis_v, [col_v[b, sl]])
                coef_v[b, sl] = (d1 * d2 * ewc[b8, sl]
                                 * (0.9 - 0.8 * etc[b8, sl]))
        return 0

    lax.fori_loop(0, NCH, coef_ch, 0)

    def shift_blk(b, _):
        for k in range(BK // 16):
            sl = pl.ds(k * 16, 16)
            row_v[b, sl] = row_v[b, sl] + c * N_PAD
        return 0

    lax.fori_loop(0, EB, shift_blk, 0)
    _sc2.__exit__(None, None, None)

    with jax.named_scope("ph3_conv1"):
        conv_layer(xs)
        plsc.subcore_barrier()

    with jax.named_scope("ph4_dump1"):
        dump_h(h1s, b_v)
        zero_gbuf()
        zero_h()
        plsc.subcore_barrier()

    with jax.named_scope("ph5_conv2"):
        conv_layer(h1s)
        plsc.subcore_barrier()

    with jax.named_scope("ph6_dump2"):
        pltpu.sync_copy(b12.at[pl.ds((2 + c) * DH, DH)], b_v)
        dump_h(h2s, b_v)
        plsc.subcore_barrier()

    def tok_blk(tb, _):
        pltpu.sync_copy(tok4.at[s * TB + tb], tokc)
        for k in range(TBK // 16):
            sl = pl.ds(k * 16, 16)
            tokc[sl] = tokc[sl] + c * N_PAD
        pltpu.sync_copy(h2s.at[tokc], gbuf.at[pl.ds(0, TBK)])
        pltpu.sync_copy(
            gbuf.at[pl.ds(0, TBK)],
            out.at[pl.ds(c * T + s * (TB * TBK) + tb * TBK, TBK)])
        return 0

    with jax.named_scope("ph7_tok"):
        lax.fori_loop(0, TB, tok_blk, 0)


@jax.jit
def _run(xs, row3, col3, ew4, et4, tok4, b12):
    f = pl.kernel(
        _sc_body,
        out_type=[
            jax.ShapeDtypeStruct((NC * T, DH), jnp.float32),
            jax.ShapeDtypeStruct((NC * N_PAD, DH), jnp.float32),
            jax.ShapeDtypeStruct((NC * N_PAD, DH), jnp.float32),
        ],
        mesh=plsc.VectorSubcoreMesh(core_axis_name="c", subcore_axis_name="s"),
        compiler_params=pltpu.CompilerParams(
            needs_layout_passes=False, use_tc_tiling_on_sc=False),
        scratch_types=[
            pltpu.VMEM((EB, BK), jnp.int32),
            pltpu.VMEM((EB, BK), jnp.int32),
            pltpu.VMEM((EB, BK), jnp.float32),
            pltpu.VMEM((CH, BK), jnp.float32),
            pltpu.VMEM((CH, BK), jnp.float32),
            pltpu.VMEM((N_PAD,), jnp.float32),
            pltpu.VMEM((TBK,), jnp.int32),
            pltpu.VMEM((BK, DH), jnp.float32),
            pltpu.VMEM((BK, DH), jnp.float32),
            pltpu.VMEM((DH,), jnp.float32),
            pltpu.VMEM((16,), jnp.float32),
            pltpu.SemaphoreType.DMA,
            pltpu.SemaphoreType.DMA,
            pltpu.VMEM_SHARED((N_PAD,), jnp.float32),
            pltpu.VMEM_SHARED((N_PAD, DH), jnp.float32),
        ],
    )
    return f(xs, row3, col3, ew4, et4, tok4, b12)


def kernel(input, input_timestamp, edge_index, edge_type, edge_weight,
           step_len, emb_weight, bias1, bias2):
    del input_timestamp, step_len
    B, L = input.shape
    row = edge_index[0].astype(jnp.int32)
    col = edge_index[1].astype(jnp.int32)
    ew = edge_weight.astype(jnp.float32)
    et = edge_type.astype(jnp.float32)
    pad = E_PAD - row.shape[0]
    row3 = jnp.pad(row, (0, pad)).reshape(NT, EB, BK)
    col3 = jnp.pad(col, (0, pad)).reshape(NT, EB, BK)
    ew4 = jnp.pad(ew, (0, pad)).reshape(NT * NCH, CH, BK)
    et4 = jnp.pad(et, (0, pad)).reshape(NT * NCH, CH, BK)
    xs = jnp.zeros((NC * N_PAD, DH), jnp.float32)
    xs = xs.at[:N_NODES].set(emb_weight[:, :DH])
    xs = xs.at[N_PAD:N_PAD + N_NODES].set(emb_weight[:, DH:])
    tok4 = input.reshape(-1).astype(jnp.int32).reshape(NT * TB, TBK)
    b12 = jnp.concatenate([bias1[:DH], bias1[DH:], bias2[:DH], bias2[DH:]])
    out, _h1, _h2 = _run(xs, row3, col3, ew4, et4, tok4, b12)
    return jnp.concatenate([out[:T], out[T:]], axis=-1).reshape(B, L, D)

# --- scband reference (transcript-rebuilt; emitter-appended) ---
"""Pipeline reference for scband-dy-hgcn-74148315398749 (READ-ONLY COPY).

The authoritative reference and input builder live on the scoring server;
editing this copy changes nothing except your own understanding.
"""

import jax, jax.numpy as jnp
import numpy as np

N_NODES = 10000
N_EDGES = 320000
D = 128
B, L = 64, 200


def setup_inputs(seed: int = 0) -> dict:
    key = jax.random.key(seed)
    ks = jax.random.split(key, 8)
    inp = jax.random.randint(ks[0], (B, L), 0, N_NODES)
    input_timestamp = jax.random.randint(ks[1], (B, L), 0, 1000)
    edge_index = jax.random.randint(ks[2], (2, N_EDGES), 0, N_NODES)
    edge_type = jax.random.randint(ks[3], (N_EDGES,), 0, 2)
    edge_weight = jax.random.uniform(ks[4], (N_EDGES,), dtype=jnp.float32)
    # xavier-normal style init of embedding table (ntoken x ninp)
    std = (2.0 / (N_NODES + D)) ** 0.5
    emb_weight = jax.random.normal(ks[5], (N_NODES, D), dtype=jnp.float32) * std
    bias1 = jnp.zeros((D,), dtype=jnp.float32)
    bias2 = jnp.zeros((D,), dtype=jnp.float32)
    return {
        "input": inp,
        "input_timestamp": input_timestamp,
        "edge_index": edge_index,
        "edge_type": edge_type,
        "edge_weight": edge_weight,
        "step_len": 5,
        "emb_weight": emb_weight,
        "bias1": bias1,
        "bias2": bias2,
    }


def _hete_conv(x, edge_index, edge_type, edge_weight, bias):
    row, col = edge_index[0], edge_index[1]
    n = x.shape[0]
    # symmetric GCN-style normalization: deg computed by scatter-add over source nodes
    deg = jax.ops.segment_sum(edge_weight, row, num_segments=n)
    safe_deg = jnp.where(deg > 0, deg, 1.0)
    deg_inv_sqrt = jnp.where(deg > 0, safe_deg ** -0.5, 0.0)
    norm = deg_inv_sqrt[row] * edge_weight * deg_inv_sqrt[col]
    # message: x_j gathered from source nodes (flow source_to_target)
    x_j = jnp.take(x, row, axis=0)
    et = edge_type.astype(x.dtype)
    t1 = norm * et
    t2 = norm * (1.0 - et)
    coef = 0.1 * t1 + 0.9 * t2
    msg = coef[:, None] * x_j
    # aggregate (add) at destination nodes, then bias update
    out = jax.ops.segment_sum(msg, col, num_segments=n)
    return out + bias


def reference(input, input_timestamp, edge_index, edge_type, edge_weight, step_len, emb_weight, bias1, bias2):
    # DyHGCN: embedding.weight -> HeteConv -> (dropout, eval mode = identity) -> HeteConv
    # then per-token embedding lookup of dynamic node embeddings.
    # The dynamic graph loading from disk is replaced by explicit graph inputs
    # (single static graph applied across all steps), so the per-step loop
    # collapses to one GNN pass + a gather over the full sequence.
    h1 = _hete_conv(emb_weight, edge_index, edge_type, edge_weight, bias1)
    h2 = _hete_conv(h1, edge_index, edge_type, edge_weight, bias2)
    outputs = jnp.take(h2, input, axis=0)  # [B, L, D]
    return outputs

if __name__ == "__main__":
    import jax
    _d = setup_inputs()
    print(jax.jit(kernel)(*tuple(_d.values())))

</pallas_src>

<mosaic_0001>
#map = affine_map<(d0, d1) -> (0, 0)>
#map1 = affine_map<(d0, d1) -> (0, 0, 0)>
#map2 = affine_map<(d0, d1) -> (0)>
module attributes {stable_mosaic.version = 14 : i64} {
  func.func @_sc_body(%arg0: i32, %arg1: i32, %arg2: memref<20480x64xf32, #tpu.memory_space<hbm>>, %arg3: memref<16x160x128xi32, #tpu.memory_space<hbm>>, %arg4: memref<16x160x128xi32, #tpu.memory_space<hbm>>, %arg5: memref<640x4x128xf32, #tpu.memory_space<hbm>>, %arg6: memref<640x4x128xf32, #tpu.memory_space<hbm>>, %arg7: memref<160x80xi32, #tpu.memory_space<hbm>>, %arg8: memref<256xf32, #tpu.memory_space<hbm>>, %arg9: memref<25600x64xf32, #tpu.memory_space<hbm>>, %arg10: memref<20480x64xf32, #tpu.memory_space<hbm>>, %arg11: memref<20480x64xf32, #tpu.memory_space<hbm>>, %arg12: memref<160x128xi32, #tpu.memory_space<vmem>>, %arg13: memref<160x128xi32, #tpu.memory_space<vmem>>, %arg14: memref<160x128xf32, #tpu.memory_space<vmem>>, %arg15: memref<4x128xf32, #tpu.memory_space<vmem>>, %arg16: memref<4x128xf32, #tpu.memory_space<vmem>>, %arg17: memref<10240xf32, #tpu.memory_space<vmem>>, %arg18: memref<80xi32, #tpu.memory_space<vmem>>, %arg19: memref<128x64xf32, #tpu.memory_space<vmem>>, %arg20: memref<128x64xf32, #tpu.memory_space<vmem>>, %arg21: memref<64xf32, #tpu.memory_space<vmem>>, %arg22: memref<16xf32, #tpu.memory_space<vmem>>, %arg23: memref<!tpu.dma_semaphore, #tpu.memory_space<semaphore_mem>>, %arg24: memref<!tpu.dma_semaphore, #tpu.memory_space<semaphore_mem>>, %arg25: memref<10240xf32, #tpu.memory_space<vmem_shared>>, %arg26: memref<10240x64xf32, #tpu.memory_space<vmem_shared>>) attributes {dimension_semantics = [#tpu.dimension_semantics<core_parallel>, #tpu.dimension_semantics<subcore_parallel>], iteration_bounds = array<i64: 2, 16>, scalar_prefetch = 0 : i64, scratch_operands = 15 : i64, tpu.core_type = #tpu.core_type<sc_vector_subcore>, window_params = [{transform_indices = #map}, {transform_indices = #map1}, {transform_indices = #map1}, {transform_indices = #map1}, {transform_indices = #map1}, {transform_indices = #map}, {transform_indices = #map2}, {transform_indices = #map}, {transform_indices = #map}, {transform_indices = #map}]} {
    %broadcast_in_dim3A = arith.constant 0.000000e+00 : f32
    %broadcast_in_dim3A_0 = vector.broadcast %broadcast_in_dim3A : f32 to vector<16xf32>
    "tpu.region"() ({
      %run_scoped3A = tpu.sem_alloc : memref<!tpu.dma_semaphore, #tpu.memory_space<semaphore_mem>>
      %dma_start3A_121 = arith.constant 0 : i32
      %dma_start3A_122 = arith.constant 0 : i32
      %dma_start3A_123 = tpu.memref_slice %arg3[%arg1, %dma_start3A_121, %dma_start3A_122] : memref<16x160x128xi32, #tpu.memory_space<hbm>> -> memref<1x160x128xi32, #tpu.memory_space<hbm>>
      %dma_start3A_124 = tpu.memref_squeeze %dma_start3A_123 : memref<1x160x128xi32, #tpu.memory_space<hbm>> -> memref<160x128xi32, #tpu.memory_space<hbm>>
      %dma_start3A_125 = arith.constant 0 : i32
      %dma_start3A_126 = arith.constant 0 : i32
      %dma_start3A_127 = tpu.memref_slice %arg3[%arg1, %dma_start3A_125, %dma_start3A_126] : memref<16x160x128xi32, #tpu.memory_space<hbm>> -> memref<1x160x128xi32, #tpu.memory_space<hbm>>
      %dma_start3A_128 = tpu.memref_squeeze %dma_start3A_127 : memref<1x160x128xi32, #tpu.memory_space<hbm>> -> memref<160x128xi32, #tpu.memory_space<hbm>>
      tpu.enqueue_dma source(%dma_start3A_128 : memref<160x128xi32, #tpu.memory_space<hbm>>) target(%arg12 : memref<160x128xi32, #tpu.memory_space<vmem>>) target_semaphore(%run_scoped3A : memref<!tpu.dma_semaphore, #tpu.memory_space<semaphore_mem>>)
      %dma_wait3A = arith.constant 0 : i32
      %dma_wait3A_129 = arith.constant 0 : i32
      %dma_wait3A_130 = tpu.memref_slice %arg3[%arg1, %dma_wait3A, %dma_wait3A_129] : memref<16x160x128xi32, #tpu.memory_space<hbm>> -> memref<1x160x128xi32, #tpu.memory_space<hbm>>
      %dma_wait3A_131 = tpu.memref_squeeze %dma_wait3A_130 : memref<1x160x128xi32, #tpu.memory_space<hbm>> -> memref<160x128xi32, #tpu.memory_space<hbm>>
      %dma_wait3A_132 = arith.constant 0 : i32
      %dma_wait3A_133 = arith.constant 0 : i32
      %dma_wait3A_134 = tpu.memref_slice %arg3[%arg1, %dma_wait3A_132, %dma_wait3A_133] : memref<16x160x128xi32, #tpu.memory_space<hbm>> -> memref<1x160x128xi32, #tpu.memory_space<hbm>>
      %dma_wait3A_135 = tpu.memref_squeeze %dma_wait3A_134 : memref<1x160x128xi32, #tpu.memory_space<hbm>> -> memref<160x128xi32, #tpu.memory_space<hbm>>
      tpu.wait_dma2 semaphore(%run_scoped3A : memref<!tpu.dma_semaphore, #tpu.memory_space<semaphore_mem>>) src(%dma_wait3A_135 : memref<160x128xi32, #tpu.memory_space<hbm>>) dst(%arg12 : memref<160x128xi32, #tpu.memory_space<vmem>>)
      tpu.yield
    }) : () -> ()
    "tpu.region"() ({
      %run_scoped3A = tpu.sem_alloc : memref<!tpu.dma_semaphore, #tpu.memory_space<semaphore_mem>>
      %dma_start3A_121 = arith.constant 0 : i32
      %dma_start3A_122 = arith.constant 0 : i32
      %dma_start3A_123 = tpu.memref_slice %arg4[%arg1, %dma_start3A_121, %dma_start3A_122] : memref<16x160x128xi32, #tpu.memory_space<hbm>> -> memref<1x160x128xi32, #tpu.memory_space<hbm>>
      %dma_start3A_124 = tpu.memref_squeeze %dma_start3A_123 : memref<1x160x128xi32, #tpu.memory_space<hbm>> -> memref<160x128xi32, #tpu.memory_space<hbm>>
      %dma_start3A_125 = arith.constant 0 : i32
      %dma_start3A_126 = arith.constant 0 : i32
      %dma_start3A_127 = tpu.memref_slice %arg4[%arg1, %dma_start3A_125, %dma_start3A_126] : memref<16x160x128xi32, #tpu.memory_space<hbm>> -> memref<1x160x128xi32, #tpu.memory_space<hbm>>
      %dma_start3A_128 = tpu.memref_squeeze %dma_start3A_127 : memref<1x160x128xi32, #tpu.memory_space<hbm>> -> memref<160x128xi32, #tpu.memory_space<hbm>>
      tpu.enqueue_dma source(%dma_start3A_128 : memref<160x128xi32, #tpu.memory_space<hbm>>) target(%arg13 : memref<160x128xi32, #tpu.memory_space<vmem>>) target_semaphore(%run_scoped3A : memref<!tpu.dma_semaphore, #tpu.memory_space<semaphore_mem>>)
      %dma_wait3A = arith.constant 0 : i32
      %dma_wait3A_129 = arith.constant 0 : i32
      %dma_wait3A_130 = tpu.memref_slice %arg4[%arg1, %dma_wait3A, %dma_wait3A_129] : memref<16x160x128xi32, #tpu.memory_space<hbm>> -> memref<1x160x128xi32, #tpu.memory_space<hbm>>
      %dma_wait3A_131 = tpu.memref_squeeze %dma_wait3A_130 : memref<1x160x128xi32, #tpu.memory_space<hbm>> -> memref<160x128xi32, #tpu.memory_space<hbm>>
      %dma_wait3A_132 = arith.constant 0 : i32
      %dma_wait3A_133 = arith.constant 0 : i32
      %dma_wait3A_134 = tpu.memref_slice %arg4[%arg1, %dma_wait3A_132, %dma_wait3A_133] : memref<16x160x128xi32, #tpu.memory_space<hbm>> -> memref<1x160x128xi32, #tpu.memory_space<hbm>>
      %dma_wait3A_135 = tpu.memref_squeeze %dma_wait3A_134 : memref<1x160x128xi32, #tpu.memory_space<hbm>> -> memref<160x128xi32, #tpu.memory_space<hbm>>
      tpu.wait_dma2 semaphore(%run_scoped3A : memref<!tpu.dma_semaphore, #tpu.memory_space<semaphore_mem>>) src(%dma_wait3A_135 : memref<160x128xi32, #tpu.memory_space<hbm>>) dst(%arg13 : memref<160x128xi32, #tpu.memory_space<vmem>>)
      tpu.yield
    }) : () -> ()
    %mul3A = arith.constant 64 : i32
    %mul3A_1 = arith.muli %arg0, %mul3A : i32
    "tpu.region"() ({
      %run_scoped3A = tpu.sem_alloc : memref<!tpu.dma_semaphore, #tpu.memory_space<semaphore_mem>>
      %dma_start3A_121 = tpu.memref_slice %arg8[%mul3A_1] : memref<256xf32, #tpu.memory_space<hbm>> -> memref<64xf32, #tpu.memory_space<hbm>>
      %dma_start3A_122 = tpu.memref_slice %arg8[%mul3A_1] : memref<256xf32, #tpu.memory_space<hbm>> -> memref<64xf32, #tpu.memory_space<hbm>>
      tpu.enqueue_dma source(%dma_start3A_122 : memref<64xf32, #tpu.memory_space<hbm>>) target(%arg21 : memref<64xf32, #tpu.memory_space<vmem>>) target_semaphore(%run_scoped3A : memref<!tpu.dma_semaphore, #tpu.memory_space<semaphore_mem>>)
      %dma_wait3A = tpu.memref_slice %arg8[%mul3A_1] : memref<256xf32, #tpu.memory_space<hbm>> -> memref<64xf32, #tpu.memory_space<hbm>>
      %dma_wait3A_123 = tpu.memref_slice %arg8[%mul3A_1] : memref<256xf32, #tpu.memory_space<hbm>> -> memref<64xf32, #tpu.memory_space<hbm>>
      tpu.wait_dma2 semaphore(%run_scoped3A : memref<!tpu.dma_semaphore, #tpu.memory_space<semaphore_mem>>) src(%dma_wait3A_123 : memref<64xf32, #tpu.memory_space<hbm>>) dst(%arg21 : memref<64xf32, #tpu.memory_space<vmem>>)
      tpu.yield
    }) : () -> ()
    %swap3A = arith.constant 0 : index
    %swap3A_2 = tpu.vector_load %arg22[%swap3A] {strides = array<i32>} : memref<16xf32, #tpu.memory_space<vmem>>, vector<16xf32>,
    tpu.vector_store %arg22[%swap3A], %broadcast_in_dim3A_0 {strides = array<i32>} : memref<16xf32, #tpu.memory_space<vmem>>, vector<16xf32>,
    %scan3A = arith.constant 0 : i32
    %scan3A_3 = arith.constant 0 : i32
    %scan3A_4 = arith.constant 128 : i32
    %scan3A_5 = arith.addi %scan3A_3, %scan3A_4 : i32
    %scan3A_6 = arith.constant 1 : i32
    %scan3A_7 = scf.for %scan3A_121 = %scan3A_3 to %scan3A_5 step %scan3A_6 iter_args(%scan3A_122 = %scan3A) -> (i32)  : i32 {
      %swap3A_123 = arith.index_cast %scan3A_121 : i32 to index
      %swap3A_124 = arith.constant 0 : index
      %swap3A_125 = tpu.vector_load %arg19[%swap3A_123, %swap3A_124] {strides = array<i32>} : memref<128x64xf32, #tpu.memory_space<vmem>>, vector<16xf32>,
      tpu.vector_store %arg19[%swap3A_123, %swap3A_124], %broadcast_in_dim3A_0 {strides = array<i32>} : memref<128x64xf32, #tpu.memory_space<vmem>>, vector<16xf32>,
      %swap3A_126 = arith.index_cast %scan3A_121 : i32 to index
      %swap3A_127 = arith.constant 16 : index
      %swap3A_128 = tpu.vector_load %arg19[%swap3A_126, %swap3A_127] {strides = array<i32>} : memref<128x64xf32, #tpu.memory_space<vmem>>, vector<16xf32>,
      tpu.vector_store %arg19[%swap3A_126, %swap3A_127], %broadcast_in_dim3A_0 {strides = array<i32>} : memref<128x64xf32, #tpu.memory_space<vmem>>, vector<16xf32>,
      %swap3A_129 = arith.index_cast %scan3A_121 : i32 to index
      %swap3A_130 = arith.constant 32 : index
      %swap3A_131 = tpu.vector_load %arg19[%swap3A_129, %swap3A_130] {strides = array<i32>} : memref<128x64xf32, #tpu.memory_space<vmem>>, vector<16xf32>,
      tpu.vector_store %arg19[%swap3A_129, %swap3A_130], %broadcast_in_dim3A_0 {strides = array<i32>} : memref<128x64xf32, #tpu.memory_space<vmem>>, vector<16xf32>,
      %swap3A_132 = arith.index_cast %scan3A_121 : i32 to index
      %swap3A_133 = arith.constant 48 : index
      %swap3A_134 = tpu.vector_load %arg19[%swap3A_132, %swap3A_133] {strides = array<i32>} : memref<128x64xf32, #tpu.memory_space<vmem>>, vector<16xf32>,
      tpu.vector_store %arg19[%swap3A_132, %swap3A_133], %broadcast_in_dim3A_0 {strides = array<i32>} : memref<128x64xf32, #tpu.memory_space<vmem>>, vector<16xf32>,
      %scan3A_135 = arith.constant 0 : i32
      scf.yield %scan3A_135 : i32
    }
    %scan3A_8 = arith.constant 128 : i32
    %scan3A_9 = arith.constant 0 : i32
    %scan3A_10 = arith.constant 0 : i32
    %scan3A_11 = arith.constant 40 : i32
    %scan3A_12 = arith.addi %scan3A_10, %scan3A_11 : i32
    %scan3A_13 = arith.constant 1 : i32
    %scan3A_14 = scf.for %scan3A_121 = %scan3A_10 to %scan3A_12 step %scan3A_13 iter_args(%scan3A_122 = %scan3A_9) -> (i32)  : i32 {
      %mul3A_123 = arith.constant 640 : i32
      %mul3A_124 = arith.muli %arg1, %mul3A_123 : i32
      %mul3A_125 = arith.constant 16 : i32
      %mul3A_126 = arith.muli %scan3A_121, %mul3A_125 : i32
      %add3A_127 = arith.addi %mul3A_124, %mul3A_126 : i32
      "tpu.region"() ({
        %run_scoped3A = tpu.sem_alloc : memref<!tpu.dma_semaphore, #tpu.memory_space<semaphore_mem>>
        %dma_start3A_129 = tpu.memref_slice %arg25[%add3A_127] : memref<10240xf32, #tpu.memory_space<vmem_shared>> -> memref<16xf32, #tpu.memory_space<vmem_shared>>
        %dma_start3A_130 = tpu.memref_slice %arg25[%add3A_127] : memref<10240xf32, #tpu.memory_space<vmem_shared>> -> memref<16xf32, #tpu.memory_space<vmem_shared>>
        tpu.enqueue_dma source(%arg22 : memref<16xf32, #tpu.memory_space<vmem>>) target(%dma_start3A_130 : memref<16xf32, #tpu.memory_space<vmem_shared>>) target_semaphore(%run_scoped3A : memref<!tpu.dma_semaphore, #tpu.memory_space<semaphore_mem>>)
        %dma_wait3A = tpu.memref_slice %arg25[%add3A_127] : memref<10240xf32, #tpu.memory_space<vmem_shared>> -> memref<16xf32, #tpu.memory_space<vmem_shared>>
        %dma_wait3A_131 = tpu.memref_slice %arg25[%add3A_127] : memref<10240xf32, #tpu.memory_space<vmem_shared>> -> memref<16xf32, #tpu.memory_space<vmem_shared>>
        tpu.wait_dma2 semaphore(%run_scoped3A : memref<!tpu.dma_semaphore, #tpu.memory_space<semaphore_mem>>) src(%arg22 : memref<16xf32, #tpu.memory_space<vmem>>) dst(%dma_wait3A_131 : memref<16xf32, #tpu.memory_space<vmem_shared>>)
        tpu.yield
      }) : () -> ()
      %scan3A_128 = arith.constant 0 : i32
      scf.yield %scan3A_128 : i32
    }
    %scan3A_15 = arith.constant 40 : i32
    %scan3A_16 = arith.constant 0 : i32
    %scan3A_17 = arith.constant 0 : i32
    %scan3A_18 = arith.constant 5 : i32
    %scan3A_19 = arith.addi %scan3A_17, %scan3A_18 : i32
    %scan3A_20 = arith.constant 1 : i32
    %scan3A_21 = scf.for %scan3A_121 = %scan3A_17 to %scan3A_19 step %scan3A_20 iter_args(%scan3A_122 = %scan3A_16) -> (i32)  : i32 {
      %mul3A_123 = arith.constant 640 : i32
      %mul3A_124 = arith.muli %arg1, %mul3A_123 : i32
      %mul3A_125 = arith.constant 128 : i32
      %mul3A_126 = arith.muli %scan3A_121, %mul3A_125 : i32
      %add3A_127 = arith.addi %mul3A_124, %mul3A_126 : i32
      "tpu.region"() ({
        %run_scoped3A = tpu.sem_alloc : memref<!tpu.dma_semaphore, #tpu.memory_space<semaphore_mem>>
        %dma_start3A_129 = arith.constant 0 : i32
        %dma_start3A_130 = tpu.memref_slice %arg26[%add3A_127, %dma_start3A_129] : memref<10240x64xf32, #tpu.memory_space<vmem_shared>> -> memref<128x64xf32, #tpu.memory_space<vmem_shared>>
        %dma_start3A_131 = arith.constant 0 : i32
        %dma_start3A_132 = tpu.memref_slice %arg26[%add3A_127, %dma_start3A_131] : memref<10240x64xf32, #tpu.memory_space<vmem_shared>> -> memref<128x64xf32, #tpu.memory_space<vmem_shared>>
        tpu.enqueue_dma source(%arg19 : memref<128x64xf32, #tpu.memory_space<vmem>>) target(%dma_start3A_132 : memref<128x64xf32, #tpu.memory_space<vmem_shared>>) target_semaphore(%run_scoped3A : memref<!tpu.dma_semaphore, #tpu.memory_space<semaphore_mem>>)
        %dma_wait3A = arith.constant 0 : i32
        %dma_wait3A_133 = tpu.memref_slice %arg26[%add3A_127, %dma_wait3A] : memref<10240x64xf32, #tpu.memory_space<vmem_shared>> -> memref<128x64xf32, #tpu.memory_space<vmem_shared>>
        %dma_wait3A_134 = arith.constant 0 : i32
        %dma_wait3A_135 = tpu.memref_slice %arg26[%add3A_127, %dma_wait3A_134] : memref<10240x64xf32, #tpu.memory_space<vmem_shared>> -> memref<128x64xf32, #tpu.memory_space<vmem_shared>>
        tpu.wait_dma2 semaphore(%run_scoped3A : memref<!tpu.dma_semaphore, #tpu.memory_space<semaphore_mem>>) src(%arg19 : memref<128x64xf32, #tpu.memory_space<vmem>>) dst(%dma_wait3A_135 : memref<128x64xf32, #tpu.memory_space<vmem_shared>>)
        tpu.yield
      }) : () -> ()
      %scan3A_128 = arith.constant 0 : i32
      scf.yield %scan3A_128 : i32
    }
    %scan3A_22 = arith.constant 5 : i32
    %barrier3A = arith.constant 0 : index
    tpu.barrier barrier_id(%barrier3A)
    "tpu.trace_start"() <{level = 10 : i32, message = "ph1_deg"}> : () -> ()
    %scan3A_23 = arith.constant 0 : i32
    %scan3A_24 = arith.constant 0 : i32
    %scan3A_25 = arith.constant 40 : i32
    %scan3A_26 = arith.addi %scan3A_24, %scan3A_25 : i32
    %scan3A_27 = arith.constant 1 : i32
    %scan3A_28 = scf.for %scan3A_121 = %scan3A_24 to %scan3A_26 step %scan3A_27 iter_args(%scan3A_122 = %scan3A_23) -> (i32)  : i32 {
      %mul3A_123 = arith.constant 40 : i32
      %mul3A_124 = arith.muli %arg1, %mul3A_123 : i32
      %add3A_125 = arith.addi %mul3A_124, %scan3A_121 : i32
      "tpu.region"() ({
        %run_scoped3A_146 = tpu.sem_alloc : memref<!tpu.dma_semaphore, #tpu.memory_space<semaphore_mem>>
        %dma_start3A_147 = arith.constant 0 : i32
        %dma_start3A_148 = arith.constant 0 : i32
        %dma_start3A_149 = tpu.memref_slice %arg5[%add3A_125, %dma_start3A_147, %dma_start3A_148] : memref<640x4x128xf32, #tpu.memory_space<hbm>> -> memref<1x4x128xf32, #tpu.memory_space<hbm>>
        %dma_start3A_150 = tpu.memref_squeeze %dma_start3A_149 : memref<1x4x128xf32, #tpu.memory_space<hbm>> -> memref<4x128xf32, #tpu.memory_space<hbm>>
        %dma_start3A_151 = arith.constant 0 : i32
        %dma_start3A_152 = arith.constant 0 : i32
        %dma_start3A_153 = tpu.memref_slice %arg5[%add3A_125, %dma_start3A_151, %dma_start3A_152] : memref<640x4x128xf32, #tpu.memory_space<hbm>> -> memref<1x4x128xf32, #tpu.memory_space<hbm>>
        %dma_start3A_154 = tpu.memref_squeeze %dma_start3A_153 : memref<1x4x128xf32, #tpu.memory_space<hbm>> -> memref<4x128xf32, #tpu.memory_space<hbm>>
        tpu.enqueue_dma source(%dma_start3A_154 : memref<4x128xf32, #tpu.memory_space<hbm>>) target(%arg15 : memref<4x128xf32, #tpu.memory_space<vmem>>) target_semaphore(%run_scoped3A_146 : memref<!tpu.dma_semaphore, #tpu.memory_space<semaphore_mem>>)
        %dma_wait3A = arith.constant 0 : i32
        %dma_wait3A_155 = arith.constant 0 : i32
        %dma_wait3A_156 = tpu.memref_slice %arg5[%add3A_125, %dma_wait3A, %dma_wait3A_155] : memref<640x4x128xf32, #tpu.memory_space<hbm>> -> memref<1x4x128xf32, #tpu.memory_space<hbm>>
        %dma_wait3A_157 = tpu.memref_squeeze %dma_wait3A_156 : memref<1x4x128xf32, #tpu.memory_space<hbm>> -> memref<4x128xf32, #tpu.memory_space<hbm>>
        %dma_wait3A_158 = arith.constant 0 : i32
        %dma_wait3A_159 = arith.constant 0 : i32
        %dma_wait3A_160 = tpu.memref_slice %arg5[%add3A_125, %dma_wait3A_158, %dma_wait3A_159] : memref<640x4x128xf32, #tpu.memory_space<hbm>> -> memref<1x4x128xf32, #tpu.memory_space<hbm>>
        %dma_wait3A_161 = tpu.memref_squeeze %dma_wait3A_160 : memref<1x4x128xf32, #tpu.memory_space<hbm>> -> memref<4x128xf32, #tpu.memory_space<hbm>>
        tpu.wait_dma2 semaphore(%run_scoped3A_146 : memref<!tpu.dma_semaphore, #tpu.memory_space<semaphore_mem>>) src(%dma_wait3A_161 : memref<4x128xf32, #tpu.memory_space<hbm>>) dst(%arg15 : memref<4x128xf32, #tpu.memory_space<vmem>>)
        tpu.yield
      }) : () -> ()
      %mul3A_126 = arith.constant 4 : i32
      %mul3A_127 = arith.muli %scan3A_121, %mul3A_126 : i32
      %add3A_128 = arith.constant 0 : i32
      %add3A_129 = arith.addi %mul3A_127, %add3A_128 : i32
      %run_scoped3A = arith.constant 0 : i32
      "tpu.region"() ({
        %run_scoped3A_146 = tpu.sem_alloc : memref<!tpu.dma_semaphore, #tpu.memory_space<semaphore_mem>>
        %dma_start3A_147 = arith.constant 0 : i32
        %dma_start3A_148 = tpu.memref_slice %arg15[%run_scoped3A, %dma_start3A_147] : memref<4x128xf32, #tpu.memory_space<vmem>> -> memref<1x128xf32, #tpu.memory_space<vmem>>
        %dma_start3A_149 = tpu.memref_squeeze %dma_start3A_148 : memref<1x128xf32, #tpu.memory_space<vmem>> -> memref<128xf32, #tpu.memory_space<vmem>>
        %dma_start3A_150 = arith.constant 0 : i32
        %dma_start3A_151 = tpu.memref_slice %arg12[%add3A_129, %dma_start3A_150] : memref<160x128xi32, #tpu.memory_space<vmem>> -> memref<1x128xi32, #tpu.memory_space<vmem>>
        %dma_start3A_152 = tpu.memref_squeeze %dma_start3A_151 : memref<1x128xi32, #tpu.memory_space<vmem>> -> memref<128xi32, #tpu.memory_space<vmem>>
        %dma_start3A_153 = arith.constant 0 : i32
        %dma_start3A_154 = tpu.memref_slice %arg25[%dma_start3A_153] : memref<10240xf32, #tpu.memory_space<vmem_shared>> -> memref<10240xf32, #tpu.memory_space<vmem_shared>>
        tpu.enqueue_indirect_dma source(%dma_start3A_149 : memref<128xf32, #tpu.memory_space<vmem>>) target(%dma_start3A_154 : memref<10240xf32, #tpu.memory_space<vmem_shared>>) offsets(%dma_start3A_152 : memref<128xi32, #tpu.memory_space<vmem>>) semaphore(%run_scoped3A_146 : memref<!tpu.dma_semaphore, #tpu.memory_space<semaphore_mem>>) {add = true}
        %dma_wait3A = arith.constant 0 : i32
        %dma_wait3A_155 = tpu.memref_slice %arg15[%run_scoped3A, %dma_wait3A] : memref<4x128xf32, #tpu.memory_space<vmem>> -> memref<1x128xf32, #tpu.memory_space<vmem>>
        %dma_wait3A_156 = tpu.memref_squeeze %dma_wait3A_155 : memref<1x128xf32, #tpu.memory_space<vmem>> -> memref<128xf32, #tpu.memory_space<vmem>>
        %dma_wait3A_157 = arith.constant 0 : i32
        %dma_wait3A_158 = tpu.memref_slice %arg12[%add3A_129, %dma_wait3A_157] : memref<160x128xi32, #tpu.memory_space<vmem>> -> memref<1x128xi32, #tpu.memory_space<vmem>>
        %dma_wait3A_159 = tpu.memref_squeeze %dma_wait3A_158 : memref<1x128xi32, #tpu.memory_space<vmem>> -> memref<128xi32, #tpu.memory_space<vmem>>
        %dma_wait3A_160 = arith.constant 0 : i32
        %dma_wait3A_161 = tpu.memref_slice %arg25[%dma_wait3A_160] : memref<10240xf32, #tpu.memory_space<vmem_shared>> -> memref<10240xf32, #tpu.memory_space<vmem_shared>>
        tpu.wait_indirect_dma semaphore(%run_scoped3A_146 : memref<!tpu.dma_semaphore, #tpu.memory_space<semaphore_mem>>) src(%dma_wait3A_156 : memref<128xf32, #tpu.memory_space<vmem>>) dst(%dma_wait3A_161 : memref<10240xf32, #tpu.memory_space<vmem_shared>>)
        tpu.yield
      }) : () -> ()
      %mul3A_130 = arith.constant 4 : i32
      %mul3A_131 = arith.muli %scan3A_121, %mul3A_130 : i32
      %add3A_132 = arith.constant 1 : i32
      %add3A_133 = arith.addi %mul3A_131, %add3A_132 : i32
      %run_scoped3A_134 = arith.constant 1 : i32
      "tpu.region"() ({
        %run_scoped3A_146 = tpu.sem_alloc : memref<!tpu.dma_semaphore, #tpu.memory_space<semaphore_mem>>
        %dma_start3A_147 = arith.constant 0 : i32
        %dma_start3A_148 = tpu.memref_slice %arg15[%run_scoped3A_134, %dma_start3A_147] : memref<4x128xf32, #tpu.memory_space<vmem>> -> memref<1x128xf32, #tpu.memory_space<vmem>>
        %dma_start3A_149 = tpu.memref_squeeze %dma_start3A_148 : memref<1x128xf32, #tpu.memory_space<vmem>> -> memref<128xf32, #tpu.memory_space<vmem>>
        %dma_start3A_150 = arith.constant 0 : i32
        %dma_start3A_151 = tpu.memref_slice %arg12[%add3A_133, %dma_start3A_150] : memref<160x128xi32, #tpu.memory_space<vmem>> -> memref<1x128xi32, #tpu.memory_space<vmem>>
        %dma_start3A_152 = tpu.memref_squeeze %dma_start3A_151 : memref<1x128xi32, #tpu.memory_space<vmem>> -> memref<128xi32, #tpu.memory_space<vmem>>
        %dma_start3A_153 = arith.constant 0 : i32
        %dma_start3A_154 = tpu.memref_slice %arg25[%dma_start3A_153] : memref<10240xf32, #tpu.memory_space<vmem_shared>> -> memref<10240xf32, #tpu.memory_space<vmem_shared>>
        tpu.enqueue_indirect_dma source(%dma_start3A_149 : memref<128xf32, #tpu.memory_space<vmem>>) target(%dma_start3A_154 : memref<10240xf32, #tpu.memory_space<vmem_shared>>) offsets(%dma_start3A_152 : memref<128xi32, #tpu.memory_space<vmem>>) semaphore(%run_scoped3A_146 : memref<!tpu.dma_semaphore, #tpu.memory_space<semaphore_mem>>) {add = true}
        %dma_wait3A = arith.constant 0 : i32
        %dma_wait3A_155 = tpu.memref_slice %arg15[%run_scoped3A_134, %dma_wait3A] : memref<4x128xf32, #tpu.memory_space<vmem>> -> memref<1x128xf32, #tpu.memory_space<vmem>>
        %dma_wait3A_156 = tpu.memref_squeeze %dma_wait3A_155 : memref<1x128xf32, #tpu.memory_space<vmem>> -> memref<128xf32, #tpu.memory_space<vmem>>
        %dma_wait3A_157 = arith.constant 0 : i32
        %dma_wait3A_158 = tpu.memref_slice %arg12[%add3A_133, %dma_wait3A_157] : memref<160x128xi32, #tpu.memory_space<vmem>> -> memref<1x128xi32, #tpu.memory_space<vmem>>
        %dma_wait3A_159 = tpu.memref_squeeze %dma_wait3A_158 : memref<1x128xi32, #tpu.memory_space<vmem>> -> memref<128xi32, #tpu.memory_space<vmem>>
        %dma_wait3A_160 = arith.constant 0 : i32
        %dma_wait3A_161 = tpu.memref_slice %arg25[%dma_wait3A_160] : memref<10240xf32, #tpu.memory_space<vmem_shared>> -> memref<10240xf32, #tpu.memory_space<vmem_shared>>
        tpu.wait_indirect_dma semaphore(%run_scoped3A_146 : memref<!tpu.dma_semaphore, #tpu.memory_space<semaphore_mem>>) src(%dma_wait3A_156 : memref<128xf32, #tpu.memory_space<vmem>>) dst(%dma_wait3A_161 : memref<10240xf32, #tpu.memory_space<vmem_shared>>)
        tpu.yield
      }) : () -> ()
      %mul3A_135 = arith.constant 4 : i32
      %mul3A_136 = arith.muli %scan3A_121, %mul3A_135 : i32
      %add3A_137 = arith.constant 2 : i32
      %add3A_138 = arith.addi %mul3A_136, %add3A_137 : i32
      %run_scoped3A_139 = arith.constant 2 : i32
      "tpu.region"() ({
        %run_scoped3A_146 = tpu.sem_alloc : memref<!tpu.dma_semaphore, #tpu.memory_space<semaphore_mem>>
        %dma_start3A_147 = arith.constant 0 : i32
        %dma_start3A_148 = tpu.memref_slice %arg15[%run_scoped3A_139, %dma_start3A_147] : memref<4x128xf32, #tpu.memory_space<vmem>> -> memref<1x128xf32, #tpu.memory_space<vmem>>
        %dma_start3A_149 = tpu.memref_squeeze %dma_start3A_148 : memref<1x128xf32, #tpu.memory_space<vmem>> -> memref<128xf32, #tpu.memory_space<vmem>>
        %dma_start3A_150 = arith.constant 0 : i32
        %dma_start3A_151 = tpu.memref_slice %arg12[%add3A_138, %dma_start3A_150] : memref<160x128xi32, #tpu.memory_space<vmem>> -> memref<1x128xi32, #tpu.memory_space<vmem>>
        %dma_start3A_152 = tpu.memref_squeeze %dma_start3A_151 : memref<1x128xi32, #tpu.memory_space<vmem>> -> memref<128xi32, #tpu.memory_space<vmem>>
        %dma_start3A_153 = arith.constant 0 : i32
        %dma_start3A_154 = tpu.memref_slice %arg25[%dma_start3A_153] : memref<10240xf32, #tpu.memory_space<vmem_shared>> -> memref<10240xf32, #tpu.memory_space<vmem_shared>>
        tpu.enqueue_indirect_dma source(%dma_start3A_149 : memref<128xf32, #tpu.memory_space<vmem>>) target(%dma_start3A_154 : memref<10240xf32, #tpu.memory_space<vmem_shared>>) offsets(%dma_start3A_152 : memref<128xi32, #tpu.memory_space<vmem>>) semaphore(%run_scoped3A_146 : memref<!tpu.dma_semaphore, #tpu.memory_space<semaphore_mem>>) {add = true}
        %dma_wait3A = arith.constant 0 : i32
        %dma_wait3A_155 = tpu.memref_slice %arg15[%run_scoped3A_139, %dma_wait3A] : memref<4x128xf32, #tpu.memory_space<vmem>> -> memref<1x128xf32, #tpu.memory_space<vmem>>
        %dma_wait3A_156 = tpu.memref_squeeze %dma_wait3A_155 : memref<1x128xf32, #tpu.memory_space<vmem>> -> memref<128xf32, #tpu.memory_space<vmem>>
        %dma_wait3A_157 = arith.constant 0 : i32
        %dma_wait3A_158 = tpu.memref_slice %arg12[%add3A_138, %dma_wait3A_157] : memref<160x128xi32, #tpu.memory_space<vmem>> -> memref<1x128xi32, #tpu.memory_space<vmem>>
        %dma_wait3A_159 = tpu.memref_squeeze %dma_wait3A_158 : memref<1x128xi32, #tpu.memory_space<vmem>> -> memref<128xi32, #tpu.memory_space<vmem>>
        %dma_wait3A_160 = arith.constant 0 : i32
        %dma_wait3A_161 = tpu.memref_slice %arg25[%dma_wait3A_160] : memref<10240xf32, #tpu.memory_space<vmem_shared>> -> memref<10240xf32, #tpu.memory_space<vmem_shared>>
        tpu.wait_indirect_dma semaphore(%run_scoped3A_146 : memref<!tpu.dma_semaphore, #tpu.memory_space<semaphore_mem>>) src(%dma_wait3A_156 : memref<128xf32, #tpu.memory_space<vmem>>) dst(%dma_wait3A_161 : memref<10240xf32, #tpu.memory_space<vmem_shared>>)
        tpu.yield
      }) : () -> ()
      %mul3A_140 = arith.constant 4 : i32
      %mul3A_141 = arith.muli %scan3A_121, %mul3A_140 : i32
      %add3A_142 = arith.constant 3 : i32
      %add3A_143 = arith.addi %mul3A_141, %add3A_142 : i32
      %run_scoped3A_144 = arith.constant 3 : i32
      "tpu.region"() ({
        %run_scoped3A_146 = tpu.sem_alloc : memref<!tpu.dma_semaphore, #tpu.memory_space<semaphore_mem>>
        %dma_start3A_147 = arith.constant 0 : i32
        %dma_start3A_148 = tpu.memref_slice %arg15[%run_scoped3A_144, %dma_start3A_147] : memref<4x128xf32, #tpu.memory_space<vmem>> -> memref<1x128xf32, #tpu.memory_space<vmem>>
        %dma_start3A_149 = tpu.memref_squeeze %dma_start3A_148 : memref<1x128xf32, #tpu.memory_space<vmem>> -> memref<128xf32, #tpu.memory_space<vmem>>
        %dma_start3A_150 = arith.constant 0 : i32
        %dma_start3A_151 = tpu.memref_slice %arg12[%add3A_143, %dma_start3A_150] : memref<160x128xi32, #tpu.memory_space<vmem>> -> memref<1x128xi32, #tpu.memory_space<vmem>>
        %dma_start3A_152 = tpu.memref_squeeze %dma_start3A_151 : memref<1x128xi32, #tpu.memory_space<vmem>> -> memref<128xi32, #tpu.memory_space<vmem>>
        %dma_start3A_153 = arith.constant 0 : i32
        %dma_start3A_154 = tpu.memref_slice %arg25[%dma_start3A_153] : memref<10240xf32, #tpu.memory_space<vmem_shared>> -> memref<10240xf32, #tpu.memory_space<vmem_shared>>
        tpu.enqueue_indirect_dma source(%dma_start3A_149 : memref<128xf32, #tpu.memory_space<vmem>>) target(%dma_start3A_154 : memref<10240xf32, #tpu.memory_space<vmem_shared>>) offsets(%dma_start3A_152 : memref<128xi32, #tpu.memory_space<vmem>>) semaphore(%run_scoped3A_146 : memref<!tpu.dma_semaphore, #tpu.memory_space<semaphore_mem>>) {add = true}
        %dma_wait3A = arith.constant 0 : i32
        %dma_wait3A_155 = tpu.memref_slice %arg15[%run_scoped3A_144, %dma_wait3A] : memref<4x128xf32, #tpu.memory_space<vmem>> -> memref<1x128xf32, #tpu.memory_space<vmem>>
        %dma_wait3A_156 = tpu.memref_squeeze %dma_wait3A_155 : memref<1x128xf32, #tpu.memory_space<vmem>> -> memref<128xf32, #tpu.memory_space<vmem>>
        %dma_wait3A_157 = arith.constant 0 : i32
        %dma_wait3A_158 = tpu.memref_slice %arg12[%add3A_143, %dma_wait3A_157] : memref<160x128xi32, #tpu.memory_space<vmem>> -> memref<1x128xi32, #tpu.memory_space<vmem>>
        %dma_wait3A_159 = tpu.memref_squeeze %dma_wait3A_158 : memref<1x128xi32, #tpu.memory_space<vmem>> -> memref<128xi32, #tpu.memory_space<vmem>>
        %dma_wait3A_160 = arith.constant 0 : i32
        %dma_wait3A_161 = tpu.memref_slice %arg25[%dma_wait3A_160] : memref<10240xf32, #tpu.memory_space<vmem_shared>> -> memref<10240xf32, #tpu.memory_space<vmem_shared>>
        tpu.wait_indirect_dma semaphore(%run_scoped3A_146 : memref<!tpu.dma_semaphore, #tpu.memory_space<semaphore_mem>>) src(%dma_wait3A_156 : memref<128xf32, #tpu.memory_space<vmem>>) dst(%dma_wait3A_161 : memref<10240xf32, #tpu.memory_space<vmem_shared>>)
        tpu.yield
      }) : () -> ()
      %scan3A_145 = arith.constant 0 : i32
      scf.yield %scan3A_145 : i32
    }
    %scan3A_29 = arith.constant 40 : i32
    %barrier3A_30 = arith.constant 0 : index
    tpu.barrier barrier_id(%barrier3A_30)
    "tpu.trace_stop"() : () -> ()
    "tpu.region"() ({
      %run_scoped3A = tpu.sem_alloc : memref<!tpu.dma_semaphore, #tpu.memory_space<semaphore_mem>>
      tpu.enqueue_dma source(%arg25 : memref<10240xf32, #tpu.memory_space<vmem_shared>>) target(%arg17 : memref<10240xf32, #tpu.memory_space<vmem>>) target_semaphore(%run_scoped3A : memref<!tpu.dma_semaphore, #tpu.memory_space<semaphore_mem>>)
      tpu.wait_dma2 semaphore(%run_scoped3A : memref<!tpu.dma_semaphore, #tpu.memory_space<semaphore_mem>>) src(%arg25 : memref<10240xf32, #tpu.memory_space<vmem_shared>>) dst(%arg17 : memref<10240xf32, #tpu.memory_space<vmem>>)
      tpu.yield
    }) : () -> ()
    %scan3A_31 = arith.constant 0 : i32
    %scan3A_32 = arith.constant 0 : i32
    %scan3A_33 = arith.constant 640 : i32
    %scan3A_34 = arith.addi %scan3A_32, %scan3A_33 : i32
    %scan3A_35 = arith.constant 1 : i32
    %scan3A_36 = scf.for %scan3A_121 = %scan3A_32 to %scan3A_34 step %scan3A_35 iter_args(%scan3A_122 = %scan3A_31) -> (i32)  : i32 {
      %mul3A_123 = arith.constant 16 : i32
      %mul3A_124 = arith.muli %scan3A_121, %mul3A_123 : i32
      %get3A = arith.index_cast %mul3A_124 : i32 to index
      %get3A_125 = tpu.vector_load %arg17[%get3A] {strides = array<i32>} : memref<10240xf32, #tpu.memory_space<vmem>>, vector<16xf32>,
      %bitcast_convert_type3A = tpu.bitcast %get3A_125 : vector<16xf32> -> vector<16xi32>
      %shift_right_logical3A = arith.constant 1 : i32
      %shift_right_logical3A_126 = vector.broadcast %shift_right_logical3A : i32 to vector<16xi32>
      %shift_right_logical3A_127 = arith.shrui %bitcast_convert_type3A, %shift_right_logical3A_126 : vector<16xi32>
      %sub3A = arith.constant 1597463007 : i32
      %sub3A_128 = vector.broadcast %sub3A : i32 to vector<16xi32>
      %sub3A_129 = arith.subi %sub3A_128, %shift_right_logical3A_127 : vector<16xi32>
      %bitcast_convert_type3A_130 = tpu.bitcast %sub3A_129 : vector<16xi32> -> vector<16xf32>
      %mul3A_131 = arith.constant 5.000000e-01 : f32
      %mul3A_132 = vector.broadcast %mul3A_131 : f32 to vector<16xf32>
      %mul3A_133 = arith.mulf %get3A_125, %mul3A_132 : vector<16xf32>
      %mul3A_134 = arith.mulf %mul3A_133, %bitcast_convert_type3A_130 : vector<16xf32>
      %mul3A_135 = arith.mulf %mul3A_134, %bitcast_convert_type3A_130 : vector<16xf32>
      %sub3A_136 = arith.constant 1.500000e+00 : f32
      %sub3A_137 = vector.broadcast %sub3A_136 : f32 to vector<16xf32>
      %sub3A_138 = arith.subf %sub3A_137, %mul3A_135 : vector<16xf32>
      %mul3A_139 = arith.mulf %bitcast_convert_type3A_130, %sub3A_138 : vector<16xf32>
      %mul3A_140 = arith.mulf %mul3A_133, %mul3A_139 : vector<16xf32>
      %mul3A_141 = arith.mulf %mul3A_140, %mul3A_139 : vector<16xf32>
      %sub3A_142 = arith.constant 1.500000e+00 : f32
      %sub3A_143 = vector.broadcast %sub3A_142 : f32 to vector<16xf32>
      %sub3A_144 = arith.subf %sub3A_143, %mul3A_141 : vector<16xf32>
      %mul3A_145 = arith.mulf %mul3A_139, %sub3A_144 : vector<16xf32>
      %mul3A_146 = arith.mulf %mul3A_133, %mul3A_145 : vector<16xf32>
      %mul3A_147 = arith.mulf %mul3A_146, %mul3A_145 : vector<16xf32>
      %sub3A_148 = arith.constant 1.500000e+00 : f32
      %sub3A_149 = vector.broadcast %sub3A_148 : f32 to vector<16xf32>
      %sub3A_150 = arith.subf %sub3A_149, %mul3A_147 : vector<16xf32>
      %mul3A_151 = arith.mulf %mul3A_145, %sub3A_150 : vector<16xf32>
      %gt3A = arith.constant 0.000000e+00 : f32
      %gt3A_152 = vector.broadcast %gt3A : f32 to vector<16xf32>
      %gt3A_153 = arith.cmpf ogt, %get3A_125, %gt3A_152 : vector<16xf32>
      %jit3A = arith.constant 0.000000e+00 : f32
      %broadcast_in_dim3A_154 = vector.broadcast %jit3A : f32 to vector<16xf32>
      %select_n3A = arith.select %gt3A_153, %mul3A_151, %broadcast_in_dim3A_154 : vector<16xi1>, vector<16xf32>
      %swap3A_155 = arith.index_cast %mul3A_124 : i32 to index
      %swap3A_156 = tpu.vector_load %arg17[%swap3A_155] {strides = array<i32>} : memref<10240xf32, #tpu.memory_space<vmem>>, vector<16xf32>,
      tpu.vector_store %arg17[%swap3A_155], %select_n3A {strides = array<i32>} : memref<10240xf32, #tpu.memory_space<vmem>>, vector<16xf32>,
      %scan3A_157 = arith.constant 0 : i32
      scf.yield %scan3A_157 : i32
    }
    %scan3A_37 = arith.constant 640 : i32
    "tpu.trace_start"() <{level = 10 : i32, message = "ph2_coef"}> : () -> ()
    %scan3A_38 = arith.constant 0 : i32
    %scan3A_39 = arith.constant 0 : i32
    %scan3A_40 = arith.constant 40 : i32
    %scan3A_41 = arith.addi %scan3A_39, %scan3A_40 : i32
    %scan3A_42 = arith.constant 1 : i32
    %scan3A_43 = scf.for %scan3A_121 = %scan3A_39 to %scan3A_41 step %scan3A_42 iter_args(%scan3A_122 = %scan3A_38) -> (i32)  : i32 {
      %mul3A_123 = arith.constant 40 : i32
      %mul3A_124 = arith.muli %arg1, %mul3A_123 : i32
      %add3A_125 = arith.addi %mul3A_124, %scan3A_121 : i32
      "tpu.region"() ({
        %run_scoped3A = tpu.sem_alloc : memref<!tpu.dma_semaphore, #tpu.memory_space<semaphore_mem>>
        %dma_start3A_1039 = arith.constant 0 : i32
        %dma_start3A_1040 = arith.constant 0 : i32
        %dma_start3A_1041 = tpu.memref_slice %arg5[%add3A_125, %dma_start3A_1039, %dma_start3A_1040] : memref<640x4x128xf32, #tpu.memory_space<hbm>> -> memref<1x4x128xf32, #tpu.memory_space<hbm>>
        %dma_start3A_1042 = tpu.memref_squeeze %dma_start3A_1041 : memref<1x4x128xf32, #tpu.memory_space<hbm>> -> memref<4x128xf32, #tpu.memory_space<hbm>>
        %dma_start3A_1043 = arith.constant 0 : i32
        %dma_start3A_1044 = arith.constant 0 : i32
        %dma_start3A_1045 = tpu.memref_slice %arg5[%add3A_125, %dma_start3A_1043, %dma_start3A_1044] : memref<640x4x128xf32, #tpu.memory_space<hbm>> -> memref<1x4x128xf32, #tpu.memory_space<hbm>>
        %dma_start3A_1046 = tpu.memref_squeeze %dma_start3A_1045 : memref<1x4x128xf32, #tpu.memory_space<hbm>> -> memref<4x128xf32, #tpu.memory_space<hbm>>
        tpu.enqueue_dma source(%dma_start3A_1046 : memref<4x128xf32, #tpu.memory_space<hbm>>) target(%arg15 : memref<4x128xf32, #tpu.memory_space<vmem>>) target_semaphore(%run_scoped3A : memref<!tpu.dma_semaphore, #tpu.memory_space<semaphore_mem>>)
        %dma_wait3A = arith.constant 0 : i32
        %dma_wait3A_1047 = arith.constant 0 : i32
        %dma_wait3A_1048 = tpu.memref_slice %arg5[%add3A_125, %dma_wait3A, %dma_wait3A_1047] : memref<640x4x128xf32, #tpu.memory_space<hbm>> -> memref<1x4x128xf32, #tpu.memory_space<hbm>>
        %dma_wait3A_1049 = tpu.memref_squeeze %dma_wait3A_1048 : memref<1x4x128xf32, #tpu.memory_space<hbm>> -> memref<4x128xf32, #tpu.memory_space<hbm>>
        %dma_wait3A_1050 = arith.constant 0 : i32
        %dma_wait3A_1051 = arith.constant 0 : i32
        %dma_wait3A_1052 = tpu.memref_slice %arg5[%add3A_125, %dma_wait3A_1050, %dma_wait3A_1051] : memref<640x4x128xf32, #tpu.memory_space<hbm>> -> memref<1x4x128xf32, #tpu.memory_space<hbm>>
        %dma_wait3A_1053 = tpu.memref_squeeze %dma_wait3A_1052 : memref<1x4x128xf32, #tpu.memory_space<hbm>> -> memref<4x128xf32, #tpu.memory_space<hbm>>
        tpu.wait_dma2 semaphore(%run_scoped3A : memref<!tpu.dma_semaphore, #tpu.memory_space<semaphore_mem>>) src(%dma_wait3A_1053 : memref<4x128xf32, #tpu.memory_space<hbm>>) dst(%arg15 : memref<4x128xf32, #tpu.memory_space<vmem>>)
        tpu.yield
      }) : () -> ()
      %mul3A_126 = arith.constant 40 : i32
      %mul3A_127 = arith.muli %arg1, %mul3A_126 : i32
      %add3A_128 = arith.addi %mul3A_127, %scan3A_121 : i32
      "tpu.region"() ({
        %run_scoped3A = tpu.sem_alloc : memref<!tpu.dma_semaphore, #tpu.memory_space<semaphore_mem>>
        %dma_start3A_1039 = arith.constant 0 : i32
        %dma_start3A_1040 = arith.constant 0 : i32
        %dma_start3A_1041 = tpu.memref_slice %arg6[%add3A_128, %dma_start3A_1039, %dma_start3A_1040] : memref<640x4x128xf32, #tpu.memory_space<hbm>> -> memref<1x4x128xf32, #tpu.memory_space<hbm>>
        %dma_start3A_1042 = tpu.memref_squeeze %dma_start3A_1041 : memref<1x4x128xf32, #tpu.memory_space<hbm>> -> memref<4x128xf32, #tpu.memory_space<hbm>>
        %dma_start3A_1043 = arith.constant 0 : i32
        %dma_start3A_1044 = arith.constant 0 : i32
        %dma_start3A_1045 = tpu.memref_slice %arg6[%add3A_128, %dma_start3A_1043, %dma_start3A_1044] : memref<640x4x128xf32, #tpu.memory_space<hbm>> -> memref<1x4x128xf32, #tpu.memory_space<hbm>>
        %dma_start3A_1046 = tpu.memref_squeeze %dma_start3A_1045 : memref<1x4x128xf32, #tpu.memory_space<hbm>> -> memref<4x128xf32, #tpu.memory_space<hbm>>
        tpu.enqueue_dma source(%dma_start3A_1046 : memref<4x128xf32, #tpu.memory_space<hbm>>) target(%arg16 : memref<4x128xf32, #tpu.memory_space<vmem>>) target_semaphore(%run_scoped3A : memref<!tpu.dma_semaphore, #tpu.memory_space<semaphore_mem>>)
        %dma_wait3A = arith.constant 0 : i32
        %dma_wait3A_1047 = arith.constant 0 : i32
        %dma_wait3A_1048 = tpu.memref_slice %arg6[%add3A_128, %dma_wait3A, %dma_wait3A_1047] : memref<640x4x128xf32, #tpu.memory_space<hbm>> -> memref<1x4x128xf32, #tpu.memory_space<hbm>>
        %dma_wait3A_1049 = tpu.memref_squeeze %dma_wait3A_1048 : memref<1x4x128xf32, #tpu.memory_space<hbm>> -> memref<4x128xf32, #tpu.memory_space<hbm>>
        %dma_wait3A_1050 = arith.constant 0 : i32
        %dma_wait3A_1051 = arith.constant 0 : i32
        %dma_wait3A_1052 = tpu.memref_slice %arg6[%add3A_128, %dma_wait3A_1050, %dma_wait3A_1051] : memref<640x4x128xf32, #tpu.memory_space<hbm>> -> memref<1x4x128xf32, #tpu.memory_space<hbm>>
        %dma_wait3A_1053 = tpu.memref_squeeze %dma_wait3A_1052 : memref<1x4x128xf32, #tpu.memory_space<hbm>> -> memref<4x128xf32, #tpu.memory_space<hbm>>
        tpu.wait_dma2 semaphore(%run_scoped3A : memref<!tpu.dma_semaphore, #tpu.memory_space<semaphore_mem>>) src(%dma_wait3A_1053 : memref<4x128xf32, #tpu.memory_space<hbm>>) dst(%arg16 : memref<4x128xf32, #tpu.memory_space<vmem>>)
        tpu.yield
      }) : () -> ()
      %mul3A_129 = arith.constant 4 : i32
      %mul3A_130 = arith.muli %scan3A_121, %mul3A_129 : i32
      %add3A_131 = arith.constant 0 : i32
      %add3A_132 = arith.addi %mul3A_130, %add3A_131 : i32
      %get3A = arith.index_cast %add3A_132 : i32 to index
      %get3A_133 = arith.constant 0 : index
      %get3A_134 = tpu.vector_load %arg12[%get3A, %get3A_133] {strides = array<i32>} : memref<160x128xi32, #tpu.memory_space<vmem>>, vector<16xi32>,
      %gather3A = tpu.vector_load_idx %arg17[%get3A_134] : memref<10240xf32, #tpu.memory_space<vmem>>[vector<16xi32>], vector<16xf32>,
      %get3A_135 = arith.index_cast %add3A_132 : i32 to index
      %get3A_136 = arith.constant 0 : index
      %get3A_137 = tpu.vector_load %arg13[%get3A_135, %get3A_136] {strides = array<i32>} : memref<160x128xi32, #tpu.memory_space<vmem>>, vector<16xi32>,
      %gather3A_138 = tpu.vector_load_idx %arg17[%get3A_137] : memref<10240xf32, #tpu.memory_space<vmem>>[vector<16xi32>], vector<16xf32>,
      %mul3A_139 = arith.mulf %gather3A, %gather3A_138 : vector<16xf32>
      %get3A_140 = arith.constant 0 : i32
      %get3A_141 = arith.index_cast %get3A_140 : i32 to index
      %get3A_142 = arith.constant 0 : index
      %get3A_143 = tpu.vector_load %arg15[%get3A_141, %get3A_142] {strides = array<i32>} : memref<4x128xf32, #tpu.memory_space<vmem>>, vector<16xf32>,
      %mul3A_144 = arith.mulf %mul3A_139, %get3A_143 : vector<16xf32>
      %get3A_145 = arith.constant 0 : i32
      %get3A_146 = arith.index_cast %get3A_145 : i32 to index
      %get3A_147 = arith.constant 0 : index
      %get3A_148 = tpu.vector_load %arg16[%get3A_146, %get3A_147] {strides = array<i32>} : memref<4x128xf32, #tpu.memory_space<vmem>>, vector<16xf32>,
      %mul3A_149 = arith.constant 8.000000e-01 : f32
      %mul3A_150 = vector.broadcast %mul3A_149 : f32 to vector<16xf32>
      %mul3A_151 = arith.mulf %mul3A_150, %get3A_148 : vector<16xf32>
      %sub3A = arith.constant 0.899999976 : f32
      %sub3A_152 = vector.broadcast %sub3A : f32 to vector<16xf32>
      %sub3A_153 = arith.subf %sub3A_152, %mul3A_151 : vector<16xf32>
      %mul3A_154 = arith.mulf %mul3A_144, %sub3A_153 : vector<16xf32>
      %swap3A_155 = arith.index_cast %add3A_132 : i32 to index
      %swap3A_156 = arith.constant 0 : index
      %swap3A_157 = tpu.vector_load %arg14[%swap3A_155, %swap3A_156] {strides = array<i32>} : memref<160x128xf32, #tpu.memory_space<vmem>>, vector<16xf32>,
      tpu.vector_store %arg14[%swap3A_155, %swap3A_156], %mul3A_154 {strides = array<i32>} : memref<160x128xf32, #tpu.memory_space<vmem>>, vector<16xf32>,
      %get3A_158 = arith.index_cast %add3A_132 : i32 to index
      %get3A_159 = arith.constant 16 : index
      %get3A_160 = tpu.vector_load %arg12[%get3A_158, %get3A_159] {strides = array<i32>} : memref<160x128xi32, #tpu.memory_space<vmem>>, vector<16xi32>,
      %gather3A_161 = tpu.vector_load_idx %arg17[%get3A_160] : memref<10240xf32, #tpu.memory_space<vmem>>[vector<16xi32>], vector<16xf32>,
      %get3A_162 = arith.index_cast %add3A_132 : i32 to index
      %get3A_163 = arith.constant 16 : index
      %get3A_164 = tpu.vector_load %arg13[%get3A_162, %get3A_163] {strides = array<i32>} : memref<160x128xi32, #tpu.memory_space<vmem>>, vector<16xi32>,
      %gather3A_165 = tpu.vector_load_idx %arg17[%get3A_164] : memref<10240xf32, #tpu.memory_space<vmem>>[vector<16xi32>], vector<16xf32>,
      %mul3A_166 = arith.mulf %gather3A_161, %gather3A_165 : vector<16xf32>
      %get3A_167 = arith.constant 0 : i32
      %get3A_168 = arith.index_cast %get3A_167 : i32 to index
      %get3A_169 = arith.constant 16 : index
      %get3A_170 = tpu.vector_load %arg15[%get3A_168, %get3A_169] {strides = array<i32>} : memref<4x128xf32, #tpu.memory_space<vmem>>, vector<16xf32>,
      %mul3A_171 = arith.mulf %mul3A_166, %get3A_170 : vector<16xf32>
      %get3A_172 = arith.constant 0 : i32
      %get3A_173 = arith.index_cast %get3A_172 : i32 to index
      %get3A_174 = arith.constant 16 : index
      %get3A_175 = tpu.vector_load %arg16[%get3A_173, %get3A_174] {strides = array<i32>} : memref<4x128xf32, #tpu.memory_space<vmem>>, vector<16xf32>,
      %mul3A_176 = arith.constant 8.000000e-01 : f32
      %mul3A_177 = vector.broadcast %mul3A_176 : f32 to vector<16xf32>
      %mul3A_178 = arith.mulf %mul3A_177, %get3A_175 : vector<16xf32>
      %sub3A_179 = arith.constant 0.899999976 : f32
      %sub3A_180 = vector.broadcast %sub3A_179 : f32 to vector<16xf32>
      %sub3A_181 = arith.subf %sub3A_180, %mul3A_178 : vector<16xf32>
      %mul3A_182 = arith.mulf %mul3A_171, %sub3A_181 : vector<16xf32>
      %swap3A_183 = arith.index_cast %add3A_132 : i32 to index
      %swap3A_184 = arith.constant 16 : index
      %swap3A_185 = tpu.vector_load %arg14[%swap3A_183, %swap3A_184] {strides = array<i32>} : memref<160x128xf32, #tpu.memory_space<vmem>>, vector<16xf32>,
      tpu.vector_store %arg14[%swap3A_183, %swap3A_184], %mul3A_182 {strides = array<i32>} : memref<160x128xf32, #tpu.memory_space<vmem>>, vector<16xf32>,
      %get3A_186 = arith.index_cast %add3A_132 : i32 to index
      %get3A_187 = arith.constant 32 : index
      %get3A_188 = tpu.vector_load %arg12[%get3A_186, %get3A_187] {strides = array<i32>} : memref<160x128xi32, #tpu.memory_space<vmem>>, vector<16xi32>,
      %gather3A_189 = tpu.vector_load_idx %arg17[%get3A_188] : memref<10240xf32, #tpu.memory_space<vmem>>[vector<16xi32>], vector<16xf32>,
      %get3A_190 = arith.index_cast %add3A_132 : i32 to index
      %get3A_191 = arith.constant 32 : index
      %get3A_192 = tpu.vector_load %arg13[%get3A_190, %get3A_191] {strides = array<i32>} : memref<160x128xi32, #tpu.memory_space<vmem>>, vector<16xi32>,
      %gather3A_193 = tpu.vector_load_idx %arg17[%get3A_192] : memref<10240xf32, #tpu.memory_space<vmem>>[vector<16xi32>], vector<16xf32>,
      %mul3A_194 = arith.mulf %gather3A_189, %gather3A_193 : vector<16xf32>
      %get3A_195 = arith.constant 0 : i32
      %get3A_196 = arith.index_cast %get3A_195 : i32 to index
      %get3A_197 = arith.constant 32 : index
      %get3A_198 = tpu.vector_load %arg15[%get3A_196, %get3A_197] {strides = array<i32>} : memref<4x128xf32, #tpu.memory_space<vmem>>, vector<16xf32>,
      %mul3A_199 = arith.mulf %mul3A_194, %get3A_198 : vector<16xf32>
      %get3A_200 = arith.constant 0 : i32
      %get3A_201 = arith.index_cast %get3A_200 : i32 to index
      %get3A_202 = arith.constant 32 : index
      %get3A_203 = tpu.vector_load %arg16[%get3A_201, %get3A_202] {strides = array<i32>} : memref<4x128xf32, #tpu.memory_space<vmem>>, vector<16xf32>,
      %mul3A_204 = arith.constant 8.000000e-01 : f32
      %mul3A_205 = vector.broadcast %mul3A_204 : f32 to vector<16xf32>
      %mul3A_206 = arith.mulf %mul3A_205, %get3A_203 : vector<16xf32>
      %sub3A_207 = arith.constant 0.899999976 : f32
      %sub3A_208 = vector.broadcast %sub3A_207 : f32 to vector<16xf32>
      %sub3A_209 = arith.subf %sub3A_208, %mul3A_206 : vector<16xf32>
      %mul3A_210 = arith.mulf %mul3A_199, %sub3A_209 : vector<16xf32>
      %swap3A_211 = arith.index_cast %add3A_132 : i32 to index
      %swap3A_212 = arith.constant 32 : index
      %swap3A_213 = tpu.vector_load %arg14[%swap3A_211, %swap3A_212] {strides = array<i32>} : memref<160x128xf32, #tpu.memory_space<vmem>>, vector<16xf32>,
      tpu.vector_store %arg14[%swap3A_211, %swap3A_212], %mul3A_210 {strides = array<i32>} : memref<160x128xf32, #tpu.memory_space<vmem>>, vector<16xf32>,
      %get3A_214 = arith.index_cast %add3A_132 : i32 to index
      %get3A_215 = arith.constant 48 : index
      %get3A_216 = tpu.vector_load %arg12[%get3A_214, %get3A_215] {strides = array<i32>} : memref<160x128xi32, #tpu.memory_space<vmem>>, vector<16xi32>,
      %gather3A_217 = tpu.vector_load_idx %arg17[%get3A_216] : memref<10240xf32, #tpu.memory_space<vmem>>[vector<16xi32>], vector<16xf32>,
      %get3A_218 = arith.index_cast %add3A_132 : i32 to index
      %get3A_219 = arith.constant 48 : index
      %get3A_220 = tpu.vector_load %arg13[%get3A_218, %get3A_219] {strides = array<i32>} : memref<160x128xi32, #tpu.memory_space<vmem>>, vector<16xi32>,
      %gather3A_221 = tpu.vector_load_idx %arg17[%get3A_220] : memref<10240xf32, #tpu.memory_space<vmem>>[vector<16xi32>], vector<16xf32>,
      %mul3A_222 = arith.mulf %gather3A_217, %gather3A_221 : vector<16xf32>
      %get3A_223 = arith.constant 0 : i32
      %get3A_224 = arith.index_cast %get3A_223 : i32 to index
      %get3A_225 = arith.constant 48 : index
      %get3A_226 = tpu.vector_load %arg15[%get3A_224, %get3A_225] {strides = array<i32>} : memref<4x128xf32, #tpu.memory_space<vmem>>, vector<16xf32>,
      %mul3A_227 = arith.mulf %mul3A_222, %get3A_226 : vector<16xf32>
      %get3A_228 = arith.constant 0 : i32
      %get3A_229 = arith.index_cast %get3A_228 : i32 to index
      %get3A_230 = arith.constant 48 : index
      %get3A_231 = tpu.vector_load %arg16[%get3A_229, %get3A_230] {strides = array<i32>} : memref<4x128xf32, #tpu.memory_space<vmem>>, vector<16xf32>,
      %mul3A_232 = arith.constant 8.000000e-01 : f32
      %mul3A_233 = vector.broadcast %mul3A_232 : f32 to vector<16xf32>
      %mul3A_234 = arith.mulf %mul3A_233, %get3A_231 : vector<16xf32>
      %sub3A_235 = arith.constant 0.899999976 : f32
      %sub3A_236 = vector.broadcast %sub3A_235 : f32 to vector<16xf32>
      %sub3A_237 = arith.subf %sub3A_236, %mul3A_234 : vector<16xf32>
      %mul3A_238 = arith.mulf %mul3A_227, %sub3A_237 : vector<16xf32>
      %swap3A_239 = arith.index_cast %add3A_132 : i32 to index
      %swap3A_240 = arith.constant 48 : index
      %swap3A_241 = tpu.vector_load %arg14[%swap3A_239, %swap3A_240] {strides = array<i32>} : memref<160x128xf32, #tpu.memory_space<vmem>>, vector<16xf32>,
      tpu.vector_store %arg14[%swap3A_239, %swap3A_240], %mul3A_238 {strides = array<i32>} : memref<160x128xf32, #tpu.memory_space<vmem>>, vector<16xf32>,
      %get3A_242 = arith.index_cast %add3A_132 : i32 to index
      %get3A_243 = arith.constant 64 : index
      %get3A_244 = tpu.vector_load %arg12[%get3A_242, %get3A_243] {strides = array<i32>} : memref<160x128xi32, #tpu.memory_space<vmem>>, vector<16xi32>,
      %gather3A_245 = tpu.vector_load_idx %arg17[%get3A_244] : memref<10240xf32, #tpu.memory_space<vmem>>[vector<16xi32>], vector<16xf32>,
      %get3A_246 = arith.index_cast %add3A_132 : i32 to index
      %get3A_247 = arith.constant 64 : index
      %get3A_248 = tpu.vector_load %arg13[%get3A_246, %get3A_247] {strides = array<i32>} : memref<160x128xi32, #tpu.memory_space<vmem>>, vector<16xi32>,
      %gather3A_249 = tpu.vector_load_idx %arg17[%get3A_248] : memref<10240xf32, #tpu.memory_space<vmem>>[vector<16xi32>], vector<16xf32>,
      %mul3A_250 = arith.mulf %gather3A_245, %gather3A_249 : vector<16xf32>
      %get3A_251 = arith.constant 0 : i32
      %get3A_252 = arith.index_cast %get3A_251 : i32 to index
      %get3A_253 = arith.constant 64 : index
      %get3A_254 = tpu.vector_load %arg15[%get3A_252, %get3A_253] {strides = array<i32>} : memref<4x128xf32, #tpu.memory_space<vmem>>, vector<16xf32>,
      %mul3A_255 = arith.mulf %mul3A_250, %get3A_254 : vector<16xf32>
      %get3A_256 = arith.constant 0 : i32
      %get3A_257 = arith.index_cast %get3A_256 : i32 to index
      %get3A_258 = arith.constant 64 : index
      %get3A_259 = tpu.vector_load %arg16[%get3A_257, %get3A_258] {strides = array<i32>} : memref<4x128xf32, #tpu.memory_space<vmem>>, vector<16xf32>,
      %mul3A_260 = arith.constant 8.000000e-01 : f32
      %mul3A_261 = vector.broadcast %mul3A_260 : f32 to vector<16xf32>
      %mul3A_262 = arith.mulf %mul3A_261, %get3A_259 : vector<16xf32>
      %sub3A_263 = arith.constant 0.899999976 : f32
      %sub3A_264 = vector.broadcast %sub3A_263 : f32 to vector<16xf32>
      %sub3A_265 = arith.subf %sub3A_264, %mul3A_262 : vector<16xf32>
      %mul3A_266 = arith.mulf %mul3A_255, %sub3A_265 : vector<16xf32>
      %swap3A_267 = arith.index_cast %add3A_132 : i32 to index
      %swap3A_268 = arith.constant 64 : index
      %swap3A_269 = tpu.vector_load %arg14[%swap3A_267, %swap3A_268] {strides = array<i32>} : memref<160x128xf32, #tpu.memory_space<vmem>>, vector<16xf32>,
      tpu.vector_store %arg14[%swap3A_267, %swap3A_268], %mul3A_266 {strides = array<i32>} : memref<160x128xf32, #tpu.memory_space<vmem>>, vector<16xf32>,
      %get3A_270 = arith.index_cast %add3A_132 : i32 to index
      %get3A_271 = arith.constant 80 : index
      %get3A_272 = tpu.vector_load %arg12[%get3A_270, %get3A_271] {strides = array<i32>} : memref<160x128xi32, #tpu.memory_space<vmem>>, vector<16xi32>,
      %gather3A_273 = tpu.vector_load_idx %arg17[%get3A_272] : memref<10240xf32, #tpu.memory_space<vmem>>[vector<16xi32>], vector<16xf32>,
      %get3A_274 = arith.index_cast %add3A_132 : i32 to index
      %get3A_275 = arith.constant 80 : index
      %get3A_276 = tpu.vector_load %arg13[%get3A_274, %get3A_275] {strides = array<i32>} : memref<160x128xi32, #tpu.memory_space<vmem>>, vector<16xi32>,
      %gather3A_277 = tpu.vector_load_idx %arg17[%get3A_276] : memref<10240xf32, #tpu.memory_space<vmem>>[vector<16xi32>], vector<16xf32>,
      %mul3A_278 = arith.mulf %gather3A_273, %gather3A_277 : vector<16xf32>
      %get3A_279 = arith.constant 0 : i32
      %get3A_280 = arith.index_cast %get3A_279 : i32 to index
      %get3A_281 = arith.constant 80 : index
      %get3A_282 = tpu.vector_load %arg15[%get3A_280, %get3A_281] {strides = array<i32>} : memref<4x128xf32, #tpu.memory_space<vmem>>, vector<16xf32>,
      %mul3A_283 = arith.mulf %mul3A_278, %get3A_282 : vector<16xf32>
      %get3A_284 = arith.constant 0 : i32
      %get3A_285 = arith.index_cast %get3A_284 : i32 to index
      %get3A_286 = arith.constant 80 : index
      %get3A_287 = tpu.vector_load %arg16[%get3A_285, %get3A_286] {strides = array<i32>} : memref<4x128xf32, #tpu.memory_space<vmem>>, vector<16xf32>,
      %mul3A_288 = arith.constant 8.000000e-01 : f32
      %mul3A_289 = vector.broadcast %mul3A_288 : f32 to vector<16xf32>
      %mul3A_290 = arith.mulf %mul3A_289, %get3A_287 : vector<16xf32>
      %sub3A_291 = arith.constant 0.899999976 : f32
      %sub3A_292 = vector.broadcast %sub3A_291 : f32 to vector<16xf32>
      %sub3A_293 = arith.subf %sub3A_292, %mul3A_290 : vector<16xf32>
      %mul3A_294 = arith.mulf %mul3A_283, %sub3A_293 : vector<16xf32>
      %swap3A_295 = arith.index_cast %add3A_132 : i32 to index
      %swap3A_296 = arith.constant 80 : index
      %swap3A_297 = tpu.vector_load %arg14[%swap3A_295, %swap3A_296] {strides = array<i32>} : memref<160x128xf32, #tpu.memory_space<vmem>>, vector<16xf32>,
      tpu.vector_store %arg14[%swap3A_295, %swap3A_296], %mul3A_294 {strides = array<i32>} : memref<160x128xf32, #tpu.memory_space<vmem>>, vector<16xf32>,
      %get3A_298 = arith.index_cast %add3A_132 : i32 to index
      %get3A_299 = arith.constant 96 : index
      %get3A_300 = tpu.vector_load %arg12[%get3A_298, %get3A_299] {strides = array<i32>} : memref<160x128xi32, #tpu.memory_space<vmem>>, vector<16xi32>,
      %gather3A_301 = tpu.vector_load_idx %arg17[%get3A_300] : memref<10240xf32, #tpu.memory_space<vmem>>[vector<16xi32>], vector<16xf32>,
      %get3A_302 = arith.index_cast %add3A_132 : i32 to index
      %get3A_303 = arith.constant 96 : index
      %get3A_304 = tpu.vector_load %arg13[%get3A_302, %get3A_303] {strides = array<i32>} : memref<160x128xi32, #tpu.memory_space<vmem>>, vector<16xi32>,
      %gather3A_305 = tpu.vector_load_idx %arg17[%get3A_304] : memref<10240xf32, #tpu.memory_space<vmem>>[vector<16xi32>], vector<16xf32>,
      %mul3A_306 = arith.mulf %gather3A_301, %gather3A_305 : vector<16xf32>
      %get3A_307 = arith.constant 0 : i32
      %get3A_308 = arith.index_cast %get3A_307 : i32 to index
      %get3A_309 = arith.constant 96 : index
      %get3A_310 = tpu.vector_load %arg15[%get3A_308, %get3A_309] {strides = array<i32>} : memref<4x128xf32, #tpu.memory_space<vmem>>, vector<16xf32>,
      %mul3A_311 = arith.mulf %mul3A_306, %get3A_310 : vector<16xf32>
      %get3A_312 = arith.constant 0 : i32
      %get3A_313 = arith.index_cast %get3A_312 : i32 to index
      %get3A_314 = arith.constant 96 : index
      %get3A_315 = tpu.vector_load %arg16[%get3A_313, %get3A_314] {strides = array<i32>} : memref<4x128xf32, #tpu.memory_space<vmem>>, vector<16xf32>,
      %mul3A_316 = arith.constant 8.000000e-01 : f32
      %mul3A_317 = vector.broadcast %mul3A_316 : f32 to vector<16xf32>
      %mul3A_318 = arith.mulf %mul3A_317, %get3A_315 : vector<16xf32>
      %sub3A_319 = arith.constant 0.899999976 : f32
      %sub3A_320 = vector.broadcast %sub3A_319 : f32 to vector<16xf32>
      %sub3A_321 = arith.subf %sub3A_320, %mul3A_318 : vector<16xf32>
      %mul3A_322 = arith.mulf %mul3A_311, %sub3A_321 : vector<16xf32>
      %swap3A_323 = arith.index_cast %add3A_132 : i32 to index
      %swap3A_324 = arith.constant 96 : index
      %swap3A_325 = tpu.vector_load %arg14[%swap3A_323, %swap3A_324] {strides = array<i32>} : memref<160x128xf32, #tpu.memory_space<vmem>>, vector<16xf32>,
      tpu.vector_store %arg14[%swap3A_323, %swap3A_324], %mul3A_322 {strides = array<i32>} : memref<160x128xf32, #tpu.memory_space<vmem>>, vector<16xf32>,
      %get3A_326 = arith.index_cast %add3A_132 : i32 to index
      %get3A_327 = arith.constant 112 : index
      %get3A_328 = tpu.vector_load %arg12[%get3A_326, %get3A_327] {strides = array<i32>} : memref<160x128xi32, #tpu.memory_space<vmem>>, vector<16xi32>,
      %gather3A_329 = tpu.vector_load_idx %arg17[%get3A_328] : memref<10240xf32, #tpu.memory_space<vmem>>[vector<16xi32>], vector<16xf32>,
      %get3A_330 = arith.index_cast %add3A_132 : i32 to index
      %get3A_331 = arith.constant 112 : index
      %get3A_332 = tpu.vector_load %arg13[%get3A_330, %get3A_331] {strides = array<i32>} : memref<160x128xi32, #tpu.memory_space<vmem>>, vector<16xi32>,
      %gather3A_333 = tpu.vector_load_idx %arg17[%get3A_332] : memref<10240xf32, #tpu.memory_space<vmem>>[vector<16xi32>], vector<16xf32>,
      %mul3A_334 = arith.mulf %gather3A_329, %gather3A_333 : vector<16xf32>
      %get3A_335 = arith.constant 0 : i32
      %get3A_336 = arith.index_cast %get3A_335 : i32 to index
      %get3A_337 = arith.constant 112 : index
      %get3A_338 = tpu.vector_load %arg15[%get3A_336, %get3A_337] {strides = array<i32>} : memref<4x128xf32, #tpu.memory_space<vmem>>, vector<16xf32>,
      %mul3A_339 = arith.mulf %mul3A_334, %get3A_338 : vector<16xf32>
      %get3A_340 = arith.constant 0 : i32
      %get3A_341 = arith.index_cast %get3A_340 : i32 to index
      %get3A_342 = arith.constant 112 : index
      %get3A_343 = tpu.vector_load %arg16[%get3A_341, %get3A_342] {strides = array<i32>} : memref<4x128xf32, #tpu.memory_space<vmem>>, vector<16xf32>,
      %mul3A_344 = arith.constant 8.000000e-01 : f32
      %mul3A_345 = vector.broadcast %mul3A_344 : f32 to vector<16xf32>
      %mul3A_346 = arith.mulf %mul3A_345, %get3A_343 : vector<16xf32>
      %sub3A_347 = arith.constant 0.899999976 : f32
      %sub3A_348 = vector.broadcast %sub3A_347 : f32 to vector<16xf32>
      %sub3A_349 = arith.subf %sub3A_348, %mul3A_346 : vector<16xf32>
      %mul3A_350 = arith.mulf %mul3A_339, %sub3A_349 : vector<16xf32>
      %swap3A_351 = arith.index_cast %add3A_132 : i32 to index
      %swap3A_352 = arith.constant 112 : index
      %swap3A_353 = tpu.vector_load %arg14[%swap3A_351, %swap3A_352] {strides = array<i32>} : memref<160x128xf32, #tpu.memory_space<vmem>>, vector<16xf32>,
      tpu.vector_store %arg14[%swap3A_351, %swap3A_352], %mul3A_350 {strides = array<i32>} : memref<160x128xf32, #tpu.memory_space<vmem>>, vector<16xf32>,
      %mul3A_354 = arith.constant 4 : i32
      %mul3A_355 = arith.muli %scan3A_121, %mul3A_354 : i32
      %add3A_356 = arith.constant 1 : i32
      %add3A_357 = arith.addi %mul3A_355, %add3A_356 : i32
      %get3A_358 = arith.index_cast %add3A_357 : i32 to index
      %get3A_359 = arith.constant 0 : index
      %get3A_360 = tpu.vector_load %arg12[%get3A_358, %get3A_359] {strides = array<i32>} : memref<160x128xi32, #tpu.memory_space<vmem>>, vector<16xi32>,
      %gather3A_361 = tpu.vector_load_idx %arg17[%get3A_360] : memref<10240xf32, #tpu.memory_space<vmem>>[vector<16xi32>], vector<16xf32>,
      %get3A_362 = arith.index_cast %add3A_357 : i32 to index
      %get3A_363 = arith.constant 0 : index
      %get3A_364 = tpu.vector_load %arg13[%get3A_362, %get3A_363] {strides = array<i32>} : memref<160x128xi32, #tpu.memory_space<vmem>>, vector<16xi32>,
      %gather3A_365 = tpu.vector_load_idx %arg17[%get3A_364] : memref<10240xf32, #tpu.memory_space<vmem>>[vector<16xi32>], vector<16xf32>,
      %mul3A_366 = arith.mulf %gather3A_361, %gather3A_365 : vector<16xf32>
      %get3A_367 = arith.constant 1 : i32
      %get3A_368 = arith.index_cast %get3A_367 : i32 to index
      %get3A_369 = arith.constant 0 : index
      %get3A_370 = tpu.vector_load %arg15[%get3A_368, %get3A_369] {strides = array<i32>} : memref<4x128xf32, #tpu.memory_space<vmem>>, vector<16xf32>,
      %mul3A_371 = arith.mulf %mul3A_366, %get3A_370 : vector<16xf32>
      %get3A_372 = arith.constant 1 : i32
      %get3A_373 = arith.index_cast %get3A_372 : i32 to index
      %get3A_374 = arith.constant 0 : index
      %get3A_375 = tpu.vector_load %arg16[%get3A_373, %get3A_374] {strides = array<i32>} : memref<4x128xf32, #tpu.memory_space<vmem>>, vector<16xf32>,
      %mul3A_376 = arith.constant 8.000000e-01 : f32
      %mul3A_377 = vector.broadcast %mul3A_376 : f32 to vector<16xf32>
      %mul3A_378 = arith.mulf %mul3A_377, %get3A_375 : vector<16xf32>
      %sub3A_379 = arith.constant 0.899999976 : f32
      %sub3A_380 = vector.broadcast %sub3A_379 : f32 to vector<16xf32>
      %sub3A_381 = arith.subf %sub3A_380, %mul3A_378 : vector<16xf32>
      %mul3A_382 = arith.mulf %mul3A_371, %sub3A_381 : vector<16xf32>
      %swap3A_383 = arith.index_cast %add3A_357 : i32 to index
      %swap3A_384 = arith.constant 0 : index
      %swap3A_385 = tpu.vector_load %arg14[%swap3A_383, %swap3A_384] {strides = array<i32>} : memref<160x128xf32, #tpu.memory_space<vmem>>, vector<16xf32>,
      tpu.vector_store %arg14[%swap3A_383, %swap3A_384], %mul3A_382 {strides = array<i32>} : memref<160x128xf32, #tpu.memory_space<vmem>>, vector<16xf32>,
      %get3A_386 = arith.index_cast %add3A_357 : i32 to index
      %get3A_387 = arith.constant 16 : index
      %get3A_388 = tpu.vector_load %arg12[%get3A_386, %get3A_387] {strides = array<i32>} : memref<160x128xi32, #tpu.memory_space<vmem>>, vector<16xi32>,
      %gather3A_389 = tpu.vector_load_idx %arg17[%get3A_388] : memref<10240xf32, #tpu.memory_space<vmem>>[vector<16xi32>], vector<16xf32>,
      %get3A_390 = arith.index_cast %add3A_357 : i32 to index
      %get3A_391 = arith.constant 16 : index
      %get3A_392 = tpu.vector_load %arg13[%get3A_390, %get3A_391] {strides = array<i32>} : memref<160x128xi32, #tpu.memory_space<vmem>>, vector<16xi32>,
      %gather3A_393 = tpu.vector_load_idx %arg17[%get3A_392] : memref<10240xf32, #tpu.memory_space<vmem>>[vector<16xi32>], vector<16xf32>,
      %mul3A_394 = arith.mulf %gather3A_389, %gather3A_393 : vector<16xf32>
      %get3A_395 = arith.constant 1 : i32
      %get3A_396 = arith.index_cast %get3A_395 : i32 to index
      %get3A_397 = arith.constant 16 : index
      %get3A_398 = tpu.vector_load %arg15[%get3A_396, %get3A_397] {strides = array<i32>} : memref<4x128xf32, #tpu.memory_space<vmem>>, vector<16xf32>,
      %mul3A_399 = arith.mulf %mul3A_394, %get3A_398 : vector<16xf32>
      %get3A_400 = arith.constant 1 : i32
      %get3A_401 = arith.index_cast %get3A_400 : i32 to index
      %get3A_402 = arith.constant 16 : index
      %get3A_403 = tpu.vector_load %arg16[%get3A_401, %get3A_402] {strides = array<i32>} : memref<4x128xf32, #tpu.memory_space<vmem>>, vector<16xf32>,
      %mul3A_404 = arith.constant 8.000000e-01 : f32
      %mul3A_405 = vector.broadcast %mul3A_404 : f32 to vector<16xf32>
      %mul3A_406 = arith.mulf %mul3A_405, %get3A_403 : vector<16xf32>
      %sub3A_407 = arith.constant 0.899999976 : f32
      %sub3A_408 = vector.broadcast %sub3A_407 : f32 to vector<16xf32>
      %sub3A_409 = arith.subf %sub3A_408, %mul3A_406 : vector<16xf32>
      %mul3A_410 = arith.mulf %mul3A_399, %sub3A_409 : vector<16xf32>
      %swap3A_411 = arith.index_cast %add3A_357 : i32 to index
      %swap3A_412 = arith.constant 16 : index
      %swap3A_413 = tpu.vector_load %arg14[%swap3A_411, %swap3A_412] {strides = array<i32>} : memref<160x128xf32, #tpu.memory_space<vmem>>, vector<16xf32>,
      tpu.vector_store %arg14[%swap3A_411, %swap3A_412], %mul3A_410 {strides = array<i32>} : memref<160x128xf32, #tpu.memory_space<vmem>>, vector<16xf32>,
      %get3A_414 = arith.index_cast %add3A_357 : i32 to index
      %get3A_415 = arith.constant 32 : index
      %get3A_416 = tpu.vector_load %arg12[%get3A_414, %get3A_415] {strides = array<i32>} : memref<160x128xi32, #tpu.memory_space<vmem>>, vector<16xi32>,
      %gather3A_417 = tpu.vector_load_idx %arg17[%get3A_416] : memref<10240xf32, #tpu.memory_space<vmem>>[vector<16xi32>], vector<16xf32>,
      %get3A_418 = arith.index_cast %add3A_357 : i32 to index
      %get3A_419 = arith.constant 32 : index
      %get3A_420 = tpu.vector_load %arg13[%get3A_418, %get3A_419] {strides = array<i32>} : memref<160x128xi32, #tpu.memory_space<vmem>>, vector<16xi32>,
      %gather3A_421 = tpu.vector_load_idx %arg17[%get3A_420] : memref<10240xf32, #tpu.memory_space<vmem>>[vector<16xi32>], vector<16xf32>,
      %mul3A_422 = arith.mulf %gather3A_417, %gather3A_421 : vector<16xf32>
      %get3A_423 = arith.constant 1 : i32
      %get3A_424 = arith.index_cast %get3A_423 : i32 to index
      %get3A_425 = arith.constant 32 : index
      %get3A_426 = tpu.vector_load %arg15[%get3A_424, %get3A_425] {strides = array<i32>} : memref<4x128xf32, #tpu.memory_space<vmem>>, vector<16xf32>,
      %mul3A_427 = arith.mulf %mul3A_422, %get3A_426 : vector<16xf32>
      %get3A_428 = arith.constant 1 : i32
      %get3A_429 = arith.index_cast %get3A_428 : i32 to index
      %get3A_430 = arith.constant 32 : index
      %get3A_431 = tpu.vector_load %arg16[%get3A_429, %get3A_430] {strides = array<i32>} : memref<4x128xf32, #tpu.memory_space<vmem>>, vector<16xf32>,
      %mul3A_432 = arith.constant 8.000000e-01 : f32
      %mul3A_433 = vector.broadcast %mul3A_432 : f32 to vector<16xf32>
      %mul3A_434 = arith.mulf %mul3A_433, %get3A_431 : vector<16xf32>
      %sub3A_435 = arith.constant 0.899999976 : f32
      %sub3A_436 = vector.broadcast %sub3A_435 : f32 to vector<16xf32>
      %sub3A_437 = arith.subf %sub3A_436, %mul3A_434 : vector<16xf32>
      %mul3A_438 = arith.mulf %mul3A_427, %sub3A_437 : vector<16xf32>
      %swap3A_439 = arith.index_cast %add3A_357 : i32 to index
      %swap3A_440 = arith.constant 32 : index
      %swap3A_441 = tpu.vector_load %arg14[%swap3A_439, %swap3A_440] {strides = array<i32>} : memref<160x128xf32, #tpu.memory_space<vmem>>, vector<16xf32>,
      tpu.vector_store %arg14[%swap3A_439, %swap3A_440], %mul3A_438 {strides = array<i32>} : memref<160x128xf32, #tpu.memory_space<vmem>>, vector<16xf32>,
      %get3A_442 = arith.index_cast %add3A_357 : i32 to index
      %get3A_443 = arith.constant 48 : index
      %get3A_444 = tpu.vector_load %arg12[%get3A_442, %get3A_443] {strides = array<i32>} : memref<160x128xi32, #tpu.memory_space<vmem>>, vector<16xi32>,
      %gather3A_445 = tpu.vector_load_idx %arg17[%get3A_444] : memref<10240xf32, #tpu.memory_space<vmem>>[vector<16xi32>], vector<16xf32>,
      %get3A_446 = arith.index_cast %add3A_357 : i32 to index
      %get3A_447 = arith.constant 48 : index
      %get3A_448 = tpu.vector_load %arg13[%get3A_446, %get3A_447] {strides = array<i32>} : memref<160x128xi32, #tpu.memory_space<vmem>>, vector<16xi32>,
      %gather3A_449 = tpu.vector_load_idx %arg17[%get3A_448] : memref<10240xf32, #tpu.memory_space<vmem>>[vector<16xi32>], vector<16xf32>,
      %mul3A_450 = arith.mulf %gather3A_445, %gather3A_449 : vector<16xf32>
      %get3A_451 = arith.constant 1 : i32
      %get3A_452 = arith.index_cast %get3A_451 : i32 to index
      %get3A_453 = arith.constant 48 : index
      %get3A_454 = tpu.vector_load %arg15[%get3A_452, %get3A_453] {strides = array<i32>} : memref<4x128xf32, #tpu.memory_space<vmem>>, vector<16xf32>,
      %mul3A_455 = arith.mulf %mul3A_450, %get3A_454 : vector<16xf32>
      %get3A_456 = arith.constant 1 : i32
      %get3A_457 = arith.index_cast %get3A_456 : i32 to index
      %get3A_458 = arith.constant 48 : index
      %get3A_459 = tpu.vector_load %arg16[%get3A_457, %get3A_458] {strides = array<i32>} : memref<4x128xf32, #tpu.memory_space<vmem>>, vector<16xf32>,
      %mul3A_460 = arith.constant 8.000000e-01 : f32
      %mul3A_461 = vector.broadcast %mul3A_460 : f32 to vector<16xf32>
      %mul3A_462 = arith.mulf %mul3A_461, %get3A_459 : vector<16xf32>
      %sub3A_463 = arith.constant 0.899999976 : f32
      %sub3A_464 = vector.broadcast %sub3A_463 : f32 to vector<16xf32>
      %sub3A_465 = arith.subf %sub3A_464, %mul3A_462 : vector<16xf32>
      %mul3A_466 = arith.mulf %mul3A_455, %sub3A_465 : vector<16xf32>
      %swap3A_467 = arith.index_cast %add3A_357 : i32 to index
      %swap3A_468 = arith.constant 48 : index
      %swap3A_469 = tpu.vector_load %arg14[%swap3A_467, %swap3A_468] {strides = array<i32>} : memref<160x128xf32, #tpu.memory_space<vmem>>, vector<16xf32>,
      tpu.vector_store %arg14[%swap3A_467, %swap3A_468], %mul3A_466 {strides = array<i32>} : memref<160x128xf32, #tpu.memory_space<vmem>>, vector<16xf32>,
      %get3A_470 = arith.index_cast %add3A_357 : i32 to index
      %get3A_471 = arith.constant 64 : index
      %get3A_472 = tpu.vector_load %arg12[%get3A_470, %get3A_471] {strides = array<i32>} : memref<160x128xi32, #tpu.memory_space<vmem>>, vector<16xi32>,
      %gather3A_473 = tpu.vector_load_idx %arg17[%get3A_472] : memref<10240xf32, #tpu.memory_space<vmem>>[vector<16xi32>], vector<16xf32>,
      %get3A_474 = arith.index_cast %add3A_357 : i32 to index
      %get3A_475 = arith.constant 64 : index
      %get3A_476 = tpu.vector_load %arg13[%get3A_474, %get3A_475] {strides = array<i32>} : memref<160x128xi32, #tpu.memory_space<vmem>>, vector<16xi32>,
      %gather3A_477 = tpu.vector_load_idx %arg17[%get3A_476] : memref<10240xf32, #tpu.memory_space<vmem>>[vector<16xi32>], vector<16xf32>,
      %mul3A_478 = arith.mulf %gather3A_473, %gather3A_477 : vector<16xf32>
      %get3A_479 = arith.constant 1 : i32
      %get3A_480 = arith.index_cast %get3A_479 : i32 to index
      %get3A_481 = arith.constant 64 : index
      %get3A_482 = tpu.vector_load %arg15[%get3A_480, %get3A_481] {strides = array<i32>} : memref<4x128xf32, #tpu.memory_space<vmem>>, vector<16xf32>,
      %mul3A_483 = arith.mulf %mul3A_478, %get3A_482 : vector<16xf32>
      %get3A_484 = arith.constant 1 : i32
      %get3A_485 = arith.index_cast %get3A_484 : i32 to index
      %get3A_486 = arith.constant 64 : index
      %get3A_487 = tpu.vector_load %arg16[%get3A_485, %get3A_486] {strides = array<i32>} : memref<4x128xf32, #tpu.memory_space<vmem>>, vector<16xf32>,
      %mul3A_488 = arith.constant 8.000000e-01 : f32
      %mul3A_489 = vector.broadcast %mul3A_488 : f32 to vector<16xf32>
      %mul3A_490 = arith.mulf %mul3A_489, %get3A_487 : vector<16xf32>
      %sub3A_491 = arith.constant 0.899999976 : f32
      %sub3A_492 = vector.broadcast %sub3A_491 : f32 to vector<16xf32>
      %sub3A_493 = arith.subf %sub3A_492, %mul3A_490 : vector<16xf32>
      %mul3A_494 = arith.mulf %mul3A_483, %sub3A_493 : vector<16xf32>
      %swap3A_495 = arith.index_cast %add3A_357 : i32 to index
      %swap3A_496 = arith.constant 64 : index
      %swap3A_497 = tpu.vector_load %arg14[%swap3A_495, %swap3A_496] {strides = array<i32>} : memref<160x128xf32, #tpu.memory_space<vmem>>, vector<16xf32>,
      tpu.vector_store %arg14[%swap3A_495, %swap3A_496], %mul3A_494 {strides = array<i32>} : memref<160x128xf32, #tpu.memory_space<vmem>>, vector<16xf32>,
      %get3A_498 = arith.index_cast %add3A_357 : i32 to index
      %get3A_499 = arith.constant 80 : index
      %get3A_500 = tpu.vector_load %arg12[%get3A_498, %get3A_499] {strides = array<i32>} : memref<160x128xi32, #tpu.memory_space<vmem>>, vector<16xi32>,
      %gather3A_501 = tpu.vector_load_idx %arg17[%get3A_500] : memref<10240xf32, #tpu.memory_space<vmem>>[vector<16xi32>], vector<16xf32>,
      %get3A_502 = arith.index_cast %add3A_357 : i32 to index
      %get3A_503 = arith.constant 80 : index
      %get3A_504 = tpu.vector_load %arg13[%get3A_502, %get3A_503] {strides = array<i32>} : memref<160x128xi32, #tpu.memory_space<vmem>>, vector<16xi32>,
      %gather3A_505 = tpu.vector_load_idx %arg17[%get3A_504] : memref<10240xf32, #tpu.memory_space<vmem>>[vector<16xi32>], vector<16xf32>,
      %mul3A_506 = arith.mulf %gather3A_501, %gather3A_505 : vector<16xf32>
      %get3A_507 = arith.constant 1 : i32
      %get3A_508 = arith.index_cast %get3A_507 : i32 to index
      %get3A_509 = arith.constant 80 : index
      %get3A_510 = tpu.vector_load %arg15[%get3A_508, %get3A_509] {strides = array<i32>} : memref<4x128xf32, #tpu.memory_space<vmem>>, vector<16xf32>,
      %mul3A_511 = arith.mulf %mul3A_506, %get3A_510 : vector<16xf32>
      %get3A_512 = arith.constant 1 : i32
      %get3A_513 = arith.index_cast %get3A_512 : i32 to index
      %get3A_514 = arith.constant 80 : index
      %get3A_515 = tpu.vector_load %arg16[%get3A_513, %get3A_514] {strides = array<i32>} : memref<4x128xf32, #tpu.memory_space<vmem>>, vector<16xf32>,
      %mul3A_516 = arith.constant 8.000000e-01 : f32
      %mul3A_517 = vector.broadcast %mul3A_516 : f32 to vector<16xf32>
      %mul3A_518 = arith.mulf %mul3A_517, %get3A_515 : vector<16xf32>
      %sub3A_519 = arith.constant 0.899999976 : f32
      %sub3A_520 = vector.broadcast %sub3A_519 : f32 to vector<16xf32>
      %sub3A_521 = arith.subf %sub3A_520, %mul3A_518 : vector<16xf32>
      %mul3A_522 = arith.mulf %mul3A_511, %sub3A_521 : vector<16xf32>
      %swap3A_523 = arith.index_cast %add3A_357 : i32 to index
      %swap3A_524 = arith.constant 80 : index
      %swap3A_525 = tpu.vector_load %arg14[%swap3A_523, %swap3A_524] {strides = array<i32>} : memref<160x128xf32, #tpu.memory_space<vmem>>, vector<16xf32>,
      tpu.vector_store %arg14[%swap3A_523, %swap3A_524], %mul3A_522 {strides = array<i32>} : memref<160x128xf32, #tpu.memory_space<vmem>>, vector<16xf32>,
      %get3A_526 = arith.index_cast %add3A_357 : i32 to index
      %get3A_527 = arith.constant 96 : index
      %get3A_528 = tpu.vector_load %arg12[%get3A_526, %get3A_527] {strides = array<i32>} : memref<160x128xi32, #tpu.memory_space<vmem>>, vector<16xi32>,
      %gather3A_529 = tpu.vector_load_idx %arg17[%get3A_528] : memref<10240xf32, #tpu.memory_space<vmem>>[vector<16xi32>], vector<16xf32>,
      %get3A_530 = arith.index_cast %add3A_357 : i32 to index
      %get3A_531 = arith.constant 96 : index
      %get3A_532 = tpu.vector_load %arg13[%get3A_530, %get3A_531] {strides = array<i32>} : memref<160x128xi32, #tpu.memory_space<vmem>>, vector<16xi32>,
      %gather3A_533 = tpu.vector_load_idx %arg17[%get3A_532] : memref<10240xf32, #tpu.memory_space<vmem>>[vector<16xi32>], vector<16xf32>,
      %mul3A_534 = arith.mulf %gather3A_529, %gather3A_533 : vector<16xf32>
      %get3A_535 = arith.constant 1 : i32
      %get3A_536 = arith.index_cast %get3A_535 : i32 to index
      %get3A_537 = arith.constant 96 : index
      %get3A_538 = tpu.vector_load %arg15[%get3A_536, %get3A_537] {strides = array<i32>} : memref<4x128xf32, #tpu.memory_space<vmem>>, vector<16xf32>,
      %mul3A_539 = arith.mulf %mul3A_534, %get3A_538 : vector<16xf32>
      %get3A_540 = arith.constant 1 : i32
      %get3A_541 = arith.index_cast %get3A_540 : i32 to index
      %get3A_542 = arith.constant 96 : index
      %get3A_543 = tpu.vector_load %arg16[%get3A_541, %get3A_542] {strides = array<i32>} : memref<4x128xf32, #tpu.memory_space<vmem>>, vector<16xf32>,
      %mul3A_544 = arith.constant 8.000000e-01 : f32
      %mul3A_545 = vector.broadcast %mul3A_544 : f32 to vector<16xf32>
      %mul3A_546 = arith.mulf %mul3A_545, %get3A_543 : vector<16xf32>
      %sub3A_547 = arith.constant 0.899999976 : f32
      %sub3A_548 = vector.broadcast %sub3A_547 : f32 to vector<16xf32>
      %sub3A_549 = arith.subf %sub3A_548, %mul3A_546 : vector<16xf32>
      %mul3A_550 = arith.mulf %mul3A_539, %sub3A_549 : vector<16xf32>
      %swap3A_551 = arith.index_cast %add3A_357 : i32 to index
      %swap3A_552 = arith.constant 96 : index
      %swap3A_553 = tpu.vector_load %arg14[%swap3A_551, %swap3A_552] {strides = array<i32>} : memref<160x128xf32, #tpu.memory_space<vmem>>, vector<16xf32>,
      tpu.vector_store %arg14[%swap3A_551, %swap3A_552], %mul3A_550 {strides = array<i32>} : memref<160x128xf32, #tpu.memory_space<vmem>>, vector<16xf32>,
      %get3A_554 = arith.index_cast %add3A_357 : i32 to index
      %get3A_555 = arith.constant 112 : index
      %get3A_556 = tpu.vector_load %arg12[%get3A_554, %get3A_555] {strides = array<i32>} : memref<160x128xi32, #tpu.memory_space<vmem>>, vector<16xi32>,
      %gather3A_557 = tpu.vector_load_idx %arg17[%get3A_556] : memref<10240xf32, #tpu.memory_space<vmem>>[vector<16xi32>], vector<16xf32>,
      %get3A_558 = arith.index_cast %add3A_357 : i32 to index
      %get3A_559 = arith.constant 112 : index
      %get3A_560 = tpu.vector_load %arg13[%get3A_558, %get3A_559] {strides = array<i32>} : memref<160x128xi32, #tpu.memory_space<vmem>>, vector<16xi32>,
      %gather3A_561 = tpu.vector_load_idx %arg17[%get3A_560] : memref<10240xf32, #tpu.memory_space<vmem>>[vector<16xi32>], vector<16xf32>,
      %mul3A_562 = arith.mulf %gather3A_557, %gather3A_561 : vector<16xf32>
      %get3A_563 = arith.constant 1 : i32
      %get3A_564 = arith.index_cast %get3A_563 : i32 to index
      %get3A_565 = arith.constant 112 : index
      %get3A_566 = tpu.vector_load %arg15[%get3A_564, %get3A_565] {strides = array<i32>} : memref<4x128xf32, #tpu.memory_space<vmem>>, vector<16xf32>,
      %mul3A_567 = arith.mulf %mul3A_562, %get3A_566 : vector<16xf32>
      %get3A_568 = arith.constant 1 : i32
      %get3A_569 = arith.index_cast %get3A_568 : i32 to index
      %get3A_570 = arith.constant 112 : index
      %get3A_571 = tpu.vector_load %arg16[%get3A_569, %get3A_570] {strides = array<i32>} : memref<4x128xf32, #tpu.memory_space<vmem>>, vector<16xf32>,
      %mul3A_572 = arith.constant 8.000000e-01 : f32
      %mul3A_573 = vector.broadcast %mul3A_572 : f32 to vector<16xf32>
      %mul3A_574 = arith.mulf %mul3A_573, %get3A_571 : vector<16xf32>
      %sub3A_575 = arith.constant 0.899999976 : f32
      %sub3A_576 = vector.broadcast %sub3A_575 : f32 to vector<16xf32>
      %sub3A_577 = arith.subf %sub3A_576, %mul3A_574 : vector<16xf32>
      %mul3A_578 = arith.mulf %mul3A_567, %sub3A_577 : vector<16xf32>
      %swap3A_579 = arith.index_cast %add3A_357 : i32 to index
      %swap3A_580 = arith.constant 112 : index
      %swap3A_581 = tpu.vector_load %arg14[%swap3A_579, %swap3A_580] {strides = array<i32>} : memref<160x128xf32, #tpu.memory_space<vmem>>, vector<16xf32>,
      tpu.vector_store %arg14[%swap3A_579, %swap3A_580], %mul3A_578 {strides = array<i32>} : memref<160x128xf32, #tpu.memory_space<vmem>>, vector<16xf32>,
      %mul3A_582 = arith.constant 4 : i32
      %mul3A_583 = arith.muli %scan3A_121, %mul3A_582 : i32
      %add3A_584 = arith.constant 2 : i32
      %add3A_585 = arith.addi %mul3A_583, %add3A_584 : i32
      %get3A_586 = arith.index_cast %add3A_585 : i32 to index
      %get3A_587 = arith.constant 0 : index
      %get3A_588 = tpu.vector_load %arg12[%get3A_586, %get3A_587] {strides = array<i32>} : memref<160x128xi32, #tpu.memory_space<vmem>>, vector<16xi32>,
      %gather3A_589 = tpu.vector_load_idx %arg17[%get3A_588] : memref<10240xf32, #tpu.memory_space<vmem>>[vector<16xi32>], vector<16xf32>,
      %get3A_590 = arith.index_cast %add3A_585 : i32 to index
      %get3A_591 = arith.constant 0 : index
      %get3A_592 = tpu.vector_load %arg13[%get3A_590, %get3A_591] {strides = array<i32>} : memref<160x128xi32, #tpu.memory_space<vmem>>, vector<16xi32>,
      %gather3A_593 = tpu.vector_load_idx %arg17[%get3A_592] : memref<10240xf32, #tpu.memory_space<vmem>>[vector<16xi32>], vector<16xf32>,
      %mul3A_594 = arith.mulf %gather3A_589, %gather3A_593 : vector<16xf32>
      %get3A_595 = arith.constant 2 : i32
      %get3A_596 = arith.index_cast %get3A_595 : i32 to index
      %get3A_597 = arith.constant 0 : index
      %get3A_598 = tpu.vector_load %arg15[%get3A_596, %get3A_597] {strides = array<i32>} : memref<4x128xf32, #tpu.memory_space<vmem>>, vector<16xf32>,
      %mul3A_599 = arith.mulf %mul3A_594, %get3A_598 : vector<16xf32>
      %get3A_600 = arith.constant 2 : i32
      %get3A_601 = arith.index_cast %get3A_600 : i32 to index
      %get3A_602 = arith.constant 0 : index
      %get3A_603 = tpu.vector_load %arg16[%get3A_601, %get3A_602] {strides = array<i32>} : memref<4x128xf32, #tpu.memory_space<vmem>>, vector<16xf32>,
      %mul3A_604 = arith.constant 8.000000e-01 : f32
      %mul3A_605 = vector.broadcast %mul3A_604 : f32 to vector<16xf32>
      %mul3A_606 = arith.mulf %mul3A_605, %get3A_603 : vector<16xf32>
      %sub3A_607 = arith.constant 0.899999976 : f32
      %sub3A_608 = vector.broadcast %sub3A_607 : f32 to vector<16xf32>
      %sub3A_609 = arith.subf %sub3A_608, %mul3A_606 : vector<16xf32>
      %mul3A_610 = arith.mulf %mul3A_599, %sub3A_609 : vector<16xf32>
      %swap3A_611 = arith.index_cast %add3A_585 : i32 to index
      %swap3A_612 = arith.constant 0 : index
      %swap3A_613 = tpu.vector_load %arg14[%swap3A_611, %swap3A_612] {strides = array<i32>} : memref<160x128xf32, #tpu.memory_space<vmem>>, vector<16xf32>,
      tpu.vector_store %arg14[%swap3A_611, %swap3A_612], %mul3A_610 {strides = array<i32>} : memref<160x128xf32, #tpu.memory_space<vmem>>, vector<16xf32>,
      %get3A_614 = arith.index_cast %add3A_585 : i32 to index
      %get3A_615 = arith.constant 16 : index
      %get3A_616 = tpu.vector_load %arg12[%get3A_614, %get3A_615] {strides = array<i32>} : memref<160x128xi32, #tpu.memory_space<vmem>>, vector<16xi32>,
      %gather3A_617 = tpu.vector_load_idx %arg17[%get3A_616] : memref<10240xf32, #tpu.memory_space<vmem>>[vector<16xi32>], vector<16xf32>,
      %get3A_618 = arith.index_cast %add3A_585 : i32 to index
      %get3A_619 = arith.constant 16 : index
      %get3A_620 = tpu.vector_load %arg13[%get3A_618, %get3A_619] {strides = array<i32>} : memref<160x128xi32, #tpu.memory_space<vmem>>, vector<16xi32>,
      %gather3A_621 = tpu.vector_load_idx %arg17[%get3A_620] : memref<10240xf32, #tpu.memory_space<vmem>>[vector<16xi32>], vector<16xf32>,
      %mul3A_622 = arith.mulf %gather3A_617, %gather3A_621 : vector<16xf32>
      %get3A_623 = arith.constant 2 : i32
      %get3A_624 = arith.index_cast %get3A_623 : i32 to index
      %get3A_625 = arith.constant 16 : index
      %get3A_626 = tpu.vector_load %arg15[%get3A_624, %get3A_625] {strides = array<i32>} : memref<4x128xf32, #tpu.memory_space<vmem>>, vector<16xf32>,
      %mul3A_627 = arith.mulf %mul3A_622, %get3A_626 : vector<16xf32>
      %get3A_628 = arith.constant 2 : i32
      %get3A_629 = arith.index_cast %get3A_628 : i32 to index
      %get3A_630 = arith.constant 16 : index
      %get3A_631 = tpu.vector_load %arg16[%get3A_629, %get3A_630] {strides = array<i32>} : memref<4x128xf32, #tpu.memory_space<vmem>>, vector<16xf32>,
      %mul3A_632 = arith.constant 8.000000e-01 : f32
      %mul3A_633 = vector.broadcast %mul3A_632 : f32 to vector<16xf32>
      %mul3A_634 = arith.mulf %mul3A_633, %get3A_631 : vector<16xf32>
      %sub3A_635 = arith.constant 0.899999976 : f32
      %sub3A_636 = vector.broadcast %sub3A_635 : f32 to vector<16xf32>
      %sub3A_637 = arith.subf %sub3A_636, %mul3A_634 : vector<16xf32>
      %mul3A_638 = arith.mulf %mul3A_627, %sub3A_637 : vector<16xf32>
      %swap3A_639 = arith.index_cast %add3A_585 : i32 to index
      %swap3A_640 = arith.constant 16 : index
      %swap3A_641 = tpu.vector_load %arg14[%swap3A_639, %swap3A_640] {strides = array<i32>} : memref<160x128xf32, #tpu.memory_space<vmem>>, vector<16xf32>,
      tpu.vector_store %arg14[%swap3A_639, %swap3A_640], %mul3A_638 {strides = array<i32>} : memref<160x128xf32, #tpu.memory_space<vmem>>, vector<16xf32>,
      %get3A_642 = arith.index_cast %add3A_585 : i32 to index
      %get3A_643 = arith.constant 32 : index
      %get3A_644 = tpu.vector_load %arg12[%get3A_642, %get3A_643] {strides = array<i32>} : memref<160x128xi32, #tpu.memory_space<vmem>>, vector<16xi32>,
      %gather3A_645 = tpu.vector_load_idx %arg17[%get3A_644] : memref<10240xf32, #tpu.memory_space<vmem>>[vector<16xi32>], vector<16xf32>,
      %get3A_646 = arith.index_cast %add3A_585 : i32 to index
      %get3A_647 = arith.constant 32 : index
      %get3A_648 = tpu.vector_load %arg13[%get3A_646, %get3A_647] {strides = array<i32>} : memref<160x128xi32, #tpu.memory_space<vmem>>, vector<16xi32>,
      %gather3A_649 = tpu.vector_load_idx %arg17[%get3A_648] : memref<10240xf32, #tpu.memory_space<vmem>>[vector<16xi32>], vector<16xf32>,
      %mul3A_650 = arith.mulf %gather3A_645, %gather3A_649 : vector<16xf32>
      %get3A_651 = arith.constant 2 : i32
      %get3A_652 = arith.index_cast %get3A_651 : i32 to index
      %get3A_653 = arith.constant 32 : index
      %get3A_654 = tpu.vector_load %arg15[%get3A_652, %get3A_653] {strides = array<i32>} : memref<4x128xf32, #tpu.memory_space<vmem>>, vector<16xf32>,
      %mul3A_655 = arith.mulf %mul3A_650, %get3A_654 : vector<16xf32>
      %get3A_656 = arith.constant 2 : i32
      %get3A_657 = arith.index_cast %get3A_656 : i32 to index
      %get3A_658 = arith.constant 32 : index
      %get3A_659 = tpu.vector_load %arg16[%get3A_657, %get3A_658] {strides = array<i32>} : memref<4x128xf32, #tpu.memory_space<vmem>>, vector<16xf32>,
      %mul3A_660 = arith.constant 8.000000e-01 : f32
      %mul3A_661 = vector.broadcast %mul3A_660 : f32 to vector<16xf32>
      %mul3A_662 = arith.mulf %mul3A_661, %get3A_659 : vector<16xf32>
      %sub3A_663 = arith.constant 0.899999976 : f32
      %sub3A_664 = vector.broadcast %sub3A_663 : f32 to vector<16xf32>
      %sub3A_665 = arith.subf %sub3A_664, %mul3A_662 : vector<16xf32>
      %mul3A_666 = arith.mulf %mul3A_655, %sub3A_665 : vector<16xf32>
      %swap3A_667 = arith.index_cast %add3A_585 : i32 to index
      %swap3A_668 = arith.constant 32 : index
      %swap3A_669 = tpu.vector_load %arg14[%swap3A_667, %swap3A_668] {strides = array<i32>} : memref<160x128xf32, #tpu.memory_space<vmem>>, vector<16xf32>,
      tpu.vector_store %arg14[%swap3A_667, %swap3A_668], %mul3A_666 {strides = array<i32>} : memref<160x128xf32, #tpu.memory_space<vmem>>, vector<16xf32>,
      %get3A_670 = arith.index_cast %add3A_585 : i32 to index
      %get3A_671 = arith.constant 48 : index
      %get3A_672 = tpu.vector_load %arg12[%get3A_670, %get3A_671] {strides = array<i32>} : memref<160x128xi32, #tpu.memory_space<vmem>>, vector<16xi32>,
      %gather3A_673 = tpu.vector_load_idx %arg17[%get3A_672] : memref<10240xf32, #tpu.memory_space<vmem>>[vector<16xi32>], vector<16xf32>,
      %get3A_674 = arith.index_cast %add3A_585 : i32 to index
      %get3A_675 = arith.constant 48 : index
      %get3A_676 = tpu.vector_load %arg13[%get3A_674, %get3A_675] {strides = array<i32>} : memref<160x128xi32, #tpu.memory_space<vmem>>, vector<16xi32>,
      %gather3A_677 = tpu.vector_load_idx %arg17[%get3A_676] : memref<10240xf32, #tpu.memory_space<vmem>>[vector<16xi32>], vector<16xf32>,
      %mul3A_678 = arith.mulf %gather3A_673, %gather3A_677 : vector<16xf32>
      %get3A_679 = arith.constant 2 : i32
      %get3A_680 = arith.index_cast %get3A_679 : i32 to index
      %get3A_681 = arith.constant 48 : index
      %get3A_682 = tpu.vector_load %arg15[%get3A_680, %get3A_681] {strides = array<i32>} : memref<4x128xf32, #tpu.memory_space<vmem>>, vector<16xf32>,
      %mul3A_683 = arith.mulf %mul3A_678, %get3A_682 : vector<16xf32>
      %get3A_684 = arith.constant 2 : i32
      %get3A_685 = arith.index_cast %get3A_684 : i32 to index
      %get3A_686 = arith.constant 48 : index
      %get3A_687 = tpu.vector_load %arg16[%get3A_685, %get3A_686] {strides = array<i32>} : memref<4x128xf32, #tpu.memory_space<vmem>>, vector<16xf32>,
      %mul3A_688 = arith.constant 8.000000e-01 : f32
      %mul3A_689 = vector.broadcast %mul3A_688 : f32 to vector<16xf32>
      %mul3A_690 = arith.mulf %mul3A_689, %get3A_687 : vector<16xf32>
      %sub3A_691 = arith.constant 0.899999976 : f32
      %sub3A_692 = vector.broadcast %sub3A_691 : f32 to vector<16xf32>
      %sub3A_693 = arith.subf %sub3A_692, %mul3A_690 : vector<16xf32>
      %mul3A_694 = arith.mulf %mul3A_683, %sub3A_693 : vector<16xf32>
      %swap3A_695 = arith.index_cast %add3A_585 : i32 to index
      %swap3A_696 = arith.constant 48 : index
      %swap3A_697 = tpu.vector_load %arg14[%swap3A_695, %swap3A_696] {strides = array<i32>} : memref<160x128xf32, #tpu.memory_space<vmem>>, vector<16xf32>,
      tpu.vector_store %arg14[%swap3A_695, %swap3A_696], %mul3A_694 {strides = array<i32>} : memref<160x128xf32, #tpu.memory_space<vmem>>, vector<16xf32>,
      %get3A_698 = arith.index_cast %add3A_585 : i32 to index
      %get3A_699 = arith.constant 64 : index
      %get3A_700 = tpu.vector_load %arg12[%get3A_698, %get3A_699] {strides = array<i32>} : memref<160x128xi32, #tpu.memory_space<vmem>>, vector<16xi32>,
      %gather3A_701 = tpu.vector_load_idx %arg17[%get3A_700] : memref<10240xf32, #tpu.memory_space<vmem>>[vector<16xi32>], vector<16xf32>,
      %get3A_702 = arith.index_cast %add3A_585 : i32 to index
      %get3A_703 = arith.constant 64 : index
      %get3A_704 = tpu.vector_load %arg13[%get3A_702, %get3A_703] {strides = array<i32>} : memref<160x128xi32, #tpu.memory_space<vmem>>, vector<16xi32>,
      %gather3A_705 = tpu.vector_load_idx %arg17[%get3A_704] : memref<10240xf32, #tpu.memory_space<vmem>>[vector<16xi32>], vector<16xf32>,
      %mul3A_706 = arith.mulf %gather3A_701, %gather3A_705 : vector<16xf32>
      %get3A_707 = arith.constant 2 : i32
      %get3A_708 = arith.index_cast %get3A_707 : i32 to index
      %get3A_709 = arith.constant 64 : index
      %get3A_710 = tpu.vector_load %arg15[%get3A_708, %get3A_709] {strides = array<i32>} : memref<4x128xf32, #tpu.memory_space<vmem>>, vector<16xf32>,
      %mul3A_711 = arith.mulf %mul3A_706, %get3A_710 : vector<16xf32>
      %get3A_712 = arith.constant 2 : i32
      %get3A_713 = arith.index_cast %get3A_712 : i32 to index
      %get3A_714 = arith.constant 64 : index
      %get3A_715 = tpu.vector_load %arg16[%get3A_713, %get3A_714] {strides = array<i32>} : memref<4x128xf32, #tpu.memory_space<vmem>>, vector<16xf32>,
      %mul3A_716 = arith.constant 8.000000e-01 : f32
      %mul3A_717 = vector.broadcast %mul3A_716 : f32 to vector<16xf32>
      %mul3A_718 = arith.mulf %mul3A_717, %get3A_715 : vector<16xf32>
      %sub3A_719 = arith.constant 0.899999976 : f32
      %sub3A_720 = vector.broadcast %sub3A_719 : f32 to vector<16xf32>
      %sub3A_721 = arith.subf %sub3A_720, %mul3A_718 : vector<16xf32>
      %mul3A_722 = arith.mulf %mul3A_711, %sub3A_721 : vector<16xf32>
      %swap3A_723 = arith.index_cast %add3A_585 : i32 to index
      %swap3A_724 = arith.constant 64 : index
      %swap3A_725 = tpu.vector_load %arg14[%swap3A_723, %swap3A_724] {strides = array<i32>} : memref<160x128xf32, #tpu.memory_space<vmem>>, vector<16xf32>,
      tpu.vector_store %arg14[%swap3A_723, %swap3A_724], %mul3A_722 {strides = array<i32>} : memref<160x128xf32, #tpu.memory_space<vmem>>, vector<16xf32>,
      %get3A_726 = arith.index_cast %add3A_585 : i32 to index
      %get3A_727 = arith.constant 80 : index
      %get3A_728 = tpu.vector_load %arg12[%get3A_726, %get3A_727] {strides = array<i32>} : memref<160x128xi32, #tpu.memory_space<vmem>>, vector<16xi32>,
      %gather3A_729 = tpu.vector_load_idx %arg17[%get3A_728] : memref<10240xf32, #tpu.memory_space<vmem>>[vector<16xi32>], vector<16xf32>,
      %get3A_730 = arith.index_cast %add3A_585 : i32 to index
      %get3A_731 = arith.constant 80 : index
      %get3A_732 = tpu.vector_load %arg13[%get3A_730, %get3A_731] {strides = array<i32>} : memref<160x128xi32, #tpu.memory_space<vmem>>, vector<16xi32>,
      %gather3A_733 = tpu.vector_load_idx %arg17[%get3A_732] : memref<10240xf32, #tpu.memory_space<vmem>>[vector<16xi32>], vector<16xf32>,
      %mul3A_734 = arith.mulf %gather3A_729, %gather3A_733 : vector<16xf32>
      %get3A_735 = arith.constant 2 : i32
      %get3A_736 = arith.index_cast %get3A_735 : i32 to index
      %get3A_737 = arith.constant 80 : index
      %get3A_738 = tpu.vector_load %arg15[%get3A_736, %get3A_737] {strides = array<i32>} : memref<4x128xf32, #tpu.memory_space<vmem>>, vector<16xf32>,
      %mul3A_739 = arith.mulf %mul3A_734, %get3A_738 : vector<16xf32>
      %get3A_740 = arith.constant 2 : i32
      %get3A_741 = arith.index_cast %get3A_740 : i32 to index
      %get3A_742 = arith.constant 80 : index
      %get3A_743 = tpu.vector_load %arg16[%get3A_741, %get3A_742] {strides = array<i32>} : memref<4x128xf32, #tpu.memory_space<vmem>>, vector<16xf32>,
      %mul3A_744 = arith.constant 8.000000e-01 : f32
      %mul3A_745 = vector.broadcast %mul3A_744 : f32 to vector<16xf32>
      %mul3A_746 = arith.mulf %mul3A_745, %get3A_743 : vector<16xf32>
      %sub3A_747 = arith.constant 0.899999976 : f32
      %sub3A_748 = vector.broadcast %sub3A_747 : f32 to vector<16xf32>
      %sub3A_749 = arith.subf %sub3A_748, %mul3A_746 : vector<16xf32>
      %mul3A_750 = arith.mulf %mul3A_739, %sub3A_749 : vector<16xf32>
      %swap3A_751 = arith.index_cast %add3A_585 : i32 to index
      %swap3A_752 = arith.constant 80 : index
      %swap3A_753 = tpu.vector_load %arg14[%swap3A_751, %swap3A_752] {strides = array<i32>} : memref<160x128xf32, #tpu.memory_space<vmem>>, vector<16xf32>,
      tpu.vector_store %arg14[%swap3A_751, %swap3A_752], %mul3A_750 {strides = array<i32>} : memref<160x128xf32, #tpu.memory_space<vmem>>, vector<16xf32>,
      %get3A_754 = arith.index_cast %add3A_585 : i32 to index
      %get3A_755 = arith.constant 96 : index
      %get3A_756 = tpu.vector_load %arg12[%get3A_754, %get3A_755] {strides = array<i32>} : memref<160x128xi32, #tpu.memory_space<vmem>>, vector<16xi32>,
      %gather3A_757 = tpu.vector_load_idx %arg17[%get3A_756] : memref<10240xf32, #tpu.memory_space<vmem>>[vector<16xi32>], vector<16xf32>,
      %get3A_758 = arith.index_cast %add3A_585 : i32 to index
      %get3A_759 = arith.constant 96 : index
      %get3A_760 = tpu.vector_load %arg13[%get3A_758, %get3A_759] {strides = array<i32>} : memref<160x128xi32, #tpu.memory_space<vmem>>, vector<16xi32>,
      %gather3A_761 = tpu.vector_load_idx %arg17[%get3A_760] : memref<10240xf32, #tpu.memory_space<vmem>>[vector<16xi32>], vector<16xf32>,
      %mul3A_762 = arith.mulf %gather3A_757, %gather3A_761 : vector<16xf32>
      %get3A_763 = arith.constant 2 : i32
      %get3A_764 = arith.index_cast %get3A_763 : i32 to index
      %get3A_765 = arith.constant 96 : index
      %get3A_766 = tpu.vector_load %arg15[%get3A_764, %get3A_765] {strides = array<i32>} : memref<4x128xf32, #tpu.memory_space<vmem>>, vector<16xf32>,
      %mul3A_767 = arith.mulf %mul3A_762, %get3A_766 : vector<16xf32>
      %get3A_768 = arith.constant 2 : i32
      %get3A_769 = arith.index_cast %get3A_768 : i32 to index
      %get3A_770 = arith.constant 96 : index
      %get3A_771 = tpu.vector_load %arg16[%get3A_769, %get3A_770] {strides = array<i32>} : memref<4x128xf32, #tpu.memory_space<vmem>>, vector<16xf32>,
      %mul3A_772 = arith.constant 8.000000e-01 : f32
      %mul3A_773 = vector.broadcast %mul3A_772 : f32 to vector<16xf32>
      %mul3A_774 = arith.mulf %mul3A_773, %get3A_771 : vector<16xf32>
      %sub3A_775 = arith.constant 0.899999976 : f32
      %sub3A_776 = vector.broadcast %sub3A_775 : f32 to vector<16xf32>
      %sub3A_777 = arith.subf %sub3A_776, %mul3A_774 : vector<16xf32>
      %mul3A_778 = arith.mulf %mul3A_767, %sub3A_777 : vector<16xf32>
      %swap3A_779 = arith.index_cast %add3A_585 : i32 to index
      %swap3A_780 = arith.constant 96 : index
      %swap3A_781 = tpu.vector_load %arg14[%swap3A_779, %swap3A_780] {strides = array<i32>} : memref<160x128xf32, #tpu.memory_space<vmem>>, vector<16xf32>,
      tpu.vector_store %arg14[%swap3A_779, %swap3A_780], %mul3A_778 {strides = array<i32>} : memref<160x128xf32, #tpu.memory_space<vmem>>, vector<16xf32>,
      %get3A_782 = arith.index_cast %add3A_585 : i32 to index
      %get3A_783 = arith.constant 112 : index
      %get3A_784 = tpu.vector_load %arg12[%get3A_782, %get3A_783] {strides = array<i32>} : memref<160x128xi32, #tpu.memory_space<vmem>>, vector<16xi32>,
      %gather3A_785 = tpu.vector_load_idx %arg17[%get3A_784] : memref<10240xf32, #tpu.memory_space<vmem>>[vector<16xi32>], vector<16xf32>,
      %get3A_786 = arith.index_cast %add3A_585 : i32 to index
      %get3A_787 = arith.constant 112 : index
      %get3A_788 = tpu.vector_load %arg13[%get3A_786, %get3A_787] {strides = array<i32>} : memref<160x128xi32, #tpu.memory_space<vmem>>, vector<16xi32>,
      %gather3A_789 = tpu.vector_load_idx %arg17[%get3A_788] : memref<10240xf32, #tpu.memory_space<vmem>>[vector<16xi32>], vector<16xf32>,
      %mul3A_790 = arith.mulf %gather3A_785, %gather3A_789 : vector<16xf32>
      %get3A_791 = arith.constant 2 : i32
      %get3A_792 = arith.index_cast %get3A_791 : i32 to index
      %get3A_793 = arith.constant 112 : index
      %get3A_794 = tpu.vector_load %arg15[%get3A_792, %get3A_793] {strides = array<i32>} : memref<4x128xf32, #tpu.memory_space<vmem>>, vector<16xf32>,
      %mul3A_795 = arith.mulf %mul3A_790, %get3A_794 : vector<16xf32>
      %get3A_796 = arith.constant 2 : i32
      %get3A_797 = arith.index_cast %get3A_796 : i32 to index
      %get3A_798 = arith.constant 112 : index
      %get3A_799 = tpu.vector_load %arg16[%get3A_797, %get3A_798] {strides = array<i32>} : memref<4x128xf32, #tpu.memory_space<vmem>>, vector<16xf32>,
      %mul3A_800 = arith.constant 8.000000e-01 : f32
      %mul3A_801 = vector.broadcast %mul3A_800 : f32 to vector<16xf32>
      %mul3A_802 = arith.mulf %mul3A_801, %get3A_799 : vector<16xf32>
      %sub3A_803 = arith.constant 0.899999976 : f32
      %sub3A_804 = vector.broadcast %sub3A_803 : f32 to vector<16xf32>
      %sub3A_805 = arith.subf %sub3A_804, %mul3A_802 : vector<16xf32>
      %mul3A_806 = arith.mulf %mul3A_795, %sub3A_805 : vector<16xf32>
      %swap3A_807 = arith.index_cast %add3A_585 : i32 to index
      %swap3A_808 = arith.constant 112 : index
      %swap3A_809 = tpu.vector_load %arg14[%swap3A_807, %swap3A_808] {strides = array<i32>} : memref<160x128xf32, #tpu.memory_space<vmem>>, vector<16xf32>,
      tpu.vector_store %arg14[%swap3A_807, %swap3A_808], %mul3A_806 {strides = array<i32>} : memref<160x128xf32, #tpu.memory_space<vmem>>, vector<16xf32>,
      %mul3A_810 = arith.constant 4 : i32
      %mul3A_811 = arith.muli %scan3A_121, %mul3A_810 : i32
      %add3A_812 = arith.constant 3 : i32
      %add3A_813 = arith.addi %mul3A_811, %add3A_812 : i32
      %get3A_814 = arith.index_cast %add3A_813 : i32 to index
      %get3A_815 = arith.constant 0 : index
      %get3A_816 = tpu.vector_load %arg12[%get3A_814, %get3A_815] {strides = array<i32>} : memref<160x128xi32, #tpu.memory_space<vmem>>, vector<16xi32>,
      %gather3A_817 = tpu.vector_load_idx %arg17[%get3A_816] : memref<10240xf32, #tpu.memory_space<vmem>>[vector<16xi32>], vector<16xf32>,
      %get3A_818 = arith.index_cast %add3A_813 : i32 to index
      %get3A_819 = arith.constant 0 : index
      %get3A_820 = tpu.vector_load %arg13[%get3A_818, %get3A_819] {strides = array<i32>} : memref<160x128xi32, #tpu.memory_space<vmem>>, vector<16xi32>,
      %gather3A_821 = tpu.vector_load_idx %arg17[%get3A_820] : memref<10240xf32, #tpu.memory_space<vmem>>[vector<16xi32>], vector<16xf32>,
      %mul3A_822 = arith.mulf %gather3A_817, %gather3A_821 : vector<16xf32>
      %get3A_823 = arith.constant 3 : i32
      %get3A_824 = arith.index_cast %get3A_823 : i32 to index
      %get3A_825 = arith.constant 0 : index
      %get3A_826 = tpu.vector_load %arg15[%get3A_824, %get3A_825] {strides = array<i32>} : memref<4x128xf32, #tpu.memory_space<vmem>>, vector<16xf32>,
      %mul3A_827 = arith.mulf %mul3A_822, %get3A_826 : vector<16xf32>
      %get3A_828 = arith.constant 3 : i32
      %get3A_829 = arith.index_cast %get3A_828 : i32 to index
      %get3A_830 = arith.constant 0 : index
      %get3A_831 = tpu.vector_load %arg16[%get3A_829, %get3A_830] {strides = array<i32>} : memref<4x128xf32, #tpu.memory_space<vmem>>, vector<16xf32>,
      %mul3A_832 = arith.constant 8.000000e-01 : f32
      %mul3A_833 = vector.broadcast %mul3A_832 : f32 to vector<16xf32>
      %mul3A_834 = arith.mulf %mul3A_833, %get3A_831 : vector<16xf32>
      %sub3A_835 = arith.constant 0.899999976 : f32
      %sub3A_836 = vector.broadcast %sub3A_835 : f32 to vector<16xf32>
      %sub3A_837 = arith.subf %sub3A_836, %mul3A_834 : vector<16xf32>
      %mul3A_838 = arith.mulf %mul3A_827, %sub3A_837 : vector<16xf32>
      %swap3A_839 = arith.index_cast %add3A_813 : i32 to index
      %swap3A_840 = arith.constant 0 : index
      %swap3A_841 = tpu.vector_load %arg14[%swap3A_839, %swap3A_840] {strides = array<i32>} : memref<160x128xf32, #tpu.memory_space<vmem>>, vector<16xf32>,
      tpu.vector_store %arg14[%swap3A_839, %swap3A_840], %mul3A_838 {strides = array<i32>} : memref<160x128xf32, #tpu.memory_space<vmem>>, vector<16xf32>,
      %get3A_842 = arith.index_cast %add3A_813 : i32 to index
      %get3A_843 = arith.constant 16 : index
      %get3A_844 = tpu.vector_load %arg12[%get3A_842, %get3A_843] {strides = array<i32>} : memref<160x128xi32, #tpu.memory_space<vmem>>, vector<16xi32>,
      %gather3A_845 = tpu.vector_load_idx %arg17[%get3A_844] : memref<10240xf32, #tpu.memory_space<vmem>>[vector<16xi32>], vector<16xf32>,
      %get3A_846 = arith.index_cast %add3A_813 : i32 to index
      %get3A_847 = arith.constant 16 : index
      %get3A_848 = tpu.vector_load %arg13[%get3A_846, %get3A_847] {strides = array<i32>} : memref<160x128xi32, #tpu.memory_space<vmem>>, vector<16xi32>,
      %gather3A_849 = tpu.vector_load_idx %arg17[%get3A_848] : memref<10240xf32, #tpu.memory_space<vmem>>[vector<16xi32>], vector<16xf32>,
      %mul3A_850 = arith.mulf %gather3A_845, %gather3A_849 : vector<16xf32>
      %get3A_851 = arith.constant 3 : i32
      %get3A_852 = arith.index_cast %get3A_851 : i32 to index
      %get3A_853 = arith.constant 16 : index
      %get3A_854 = tpu.vector_load %arg15[%get3A_852, %get3A_853] {strides = array<i32>} : memref<4x128xf32, #tpu.memory_space<vmem>>, vector<16xf32>,
      %mul3A_855 = arith.mulf %mul3A_850, %get3A_854 : vector<16xf32>
      %get3A_856 = arith.constant 3 : i32
      %get3A_857 = arith.index_cast %get3A_856 : i32 to index
      %get3A_858 = arith.constant 16 : index
      %get3A_859 = tpu.vector_load %arg16[%get3A_857, %get3A_858] {strides = array<i32>} : memref<4x128xf32, #tpu.memory_space<vmem>>, vector<16xf32>,
      %mul3A_860 = arith.constant 8.000000e-01 : f32
      %mul3A_861 = vector.broadcast %mul3A_860 : f32 to vector<16xf32>
      %mul3A_862 = arith.mulf %mul3A_861, %get3A_859 : vector<16xf32>
      %sub3A_863 = arith.constant 0.899999976 : f32
      %sub3A_864 = vector.broadcast %sub3A_863 : f32 to vector<16xf32>
      %sub3A_865 = arith.subf %sub3A_864, %mul3A_862 : vector<16xf32>
      %mul3A_866 = arith.mulf %mul3A_855, %sub3A_865 : vector<16xf32>
      %swap3A_867 = arith.index_cast %add3A_813 : i32 to index
      %swap3A_868 = arith.constant 16 : index
      %swap3A_869 = tpu.vector_load %arg14[%swap3A_867, %swap3A_868] {strides = array<i32>} : memref<160x128xf32, #tpu.memory_space<vmem>>, vector<16xf32>,
      tpu.vector_store %arg14[%swap3A_867, %swap3A_868], %mul3A_866 {strides = array<i32>} : memref<160x128xf32, #tpu.memory_space<vmem>>, vector<16xf32>,
      %get3A_870 = arith.index_cast %add3A_813 : i32 to index
      %get3A_871 = arith.constant 32 : index
      %get3A_872 = tpu.vector_load %arg12[%get3A_870, %get3A_871] {strides = array<i32>} : memref<160x128xi32, #tpu.memory_space<vmem>>, vector<16xi32>,
      %gather3A_873 = tpu.vector_load_idx %arg17[%get3A_872] : memref<10240xf32, #tpu.memory_space<vmem>>[vector<16xi32>], vector<16xf32>,
      %get3A_874 = arith.index_cast %add3A_813 : i32 to index
      %get3A_875 = arith.constant 32 : index
      %get3A_876 = tpu.vector_load %arg13[%get3A_874, %get3A_875] {strides = array<i32>} : memref<160x128xi32, #tpu.memory_space<vmem>>, vector<16xi32>,
      %gather3A_877 = tpu.vector_load_idx %arg17[%get3A_876] : memref<10240xf32, #tpu.memory_space<vmem>>[vector<16xi32>], vector<16xf32>,
      %mul3A_878 = arith.mulf %gather3A_873, %gather3A_877 : vector<16xf32>
      %get3A_879 = arith.constant 3 : i32
      %get3A_880 = arith.index_cast %get3A_879 : i32 to index
      %get3A_881 = arith.constant 32 : index
      %get3A_882 = tpu.vector_load %arg15[%get3A_880, %get3A_881] {strides = array<i32>} : memref<4x128xf32, #tpu.memory_space<vmem>>, vector<16xf32>,
      %mul3A_883 = arith.mulf %mul3A_878, %get3A_882 : vector<16xf32>
      %get3A_884 = arith.constant 3 : i32
      %get3A_885 = arith.index_cast %get3A_884 : i32 to index
      %get3A_886 = arith.constant 32 : index
      %get3A_887 = tpu.vector_load %arg16[%get3A_885, %get3A_886] {strides = array<i32>} : memref<4x128xf32, #tpu.memory_space<vmem>>, vector<16xf32>,
      %mul3A_888 = arith.constant 8.000000e-01 : f32
      %mul3A_889 = vector.broadcast %mul3A_888 : f32 to vector<16xf32>
      %mul3A_890 = arith.mulf %mul3A_889, %get3A_887 : vector<16xf32>
      %sub3A_891 = arith.constant 0.899999976 : f32
      %sub3A_892 = vector.broadcast %sub3A_891 : f32 to vector<16xf32>
      %sub3A_893 = arith.subf %sub3A_892, %mul3A_890 : vector<16xf32>
      %mul3A_894 = arith.mulf %mul3A_883, %sub3A_893 : vector<16xf32>
      %swap3A_895 = arith.index_cast %add3A_813 : i32 to index
      %swap3A_896 = arith.constant 32 : index
      %swap3A_897 = tpu.vector_load %arg14[%swap3A_895, %swap3A_896] {strides = array<i32>} : memref<160x128xf32, #tpu.memory_space<vmem>>, vector<16xf32>,
      tpu.vector_store %arg14[%swap3A_895, %swap3A_896], %mul3A_894 {strides = array<i32>} : memref<160x128xf32, #tpu.memory_space<vmem>>, vector<16xf32>,
      %get3A_898 = arith.index_cast %add3A_813 : i32 to index
      %get3A_899 = arith.constant 48 : index
      %get3A_900 = tpu.vector_load %arg12[%get3A_898, %get3A_899] {strides = array<i32>} : memref<160x128xi32, #tpu.memory_space<vmem>>, vector<16xi32>,
      %gather3A_901 = tpu.vector_load_idx %arg17[%get3A_900] : memref<10240xf32, #tpu.memory_space<vmem>>[vector<16xi32>], vector<16xf32>,
      %get3A_902 = arith.index_cast %add3A_813 : i32 to index
      %get3A_903 = arith.constant 48 : index
      %get3A_904 = tpu.vector_load %arg13[%get3A_902, %get3A_903] {strides = array<i32>} : memref<160x128xi32, #tpu.memory_space<vmem>>, vector<16xi32>,
      %gather3A_905 = tpu.vector_load_idx %arg17[%get3A_904] : memref<10240xf32, #tpu.memory_space<vmem>>[vector<16xi32>], vector<16xf32>,
      %mul3A_906 = arith.mulf %gather3A_901, %gather3A_905 : vector<16xf32>
      %get3A_907 = arith.constant 3 : i32
      %get3A_908 = arith.index_cast %get3A_907 : i32 to index
      %get3A_909 = arith.constant 48 : index
      %get3A_910 = tpu.vector_load %arg15[%get3A_908, %get3A_909] {strides = array<i32>} : memref<4x128xf32, #tpu.memory_space<vmem>>, vector<16xf32>,
      %mul3A_911 = arith.mulf %mul3A_906, %get3A_910 : vector<16xf32>
      %get3A_912 = arith.constant 3 : i32
      %get3A_913 = arith.index_cast %get3A_912 : i32 to index
      %get3A_914 = arith.constant 48 : index
      %get3A_915 = tpu.vector_load %arg16[%get3A_913, %get3A_914] {strides = array<i32>} : memref<4x128xf32, #tpu.memory_space<vmem>>, vector<16xf32>,
      %mul3A_916 = arith.constant 8.000000e-01 : f32
      %mul3A_917 = vector.broadcast %mul3A_916 : f32 to vector<16xf32>
      %mul3A_918 = arith.mulf %mul3A_917, %get3A_915 : vector<16xf32>
      %sub3A_919 = arith.constant 0.899999976 : f32
      %sub3A_920 = vector.broadcast %sub3A_919 : f32 to vector<16xf32>
      %sub3A_921 = arith.subf %sub3A_920, %mul3A_918 : vector<16xf32>
      %mul3A_922 = arith.mulf %mul3A_911, %sub3A_921 : vector<16xf32>
      %swap3A_923 = arith.index_cast %add3A_813 : i32 to index
      %swap3A_924 = arith.constant 48 : index
      %swap3A_925 = tpu.vector_load %arg14[%swap3A_923, %swap3A_924] {strides = array<i32>} : memref<160x128xf32, #tpu.memory_space<vmem>>, vector<16xf32>,
      tpu.vector_store %arg14[%swap3A_923, %swap3A_924], %mul3A_922 {strides = array<i32>} : memref<160x128xf32, #tpu.memory_space<vmem>>, vector<16xf32>,
      %get3A_926 = arith.index_cast %add3A_813 : i32 to index
      %get3A_927 = arith.constant 64 : index
      %get3A_928 = tpu.vector_load %arg12[%get3A_926, %get3A_927] {strides = array<i32>} : memref<160x128xi32, #tpu.memory_space<vmem>>, vector<16xi32>,
      %gather3A_929 = tpu.vector_load_idx %arg17[%get3A_928] : memref<10240xf32, #tpu.memory_space<vmem>>[vector<16xi32>], vector<16xf32>,
      %get3A_930 = arith.index_cast %add3A_813 : i32 to index
      %get3A_931 = arith.constant 64 : index
      %get3A_932 = tpu.vector_load %arg13[%get3A_930, %get3A_931] {strides = array<i32>} : memref<160x128xi32, #tpu.memory_space<vmem>>, vector<16xi32>,
      %gather3A_933 = tpu.vector_load_idx %arg17[%get3A_932] : memref<10240xf32, #tpu.memory_space<vmem>>[vector<16xi32>], vector<16xf32>,
      %mul3A_934 = arith.mulf %gather3A_929, %gather3A_933 : vector<16xf32>
      %get3A_935 = arith.constant 3 : i32
      %get3A_936 = arith.index_cast %get3A_935 : i32 to index
      %get3A_937 = arith.constant 64 : index
      %get3A_938 = tpu.vector_load %arg15[%get3A_936, %get3A_937] {strides = array<i32>} : memref<4x128xf32, #tpu.memory_space<vmem>>, vector<16xf32>,
      %mul3A_939 = arith.mulf %mul3A_934, %get3A_938 : vector<16xf32>
      %get3A_940 = arith.constant 3 : i32
      %get3A_941 = arith.index_cast %get3A_940 : i32 to index
      %get3A_942 = arith.constant 64 : index
      %get3A_943 = tpu.vector_load %arg16[%get3A_941, %get3A_942] {strides = array<i32>} : memref<4x128xf32, #tpu.memory_space<vmem>>, vector<16xf32>,
      %mul3A_944 = arith.constant 8.000000e-01 : f32
      %mul3A_945 = vector.broadcast %mul3A_944 : f32 to vector<16xf32>
      %mul3A_946 = arith.mulf %mul3A_945, %get3A_943 : vector<16xf32>
      %sub3A_947 = arith.constant 0.899999976 : f32
      %sub3A_948 = vector.broadcast %sub3A_947 : f32 to vector<16xf32>
      %sub3A_949 = arith.subf %sub3A_948, %mul3A_946 : vector<16xf32>
      %mul3A_950 = arith.mulf %mul3A_939, %sub3A_949 : vector<16xf32>
      %swap3A_951 = arith.index_cast %add3A_813 : i32 to index
      %swap3A_952 = arith.constant 64 : index
      %swap3A_953 = tpu.vector_load %arg14[%swap3A_951, %swap3A_952] {strides = array<i32>} : memref<160x128xf32, #tpu.memory_space<vmem>>, vector<16xf32>,
      tpu.vector_store %arg14[%swap3A_951, %swap3A_952], %mul3A_950 {strides = array<i32>} : memref<160x128xf32, #tpu.memory_space<vmem>>, vector<16xf32>,
      %get3A_954 = arith.index_cast %add3A_813 : i32 to index
      %get3A_955 = arith.constant 80 : index
      %get3A_956 = tpu.vector_load %arg12[%get3A_954, %get3A_955] {strides = array<i32>} : memref<160x128xi32, #tpu.memory_space<vmem>>, vector<16xi32>,
      %gather3A_957 = tpu.vector_load_idx %arg17[%get3A_956] : memref<10240xf32, #tpu.memory_space<vmem>>[vector<16xi32>], vector<16xf32>,
      %get3A_958 = arith.index_cast %add3A_813 : i32 to index
      %get3A_959 = arith.constant 80 : index
      %get3A_960 = tpu.vector_load %arg13[%get3A_958, %get3A_959] {strides = array<i32>} : memref<160x128xi32, #tpu.memory_space<vmem>>, vector<16xi32>,
      %gather3A_961 = tpu.vector_load_idx %arg17[%get3A_960] : memref<10240xf32, #tpu.memory_space<vmem>>[vector<16xi32>], vector<16xf32>,
      %mul3A_962 = arith.mulf %gather3A_957, %gather3A_961 : vector<16xf32>
      %get3A_963 = arith.constant 3 : i32
      %get3A_964 = arith.index_cast %get3A_963 : i32 to index
      %get3A_965 = arith.constant 80 : index
      %get3A_966 = tpu.vector_load %arg15[%get3A_964, %get3A_965] {strides = array<i32>} : memref<4x128xf32, #tpu.memory_space<vmem>>, vector<16xf32>,
      %mul3A_967 = arith.mulf %mul3A_962, %get3A_966 : vector<16xf32>
      %get3A_968 = arith.constant 3 : i32
      %get3A_969 = arith.index_cast %get3A_968 : i32 to index
      %get3A_970 = arith.constant 80 : index
      %get3A_971 = tpu.vector_load %arg16[%get3A_969, %get3A_970] {strides = array<i32>} : memref<4x128xf32, #tpu.memory_space<vmem>>, vector<16xf32>,
      %mul3A_972 = arith.constant 8.000000e-01 : f32
      %mul3A_973 = vector.broadcast %mul3A_972 : f32 to vector<16xf32>
      %mul3A_974 = arith.mulf %mul3A_973, %get3A_971 : vector<16xf32>
      %sub3A_975 = arith.constant 0.899999976 : f32
      %sub3A_976 = vector.broadcast %sub3A_975 : f32 to vector<16xf32>
      %sub3A_977 = arith.subf %sub3A_976, %mul3A_974 : vector<16xf32>
      %mul3A_978 = arith.mulf %mul3A_967, %sub3A_977 : vector<16xf32>
      %swap3A_979 = arith.index_cast %add3A_813 : i32 to index
      %swap3A_980 = arith.constant 80 : index
      %swap3A_981 = tpu.vector_load %arg14[%swap3A_979, %swap3A_980] {strides = array<i32>} : memref<160x128xf32, #tpu.memory_space<vmem>>, vector<16xf32>,
      tpu.vector_store %arg14[%swap3A_979, %swap3A_980], %mul3A_978 {strides = array<i32>} : memref<160x128xf32, #tpu.memory_space<vmem>>, vector<16xf32>,
      %get3A_982 = arith.index_cast %add3A_813 : i32 to index
      %get3A_983 = arith.constant 96 : index
      %get3A_984 = tpu.vector_load %arg12[%get3A_982, %get3A_983] {strides = array<i32>} : memref<160x128xi32, #tpu.memory_space<vmem>>, vector<16xi32>,
      %gather3A_985 = tpu.vector_load_idx %arg17[%get3A_984] : memref<10240xf32, #tpu.memory_space<vmem>>[vector<16xi32>], vector<16xf32>,
      %get3A_986 = arith.index_cast %add3A_813 : i32 to index
      %get3A_987 = arith.constant 96 : index
      %get3A_988 = tpu.vector_load %arg13[%get3A_986, %get3A_987] {strides = array<i32>} : memref<160x128xi32, #tpu.memory_space<vmem>>, vector<16xi32>,
      %gather3A_989 = tpu.vector_load_idx %arg17[%get3A_988] : memref<10240xf32, #tpu.memory_space<vmem>>[vector<16xi32>], vector<16xf32>,
      %mul3A_990 = arith.mulf %gather3A_985, %gather3A_989 : vector<16xf32>
      %get3A_991 = arith.constant 3 : i32
      %get3A_992 = arith.index_cast %get3A_991 : i32 to index
      %get3A_993 = arith.constant 96 : index
      %get3A_994 = tpu.vector_load %arg15[%get3A_992, %get3A_993] {strides = array<i32>} : memref<4x128xf32, #tpu.memory_space<vmem>>, vector<16xf32>,
      %mul3A_995 = arith.mulf %mul3A_990, %get3A_994 : vector<16xf32>
      %get3A_996 = arith.constant 3 : i32
      %get3A_997 = arith.index_cast %get3A_996 : i32 to index
      %get3A_998 = arith.constant 96 : index
      %get3A_999 = tpu.vector_load %arg16[%get3A_997, %get3A_998] {strides = array<i32>} : memref<4x128xf32, #tpu.memory_space<vmem>>, vector<16xf32>,
      %mul3A_1000 = arith.constant 8.000000e-01 : f32
      %mul3A_1001 = vector.broadcast %mul3A_1000 : f32 to vector<16xf32>
      %mul3A_1002 = arith.mulf %mul3A_1001, %get3A_999 : vector<16xf32>
      %sub3A_1003 = arith.constant 0.899999976 : f32
      %sub3A_1004 = vector.broadcast %sub3A_1003 : f32 to vector<16xf32>
      %sub3A_1005 = arith.subf %sub3A_1004, %mul3A_1002 : vector<16xf32>
      %mul3A_1006 = arith.mulf %mul3A_995, %sub3A_1005 : vector<16xf32>
      %swap3A_1007 = arith.index_cast %add3A_813 : i32 to index
      %swap3A_1008 = arith.constant 96 : index
      %swap3A_1009 = tpu.vector_load %arg14[%swap3A_1007, %swap3A_1008] {strides = array<i32>} : memref<160x128xf32, #tpu.memory_space<vmem>>, vector<16xf32>,
      tpu.vector_store %arg14[%swap3A_1007, %swap3A_1008], %mul3A_1006 {strides = array<i32>} : memref<160x128xf32, #tpu.memory_space<vmem>>, vector<16xf32>,
      %get3A_1010 = arith.index_cast %add3A_813 : i32 to index
      %get3A_1011 = arith.constant 112 : index
      %get3A_1012 = tpu.vector_load %arg12[%get3A_1010, %get3A_1011] {strides = array<i32>} : memref<160x128xi32, #tpu.memory_space<vmem>>, vector<16xi32>,
      %gather3A_1013 = tpu.vector_load_idx %arg17[%get3A_1012] : memref<10240xf32, #tpu.memory_space<vmem>>[vector<16xi32>], vector<16xf32>,
      %get3A_1014 = arith.index_cast %add3A_813 : i32 to index
      %get3A_1015 = arith.constant 112 : index
      %get3A_1016 = tpu.vector_load %arg13[%get3A_1014, %get3A_1015] {strides = array<i32>} : memref<160x128xi32, #tpu.memory_space<vmem>>, vector<16xi32>,
      %gather3A_1017 = tpu.vector_load_idx %arg17[%get3A_1016] : memref<10240xf32, #tpu.memory_space<vmem>>[vector<16xi32>], vector<16xf32>,
      %mul3A_1018 = arith.mulf %gather3A_1013, %gather3A_1017 : vector<16xf32>
      %get3A_1019 = arith.constant 3 : i32
      %get3A_1020 = arith.index_cast %get3A_1019 : i32 to index
      %get3A_1021 = arith.constant 112 : index
      %get3A_1022 = tpu.vector_load %arg15[%get3A_1020, %get3A_1021] {strides = array<i32>} : memref<4x128xf32, #tpu.memory_space<vmem>>, vector<16xf32>,
      %mul3A_1023 = arith.mulf %mul3A_1018, %get3A_1022 : vector<16xf32>
      %get3A_1024 = arith.constant 3 : i32
      %get3A_1025 = arith.index_cast %get3A_1024 : i32 to index
      %get3A_1026 = arith.constant 112 : index
      %get3A_1027 = tpu.vector_load %arg16[%get3A_1025, %get3A_1026] {strides = array<i32>} : memref<4x128xf32, #tpu.memory_space<vmem>>, vector<16xf32>,
      %mul3A_1028 = arith.constant 8.000000e-01 : f32
      %mul3A_1029 = vector.broadcast %mul3A_1028 : f32 to vector<16xf32>
      %mul3A_1030 = arith.mulf %mul3A_1029, %get3A_1027 : vector<16xf32>
      %sub3A_1031 = arith.constant 0.899999976 : f32
      %sub3A_1032 = vector.broadcast %sub3A_1031 : f32 to vector<16xf32>
      %sub3A_1033 = arith.subf %sub3A_1032, %mul3A_1030 : vector<16xf32>
      %mul3A_1034 = arith.mulf %mul3A_1023, %sub3A_1033 : vector<16xf32>
      %swap3A_1035 = arith.index_cast %add3A_813 : i32 to index
      %swap3A_1036 = arith.constant 112 : index
      %swap3A_1037 = tpu.vector_load %arg14[%swap3A_1035, %swap3A_1036] {strides = array<i32>} : memref<160x128xf32, #tpu.memory_space<vmem>>, vector<16xf32>,
      tpu.vector_store %arg14[%swap3A_1035, %swap3A_1036], %mul3A_1034 {strides = array<i32>} : memref<160x128xf32, #tpu.memory_space<vmem>>, vector<16xf32>,
      %scan3A_1038 = arith.constant 0 : i32
      scf.yield %scan3A_1038 : i32
    }
    %scan3A_44 = arith.constant 40 : i32
    %scan3A_45 = arith.constant 0 : i32
    %scan3A_46 = arith.constant 0 : i32
    %scan3A_47 = arith.constant 160 : i32
    %scan3A_48 = arith.addi %scan3A_46, %scan3A_47 : i32
    %scan3A_49 = arith.constant 1 : i32
    %scan3A_50 = scf.for %scan3A_121 = %scan3A_46 to %scan3A_48 step %scan3A_49 iter_args(%scan3A_122 = %scan3A_45) -> (i32)  : i32 {
      %get3A = arith.index_cast %scan3A_121 : i32 to index
      %get3A_123 = arith.constant 0 : index
      %get3A_124 = tpu.vector_load %arg12[%get3A, %get3A_123] {strides = array<i32>} : memref<160x128xi32, #tpu.memory_space<vmem>>, vector<16xi32>,
      %mul3A_125 = arith.constant 10240 : i32
      %mul3A_126 = arith.muli %arg0, %mul3A_125 : i32
      %add3A_127 = vector.broadcast %mul3A_126 : i32 to vector<16xi32>
      %add3A_128 = arith.addi %get3A_124, %add3A_127 : vector<16xi32>
      %swap3A_129 = arith.index_cast %scan3A_121 : i32 to index
      %swap3A_130 = arith.constant 0 : index
      %swap3A_131 = tpu.vector_load %arg12[%swap3A_129, %swap3A_130] {strides = array<i32>} : memref<160x128xi32, #tpu.memory_space<vmem>>, vector<16xi32>,
      tpu.vector_store %arg12[%swap3A_129, %swap3A_130], %add3A_128 {strides = array<i32>} : memref<160x128xi32, #tpu.memory_space<vmem>>, vector<16xi32>,
      %get3A_132 = arith.index_cast %scan3A_121 : i32 to index
      %get3A_133 = arith.constant 16 : index
      %get3A_134 = tpu.vector_load %arg12[%get3A_132, %get3A_133] {strides = array<i32>} : memref<160x128xi32, #tpu.memory_space<vmem>>, vector<16xi32>,
      %mul3A_135 = arith.constant 10240 : i32
      %mul3A_136 = arith.muli %arg0, %mul3A_135 : i32
      %add3A_137 = vector.broadcast %mul3A_136 : i32 to vector<16xi32>
      %add3A_138 = arith.addi %get3A_134, %add3A_137 : vector<16xi32>
      %swap3A_139 = arith.index_cast %scan3A_121 : i32 to index
      %swap3A_140 = arith.constant 16 : index
      %swap3A_141 = tpu.vector_load %arg12[%swap3A_139, %swap3A_140] {strides = array<i32>} : memref<160x128xi32, #tpu.memory_space<vmem>>, vector<16xi32>,
      tpu.vector_store %arg12[%swap3A_139, %swap3A_140], %add3A_138 {strides = array<i32>} : memref<160x128xi32, #tpu.memory_space<vmem>>, vector<16xi32>,
      %get3A_142 = arith.index_cast %scan3A_121 : i32 to index
      %get3A_143 = arith.constant 32 : index
      %get3A_144 = tpu.vector_load %arg12[%get3A_142, %get3A_143] {strides = array<i32>} : memref<160x128xi32, #tpu.memory_space<vmem>>, vector<16xi32>,
      %mul3A_145 = arith.constant 10240 : i32
      %mul3A_146 = arith.muli %arg0, %mul3A_145 : i32
      %add3A_147 = vector.broadcast %mul3A_146 : i32 to vector<16xi32>
      %add3A_148 = arith.addi %get3A_144, %add3A_147 : vector<16xi32>
      %swap3A_149 = arith.index_cast %scan3A_121 : i32 to index
      %swap3A_150 = arith.constant 32 : index
      %swap3A_151 = tpu.vector_load %arg12[%swap3A_149, %swap3A_150] {strides = array<i32>} : memref<160x128xi32, #tpu.memory_space<vmem>>, vector<16xi32>,
      tpu.vector_store %arg12[%swap3A_149, %swap3A_150], %add3A_148 {strides = array<i32>} : memref<160x128xi32, #tpu.memory_space<vmem>>, vector<16xi32>,
      %get3A_152 = arith.index_cast %scan3A_121 : i32 to index
      %get3A_153 = arith.constant 48 : index
      %get3A_154 = tpu.vector_load %arg12[%get3A_152, %get3A_153] {strides = array<i32>} : memref<160x128xi32, #tpu.memory_space<vmem>>, vector<16xi32>,
      %mul3A_155 = arith.constant 10240 : i32
      %mul3A_156 = arith.muli %arg0, %mul3A_155 : i32
      %add3A_157 = vector.broadcast %mul3A_156 : i32 to vector<16xi32>
      %add3A_158 = arith.addi %get3A_154, %add3A_157 : vector<16xi32>
      %swap3A_159 = arith.index_cast %scan3A_121 : i32 to index
      %swap3A_160 = arith.constant 48 : index
      %swap3A_161 = tpu.vector_load %arg12[%swap3A_159, %swap3A_160] {strides = array<i32>} : memref<160x128xi32, #tpu.memory_space<vmem>>, vector<16xi32>,
      tpu.vector_store %arg12[%swap3A_159, %swap3A_160], %add3A_158 {strides = array<i32>} : memref<160x128xi32, #tpu.memory_space<vmem>>, vector<16xi32>,
      %get3A_162 = arith.index_cast %scan3A_121 : i32 to index
      %get3A_163 = arith.constant 64 : index
      %get3A_164 = tpu.vector_load %arg12[%get3A_162, %get3A_163] {strides = array<i32>} : memref<160x128xi32, #tpu.memory_space<vmem>>, vector<16xi32>,
      %mul3A_165 = arith.constant 10240 : i32
      %mul3A_166 = arith.muli %arg0, %mul3A_165 : i32
      %add3A_167 = vector.broadcast %mul3A_166 : i32 to vector<16xi32>
      %add3A_168 = arith.addi %get3A_164, %add3A_167 : vector<16xi32>
      %swap3A_169 = arith.index_cast %scan3A_121 : i32 to index
      %swap3A_170 = arith.constant 64 : index
      %swap3A_171 = tpu.vector_load %arg12[%swap3A_169, %swap3A_170] {strides = array<i32>} : memref<160x128xi32, #tpu.memory_space<vmem>>, vector<16xi32>,
      tpu.vector_store %arg12[%swap3A_169, %swap3A_170], %add3A_168 {strides = array<i32>} : memref<160x128xi32, #tpu.memory_space<vmem>>, vector<16xi32>,
      %get3A_172 = arith.index_cast %scan3A_121 : i32 to index
      %get3A_173 = arith.constant 80 : index
      %get3A_174 = tpu.vector_load %arg12[%get3A_172, %get3A_173] {strides = array<i32>} : memref<160x128xi32, #tpu.memory_space<vmem>>, vector<16xi32>,
      %mul3A_175 = arith.constant 10240 : i32
      %mul3A_176 = arith.muli %arg0, %mul3A_175 : i32
      %add3A_177 = vector.broadcast %mul3A_176 : i32 to vector<16xi32>
      %add3A_178 = arith.addi %get3A_174, %add3A_177 : vector<16xi32>
      %swap3A_179 = arith.index_cast %scan3A_121 : i32 to index
      %swap3A_180 = arith.constant 80 : index
      %swap3A_181 = tpu.vector_load %arg12[%swap3A_179, %swap3A_180] {strides = array<i32>} : memref<160x128xi32, #tpu.memory_space<vmem>>, vector<16xi32>,
      tpu.vector_store %arg12[%swap3A_179, %swap3A_180], %add3A_178 {strides = array<i32>} : memref<160x128xi32, #tpu.memory_space<vmem>>, vector<16xi32>,
      %get3A_182 = arith.index_cast %scan3A_121 : i32 to index
      %get3A_183 = arith.constant 96 : index
      %get3A_184 = tpu.vector_load %arg12[%get3A_182, %get3A_183] {strides = array<i32>} : memref<160x128xi32, #tpu.memory_space<vmem>>, vector<16xi32>,
      %mul3A_185 = arith.constant 10240 : i32
      %mul3A_186 = arith.muli %arg0, %mul3A_185 : i32
      %add3A_187 = vector.broadcast %mul3A_186 : i32 to vector<16xi32>
      %add3A_188 = arith.addi %get3A_184, %add3A_187 : vector<16xi32>
      %swap3A_189 = arith.index_cast %scan3A_121 : i32 to index
      %swap3A_190 = arith.constant 96 : index
      %swap3A_191 = tpu.vector_load %arg12[%swap3A_189, %swap3A_190] {strides = array<i32>} : memref<160x128xi32, #tpu.memory_space<vmem>>, vector<16xi32>,
      tpu.vector_store %arg12[%swap3A_189, %swap3A_190], %add3A_188 {strides = array<i32>} : memref<160x128xi32, #tpu.memory_space<vmem>>, vector<16xi32>,
      %get3A_192 = arith.index_cast %scan3A_121 : i32 to index
      %get3A_193 = arith.constant 112 : index
      %get3A_194 = tpu.vector_load %arg12[%get3A_192, %get3A_193] {strides = array<i32>} : memref<160x128xi32, #tpu.memory_space<vmem>>, vector<16xi32>,
      %mul3A_195 = arith.constant 10240 : i32
      %mul3A_196 = arith.muli %arg0, %mul3A_195 : i32
      %add3A_197 = vector.broadcast %mul3A_196 : i32 to vector<16xi32>
      %add3A_198 = arith.addi %get3A_194, %add3A_197 : vector<16xi32>
      %swap3A_199 = arith.index_cast %scan3A_121 : i32 to index
      %swap3A_200 = arith.constant 112 : index
      %swap3A_201 = tpu.vector_load %arg12[%swap3A_199, %swap3A_200] {strides = array<i32>} : memref<160x128xi32, #tpu.memory_space<vmem>>, vector<16xi32>,
      tpu.vector_store %arg12[%swap3A_199, %swap3A_200], %add3A_198 {strides = array<i32>} : memref<160x128xi32, #tpu.memory_space<vmem>>, vector<16xi32>,
      %scan3A_202 = arith.constant 0 : i32
      scf.yield %scan3A_202 : i32
    }
    %scan3A_51 = arith.constant 160 : i32
    %dma_start3A = arith.constant 0 : i32
    "tpu.trace_stop"() : () -> ()
    "tpu.trace_start"() <{level = 10 : i32, message = "ph3_conv1"}> : () -> ()
    %dma_start3A_52 = arith.constant 0 : i32
    %dma_start3A_53 = tpu.memref_slice %arg12[%dma_start3A, %dma_start3A_52] : memref<160x128xi32, #tpu.memory_space<vmem>> -> memref<1x128xi32, #tpu.memory_space<vmem>>
    %dma_start3A_54 = tpu.memref_squeeze %dma_start3A_53 : memref<1x128xi32, #tpu.memory_space<vmem>> -> memref<128xi32, #tpu.memory_space<vmem>>
    %dma_start3A_55 = arith.constant 0 : i32
    %dma_start3A_56 = arith.constant 0 : i32
    %dma_start3A_57 = tpu.memref_slice %arg2[%dma_start3A_55, %dma_start3A_56] : memref<20480x64xf32, #tpu.memory_space<hbm>> -> memref<20480x64xf32, #tpu.memory_space<hbm>>
    tpu.enqueue_indirect_dma source(%dma_start3A_57 : memref<20480x64xf32, #tpu.memory_space<hbm>>) target(%arg19 : memref<128x64xf32, #tpu.memory_space<vmem>>) offsets(%dma_start3A_54 : memref<128xi32, #tpu.memory_space<vmem>>) semaphore(%arg23 : memref<!tpu.dma_semaphore, #tpu.memory_space<semaphore_mem>>)
    %scan3A_58 = arith.constant 0 : i32
    %scan3A_59 = arith.constant 0 : i32
    %scan3A_60 = arith.constant 80 : i32
    %scan3A_61 = arith.addi %scan3A_59, %scan3A_60 : i32
    %scan3A_62 = arith.constant 1 : i32
    %scan3A_63 = scf.for %scan3A_121 = %scan3A_59 to %scan3A_61 step %scan3A_62 iter_args(%scan3A_122 = %scan3A_58) -> (i32)  : i32 {
      %mul3A_123 = arith.constant 2 : i32
      %mul3A_124 = arith.muli %mul3A_123, %scan3A_121 : i32
      %add3A_125 = arith.constant 1 : i32
      %add3A_126 = arith.addi %mul3A_124, %add3A_125 : i32
      %dma_start3A_127 = arith.constant 0 : i32
      %dma_start3A_128 = tpu.memref_slice %arg12[%add3A_126, %dma_start3A_127] : memref<160x128xi32, #tpu.memory_space<vmem>> -> memref<1x128xi32, #tpu.memory_space<vmem>>
      %dma_start3A_129 = tpu.memref_squeeze %dma_start3A_128 : memref<1x128xi32, #tpu.memory_space<vmem>> -> memref<128xi32, #tpu.memory_space<vmem>>
      %dma_start3A_130 = arith.constant 0 : i32
      %dma_start3A_131 = arith.constant 0 : i32
      %dma_start3A_132 = tpu.memref_slice %arg2[%dma_start3A_130, %dma_start3A_131] : memref<20480x64xf32, #tpu.memory_space<hbm>> -> memref<20480x64xf32, #tpu.memory_space<hbm>>
      tpu.enqueue_indirect_dma source(%dma_start3A_132 : memref<20480x64xf32, #tpu.memory_space<hbm>>) target(%arg20 : memref<128x64xf32, #tpu.memory_space<vmem>>) offsets(%dma_start3A_129 : memref<128xi32, #tpu.memory_space<vmem>>) semaphore(%arg24 : memref<!tpu.dma_semaphore, #tpu.memory_space<semaphore_mem>>)
      %dma_wait3A = arith.constant 0 : i32
      %dma_wait3A_133 = tpu.memref_slice %arg12[%mul3A_124, %dma_wait3A] : memref<160x128xi32, #tpu.memory_space<vmem>> -> memref<1x128xi32, #tpu.memory_space<vmem>>
      %dma_wait3A_134 = tpu.memref_squeeze %dma_wait3A_133 : memref<1x128xi32, #tpu.memory_space<vmem>> -> memref<128xi32, #tpu.memory_space<vmem>>
      %dma_wait3A_135 = arith.constant 0 : i32
      %dma_wait3A_136 = arith.constant 0 : i32
      %dma_wait3A_137 = tpu.memref_slice %arg2[%dma_wait3A_135, %dma_wait3A_136] : memref<20480x64xf32, #tpu.memory_space<hbm>> -> memref<20480x64xf32, #tpu.memory_space<hbm>>
      tpu.wait_indirect_dma semaphore(%arg23 : memref<!tpu.dma_semaphore, #tpu.memory_space<semaphore_mem>>) src(%dma_wait3A_137 : memref<20480x64xf32, #tpu.memory_space<hbm>>) dst(%arg19 : memref<128x64xf32, #tpu.memory_space<vmem>>)
      %scan3A_138 = arith.constant 0 : i32
      %scan3A_139 = arith.constant 0 : i32
      %scan3A_140 = arith.constant 8 : i32
      %scan3A_141 = arith.addi %scan3A_139, %scan3A_140 : i32
      %scan3A_142 = arith.constant 1 : i32
      %scan3A_143 = scf.for %scan3A_167 = %scan3A_139 to %scan3A_141 step %scan3A_142 iter_args(%scan3A_168 = %scan3A_138) -> (i32)  : i32 {
        %mul3A_169 = arith.constant 16 : i32
        %mul3A_170 = arith.muli %scan3A_167, %mul3A_169 : i32
        %get3A = arith.index_cast %mul3A_124 : i32 to index
        %get3A_171 = arith.index_cast %mul3A_170 : i32 to index
        %get3A_172 = tpu.vector_load %arg14[%get3A, %get3A_171] {strides = array<i32>} : memref<160x128xf32, #tpu.memory_space<vmem>>, vector<16xf32>,
        %slice3A = vector.extract_strided_slice %get3A_172 {offsets = [0], sizes = [1], strides = [1]} : vector<16xf32> to vector<1xf32>
        %squeeze3A = vector.extract %slice3A[0] : f32 from vector<1xf32>
        %mul3A_173 = arith.constant 16 : i32
        %mul3A_174 = arith.muli %scan3A_167, %mul3A_173 : i32
        %add3A_175 = arith.constant 0 : i32
        %add3A_176 = arith.addi %mul3A_174, %add3A_175 : i32
        %get3A_177 = arith.index_cast %add3A_176 : i32 to index
        %get3A_178 = arith.constant 0 : index
        %get3A_179 = tpu.vector_load %arg19[%get3A_177, %get3A_178] {strides = array<i32>} : memref<128x64xf32, #tpu.memory_space<vmem>>, vector<16xf32>,
        %mul3A_180 = vector.broadcast %squeeze3A : f32 to vector<16xf32>
        %mul3A_181 = arith.mulf %get3A_179, %mul3A_180 : vector<16xf32>
        %swap3A_182 = arith.index_cast %add3A_176 : i32 to index
        %swap3A_183 = arith.constant 0 : index
        %swap3A_184 = tpu.vector_load %arg19[%swap3A_182, %swap3A_183] {strides = array<i32>} : memref<128x64xf32, #tpu.memory_space<vmem>>, vector<16xf32>,
        tpu.vector_store %arg19[%swap3A_182, %swap3A_183], %mul3A_181 {strides = array<i32>} : memref<128x64xf32, #tpu.memory_space<vmem>>, vector<16xf32>,
        %get3A_185 = arith.index_cast %add3A_176 : i32 to index
        %get3A_186 = arith.constant 16 : index
        %get3A_187 = tpu.vector_load %arg19[%get3A_185, %get3A_186] {strides = array<i32>} : memref<128x64xf32, #tpu.memory_space<vmem>>, vector<16xf32>,
        %mul3A_188 = vector.broadcast %squeeze3A : f32 to vector<16xf32>
        %mul3A_189 = arith.mulf %get3A_187, %mul3A_188 : vector<16xf32>
        %swap3A_190 = arith.index_cast %add3A_176 : i32 to index
        %swap3A_191 = arith.constant 16 : index
        %swap3A_192 = tpu.vector_load %arg19[%swap3A_190, %swap3A_191] {strides = array<i32>} : memref<128x64xf32, #tpu.memory_space<vmem>>, vector<16xf32>,
        tpu.vector_store %arg19[%swap3A_190, %swap3A_191], %mul3A_189 {strides = array<i32>} : memref<128x64xf32, #tpu.memory_space<vmem>>, vector<16xf32>,
        %get3A_193 = arith.index_cast %add3A_176 : i32 to index
        %get3A_194 = arith.constant 32 : index
        %get3A_195 = tpu.vector_load %arg19[%get3A_193, %get3A_194] {strides = array<i32>} : memref<128x64xf32, #tpu.memory_space<vmem>>, vector<16xf32>,
        %mul3A_196 = vector.broadcast %squeeze3A : f32 to vector<16xf32>
        %mul3A_197 = arith.mulf %get3A_195, %mul3A_196 : vector<16xf32>
        %swap3A_198 = arith.index_cast %add3A_176 : i32 to index
        %swap3A_199 = arith.constant 32 : index
        %swap3A_200 = tpu.vector_load %arg19[%swap3A_198, %swap3A_199] {strides = array<i32>} : memref<128x64xf32, #tpu.memory_space<vmem>>, vector<16xf32>,
        tpu.vector_store %arg19[%swap3A_198, %swap3A_199], %mul3A_197 {strides = array<i32>} : memref<128x64xf32, #tpu.memory_space<vmem>>, vector<16xf32>,
        %get3A_201 = arith.index_cast %add3A_176 : i32 to index
        %get3A_202 = arith.constant 48 : index
        %get3A_203 = tpu.vector_load %arg19[%get3A_201, %get3A_202] {strides = array<i32>} : memref<128x64xf32, #tpu.memory_space<vmem>>, vector<16xf32>,
        %mul3A_204 = vector.broadcast %squeeze3A : f32 to vector<16xf32>
        %mul3A_205 = arith.mulf %get3A_203, %mul3A_204 : vector<16xf32>
        %swap3A_206 = arith.index_cast %add3A_176 : i32 to index
        %swap3A_207 = arith.constant 48 : index
        %swap3A_208 = tpu.vector_load %arg19[%swap3A_206, %swap3A_207] {strides = array<i32>} : memref<128x64xf32, #tpu.memory_space<vmem>>, vector<16xf32>,
        tpu.vector_store %arg19[%swap3A_206, %swap3A_207], %mul3A_205 {strides = array<i32>} : memref<128x64xf32, #tpu.memory_space<vmem>>, vector<16xf32>,
        %slice3A_209 = vector.extract_strided_slice %get3A_172 {offsets = [1], sizes = [1], strides = [1]} : vector<16xf32> to vector<1xf32>
        %squeeze3A_210 = vector.extract %slice3A_209[0] : f32 from vector<1xf32>
        %mul3A_211 = arith.constant 16 : i32
        %mul3A_212 = arith.muli %scan3A_167, %mul3A_211 : i32
        %add3A_213 = arith.constant 1 : i32
        %add3A_214 = arith.addi %mul3A_212, %add3A_213 : i32
        %get3A_215 = arith.index_cast %add3A_214 : i32 to index
        %get3A_216 = arith.constant 0 : index
        %get3A_217 = tpu.vector_load %arg19[%get3A_215, %get3A_216] {strides = array<i32>} : memref<128x64xf32, #tpu.memory_space<vmem>>, vector<16xf32>,
        %mul3A_218 = vector.broadcast %squeeze3A_210 : f32 to vector<16xf32>
        %mul3A_219 = arith.mulf %get3A_217, %mul3A_218 : vector<16xf32>
        %swap3A_220 = arith.index_cast %add3A_214 : i32 to index
        %swap3A_221 = arith.constant 0 : index
        %swap3A_222 = tpu.vector_load %arg19[%swap3A_220, %swap3A_221] {strides = array<i32>} : memref<128x64xf32, #tpu.memory_space<vmem>>, vector<16xf32>,
        tpu.vector_store %arg19[%swap3A_220, %swap3A_221], %mul3A_219 {strides = array<i32>} : memref<128x64xf32, #tpu.memory_space<vmem>>, vector<16xf32>,
        %get3A_223 = arith.index_cast %add3A_214 : i32 to index
        %get3A_224 = arith.constant 16 : index
        %get3A_225 = tpu.vector_load %arg19[%get3A_223, %get3A_224] {strides = array<i32>} : memref<128x64xf32, #tpu.memory_space<vmem>>, vector<16xf32>,
        %mul3A_226 = vector.broadcast %squeeze3A_210 : f32 to vector<16xf32>
        %mul3A_227 = arith.mulf %get3A_225, %mul3A_226 : vector<16xf32>
        %swap3A_228 = arith.index_cast %add3A_214 : i32 to index
        %swap3A_229 = arith.constant 16 : index
        %swap3A_230 = tpu.vector_load %arg19[%swap3A_228, %swap3A_229] {strides = array<i32>} : memref<128x64xf32, #tpu.memory_space<vmem>>, vector<16xf32>,
        tpu.vector_store %arg19[%swap3A_228, %swap3A_229], %mul3A_227 {strides = array<i32>} : memref<128x64xf32, #tpu.memory_space<vmem>>, vector<16xf32>,
        %get3A_231 = arith.index_cast %add3A_214 : i32 to index
        %get3A_232 = arith.constant 32 : index
        %get3A_233 = tpu.vector_load %arg19[%get3A_231, %get3A_232] {strides = array<i32>} : memref<128x64xf32, #tpu.memory_space<vmem>>, vector<16xf32>,
        %mul3A_234 = vector.broadcast %squeeze3A_210 : f32 to vector<16xf32>
        %mul3A_235 = arith.mulf %get3A_233, %mul3A_234 : vector<16xf32>
        %swap3A_236 = arith.index_cast %add3A_214 : i32 to index
        %swap3A_237 = arith.constant 32 : index
        %swap3A_238 = tpu.vector_load %arg19[%swap3A_236, %swap3A_237] {strides = array<i32>} : memref<128x64xf32, #tpu.memory_space<vmem>>, vector<16xf32>,
        tpu.vector_store %arg19[%swap3A_236, %swap3A_237], %mul3A_235 {strides = array<i32>} : memref<128x64xf32, #tpu.memory_space<vmem>>, vector<16xf32>,
        %get3A_239 = arith.index_cast %add3A_214 : i32 to index
        %get3A_240 = arith.constant 48 : index
        %get3A_241 = tpu.vector_load %arg19[%get3A_239, %get3A_240] {strides = array<i32>} : memref<128x64xf32, #tpu.memory_space<vmem>>, vector<16xf32>,
        %mul3A_242 = vector.broadcast %squeeze3A_210 : f32 to vector<16xf32>
        %mul3A_243 = arith.mulf %get3A_241, %mul3A_242 : vector<16xf32>
        %swap3A_244 = arith.index_cast %add3A_214 : i32 to index
        %swap3A_245 = arith.constant 48 : index
        %swap3A_246 = tpu.vector_load %arg19[%swap3A_244, %swap3A_245] {strides = array<i32>} : memref<128x64xf32, #tpu.memory_space<vmem>>, vector<16xf32>,
        tpu.vector_store %arg19[%swap3A_244, %swap3A_245], %mul3A_243 {strides = array<i32>} : memref<128x64xf32, #tpu.memory_space<vmem>>, vector<16xf32>,
        %slice3A_247 = vector.extract_strided_slice %get3A_172 {offsets = [2], sizes = [1], strides = [1]} : vector<16xf32> to vector<1xf32>
        %squeeze3A_248 = vector.extract %slice3A_247[0] : f32 from vector<1xf32>
        %mul3A_249 = arith.constant 16 : i32
        %mul3A_250 = arith.muli %scan3A_167, %mul3A_249 : i32
        %add3A_251 = arith.constant 2 : i32
        %add3A_252 = arith.addi %mul3A_250, %add3A_251 : i32
        %get3A_253 = arith.index_cast %add3A_252 : i32 to index
        %get3A_254 = arith.constant 0 : index
        %get3A_255 = tpu.vector_load %arg19[%get3A_253, %get3A_254] {strides = array<i32>} : memref<128x64xf32, #tpu.memory_space<vmem>>, vector<16xf32>,
        %mul3A_256 = vector.broadcast %squeeze3A_248 : f32 to vector<16xf32>
        %mul3A_257 = arith.mulf %get3A_255, %mul3A_256 : vector<16xf32>
        %swap3A_258 = arith.index_cast %add3A_252 : i32 to index
        %swap3A_259 = arith.constant 0 : index
        %swap3A_260 = tpu.vector_load %arg19[%swap3A_258, %swap3A_259] {strides = array<i32>} : memref<128x64xf32, #tpu.memory_space<vmem>>, vector<16xf32>,
        tpu.vector_store %arg19[%swap3A_258, %swap3A_259], %mul3A_257 {strides = array<i32>} : memref<128x64xf32, #tpu.memory_space<vmem>>, vector<16xf32>,
        %get3A_261 = arith.index_cast %add3A_252 : i32 to index
        %get3A_262 = arith.constant 16 : index
        %get3A_263 = tpu.vector_load %arg19[%get3A_261, %get3A_262] {strides = array<i32>} : memref<128x64xf32, #tpu.memory_space<vmem>>, vector<16xf32>,
        %mul3A_264 = vector.broadcast %squeeze3A_248 : f32 to vector<16xf32>
        %mul3A_265 = arith.mulf %get3A_263, %mul3A_264 : vector<16xf32>
        %swap3A_266 = arith.index_cast %add3A_252 : i32 to index
        %swap3A_267 = arith.constant 16 : index
        %swap3A_268 = tpu.vector_load %arg19[%swap3A_266, %swap3A_267] {strides = array<i32>} : memref<128x64xf32, #tpu.memory_space<vmem>>, vector<16xf32>,
        tpu.vector_store %arg19[%swap3A_266, %swap3A_267], %mul3A_265 {strides = array<i32>} : memref<128x64xf32, #tpu.memory_space<vmem>>, vector<16xf32>,
        %get3A_269 = arith.index_cast %add3A_252 : i32 to index
        %get3A_270 = arith.constant 32 : index
        %get3A_271 = tpu.vector_load %arg19[%get3A_269, %get3A_270] {strides = array<i32>} : memref<128x64xf32, #tpu.memory_space<vmem>>, vector<16xf32>,
        %mul3A_272 = vector.broadcast %squeeze3A_248 : f32 to vector<16xf32>
        %mul3A_273 = arith.mulf %get3A_271, %mul3A_272 : vector<16xf32>
        %swap3A_274 = arith.index_cast %add3A_252 : i32 to index
        %swap3A_275 = arith.constant 32 : index
        %swap3A_276 = tpu.vector_load %arg19[%swap3A_274, %swap3A_275] {strides = array<i32>} : memref<128x64xf32, #tpu.memory_space<vmem>>, vector<16xf32>,
        tpu.vector_store %arg19[%swap3A_274, %swap3A_275], %mul3A_273 {strides = array<i32>} : memref<128x64xf32, #tpu.memory_space<vmem>>, vector<16xf32>,
        %get3A_277 = arith.index_cast %add3A_252 : i32 to index
        %get3A_278 = arith.constant 48 : index
        %get3A_279 = tpu.vector_load %arg19[%get3A_277, %get3A_278] {strides = array<i32>} : memref<128x64xf32, #tpu.memory_space<vmem>>, vector<16xf32>,
        %mul3A_280 = vector.broadcast %squeeze3A_248 : f32 to vector<16xf32>
        %mul3A_281 = arith.mulf %get3A_279, %mul3A_280 : vector<16xf32>
        %swap3A_282 = arith.index_cast %add3A_252 : i32 to index
        %swap3A_283 = arith.constant 48 : index
        %swap3A_284 = tpu.vector_load %arg19[%swap3A_282, %swap3A_283] {strides = array<i32>} : memref<128x64xf32, #tpu.memory_space<vmem>>, vector<16xf32>,
        tpu.vector_store %arg19[%swap3A_282, %swap3A_283], %mul3A_281 {strides = array<i32>} : memref<128x64xf32, #tpu.memory_space<vmem>>, vector<16xf32>,
        %slice3A_285 = vector.extract_strided_slice %get3A_172 {offsets = [3], sizes = [1], strides = [1]} : vector<16xf32> to vector<1xf32>
        %squeeze3A_286 = vector.extract %slice3A_285[0] : f32 from vector<1xf32>
        %mul3A_287 = arith.constant 16 : i32
        %mul3A_288 = arith.muli %scan3A_167, %mul3A_287 : i32
        %add3A_289 = arith.constant 3 : i32
        %add3A_290 = arith.addi %mul3A_288, %add3A_289 : i32
        %get3A_291 = arith.index_cast %add3A_290 : i32 to index
        %get3A_292 = arith.constant 0 : index
        %get3A_293 = tpu.vector_load %arg19[%get3A_291, %get3A_292] {strides = array<i32>} : memref<128x64xf32, #tpu.memory_space<vmem>>, vector<16xf32>,
        %mul3A_294 = vector.broadcast %squeeze3A_286 : f32 to vector<16xf32>
        %mul3A_295 = arith.mulf %get3A_293, %mul3A_294 : vector<16xf32>
        %swap3A_296 = arith.index_cast %add3A_290 : i32 to index
        %swap3A_297 = arith.constant 0 : index
        %swap3A_298 = tpu.vector_load %arg19[%swap3A_296, %swap3A_297] {strides = array<i32>} : memref<128x64xf32, #tpu.memory_space<vmem>>, vector<16xf32>,
        tpu.vector_store %arg19[%swap3A_296, %swap3A_297], %mul3A_295 {strides = array<i32>} : memref<128x64xf32, #tpu.memory_space<vmem>>, vector<16xf32>,
        %get3A_299 = arith.index_cast %add3A_290 : i32 to index
        %get3A_300 = arith.constant 16 : index
        %get3A_301 = tpu.vector_load %arg19[%get3A_299, %get3A_300] {strides = array<i32>} : memref<128x64xf32, #tpu.memory_space<vmem>>, vector<16xf32>,
        %mul3A_302 = vector.broadcast %squeeze3A_286 : f32 to vector<16xf32>
        %mul3A_303 = arith.mulf %get3A_301, %mul3A_302 : vector<16xf32>
        %swap3A_304 = arith.index_cast %add3A_290 : i32 to index
        %swap3A_305 = arith.constant 16 : index
        %swap3A_306 = tpu.vector_load %arg19[%swap3A_304, %swap3A_305] {strides = array<i32>} : memref<128x64xf32, #tpu.memory_space<vmem>>, vector<16xf32>,
        tpu.vector_store %arg19[%swap3A_304, %swap3A_305], %mul3A_303 {strides = array<i32>} : memref<128x64xf32, #tpu.memory_space<vmem>>, vector<16xf32>,
        %get3A_307 = arith.index_cast %add3A_290 : i32 to index
        %get3A_308 = arith.constant 32 : index
        %get3A_309 = tpu.vector_load %arg19[%get3A_307, %get3A_308] {strides = array<i32>} : memref<128x64xf32, #tpu.memory_space<vmem>>, vector<16xf32>,
        %mul3A_310 = vector.broadcast %squeeze3A_286 : f32 to vector<16xf32>
        %mul3A_311 = arith.mulf %get3A_309, %mul3A_310 : vector<16xf32>
        %swap3A_312 = arith.index_cast %add3A_290 : i32 to index
        %swap3A_313 = arith.constant 32 : index
        %swap3A_314 = tpu.vector_load %arg19[%swap3A_312, %swap3A_313] {strides = array<i32>} : memref<128x64xf32, #tpu.memory_space<vmem>>, vector<16xf32>,
        tpu.vector_store %arg19[%swap3A_312, %swap3A_313], %mul3A_311 {strides = array<i32>} : memref<128x64xf32, #tpu.memory_space<vmem>>, vector<16xf32>,
        %get3A_315 = arith.index_cast %add3A_290 : i32 to index
        %get3A_316 = arith.constant 48 : index
        %get3A_317 = tpu.vector_load %arg19[%get3A_315, %get3A_316] {strides = array<i32>} : memref<128x64xf32, #tpu.memory_space<vmem>>, vector<16xf32>,
        %mul3A_318 = vector.broadcast %squeeze3A_286 : f32 to vector<16xf32>
        %mul3A_319 = arith.mulf %get3A_317, %mul3A_318 : vector<16xf32>
        %swap3A_320 = arith.index_cast %add3A_290 : i32 to index
        %swap3A_321 = arith.constant 48 : index
        %swap3A_322 = tpu.vector_load %arg19[%swap3A_320, %swap3A_321] {strides = array<i32>} : memref<128x64xf32, #tpu.memory_space<vmem>>, vector<16xf32>,
        tpu.vector_store %arg19[%swap3A_320, %swap3A_321], %mul3A_319 {strides = array<i32>} : memref<128x64xf32, #tpu.memory_space<vmem>>, vector<16xf32>,
        %slice3A_323 = vector.extract_strided_slice %get3A_172 {offsets = [4], sizes = [1], strides = [1]} : vector<16xf32> to vector<1xf32>
        %squeeze3A_324 = vector.extract %slice3A_323[0] : f32 from vector<1xf32>
        %mul3A_325 = arith.constant 16 : i32
        %mul3A_326 = arith.muli %scan3A_167, %mul3A_325 : i32
        %add3A_327 = arith.constant 4 : i32
        %add3A_328 = arith.addi %mul3A_326, %add3A_327 : i32
        %get3A_329 = arith.index_cast %add3A_328 : i32 to index
        %get3A_330 = arith.constant 0 : index
        %get3A_331 = tpu.vector_load %arg19[%get3A_329, %get3A_330] {strides = array<i32>} : memref<128x64xf32, #tpu.memory_space<vmem>>, vector<16xf32>,
        %mul3A_332 = vector.broadcast %squeeze3A_324 : f32 to vector<16xf32>
        %mul3A_333 = arith.mulf %get3A_331, %mul3A_332 : vector<16xf32>
        %swap3A_334 = arith.index_cast %add3A_328 : i32 to index
        %swap3A_335 = arith.constant 0 : index
        %swap3A_336 = tpu.vector_load %arg19[%swap3A_334, %swap3A_335] {strides = array<i32>} : memref<128x64xf32, #tpu.memory_space<vmem>>, vector<16xf32>,
        tpu.vector_store %arg19[%swap3A_334, %swap3A_335], %mul3A_333 {strides = array<i32>} : memref<128x64xf32, #tpu.memory_space<vmem>>, vector<16xf32>,
        %get3A_337 = arith.index_cast %add3A_328 : i32 to index
        %get3A_338 = arith.constant 16 : index
        %get3A_339 = tpu.vector_load %arg19[%get3A_337, %get3A_338] {strides = array<i32>} : memref<128x64xf32, #tpu.memory_space<vmem>>, vector<16xf32>,
        %mul3A_340 = vector.broadcast %squeeze3A_324 : f32 to vector<16xf32>
        %mul3A_341 = arith.mulf %get3A_339, %mul3A_340 : vector<16xf32>
        %swap3A_342 = arith.index_cast %add3A_328 : i32 to index
        %swap3A_343 = arith.constant 16 : index
        %swap3A_344 = tpu.vector_load %arg19[%swap3A_342, %swap3A_343] {strides = array<i32>} : memref<128x64xf32, #tpu.memory_space<vmem>>, vector<16xf32>,
        tpu.vector_store %arg19[%swap3A_342, %swap3A_343], %mul3A_341 {strides = array<i32>} : memref<128x64xf32, #tpu.memory_space<vmem>>, vector<16xf32>,
        %get3A_345 = arith.index_cast %add3A_328 : i32 to index
        %get3A_346 = arith.constant 32 : index
        %get3A_347 = tpu.vector_load %arg19[%get3A_345, %get3A_346] {strides = array<i32>} : memref<128x64xf32, #tpu.memory_space<vmem>>, vector<16xf32>,
        %mul3A_348 = vector.broadcast %squeeze3A_324 : f32 to vector<16xf32>
        %mul3A_349 = arith.mulf %get3A_347, %mul3A_348 : vector<16xf32>
        %swap3A_350 = arith.index_cast %add3A_328 : i32 to index
        %swap3A_351 = arith.constant 32 : index
        %swap3A_352 = tpu.vector_load %arg19[%swap3A_350, %swap3A_351] {strides = array<i32>} : memref<128x64xf32, #tpu.memory_space<vmem>>, vector<16xf32>,
        tpu.vector_store %arg19[%swap3A_350, %swap3A_351], %mul3A_349 {strides = array<i32>} : memref<128x64xf32, #tpu.memory_space<vmem>>, vector<16xf32>,
        %get3A_353 = arith.index_cast %add3A_328 : i32 to index
        %get3A_354 = arith.constant 48 : index
        %get3A_355 = tpu.vector_load %arg19[%get3A_353, %get3A_354] {strides = array<i32>} : memref<128x64xf32, #tpu.memory_space<vmem>>, vector<16xf32>,
        %mul3A_356 = vector.broadcast %squeeze3A_324 : f32 to vector<16xf32>
        %mul3A_357 = arith.mulf %get3A_355, %mul3A_356 : vector<16xf32>
        %swap3A_358 = arith.index_cast %add3A_328 : i32 to index
        %swap3A_359 = arith.constant 48 : index
        %swap3A_360 = tpu.vector_load %arg19[%swap3A_358, %swap3A_359] {strides = array<i32>} : memref<128x64xf32, #tpu.memory_space<vmem>>, vector<16xf32>,
        tpu.vector_store %arg19[%swap3A_358, %swap3A_359], %mul3A_357 {strides = array<i32>} : memref<128x64xf32, #tpu.memory_space<vmem>>, vector<16xf32>,
        %slice3A_361 = vector.extract_strided_slice %get3A_172 {offsets = [5], sizes = [1], strides = [1]} : vector<16xf32> to vector<1xf32>
        %squeeze3A_362 = vector.extract %slice3A_361[0] : f32 from vector<1xf32>
        %mul3A_363 = arith.constant 16 : i32
        %mul3A_364 = arith.muli %scan3A_167, %mul3A_363 : i32
        %add3A_365 = arith.constant 5 : i32
        %add3A_366 = arith.addi %mul3A_364, %add3A_365 : i32
        %get3A_367 = arith.index_cast %add3A_366 : i32 to index
        %get3A_368 = arith.constant 0 : index
        %get3A_369 = tpu.vector_load %arg19[%get3A_367, %get3A_368] {strides = array<i32>} : memref<128x64xf32, #tpu.memory_space<vmem>>, vector<16xf32>,
        %mul3A_370 = vector.broadcast %squeeze3A_362 : f32 to vector<16xf32>
        %mul3A_371 = arith.mulf %get3A_369, %mul3A_370 : vector<16xf32>
        %swap3A_372 = arith.index_cast %add3A_366 : i32 to index
        %swap3A_373 = arith.constant 0 : index
        %swap3A_374 = tpu.vector_load %arg19[%swap3A_372, %swap3A_373] {strides = array<i32>} : memref<128x64xf32, #tpu.memory_space<vmem>>, vector<16xf32>,
        tpu.vector_store %arg19[%swap3A_372, %swap3A_373], %mul3A_371 {strides = array<i32>} : memref<128x64xf32, #tpu.memory_space<vmem>>, vector<16xf32>,
        %get3A_375 = arith.index_cast %add3A_366 : i32 to index
        %get3A_376 = arith.constant 16 : index
        %get3A_377 = tpu.vector_load %arg19[%get3A_375, %get3A_376] {strides = array<i32>} : memref<128x64xf32, #tpu.memory_space<vmem>>, vector<16xf32>,
        %mul3A_378 = vector.broadcast %squeeze3A_362 : f32 to vector<16xf32>
        %mul3A_379 = arith.mulf %get3A_377, %mul3A_378 : vector<16xf32>
        %swap3A_380 = arith.index_cast %add3A_366 : i32 to index
        %swap3A_381 = arith.constant 16 : index
        %swap3A_382 = tpu.vector_load %arg19[%swap3A_380, %swap3A_381] {strides = array<i32>} : memref<128x64xf32, #tpu.memory_space<vmem>>, vector<16xf32>,
        tpu.vector_store %arg19[%swap3A_380, %swap3A_381], %mul3A_379 {strides = array<i32>} : memref<128x64xf32, #tpu.memory_space<vmem>>, vector<16xf32>,
        %get3A_383 = arith.index_cast %add3A_366 : i32 to index
        %get3A_384 = arith.constant 32 : index
        %get3A_385 = tpu.vector_load %arg19[%get3A_383, %get3A_384] {strides = array<i32>} : memref<128x64xf32, #tpu.memory_space<vmem>>, vector<16xf32>,
        %mul3A_386 = vector.broadcast %squeeze3A_362 : f32 to vector<16xf32>
        %mul3A_387 = arith.mulf %get3A_385, %mul3A_386 : vector<16xf32>
        %swap3A_388 = arith.index_cast %add3A_366 : i32 to index
        %swap3A_389 = arith.constant 32 : index
        %swap3A_390 = tpu.vector_load %arg19[%swap3A_388, %swap3A_389] {strides = array<i32>} : memref<128x64xf32, #tpu.memory_space<vmem>>, vector<16xf32>,
        tpu.vector_store %arg19[%swap3A_388, %swap3A_389], %mul3A_387 {strides = array<i32>} : memref<128x64xf32, #tpu.memory_space<vmem>>, vector<16xf32>,
        %get3A_391 = arith.index_cast %add3A_366 : i32 to index
        %get3A_392 = arith.constant 48 : index
        %get3A_393 = tpu.vector_load %arg19[%get3A_391, %get3A_392] {strides = array<i32>} : memref<128x64xf32, #tpu.memory_space<vmem>>, vector<16xf32>,
        %mul3A_394 = vector.broadcast %squeeze3A_362 : f32 to vector<16xf32>
        %mul3A_395 = arith.mulf %get3A_393, %mul3A_394 : vector<16xf32>
        %swap3A_396 = arith.index_cast %add3A_366 : i32 to index
        %swap3A_397 = arith.constant 48 : index
        %swap3A_398 = tpu.vector_load %arg19[%swap3A_396, %swap3A_397] {strides = array<i32>} : memref<128x64xf32, #tpu.memory_space<vmem>>, vector<16xf32>,
        tpu.vector_store %arg19[%swap3A_396, %swap3A_397], %mul3A_395 {strides = array<i32>} : memref<128x64xf32, #tpu.memory_space<vmem>>, vector<16xf32>,
        %slice3A_399 = vector.extract_strided_slice %get3A_172 {offsets = [6], sizes = [1], strides = [1]} : vector<16xf32> to vector<1xf32>
        %squeeze3A_400 = vector.extract %slice3A_399[0] : f32 from vector<1xf32>
        %mul3A_401 = arith.constant 16 : i32
        %mul3A_402 = arith.muli %scan3A_167, %mul3A_401 : i32
        %add3A_403 = arith.constant 6 : i32
        %add3A_404 = arith.addi %mul3A_402, %add3A_403 : i32
        %get3A_405 = arith.index_cast %add3A_404 : i32 to index
        %get3A_406 = arith.constant 0 : index
        %get3A_407 = tpu.vector_load %arg19[%get3A_405, %get3A_406] {strides = array<i32>} : memref<128x64xf32, #tpu.memory_space<vmem>>, vector<16xf32>,
        %mul3A_408 = vector.broadcast %squeeze3A_400 : f32 to vector<16xf32>
        %mul3A_409 = arith.mulf %get3A_407, %mul3A_408 : vector<16xf32>
        %swap3A_410 = arith.index_cast %add3A_404 : i32 to index
        %swap3A_411 = arith.constant 0 : index
        %swap3A_412 = tpu.vector_load %arg19[%swap3A_410, %swap3A_411] {strides = array<i32>} : memref<128x64xf32, #tpu.memory_space<vmem>>, vector<16xf32>,
        tpu.vector_store %arg19[%swap3A_410, %swap3A_411], %mul3A_409 {strides = array<i32>} : memref<128x64xf32, #tpu.memory_space<vmem>>, vector<16xf32>,
        %get3A_413 = arith.index_cast %add3A_404 : i32 to index
        %get3A_414 = arith.constant 16 : index
        %get3A_415 = tpu.vector_load %arg19[%get3A_413, %get3A_414] {strides = array<i32>} : memref<128x64xf32, #tpu.memory_space<vmem>>, vector<16xf32>,
        %mul3A_416 = vector.broadcast %squeeze3A_400 : f32 to vector<16xf32>
        %mul3A_417 = arith.mulf %get3A_415, %mul3A_416 : vector<16xf32>
        %swap3A_418 = arith.index_cast %add3A_404 : i32 to index
        %swap3A_419 = arith.constant 16 : index
        %swap3A_420 = tpu.vector_load %arg19[%swap3A_418, %swap3A_419] {strides = array<i32>} : memref<128x64xf32, #tpu.memory_space<vmem>>, vector<16xf32>,
        tpu.vector_store %arg19[%swap3A_418, %swap3A_419], %mul3A_417 {strides = array<i32>} : memref<128x64xf32, #tpu.memory_space<vmem>>, vector<16xf32>,
        %get3A_421 = arith.index_cast %add3A_404 : i32 to index
        %get3A_422 = arith.constant 32 : index
        %get3A_423 = tpu.vector_load %arg19[%get3A_421, %get3A_422] {strides = array<i32>} : memref<128x64xf32, #tpu.memory_space<vmem>>, vector<16xf32>,
        %mul3A_424 = vector.broadcast %squeeze3A_400 : f32 to vector<16xf32>
        %mul3A_425 = arith.mulf %get3A_423, %mul3A_424 : vector<16xf32>
        %swap3A_426 = arith.index_cast %add3A_404 : i32 to index
        %swap3A_427 = arith.constant 32 : index
        %swap3A_428 = tpu.vector_load %arg19[%swap3A_426, %swap3A_427] {strides = array<i32>} : memref<128x64xf32, #tpu.memory_space<vmem>>, vector<16xf32>,
        tpu.vector_store %arg19[%swap3A_426, %swap3A_427], %mul3A_425 {strides = array<i32>} : memref<128x64xf32, #tpu.memory_space<vmem>>, vector<16xf32>,
        %get3A_429 = arith.index_cast %add3A_404 : i32 to index
        %get3A_430 = arith.constant 48 : index
        %get3A_431 = tpu.vector_load %arg19[%get3A_429, %get3A_430] {strides = array<i32>} : memref<128x64xf32, #tpu.memory_space<vmem>>, vector<16xf32>,
        %mul3A_432 = vector.broadcast %squeeze3A_400 : f32 to vector<16xf32>
        %mul3A_433 = arith.mulf %get3A_431, %mul3A_432 : vector<16xf32>
        %swap3A_434 = arith.index_cast %add3A_404 : i32 to index
        %swap3A_435 = arith.constant 48 : index
        %swap3A_436 = tpu.vector_load %arg19[%swap3A_434, %swap3A_435] {strides = array<i32>} : memref<128x64xf32, #tpu.memory_space<vmem>>, vector<16xf32>,
        tpu.vector_store %arg19[%swap3A_434, %swap3A_435], %mul3A_433 {strides = array<i32>} : memref<128x64xf32, #tpu.memory_space<vmem>>, vector<16xf32>,
        %slice3A_437 = vector.extract_strided_slice %get3A_172 {offsets = [7], sizes = [1], strides = [1]} : vector<16xf32> to vector<1xf32>
        %squeeze3A_438 = vector.extract %slice3A_437[0] : f32 from vector<1xf32>
        %mul3A_439 = arith.constant 16 : i32
        %mul3A_440 = arith.muli %scan3A_167, %mul3A_439 : i32
        %add3A_441 = arith.constant 7 : i32
        %add3A_442 = arith.addi %mul3A_440, %add3A_441 : i32
        %get3A_443 = arith.index_cast %add3A_442 : i32 to index
        %get3A_444 = arith.constant 0 : index
        %get3A_445 = tpu.vector_load %arg19[%get3A_443, %get3A_444] {strides = array<i32>} : memref<128x64xf32, #tpu.memory_space<vmem>>, vector<16xf32>,
        %mul3A_446 = vector.broadcast %squeeze3A_438 : f32 to vector<16xf32>
        %mul3A_447 = arith.mulf %get3A_445, %mul3A_446 : vector<16xf32>
        %swap3A_448 = arith.index_cast %add3A_442 : i32 to index
        %swap3A_449 = arith.constant 0 : index
        %swap3A_450 = tpu.vector_load %arg19[%swap3A_448, %swap3A_449] {strides = array<i32>} : memref<128x64xf32, #tpu.memory_space<vmem>>, vector<16xf32>,
        tpu.vector_store %arg19[%swap3A_448, %swap3A_449], %mul3A_447 {strides = array<i32>} : memref<128x64xf32, #tpu.memory_space<vmem>>, vector<16xf32>,
        %get3A_451 = arith.index_cast %add3A_442 : i32 to index
        %get3A_452 = arith.constant 16 : index
        %get3A_453 = tpu.vector_load %arg19[%get3A_451, %get3A_452] {strides = array<i32>} : memref<128x64xf32, #tpu.memory_space<vmem>>, vector<16xf32>,
        %mul3A_454 = vector.broadcast %squeeze3A_438 : f32 to vector<16xf32>
        %mul3A_455 = arith.mulf %get3A_453, %mul3A_454 : vector<16xf32>
        %swap3A_456 = arith.index_cast %add3A_442 : i32 to index
        %swap3A_457 = arith.constant 16 : index
        %swap3A_458 = tpu.vector_load %arg19[%swap3A_456, %swap3A_457] {strides = array<i32>} : memref<128x64xf32, #tpu.memory_space<vmem>>, vector<16xf32>,
        tpu.vector_store %arg19[%swap3A_456, %swap3A_457], %mul3A_455 {strides = array<i32>} : memref<128x64xf32, #tpu.memory_space<vmem>>, vector<16xf32>,
        %get3A_459 = arith.index_cast %add3A_442 : i32 to index
        %get3A_460 = arith.constant 32 : index
        %get3A_461 = tpu.vector_load %arg19[%get3A_459, %get3A_460] {strides = array<i32>} : memref<128x64xf32, #tpu.memory_space<vmem>>, vector<16xf32>,
        %mul3A_462 = vector.broadcast %squeeze3A_438 : f32 to vector<16xf32>
        %mul3A_463 = arith.mulf %get3A_461, %mul3A_462 : vector<16xf32>
        %swap3A_464 = arith.index_cast %add3A_442 : i32 to index
        %swap3A_465 = arith.constant 32 : index
        %swap3A_466 = tpu.vector_load %arg19[%swap3A_464, %swap3A_465] {strides = array<i32>} : memref<128x64xf32, #tpu.memory_space<vmem>>, vector<16xf32>,
        tpu.vector_store %arg19[%swap3A_464, %swap3A_465], %mul3A_463 {strides = array<i32>} : memref<128x64xf32, #tpu.memory_space<vmem>>, vector<16xf32>,
        %get3A_467 = arith.index_cast %add3A_442 : i32 to index
        %get3A_468 = arith.constant 48 : index
        %get3A_469 = tpu.vector_load %arg19[%get3A_467, %get3A_468] {strides = array<i32>} : memref<128x64xf32, #tpu.memory_space<vmem>>, vector<16xf32>,
        %mul3A_470 = vector.broadcast %squeeze3A_438 : f32 to vector<16xf32>
        %mul3A_471 = arith.mulf %get3A_469, %mul3A_470 : vector<16xf32>
        %swap3A_472 = arith.index_cast %add3A_442 : i32 to index
        %swap3A_473 = arith.constant 48 : index
        %swap3A_474 = tpu.vector_load %arg19[%swap3A_472, %swap3A_473] {strides = array<i32>} : memref<128x64xf32, #tpu.memory_space<vmem>>, vector<16xf32>,
        tpu.vector_store %arg19[%swap3A_472, %swap3A_473], %mul3A_471 {strides = array<i32>} : memref<128x64xf32, #tpu.memory_space<vmem>>, vector<16xf32>,
        %slice3A_475 = vector.extract_strided_slice %get3A_172 {offsets = [8], sizes = [1], strides = [1]} : vector<16xf32> to vector<1xf32>
        %squeeze3A_476 = vector.extract %slice3A_475[0] : f32 from vector<1xf32>
        %mul3A_477 = arith.constant 16 : i32
        %mul3A_478 = arith.muli %scan3A_167, %mul3A_477 : i32
        %add3A_479 = arith.constant 8 : i32
        %add3A_480 = arith.addi %mul3A_478, %add3A_479 : i32
        %get3A_481 = arith.index_cast %add3A_480 : i32 to index
        %get3A_482 = arith.constant 0 : index
        %get3A_483 = tpu.vector_load %arg19[%get3A_481, %get3A_482] {strides = array<i32>} : memref<128x64xf32, #tpu.memory_space<vmem>>, vector<16xf32>,
        %mul3A_484 = vector.broadcast %squeeze3A_476 : f32 to vector<16xf32>
        %mul3A_485 = arith.mulf %get3A_483, %mul3A_484 : vector<16xf32>
        %swap3A_486 = arith.index_cast %add3A_480 : i32 to index
        %swap3A_487 = arith.constant 0 : index
        %swap3A_488 = tpu.vector_load %arg19[%swap3A_486, %swap3A_487] {strides = array<i32>} : memref<128x64xf32, #tpu.memory_space<vmem>>, vector<16xf32>,
        tpu.vector_store %arg19[%swap3A_486, %swap3A_487], %mul3A_485 {strides = array<i32>} : memref<128x64xf32, #tpu.memory_space<vmem>>, vector<16xf32>,
        %get3A_489 = arith.index_cast %add3A_480 : i32 to index
        %get3A_490 = arith.constant 16 : index
        %get3A_491 = tpu.vector_load %arg19[%get3A_489, %get3A_490] {strides = array<i32>} : memref<128x64xf32, #tpu.memory_space<vmem>>, vector<16xf32>,
        %mul3A_492 = vector.broadcast %squeeze3A_476 : f32 to vector<16xf32>
        %mul3A_493 = arith.mulf %get3A_491, %mul3A_492 : vector<16xf32>
        %swap3A_494 = arith.index_cast %add3A_480 : i32 to index
        %swap3A_495 = arith.constant 16 : index
        %swap3A_496 = tpu.vector_load %arg19[%swap3A_494, %swap3A_495] {strides = array<i32>} : memref<128x64xf32, #tpu.memory_space<vmem>>, vector<16xf32>,
        tpu.vector_store %arg19[%swap3A_494, %swap3A_495], %mul3A_493 {strides = array<i32>} : memref<128x64xf32, #tpu.memory_space<vmem>>, vector<16xf32>,
        %get3A_497 = arith.index_cast %add3A_480 : i32 to index
        %get3A_498 = arith.constant 32 : index
        %get3A_499 = tpu.vector_load %arg19[%get3A_497, %get3A_498] {strides = array<i32>} : memref<128x64xf32, #tpu.memory_space<vmem>>, vector<16xf32>,
        %mul3A_500 = vector.broadcast %squeeze3A_476 : f32 to vector<16xf32>
        %mul3A_501 = arith.mulf %get3A_499, %mul3A_500 : vector<16xf32>
        %swap3A_502 = arith.index_cast %add3A_480 : i32 to index
        %swap3A_503 = arith.constant 32 : index
        %swap3A_504 = tpu.vector_load %arg19[%swap3A_502, %swap3A_503] {strides = array<i32>} : memref<128x64xf32, #tpu.memory_space<vmem>>, vector<16xf32>,
        tpu.vector_store %arg19[%swap3A_502, %swap3A_503], %mul3A_501 {strides = array<i32>} : memref<128x64xf32, #tpu.memory_space<vmem>>, vector<16xf32>,
        %get3A_505 = arith.index_cast %add3A_480 : i32 to index
        %get3A_506 = arith.constant 48 : index
        %get3A_507 = tpu.vector_load %arg19[%get3A_505, %get3A_506] {strides = array<i32>} : memref<128x64xf32, #tpu.memory_space<vmem>>, vector<16xf32>,
        %mul3A_508 = vector.broadcast %squeeze3A_476 : f32 to vector<16xf32>
        %mul3A_509 = arith.mulf %get3A_507, %mul3A_508 : vector<16xf32>
        %swap3A_510 = arith.index_cast %add3A_480 : i32 to index
        %swap3A_511 = arith.constant 48 : index
        %swap3A_512 = tpu.vector_load %arg19[%swap3A_510, %swap3A_511] {strides = array<i32>} : memref<128x64xf32, #tpu.memory_space<vmem>>, vector<16xf32>,
        tpu.vector_store %arg19[%swap3A_510, %swap3A_511], %mul3A_509 {strides = array<i32>} : memref<128x64xf32, #tpu.memory_space<vmem>>, vector<16xf32>,
        %slice3A_513 = vector.extract_strided_slice %get3A_172 {offsets = [9], sizes = [1], strides = [1]} : vector<16xf32> to vector<1xf32>
        %squeeze3A_514 = vector.extract %slice3A_513[0] : f32 from vector<1xf32>
        %mul3A_515 = arith.constant 16 : i32
        %mul3A_516 = arith.muli %scan3A_167, %mul3A_515 : i32
        %add3A_517 = arith.constant 9 : i32
        %add3A_518 = arith.addi %mul3A_516, %add3A_517 : i32
        %get3A_519 = arith.index_cast %add3A_518 : i32 to index
        %get3A_520 = arith.constant 0 : index
        %get3A_521 = tpu.vector_load %arg19[%get3A_519, %get3A_520] {strides = array<i32>} : memref<128x64xf32, #tpu.memory_space<vmem>>, vector<16xf32>,
        %mul3A_522 = vector.broadcast %squeeze3A_514 : f32 to vector<16xf32>
        %mul3A_523 = arith.mulf %get3A_521, %mul3A_522 : vector<16xf32>
        %swap3A_524 = arith.index_cast %add3A_518 : i32 to index
        %swap3A_525 = arith.constant 0 : index
        %swap3A_526 = tpu.vector_load %arg19[%swap3A_524, %swap3A_525] {strides = array<i32>} : memref<128x64xf32, #tpu.memory_space<vmem>>, vector<16xf32>,
        tpu.vector_store %arg19[%swap3A_524, %swap3A_525], %mul3A_523 {strides = array<i32>} : memref<128x64xf32, #tpu.memory_space<vmem>>, vector<16xf32>,
        %get3A_527 = arith.index_cast %add3A_518 : i32 to index
        %get3A_528 = arith.constant 16 : index
        %get3A_529 = tpu.vector_load %arg19[%get3A_527, %get3A_528] {strides = array<i32>} : memref<128x64xf32, #tpu.memory_space<vmem>>, vector<16xf32>,
        %mul3A_530 = vector.broadcast %squeeze3A_514 : f32 to vector<16xf32>
        %mul3A_531 = arith.mulf %get3A_529, %mul3A_530 : vector<16xf32>
        %swap3A_532 = arith.index_cast %add3A_518 : i32 to index
        %swap3A_533 = arith.constant 16 : index
        %swap3A_534 = tpu.vector_load %arg19[%swap3A_532, %swap3A_533] {strides = array<i32>} : memref<128x64xf32, #tpu.memory_space<vmem>>, vector<16xf32>,
        tpu.vector_store %arg19[%swap3A_532, %swap3A_533], %mul3A_531 {strides = array<i32>} : memref<128x64xf32, #tpu.memory_space<vmem>>, vector<16xf32>,
        %get3A_535 = arith.index_cast %add3A_518 : i32 to index
        %get3A_536 = arith.constant 32 : index
        %get3A_537 = tpu.vector_load %arg19[%get3A_535, %get3A_536] {strides = array<i32>} : memref<128x64xf32, #tpu.memory_space<vmem>>, vector<16xf32>,
        %mul3A_538 = vector.broadcast %squeeze3A_514 : f32 to vector<16xf32>
        %mul3A_539 = arith.mulf %get3A_537, %mul3A_538 : vector<16xf32>
        %swap3A_540 = arith.index_cast %add3A_518 : i32 to index
        %swap3A_541 = arith.constant 32 : index
        %swap3A_542 = tpu.vector_load %arg19[%swap3A_540, %swap3A_541] {strides = array<i32>} : memref<128x64xf32, #tpu.memory_space<vmem>>, vector<16xf32>,
        tpu.vector_store %arg19[%swap3A_540, %swap3A_541], %mul3A_539 {strides = array<i32>} : memref<128x64xf32, #tpu.memory_space<vmem>>, vector<16xf32>,
        %get3A_543 = arith.index_cast %add3A_518 : i32 to index
        %get3A_544 = arith.constant 48 : index
        %get3A_545 = tpu.vector_load %arg19[%get3A_543, %get3A_544] {strides = array<i32>} : memref<128x64xf32, #tpu.memory_space<vmem>>, vector<16xf32>,
        %mul3A_546 = vector.broadcast %squeeze3A_514 : f32 to vector<16xf32>
        %mul3A_547 = arith.mulf %get3A_545, %mul3A_546 : vector<16xf32>
        %swap3A_548 = arith.index_cast %add3A_518 : i32 to index
        %swap3A_549 = arith.constant 48 : index
        %swap3A_550 = tpu.vector_load %arg19[%swap3A_548, %swap3A_549] {strides = array<i32>} : memref<128x64xf32, #tpu.memory_space<vmem>>, vector<16xf32>,
        tpu.vector_store %arg19[%swap3A_548, %swap3A_549], %mul3A_547 {strides = array<i32>} : memref<128x64xf32, #tpu.memory_space<vmem>>, vector<16xf32>,
        %slice3A_551 = vector.extract_strided_slice %get3A_172 {offsets = [10], sizes = [1], strides = [1]} : vector<16xf32> to vector<1xf32>
        %squeeze3A_552 = vector.extract %slice3A_551[0] : f32 from vector<1xf32>
        %mul3A_553 = arith.constant 16 : i32
        %mul3A_554 = arith.muli %scan3A_167, %mul3A_553 : i32
        %add3A_555 = arith.constant 10 : i32
        %add3A_556 = arith.addi %mul3A_554, %add3A_555 : i32
        %get3A_557 = arith.index_cast %add3A_556 : i32 to index
        %get3A_558 = arith.constant 0 : index
        %get3A_559 = tpu.vector_load %arg19[%get3A_557, %get3A_558] {strides = array<i32>} : memref<128x64xf32, #tpu.memory_space<vmem>>, vector<16xf32>,
        %mul3A_560 = vector.broadcast %squeeze3A_552 : f32 to vector<16xf32>
        %mul3A_561 = arith.mulf %get3A_559, %mul3A_560 : vector<16xf32>
        %swap3A_562 = arith.index_cast %add3A_556 : i32 to index
        %swap3A_563 = arith.constant 0 : index
        %swap3A_564 = tpu.vector_load %arg19[%swap3A_562, %swap3A_563] {strides = array<i32>} : memref<128x64xf32, #tpu.memory_space<vmem>>, vector<16xf32>,
        tpu.vector_store %arg19[%swap3A_562, %swap3A_563], %mul3A_561 {strides = array<i32>} : memref<128x64xf32, #tpu.memory_space<vmem>>, vector<16xf32>,
        %get3A_565 = arith.index_cast %add3A_556 : i32 to index
        %get3A_566 = arith.constant 16 : index
        %get3A_567 = tpu.vector_load %arg19[%get3A_565, %get3A_566] {strides = array<i32>} : memref<128x64xf32, #tpu.memory_space<vmem>>, vector<16xf32>,
        %mul3A_568 = vector.broadcast %squeeze3A_552 : f32 to vector<16xf32>
        %mul3A_569 = arith.mulf %get3A_567, %mul3A_568 : vector<16xf32>
        %swap3A_570 = arith.index_cast %add3A_556 : i32 to index
        %swap3A_571 = arith.constant 16 : index
        %swap3A_572 = tpu.vector_load %arg19[%swap3A_570, %swap3A_571] {strides = array<i32>} : memref<128x64xf32, #tpu.memory_space<vmem>>, vector<16xf32>,
        tpu.vector_store %arg19[%swap3A_570, %swap3A_571], %mul3A_569 {strides = array<i32>} : memref<128x64xf32, #tpu.memory_space<vmem>>, vector<16xf32>,
        %get3A_573 = arith.index_cast %add3A_556 : i32 to index
        %get3A_574 = arith.constant 32 : index
        %get3A_575 = tpu.vector_load %arg19[%get3A_573, %get3A_574] {strides = array<i32>} : memref<128x64xf32, #tpu.memory_space<vmem>>, vector<16xf32>,
        %mul3A_576 = vector.broadcast %squeeze3A_552 : f32 to vector<16xf32>
        %mul3A_577 = arith.mulf %get3A_575, %mul3A_576 : vector<16xf32>
        %swap3A_578 = arith.index_cast %add3A_556 : i32 to index
        %swap3A_579 = arith.constant 32 : index
        %swap3A_580 = tpu.vector_load %arg19[%swap3A_578, %swap3A_579] {strides = array<i32>} : memref<128x64xf32, #tpu.memory_space<vmem>>, vector<16xf32>,
        tpu.vector_store %arg19[%swap3A_578, %swap3A_579], %mul3A_577 {strides = array<i32>} : memref<128x64xf32, #tpu.memory_space<vmem>>, vector<16xf32>,
        %get3A_581 = arith.index_cast %add3A_556 : i32 to index
        %get3A_582 = arith.constant 48 : index
        %get3A_583 = tpu.vector_load %arg19[%get3A_581, %get3A_582] {strides = array<i32>} : memref<128x64xf32, #tpu.memory_space<vmem>>, vector<16xf32>,
        %mul3A_584 = vector.broadcast %squeeze3A_552 : f32 to vector<16xf32>
        %mul3A_585 = arith.mulf %get3A_583, %mul3A_584 : vector<16xf32>
        %swap3A_586 = arith.index_cast %add3A_556 : i32 to index
        %swap3A_587 = arith.constant 48 : index
        %swap3A_588 = tpu.vector_load %arg19[%swap3A_586, %swap3A_587] {strides = array<i32>} : memref<128x64xf32, #tpu.memory_space<vmem>>, vector<16xf32>,
        tpu.vector_store %arg19[%swap3A_586, %swap3A_587], %mul3A_585 {strides = array<i32>} : memref<128x64xf32, #tpu.memory_space<vmem>>, vector<16xf32>,
        %slice3A_589 = vector.extract_strided_slice %get3A_172 {offsets = [11], sizes = [1], strides = [1]} : vector<16xf32> to vector<1xf32>
        %squeeze3A_590 = vector.extract %slice3A_589[0] : f32 from vector<1xf32>
        %mul3A_591 = arith.constant 16 : i32
        %mul3A_592 = arith.muli %scan3A_167, %mul3A_591 : i32
        %add3A_593 = arith.constant 11 : i32
        %add3A_594 = arith.addi %mul3A_592, %add3A_593 : i32
        %get3A_595 = arith.index_cast %add3A_594 : i32 to index
        %get3A_596 = arith.constant 0 : index
        %get3A_597 = tpu.vector_load %arg19[%get3A_595, %get3A_596] {strides = array<i32>} : memref<128x64xf32, #tpu.memory_space<vmem>>, vector<16xf32>,
        %mul3A_598 = vector.broadcast %squeeze3A_590 : f32 to vector<16xf32>
        %mul3A_599 = arith.mulf %get3A_597, %mul3A_598 : vector<16xf32>
        %swap3A_600 = arith.index_cast %add3A_594 : i32 to index
        %swap3A_601 = arith.constant 0 : index
        %swap3A_602 = tpu.vector_load %arg19[%swap3A_600, %swap3A_601] {strides = array<i32>} : memref<128x64xf32, #tpu.memory_space<vmem>>, vector<16xf32>,
        tpu.vector_store %arg19[%swap3A_600, %swap3A_601], %mul3A_599 {strides = array<i32>} : memref<128x64xf32, #tpu.memory_space<vmem>>, vector<16xf32>,
        %get3A_603 = arith.index_cast %add3A_594 : i32 to index
        %get3A_604 = arith.constant 16 : index
        %get3A_605 = tpu.vector_load %arg19[%get3A_603, %get3A_604] {strides = array<i32>} : memref<128x64xf32, #tpu.memory_space<vmem>>, vector<16xf32>,
        %mul3A_606 = vector.broadcast %squeeze3A_590 : f32 to vector<16xf32>
        %mul3A_607 = arith.mulf %get3A_605, %mul3A_606 : vector<16xf32>
        %swap3A_608 = arith.index_cast %add3A_594 : i32 to index
        %swap3A_609 = arith.constant 16 : index
        %swap3A_610 = tpu.vector_load %arg19[%swap3A_608, %swap3A_609] {strides = array<i32>} : memref<128x64xf32, #tpu.memory_space<vmem>>, vector<16xf32>,
        tpu.vector_store %arg19[%swap3A_608, %swap3A_609], %mul3A_607 {strides = array<i32>} : memref<128x64xf32, #tpu.memory_space<vmem>>, vector<16xf32>,
        %get3A_611 = arith.index_cast %add3A_594 : i32 to index
        %get3A_612 = arith.constant 32 : index
        %get3A_613 = tpu.vector_load %arg19[%get3A_611, %get3A_612] {strides = array<i32>} : memref<128x64xf32, #tpu.memory_space<vmem>>, vector<16xf32>,
        %mul3A_614 = vector.broadcast %squeeze3A_590 : f32 to vector<16xf32>
        %mul3A_615 = arith.mulf %get3A_613, %mul3A_614 : vector<16xf32>
        %swap3A_616 = arith.index_cast %add3A_594 : i32 to index
        %swap3A_617 = arith.constant 32 : index
        %swap3A_618 = tpu.vector_load %arg19[%swap3A_616, %swap3A_617] {strides = array<i32>} : memref<128x64xf32, #tpu.memory_space<vmem>>, vector<16xf32>,
        tpu.vector_store %arg19[%swap3A_616, %swap3A_617], %mul3A_615 {strides = array<i32>} : memref<128x64xf32, #tpu.memory_space<vmem>>, vector<16xf32>,
        %get3A_619 = arith.index_cast %add3A_594 : i32 to index
        %get3A_620 = arith.constant 48 : index
        %get3A_621 = tpu.vector_load %arg19[%get3A_619, %get3A_620] {strides = array<i32>} : memref<128x64xf32, #tpu.memory_space<vmem>>, vector<16xf32>,
        %mul3A_622 = vector.broadcast %squeeze3A_590 : f32 to vector<16xf32>
        %mul3A_623 = arith.mulf %get3A_621, %mul3A_622 : vector<16xf32>
        %swap3A_624 = arith.index_cast %add3A_594 : i32 to index
        %swap3A_625 = arith.constant 48 : index
        %swap3A_626 = tpu.vector_load %arg19[%swap3A_624, %swap3A_625] {strides = array<i32>} : memref<128x64xf32, #tpu.memory_space<vmem>>, vector<16xf32>,
        tpu.vector_store %arg19[%swap3A_624, %swap3A_625], %mul3A_623 {strides = array<i32>} : memref<128x64xf32, #tpu.memory_space<vmem>>, vector<16xf32>,
        %slice3A_627 = vector.extract_strided_slice %get3A_172 {offsets = [12], sizes = [1], strides = [1]} : vector<16xf32> to vector<1xf32>
        %squeeze3A_628 = vector.extract %slice3A_627[0] : f32 from vector<1xf32>
        %mul3A_629 = arith.constant 16 : i32
        %mul3A_630 = arith.muli %scan3A_167, %mul3A_629 : i32
        %add3A_631 = arith.constant 12 : i32
        %add3A_632 = arith.addi %mul3A_630, %add3A_631 : i32
        %get3A_633 = arith.index_cast %add3A_632 : i32 to index
        %get3A_634 = arith.constant 0 : index
        %get3A_635 = tpu.vector_load %arg19[%get3A_633, %get3A_634] {strides = array<i32>} : memref<128x64xf32, #tpu.memory_space<vmem>>, vector<16xf32>,
        %mul3A_636 = vector.broadcast %squeeze3A_628 : f32 to vector<16xf32>
        %mul3A_637 = arith.mulf %get3A_635, %mul3A_636 : vector<16xf32>
        %swap3A_638 = arith.index_cast %add3A_632 : i32 to index
        %swap3A_639 = arith.constant 0 : index
        %swap3A_640 = tpu.vector_load %arg19[%swap3A_638, %swap3A_639] {strides = array<i32>} : memref<128x64xf32, #tpu.memory_space<vmem>>, vector<16xf32>,
        tpu.vector_store %arg19[%swap3A_638, %swap3A_639], %mul3A_637 {strides = array<i32>} : memref<128x64xf32, #tpu.memory_space<vmem>>, vector<16xf32>,
        %get3A_641 = arith.index_cast %add3A_632 : i32 to index
        %get3A_642 = arith.constant 16 : index
        %get3A_643 = tpu.vector_load %arg19[%get3A_641, %get3A_642] {strides = array<i32>} : memref<128x64xf32, #tpu.memory_space<vmem>>, vector<16xf32>,
        %mul3A_644 = vector.broadcast %squeeze3A_628 : f32 to vector<16xf32>
        %mul3A_645 = arith.mulf %get3A_643, %mul3A_644 : vector<16xf32>
        %swap3A_646 = arith.index_cast %add3A_632 : i32 to index
        %swap3A_647 = arith.constant 16 : index
        %swap3A_648 = tpu.vector_load %arg19[%swap3A_646, %swap3A_647] {strides = array<i32>} : memref<128x64xf32, #tpu.memory_space<vmem>>, vector<16xf32>,
        tpu.vector_store %arg19[%swap3A_646, %swap3A_647], %mul3A_645 {strides = array<i32>} : memref<128x64xf32, #tpu.memory_space<vmem>>, vector<16xf32>,
        %get3A_649 = arith.index_cast %add3A_632 : i32 to index
        %get3A_650 = arith.constant 32 : index
        %get3A_651 = tpu.vector_load %arg19[%get3A_649, %get3A_650] {strides = array<i32>} : memref<128x64xf32, #tpu.memory_space<vmem>>, vector<16xf32>,
        %mul3A_652 = vector.broadcast %squeeze3A_628 : f32 to vector<16xf32>
        %mul3A_653 = arith.mulf %get3A_651, %mul3A_652 : vector<16xf32>
        %swap3A_654 = arith.index_cast %add3A_632 : i32 to index
        %swap3A_655 = arith.constant 32 : index
        %swap3A_656 = tpu.vector_load %arg19[%swap3A_654, %swap3A_655] {strides = array<i32>} : memref<128x64xf32, #tpu.memory_space<vmem>>, vector<16xf32>,
        tpu.vector_store %arg19[%swap3A_654, %swap3A_655], %mul3A_653 {strides = array<i32>} : memref<128x64xf32, #tpu.memory_space<vmem>>, vector<16xf32>,
        %get3A_657 = arith.index_cast %add3A_632 : i32 to index
        %get3A_658 = arith.constant 48 : index
        %get3A_659 = tpu.vector_load %arg19[%get3A_657, %get3A_658] {strides = array<i32>} : memref<128x64xf32, #tpu.memory_space<vmem>>, vector<16xf32>,
        %mul3A_660 = vector.broadcast %squeeze3A_628 : f32 to vector<16xf32>
        %mul3A_661 = arith.mulf %get3A_659, %mul3A_660 : vector<16xf32>
        %swap3A_662 = arith.index_cast %add3A_632 : i32 to index
        %swap3A_663 = arith.constant 48 : index
        %swap3A_664 = tpu.vector_load %arg19[%swap3A_662, %swap3A_663] {strides = array<i32>} : memref<128x64xf32, #tpu.memory_space<vmem>>, vector<16xf32>,
        tpu.vector_store %arg19[%swap3A_662, %swap3A_663], %mul3A_661 {strides = array<i32>} : memref<128x64xf32, #tpu.memory_space<vmem>>, vector<16xf32>,
        %slice3A_665 = vector.extract_strided_slice %get3A_172 {offsets = [13], sizes = [1], strides = [1]} : vector<16xf32> to vector<1xf32>
        %squeeze3A_666 = vector.extract %slice3A_665[0] : f32 from vector<1xf32>
        %mul3A_667 = arith.constant 16 : i32
        %mul3A_668 = arith.muli %scan3A_167, %mul3A_667 : i32
        %add3A_669 = arith.constant 13 : i32
        %add3A_670 = arith.addi %mul3A_668, %add3A_669 : i32
        %get3A_671 = arith.index_cast %add3A_670 : i32 to index
        %get3A_672 = arith.constant 0 : index
        %get3A_673 = tpu.vector_load %arg19[%get3A_671, %get3A_672] {strides = array<i32>} : memref<128x64xf32, #tpu.memory_space<vmem>>, vector<16xf32>,
        %mul3A_674 = vector.broadcast %squeeze3A_666 : f32 to vector<16xf32>
        %mul3A_675 = arith.mulf %get3A_673, %mul3A_674 : vector<16xf32>
        %swap3A_676 = arith.index_cast %add3A_670 : i32 to index
        %swap3A_677 = arith.constant 0 : index
        %swap3A_678 = tpu.vector_load %arg19[%swap3A_676, %swap3A_677] {strides = array<i32>} : memref<128x64xf32, #tpu.memory_space<vmem>>, vector<16xf32>,
        tpu.vector_store %arg19[%swap3A_676, %swap3A_677], %mul3A_675 {strides = array<i32>} : memref<128x64xf32, #tpu.memory_space<vmem>>, vector<16xf32>,
        %get3A_679 = arith.index_cast %add3A_670 : i32 to index
        %get3A_680 = arith.constant 16 : index
        %get3A_681 = tpu.vector_load %arg19[%get3A_679, %get3A_680] {strides = array<i32>} : memref<128x64xf32, #tpu.memory_space<vmem>>, vector<16xf32>,
        %mul3A_682 = vector.broadcast %squeeze3A_666 : f32 to vector<16xf32>
        %mul3A_683 = arith.mulf %get3A_681, %mul3A_682 : vector<16xf32>
        %swap3A_684 = arith.index_cast %add3A_670 : i32 to index
        %swap3A_685 = arith.constant 16 : index
        %swap3A_686 = tpu.vector_load %arg19[%swap3A_684, %swap3A_685] {strides = array<i32>} : memref<128x64xf32, #tpu.memory_space<vmem>>, vector<16xf32>,
        tpu.vector_store %arg19[%swap3A_684, %swap3A_685], %mul3A_683 {strides = array<i32>} : memref<128x64xf32, #tpu.memory_space<vmem>>, vector<16xf32>,
        %get3A_687 = arith.index_cast %add3A_670 : i32 to index
        %get3A_688 = arith.constant 32 : index
        %get3A_689 = tpu.vector_load %arg19[%get3A_687, %get3A_688] {strides = array<i32>} : memref<128x64xf32, #tpu.memory_space<vmem>>, vector<16xf32>,
        %mul3A_690 = vector.broadcast %squeeze3A_666 : f32 to vector<16xf32>
        %mul3A_691 = arith.mulf %get3A_689, %mul3A_690 : vector<16xf32>
        %swap3A_692 = arith.index_cast %add3A_670 : i32 to index
        %swap3A_693 = arith.constant 32 : index
        %swap3A_694 = tpu.vector_load %arg19[%swap3A_692, %swap3A_693] {strides = array<i32>} : memref<128x64xf32, #tpu.memory_space<vmem>>, vector<16xf32>,
        tpu.vector_store %arg19[%swap3A_692, %swap3A_693], %mul3A_691 {strides = array<i32>} : memref<128x64xf32, #tpu.memory_space<vmem>>, vector<16xf32>,
        %get3A_695 = arith.index_cast %add3A_670 : i32 to index
        %get3A_696 = arith.constant 48 : index
        %get3A_697 = tpu.vector_load %arg19[%get3A_695, %get3A_696] {strides = array<i32>} : memref<128x64xf32, #tpu.memory_space<vmem>>, vector<16xf32>,
        %mul3A_698 = vector.broadcast %squeeze3A_666 : f32 to vector<16xf32>
        %mul3A_699 = arith.mulf %get3A_697, %mul3A_698 : vector<16xf32>
        %swap3A_700 = arith.index_cast %add3A_670 : i32 to index
        %swap3A_701 = arith.constant 48 : index
        %swap3A_702 = tpu.vector_load %arg19[%swap3A_700, %swap3A_701] {strides = array<i32>} : memref<128x64xf32, #tpu.memory_space<vmem>>, vector<16xf32>,
        tpu.vector_store %arg19[%swap3A_700, %swap3A_701], %mul3A_699 {strides = array<i32>} : memref<128x64xf32, #tpu.memory_space<vmem>>, vector<16xf32>,
        %slice3A_703 = vector.extract_strided_slice %get3A_172 {offsets = [14], sizes = [1], strides = [1]} : vector<16xf32> to vector<1xf32>
        %squeeze3A_704 = vector.extract %slice3A_703[0] : f32 from vector<1xf32>
        %mul3A_705 = arith.constant 16 : i32
        %mul3A_706 = arith.muli %scan3A_167, %mul3A_705 : i32
        %add3A_707 = arith.constant 14 : i32
        %add3A_708 = arith.addi %mul3A_706, %add3A_707 : i32
        %get3A_709 = arith.index_cast %add3A_708 : i32 to index
        %get3A_710 = arith.constant 0 : index
        %get3A_711 = tpu.vector_load %arg19[%get3A_709, %get3A_710] {strides = array<i32>} : memref<128x64xf32, #tpu.memory_space<vmem>>, vector<16xf32>,
        %mul3A_712 = vector.broadcast %squeeze3A_704 : f32 to vector<16xf32>
        %mul3A_713 = arith.mulf %get3A_711, %mul3A_712 : vector<16xf32>
        %swap3A_714 = arith.index_cast %add3A_708 : i32 to index
        %swap3A_715 = arith.constant 0 : index
        %swap3A_716 = tpu.vector_load %arg19[%swap3A_714, %swap3A_715] {strides = array<i32>} : memref<128x64xf32, #tpu.memory_space<vmem>>, vector<16xf32>,
        tpu.vector_store %arg19[%swap3A_714, %swap3A_715], %mul3A_713 {strides = array<i32>} : memref<128x64xf32, #tpu.memory_space<vmem>>, vector<16xf32>,
        %get3A_717 = arith.index_cast %add3A_708 : i32 to index
        %get3A_718 = arith.constant 16 : index
        %get3A_719 = tpu.vector_load %arg19[%get3A_717, %get3A_718] {strides = array<i32>} : memref<128x64xf32, #tpu.memory_space<vmem>>, vector<16xf32>,
        %mul3A_720 = vector.broadcast %squeeze3A_704 : f32 to vector<16xf32>
        %mul3A_721 = arith.mulf %get3A_719, %mul3A_720 : vector<16xf32>
        %swap3A_722 = arith.index_cast %add3A_708 : i32 to index
        %swap3A_723 = arith.constant 16 : index
        %swap3A_724 = tpu.vector_load %arg19[%swap3A_722, %swap3A_723] {strides = array<i32>} : memref<128x64xf32, #tpu.memory_space<vmem>>, vector<16xf32>,
        tpu.vector_store %arg19[%swap3A_722, %swap3A_723], %mul3A_721 {strides = array<i32>} : memref<128x64xf32, #tpu.memory_space<vmem>>, vector<16xf32>,
        %get3A_725 = arith.index_cast %add3A_708 : i32 to index
        %get3A_726 = arith.constant 32 : index
        %get3A_727 = tpu.vector_load %arg19[%get3A_725, %get3A_726] {strides = array<i32>} : memref<128x64xf32, #tpu.memory_space<vmem>>, vector<16xf32>,
        %mul3A_728 = vector.broadcast %squeeze3A_704 : f32 to vector<16xf32>
        %mul3A_729 = arith.mulf %get3A_727, %mul3A_728 : vector<16xf32>
        %swap3A_730 = arith.index_cast %add3A_708 : i32 to index
        %swap3A_731 = arith.constant 32 : index
        %swap3A_732 = tpu.vector_load %arg19[%swap3A_730, %swap3A_731] {strides = array<i32>} : memref<128x64xf32, #tpu.memory_space<vmem>>, vector<16xf32>,
        tpu.vector_store %arg19[%swap3A_730, %swap3A_731], %mul3A_729 {strides = array<i32>} : memref<128x64xf32, #tpu.memory_space<vmem>>, vector<16xf32>,
        %get3A_733 = arith.index_cast %add3A_708 : i32 to index
        %get3A_734 = arith.constant 48 : index
        %get3A_735 = tpu.vector_load %arg19[%get3A_733, %get3A_734] {strides = array<i32>} : memref<128x64xf32, #tpu.memory_space<vmem>>, vector<16xf32>,
        %mul3A_736 = vector.broadcast %squeeze3A_704 : f32 to vector<16xf32>
        %mul3A_737 = arith.mulf %get3A_735, %mul3A_736 : vector<16xf32>
        %swap3A_738 = arith.index_cast %add3A_708 : i32 to index
        %swap3A_739 = arith.constant 48 : index
        %swap3A_740 = tpu.vector_load %arg19[%swap3A_738, %swap3A_739] {strides = array<i32>} : memref<128x64xf32, #tpu.memory_space<vmem>>, vector<16xf32>,
        tpu.vector_store %arg19[%swap3A_738, %swap3A_739], %mul3A_737 {strides = array<i32>} : memref<128x64xf32, #tpu.memory_space<vmem>>, vector<16xf32>,
        %slice3A_741 = vector.extract_strided_slice %get3A_172 {offsets = [15], sizes = [1], strides = [1]} : vector<16xf32> to vector<1xf32>
        %squeeze3A_742 = vector.extract %slice3A_741[0] : f32 from vector<1xf32>
        %mul3A_743 = arith.constant 16 : i32
        %mul3A_744 = arith.muli %scan3A_167, %mul3A_743 : i32
        %add3A_745 = arith.constant 15 : i32
        %add3A_746 = arith.addi %mul3A_744, %add3A_745 : i32
        %get3A_747 = arith.index_cast %add3A_746 : i32 to index
        %get3A_748 = arith.constant 0 : index
        %get3A_749 = tpu.vector_load %arg19[%get3A_747, %get3A_748] {strides = array<i32>} : memref<128x64xf32, #tpu.memory_space<vmem>>, vector<16xf32>,
        %mul3A_750 = vector.broadcast %squeeze3A_742 : f32 to vector<16xf32>
        %mul3A_751 = arith.mulf %get3A_749, %mul3A_750 : vector<16xf32>
        %swap3A_752 = arith.index_cast %add3A_746 : i32 to index
        %swap3A_753 = arith.constant 0 : index
        %swap3A_754 = tpu.vector_load %arg19[%swap3A_752, %swap3A_753] {strides = array<i32>} : memref<128x64xf32, #tpu.memory_space<vmem>>, vector<16xf32>,
        tpu.vector_store %arg19[%swap3A_752, %swap3A_753], %mul3A_751 {strides = array<i32>} : memref<128x64xf32, #tpu.memory_space<vmem>>, vector<16xf32>,
        %get3A_755 = arith.index_cast %add3A_746 : i32 to index
        %get3A_756 = arith.constant 16 : index
        %get3A_757 = tpu.vector_load %arg19[%get3A_755, %get3A_756] {strides = array<i32>} : memref<128x64xf32, #tpu.memory_space<vmem>>, vector<16xf32>,
        %mul3A_758 = vector.broadcast %squeeze3A_742 : f32 to vector<16xf32>
        %mul3A_759 = arith.mulf %get3A_757, %mul3A_758 : vector<16xf32>
        %swap3A_760 = arith.index_cast %add3A_746 : i32 to index
        %swap3A_761 = arith.constant 16 : index
        %swap3A_762 = tpu.vector_load %arg19[%swap3A_760, %swap3A_761] {strides = array<i32>} : memref<128x64xf32, #tpu.memory_space<vmem>>, vector<16xf32>,
        tpu.vector_store %arg19[%swap3A_760, %swap3A_761], %mul3A_759 {strides = array<i32>} : memref<128x64xf32, #tpu.memory_space<vmem>>, vector<16xf32>,
        %get3A_763 = arith.index_cast %add3A_746 : i32 to index
        %get3A_764 = arith.constant 32 : index
        %get3A_765 = tpu.vector_load %arg19[%get3A_763, %get3A_764] {strides = array<i32>} : memref<128x64xf32, #tpu.memory_space<vmem>>, vector<16xf32>,
        %mul3A_766 = vector.broadcast %squeeze3A_742 : f32 to vector<16xf32>
        %mul3A_767 = arith.mulf %get3A_765, %mul3A_766 : vector<16xf32>
        %swap3A_768 = arith.index_cast %add3A_746 : i32 to index
        %swap3A_769 = arith.constant 32 : index
        %swap3A_770 = tpu.vector_load %arg19[%swap3A_768, %swap3A_769] {strides = array<i32>} : memref<128x64xf32, #tpu.memory_space<vmem>>, vector<16xf32>,
        tpu.vector_store %arg19[%swap3A_768, %swap3A_769], %mul3A_767 {strides = array<i32>} : memref<128x64xf32, #tpu.memory_space<vmem>>, vector<16xf32>,
        %get3A_771 = arith.index_cast %add3A_746 : i32 to index
        %get3A_772 = arith.constant 48 : index
        %get3A_773 = tpu.vector_load %arg19[%get3A_771, %get3A_772] {strides = array<i32>} : memref<128x64xf32, #tpu.memory_space<vmem>>, vector<16xf32>,
        %mul3A_774 = vector.broadcast %squeeze3A_742 : f32 to vector<16xf32>
        %mul3A_775 = arith.mulf %get3A_773, %mul3A_774 : vector<16xf32>
        %swap3A_776 = arith.index_cast %add3A_746 : i32 to index
        %swap3A_777 = arith.constant 48 : index
        %swap3A_778 = tpu.vector_load %arg19[%swap3A_776, %swap3A_777] {strides = array<i32>} : memref<128x64xf32, #tpu.memory_space<vmem>>, vector<16xf32>,
        tpu.vector_store %arg19[%swap3A_776, %swap3A_777], %mul3A_775 {strides = array<i32>} : memref<128x64xf32, #tpu.memory_space<vmem>>, vector<16xf32>,
        %scan3A_779 = arith.constant 0 : i32
        scf.yield %scan3A_779 : i32
      }
      %scan3A_144 = arith.constant 8 : i32
      "tpu.region"() ({
        %run_scoped3A = tpu.sem_alloc : memref<!tpu.dma_semaphore, #tpu.memory_space<semaphore_mem>>
        %dma_start3A_167 = arith.constant 0 : i32
        %dma_start3A_168 = tpu.memref_slice %arg13[%mul3A_124, %dma_start3A_167] : memref<160x128xi32, #tpu.memory_space<vmem>> -> memref<1x128xi32, #tpu.memory_space<vmem>>
        %dma_start3A_169 = tpu.memref_squeeze %dma_start3A_168 : memref<1x128xi32, #tpu.memory_space<vmem>> -> memref<128xi32, #tpu.memory_space<vmem>>
        %dma_start3A_170 = arith.constant 0 : i32
        %dma_start3A_171 = arith.constant 0 : i32
        %dma_start3A_172 = tpu.memref_slice %arg26[%dma_start3A_170, %dma_start3A_171] : memref<10240x64xf32, #tpu.memory_space<vmem_shared>> -> memref<10240x64xf32, #tpu.memory_space<vmem_shared>>
        tpu.enqueue_indirect_dma source(%arg19 : memref<128x64xf32, #tpu.memory_space<vmem>>) target(%dma_start3A_172 : memref<10240x64xf32, #tpu.memory_space<vmem_shared>>) offsets(%dma_start3A_169 : memref<128xi32, #tpu.memory_space<vmem>>) semaphore(%run_scoped3A : memref<!tpu.dma_semaphore, #tpu.memory_space<semaphore_mem>>) {add = true}
        %dma_wait3A_173 = arith.constant 0 : i32
        %dma_wait3A_174 = tpu.memref_slice %arg13[%mul3A_124, %dma_wait3A_173] : memref<160x128xi32, #tpu.memory_space<vmem>> -> memref<1x128xi32, #tpu.memory_space<vmem>>
        %dma_wait3A_175 = tpu.memref_squeeze %dma_wait3A_174 : memref<1x128xi32, #tpu.memory_space<vmem>> -> memref<128xi32, #tpu.memory_space<vmem>>
        %dma_wait3A_176 = arith.constant 0 : i32
        %dma_wait3A_177 = arith.constant 0 : i32
        %dma_wait3A_178 = tpu.memref_slice %arg26[%dma_wait3A_176, %dma_wait3A_177] : memref<10240x64xf32, #tpu.memory_space<vmem_shared>> -> memref<10240x64xf32, #tpu.memory_space<vmem_shared>>
        tpu.wait_indirect_dma semaphore(%run_scoped3A : memref<!tpu.dma_semaphore, #tpu.memory_space<semaphore_mem>>) src(%arg19 : memref<128x64xf32, #tpu.memory_space<vmem>>) dst(%dma_wait3A_178 : memref<10240x64xf32, #tpu.memory_space<vmem_shared>>)
        tpu.yield
      }) : () -> ()
      %lt3A = arith.constant 79 : i32
      %lt3A_145 = arith.cmpi slt, %scan3A_121, %lt3A : i32
      %convert_element_type3A = arith.extui %lt3A_145 : i1 to i32
      %cond3A = arith.constant 0 : i32
      %cond3A_146 = arith.cmpi ne, %convert_element_type3A, %cond3A : i32
      scf.if %cond3A_146 {
        %add3A_167 = arith.constant 2 : i32
        %add3A_168 = arith.addi %mul3A_124, %add3A_167 : i32
        %dma_start3A_169 = arith.constant 0 : i32
        %dma_start3A_170 = tpu.memref_slice %arg12[%add3A_168, %dma_start3A_169] : memref<160x128xi32, #tpu.memory_space<vmem>> -> memref<1x128xi32, #tpu.memory_space<vmem>>
        %dma_start3A_171 = tpu.memref_squeeze %dma_start3A_170 : memref<1x128xi32, #tpu.memory_space<vmem>> -> memref<128xi32, #tpu.memory_space<vmem>>
        %dma_start3A_172 = arith.constant 0 : i32
        %dma_start3A_173 = arith.constant 0 : i32
        %dma_start3A_174 = tpu.memref_slice %arg2[%dma_start3A_172, %dma_start3A_173] : memref<20480x64xf32, #tpu.memory_space<hbm>> -> memref<20480x64xf32, #tpu.memory_space<hbm>>
        tpu.enqueue_indirect_dma source(%dma_start3A_174 : memref<20480x64xf32, #tpu.memory_space<hbm>>) target(%arg19 : memref<128x64xf32, #tpu.memory_space<vmem>>) offsets(%dma_start3A_171 : memref<128xi32, #tpu.memory_space<vmem>>) semaphore(%arg23 : memref<!tpu.dma_semaphore, #tpu.memory_space<semaphore_mem>>)
      } else {
      }
      %add3A_147 = arith.constant 1 : i32
      %add3A_148 = arith.addi %mul3A_124, %add3A_147 : i32
      %dma_wait3A_149 = arith.constant 0 : i32
      %dma_wait3A_150 = tpu.memref_slice %arg12[%add3A_148, %dma_wait3A_149] : memref<160x128xi32, #tpu.memory_space<vmem>> -> memref<1x128xi32, #tpu.memory_space<vmem>>
      %dma_wait3A_151 = tpu.memref_squeeze %dma_wait3A_150 : memref<1x128xi32, #tpu.memory_space<vmem>> -> memref<128xi32, #tpu.memory_space<vmem>>
      %dma_wait3A_152 = arith.constant 0 : i32
      %dma_wait3A_153 = arith.constant 0 : i32
      %dma_wait3A_154 = tpu.memref_slice %arg2[%dma_wait3A_152, %dma_wait3A_153] : memref<20480x64xf32, #tpu.memory_space<hbm>> -> memref<20480x64xf32, #tpu.memory_space<hbm>>
      tpu.wait_indirect_dma semaphore(%arg24 : memref<!tpu.dma_semaphore, #tpu.memory_space<semaphore_mem>>) src(%dma_wait3A_154 : memref<20480x64xf32, #tpu.memory_space<hbm>>) dst(%arg20 : memref<128x64xf32, #tpu.memory_space<vmem>>)
      %add3A_155 = arith.constant 1 : i32
      %add3A_156 = arith.addi %mul3A_124, %add3A_155 : i32
      %scan3A_157 = arith.constant 0 : i32
      %scan3A_158 = arith.constant 0 : i32
      %scan3A_159 = arith.constant 8 : i32
      %scan3A_160 = arith.addi %scan3A_158, %scan3A_159 : i32
      %scan3A_161 = arith.constant 1 : i32
      %scan3A_162 = scf.for %scan3A_167 = %scan3A_158 to %scan3A_160 step %scan3A_161 iter_args(%scan3A_168 = %scan3A_157) -> (i32)  : i32 {
        %mul3A_169 = arith.constant 16 : i32
        %mul3A_170 = arith.muli %scan3A_167, %mul3A_169 : i32
        %get3A = arith.index_cast %add3A_156 : i32 to index
        %get3A_171 = arith.index_cast %mul3A_170 : i32 to index
        %get3A_172 = tpu.vector_load %arg14[%get3A, %get3A_171] {strides = array<i32>} : memref<160x128xf32, #tpu.memory_space<vmem>>, vector<16xf32>,
        %slice3A = vector.extract_strided_slice %get3A_172 {offsets = [0], sizes = [1], strides = [1]} : vector<16xf32> to vector<1xf32>
        %squeeze3A = vector.extract %slice3A[0] : f32 from vector<1xf32>
        %mul3A_173 = arith.constant 16 : i32
        %mul3A_174 = arith.muli %scan3A_167, %mul3A_173 : i32
        %add3A_175 = arith.constant 0 : i32
        %add3A_176 = arith.addi %mul3A_174, %add3A_175 : i32
        %get3A_177 = arith.index_cast %add3A_176 : i32 to index
        %get3A_178 = arith.constant 0 : index
        %get3A_179 = tpu.vector_load %arg20[%get3A_177, %get3A_178] {strides = array<i32>} : memref<128x64xf32, #tpu.memory_space<vmem>>, vector<16xf32>,
        %mul3A_180 = vector.broadcast %squeeze3A : f32 to vector<16xf32>
        %mul3A_181 = arith.mulf %get3A_179, %mul3A_180 : vector<16xf32>
        %swap3A_182 = arith.index_cast %add3A_176 : i32 to index
        %swap3A_183 = arith.constant 0 : index
        %swap3A_184 = tpu.vector_load %arg20[%swap3A_182, %swap3A_183] {strides = array<i32>} : memref<128x64xf32, #tpu.memory_space<vmem>>, vector<16xf32>,
        tpu.vector_store %arg20[%swap3A_182, %swap3A_183], %mul3A_181 {strides = array<i32>} : memref<128x64xf32, #tpu.memory_space<vmem>>, vector<16xf32>,
        %get3A_185 = arith.index_cast %add3A_176 : i32 to index
        %get3A_186 = arith.constant 16 : index
        %get3A_187 = tpu.vector_load %arg20[%get3A_185, %get3A_186] {strides = array<i32>} : memref<128x64xf32, #tpu.memory_space<vmem>>, vector<16xf32>,
        %mul3A_188 = vector.broadcast %squeeze3A : f32 to vector<16xf32>
        %mul3A_189 = arith.mulf %get3A_187, %mul3A_188 : vector<16xf32>
        %swap3A_190 = arith.index_cast %add3A_176 : i32 to index
        %swap3A_191 = arith.constant 16 : index
        %swap3A_192 = tpu.vector_load %arg20[%swap3A_190, %swap3A_191] {strides = array<i32>} : memref<128x64xf32, #tpu.memory_space<vmem>>, vector<16xf32>,
        tpu.vector_store %arg20[%swap3A_190, %swap3A_191], %mul3A_189 {strides = array<i32>} : memref<128x64xf32, #tpu.memory_space<vmem>>, vector<16xf32>,
        %get3A_193 = arith.index_cast %add3A_176 : i32 to index
        %get3A_194 = arith.constant 32 : index
        %get3A_195 = tpu.vector_load %arg20[%get3A_193, %get3A_194] {strides = array<i32>} : memref<128x64xf32, #tpu.memory_space<vmem>>, vector<16xf32>,
        %mul3A_196 = vector.broadcast %squeeze3A : f32 to vector<16xf32>
        %mul3A_197 = arith.mulf %get3A_195, %mul3A_196 : vector<16xf32>
        %swap3A_198 = arith.index_cast %add3A_176 : i32 to index
        %swap3A_199 = arith.constant 32 : index
        %swap3A_200 = tpu.vector_load %arg20[%swap3A_198, %swap3A_199] {strides = array<i32>} : memref<128x64xf32, #tpu.memory_space<vmem>>, vector<16xf32>,
        tpu.vector_store %arg20[%swap3A_198, %swap3A_199], %mul3A_197 {strides = array<i32>} : memref<128x64xf32, #tpu.memory_space<vmem>>, vector<16xf32>,
        %get3A_201 = arith.index_cast %add3A_176 : i32 to index
        %get3A_202 = arith.constant 48 : index
        %get3A_203 = tpu.vector_load %arg20[%get3A_201, %get3A_202] {strides = array<i32>} : memref<128x64xf32, #tpu.memory_space<vmem>>, vector<16xf32>,
        %mul3A_204 = vector.broadcast %squeeze3A : f32 to vector<16xf32>
        %mul3A_205 = arith.mulf %get3A_203, %mul3A_204 : vector<16xf32>
        %swap3A_206 = arith.index_cast %add3A_176 : i32 to index
        %swap3A_207 = arith.constant 48 : index
        %swap3A_208 = tpu.vector_load %arg20[%swap3A_206, %swap3A_207] {strides = array<i32>} : memref<128x64xf32, #tpu.memory_space<vmem>>, vector<16xf32>,
        tpu.vector_store %arg20[%swap3A_206, %swap3A_207], %mul3A_205 {strides = array<i32>} : memref<128x64xf32, #tpu.memory_space<vmem>>, vector<16xf32>,
        %slice3A_209 = vector.extract_strided_slice %get3A_172 {offsets = [1], sizes = [1], strides = [1]} : vector<16xf32> to vector<1xf32>
        %squeeze3A_210 = vector.extract %slice3A_209[0] : f32 from vector<1xf32>
        %mul3A_211 = arith.constant 16 : i32
        %mul3A_212 = arith.muli %scan3A_167, %mul3A_211 : i32
        %add3A_213 = arith.constant 1 : i32
        %add3A_214 = arith.addi %mul3A_212, %add3A_213 : i32
        %get3A_215 = arith.index_cast %add3A_214 : i32 to index
        %get3A_216 = arith.constant 0 : index
        %get3A_217 = tpu.vector_load %arg20[%get3A_215, %get3A_216] {strides = array<i32>} : memref<128x64xf32, #tpu.memory_space<vmem>>, vector<16xf32>,
        %mul3A_218 = vector.broadcast %squeeze3A_210 : f32 to vector<16xf32>
        %mul3A_219 = arith.mulf %get3A_217, %mul3A_218 : vector<16xf32>
        %swap3A_220 = arith.index_cast %add3A_214 : i32 to index
        %swap3A_221 = arith.constant 0 : index
        %swap3A_222 = tpu.vector_load %arg20[%swap3A_220, %swap3A_221] {strides = array<i32>} : memref<128x64xf32, #tpu.memory_space<vmem>>, vector<16xf32>,
        tpu.vector_store %arg20[%swap3A_220, %swap3A_221], %mul3A_219 {strides = array<i32>} : memref<128x64xf32, #tpu.memory_space<vmem>>, vector<16xf32>,
        %get3A_223 = arith.index_cast %add3A_214 : i32 to index
        %get3A_224 = arith.constant 16 : index
        %get3A_225 = tpu.vector_load %arg20[%get3A_223, %get3A_224] {strides = array<i32>} : memref<128x64xf32, #tpu.memory_space<vmem>>, vector<16xf32>,
        %mul3A_226 = vector.broadcast %squeeze3A_210 : f32 to vector<16xf32>
        %mul3A_227 = arith.mulf %get3A_225, %mul3A_226 : vector<16xf32>
        %swap3A_228 = arith.index_cast %add3A_214 : i32 to index
        %swap3A_229 = arith.constant 16 : index
        %swap3A_230 = tpu.vector_load %arg20[%swap3A_228, %swap3A_229] {strides = array<i32>} : memref<128x64xf32, #tpu.memory_space<vmem>>, vector<16xf32>,
        tpu.vector_store %arg20[%swap3A_228, %swap3A_229], %mul3A_227 {strides = array<i32>} : memref<128x64xf32, #tpu.memory_space<vmem>>, vector<16xf32>,
        %get3A_231 = arith.index_cast %add3A_214 : i32 to index
        %get3A_232 = arith.constant 32 : index
        %get3A_233 = tpu.vector_load %arg20[%get3A_231, %get3A_232] {strides = array<i32>} : memref<128x64xf32, #tpu.memory_space<vmem>>, vector<16xf32>,
        %mul3A_234 = vector.broadcast %squeeze3A_210 : f32 to vector<16xf32>
        %mul3A_235 = arith.mulf %get3A_233, %mul3A_234 : vector<16xf32>
        %swap3A_236 = arith.index_cast %add3A_214 : i32 to index
        %swap3A_237 = arith.constant 32 : index
        %swap3A_238 = tpu.vector_load %arg20[%swap3A_236, %swap3A_237] {strides = array<i32>} : memref<128x64xf32, #tpu.memory_space<vmem>>, vector<16xf32>,
        tpu.vector_store %arg20[%swap3A_236, %swap3A_237], %mul3A_235 {strides = array<i32>} : memref<128x64xf32, #tpu.memory_space<vmem>>, vector<16xf32>,
        %get3A_239 = arith.index_cast %add3A_214 : i32 to index
        %get3A_240 = arith.constant 48 : index
        %get3A_241 = tpu.vector_load %arg20[%get3A_239, %get3A_240] {strides = array<i32>} : memref<128x64xf32, #tpu.memory_space<vmem>>, vector<16xf32>,
        %mul3A_242 = vector.broadcast %squeeze3A_210 : f32 to vector<16xf32>
        %mul3A_243 = arith.mulf %get3A_241, %mul3A_242 : vector<16xf32>
        %swap3A_244 = arith.index_cast %add3A_214 : i32 to index
        %swap3A_245 = arith.constant 48 : index
        %swap3A_246 = tpu.vector_load %arg20[%swap3A_244, %swap3A_245] {strides = array<i32>} : memref<128x64xf32, #tpu.memory_space<vmem>>, vector<16xf32>,
        tpu.vector_store %arg20[%swap3A_244, %swap3A_245], %mul3A_243 {strides = array<i32>} : memref<128x64xf32, #tpu.memory_space<vmem>>, vector<16xf32>,
        %slice3A_247 = vector.extract_strided_slice %get3A_172 {offsets = [2], sizes = [1], strides = [1]} : vector<16xf32> to vector<1xf32>
        %squeeze3A_248 = vector.extract %slice3A_247[0] : f32 from vector<1xf32>
        %mul3A_249 = arith.constant 16 : i32
        %mul3A_250 = arith.muli %scan3A_167, %mul3A_249 : i32
        %add3A_251 = arith.constant 2 : i32
        %add3A_252 = arith.addi %mul3A_250, %add3A_251 : i32
        %get3A_253 = arith.index_cast %add3A_252 : i32 to index
        %get3A_254 = arith.constant 0 : index
        %get3A_255 = tpu.vector_load %arg20[%get3A_253, %get3A_254] {strides = array<i32>} : memref<128x64xf32, #tpu.memory_space<vmem>>, vector<16xf32>,
        %mul3A_256 = vector.broadcast %squeeze3A_248 : f32 to vector<16xf32>
        %mul3A_257 = arith.mulf %get3A_255, %mul3A_256 : vector<16xf32>
        %swap3A_258 = arith.index_cast %add3A_252 : i32 to index
        %swap3A_259 = arith.constant 0 : index
        %swap3A_260 = tpu.vector_load %arg20[%swap3A_258, %swap3A_259] {strides = array<i32>} : memref<128x64xf32, #tpu.memory_space<vmem>>, vector<16xf32>,
        tpu.vector_store %arg20[%swap3A_258, %swap3A_259], %mul3A_257 {strides = array<i32>} : memref<128x64xf32, #tpu.memory_space<vmem>>, vector<16xf32>,
        %get3A_261 = arith.index_cast %add3A_252 : i32 to index
        %get3A_262 = arith.constant 16 : index
        %get3A_263 = tpu.vector_load %arg20[%get3A_261, %get3A_262] {strides = array<i32>} : memref<128x64xf32, #tpu.memory_space<vmem>>, vector<16xf32>,
        %mul3A_264 = vector.broadcast %squeeze3A_248 : f32 to vector<16xf32>
        %mul3A_265 = arith.mulf %get3A_263, %mul3A_264 : vector<16xf32>
        %swap3A_266 = arith.index_cast %add3A_252 : i32 to index
        %swap3A_267 = arith.constant 16 : index
        %swap3A_268 = tpu.vector_load %arg20[%swap3A_266, %swap3A_267] {strides = array<i32>} : memref<128x64xf32, #tpu.memory_space<vmem>>, vector<16xf32>,
        tpu.vector_store %arg20[%swap3A_266, %swap3A_267], %mul3A_265 {strides = array<i32>} : memref<128x64xf32, #tpu.memory_space<vmem>>, vector<16xf32>,
        %get3A_269 = arith.index_cast %add3A_252 : i32 to index
        %get3A_270 = arith.constant 32 : index
        %get3A_271 = tpu.vector_load %arg20[%get3A_269, %get3A_270] {strides = array<i32>} : memref<128x64xf32, #tpu.memory_space<vmem>>, vector<16xf32>,
        %mul3A_272 = vector.broadcast %squeeze3A_248 : f32 to vector<16xf32>
        %mul3A_273 = arith.mulf %get3A_271, %mul3A_272 : vector<16xf32>
        %swap3A_274 = arith.index_cast %add3A_252 : i32 to index
        %swap3A_275 = arith.constant 32 : index
        %swap3A_276 = tpu.vector_load %arg20[%swap3A_274, %swap3A_275] {strides = array<i32>} : memref<128x64xf32, #tpu.memory_space<vmem>>, vector<16xf32>,
        tpu.vector_store %arg20[%swap3A_274, %swap3A_275], %mul3A_273 {strides = array<i32>} : memref<128x64xf32, #tpu.memory_space<vmem>>, vector<16xf32>,
        %get3A_277 = arith.index_cast %add3A_252 : i32 to index
        %get3A_278 = arith.constant 48 : index
        %get3A_279 = tpu.vector_load %arg20[%get3A_277, %get3A_278] {strides = array<i32>} : memref<128x64xf32, #tpu.memory_space<vmem>>, vector<16xf32>,
        %mul3A_280 = vector.broadcast %squeeze3A_248 : f32 to vector<16xf32>
        %mul3A_281 = arith.mulf %get3A_279, %mul3A_280 : vector<16xf32>
        %swap3A_282 = arith.index_cast %add3A_252 : i32 to index
        %swap3A_283 = arith.constant 48 : index
        %swap3A_284 = tpu.vector_load %arg20[%swap3A_282, %swap3A_283] {strides = array<i32>} : memref<128x64xf32, #tpu.memory_space<vmem>>, vector<16xf32>,
        tpu.vector_store %arg20[%swap3A_282, %swap3A_283], %mul3A_281 {strides = array<i32>} : memref<128x64xf32, #tpu.memory_space<vmem>>, vector<16xf32>,
        %slice3A_285 = vector.extract_strided_slice %get3A_172 {offsets = [3], sizes = [1], strides = [1]} : vector<16xf32> to vector<1xf32>
        %squeeze3A_286 = vector.extract %slice3A_285[0] : f32 from vector<1xf32>
        %mul3A_287 = arith.constant 16 : i32
        %mul3A_288 = arith.muli %scan3A_167, %mul3A_287 : i32
        %add3A_289 = arith.constant 3 : i32
        %add3A_290 = arith.addi %mul3A_288, %add3A_289 : i32
        %get3A_291 = arith.index_cast %add3A_290 : i32 to index
        %get3A_292 = arith.constant 0 : index
        %get3A_293 = tpu.vector_load %arg20[%get3A_291, %get3A_292] {strides = array<i32>} : memref<128x64xf32, #tpu.memory_space<vmem>>, vector<16xf32>,
        %mul3A_294 = vector.broadcast %squeeze3A_286 : f32 to vector<16xf32>
        %mul3A_295 = arith.mulf %get3A_293, %mul3A_294 : vector<16xf32>
        %swap3A_296 = arith.index_cast %add3A_290 : i32 to index
        %swap3A_297 = arith.constant 0 : index
        %swap3A_298 = tpu.vector_load %arg20[%swap3A_296, %swap3A_297] {strides = array<i32>} : memref<128x64xf32, #tpu.memory_space<vmem>>, vector<16xf32>,
        tpu.vector_store %arg20[%swap3A_296, %swap3A_297], %mul3A_295 {strides = array<i32>} : memref<128x64xf32, #tpu.memory_space<vmem>>, vector<16xf32>,
        %get3A_299 = arith.index_cast %add3A_290 : i32 to index
        %get3A_300 = arith.constant 16 : index
        %get3A_301 = tpu.vector_load %arg20[%get3A_299, %get3A_300] {strides = array<i32>} : memref<128x64xf32, #tpu.memory_space<vmem>>, vector<16xf32>,
        %mul3A_302 = vector.broadcast %squeeze3A_286 : f32 to vector<16xf32>
        %mul3A_303 = arith.mulf %get3A_301, %mul3A_302 : vector<16xf32>
        %swap3A_304 = arith.index_cast %add3A_290 : i32 to index
        %swap3A_305 = arith.constant 16 : index
        %swap3A_306 = tpu.vector_load %arg20[%swap3A_304, %swap3A_305] {strides = array<i32>} : memref<128x64xf32, #tpu.memory_space<vmem>>, vector<16xf32>,
        tpu.vector_store %arg20[%swap3A_304, %swap3A_305], %mul3A_303 {strides = array<i32>} : memref<128x64xf32, #tpu.memory_space<vmem>>, vector<16xf32>,
        %get3A_307 = arith.index_cast %add3A_290 : i32 to index
        %get3A_308 = arith.constant 32 : index
        %get3A_309 = tpu.vector_load %arg20[%get3A_307, %get3A_308] {strides = array<i32>} : memref<128x64xf32, #tpu.memory_space<vmem>>, vector<16xf32>,
        %mul3A_310 = vector.broadcast %squeeze3A_286 : f32 to vector<16xf32>
        %mul3A_311 = arith.mulf %get3A_309, %mul3A_310 : vector<16xf32>
        %swap3A_312 = arith.index_cast %add3A_290 : i32 to index
        %swap3A_313 = arith.constant 32 : index
        %swap3A_314 = tpu.vector_load %arg20[%swap3A_312, %swap3A_313] {strides = array<i32>} : memref<128x64xf32, #tpu.memory_space<vmem>>, vector<16xf32>,
        tpu.vector_store %arg20[%swap3A_312, %swap3A_313], %mul3A_311 {strides = array<i32>} : memref<128x64xf32, #tpu.memory_space<vmem>>, vector<16xf32>,
        %get3A_315 = arith.index_cast %add3A_290 : i32 to index
        %get3A_316 = arith.constant 48 : index
        %get3A_317 = tpu.vector_load %arg20[%get3A_315, %get3A_316] {strides = array<i32>} : memref<128x64xf32, #tpu.memory_space<vmem>>, vector<16xf32>,
        %mul3A_318 = vector.broadcast %squeeze3A_286 : f32 to vector<16xf32>
        %mul3A_319 = arith.mulf %get3A_317, %mul3A_318 : vector<16xf32>
        %swap3A_320 = arith.index_cast %add3A_290 : i32 to index
        %swap3A_321 = arith.constant 48 : index
        %swap3A_322 = tpu.vector_load %arg20[%swap3A_320, %swap3A_321] {strides = array<i32>} : memref<128x64xf32, #tpu.memory_space<vmem>>, vector<16xf32>,
        tpu.vector_store %arg20[%swap3A_320, %swap3A_321], %mul3A_319 {strides = array<i32>} : memref<128x64xf32, #tpu.memory_space<vmem>>, vector<16xf32>,
        %slice3A_323 = vector.extract_strided_slice %get3A_172 {offsets = [4], sizes = [1], strides = [1]} : vector<16xf32> to vector<1xf32>
        %squeeze3A_324 = vector.extract %slice3A_323[0] : f32 from vector<1xf32>
        %mul3A_325 = arith.constant 16 : i32
        %mul3A_326 = arith.muli %scan3A_167, %mul3A_325 : i32
        %add3A_327 = arith.constant 4 : i32
        %add3A_328 = arith.addi %mul3A_326, %add3A_327 : i32
        %get3A_329 = arith.index_cast %add3A_328 : i32 to index
        %get3A_330 = arith.constant 0 : index
        %get3A_331 = tpu.vector_load %arg20[%get3A_329, %get3A_330] {strides = array<i32>} : memref<128x64xf32, #tpu.memory_space<vmem>>, vector<16xf32>,
        %mul3A_332 = vector.broadcast %squeeze3A_324 : f32 to vector<16xf32>
        %mul3A_333 = arith.mulf %get3A_331, %mul3A_332 : vector<16xf32>
        %swap3A_334 = arith.index_cast %add3A_328 : i32 to index
        %swap3A_335 = arith.constant 0 : index
        %swap3A_336 = tpu.vector_load %arg20[%swap3A_334, %swap3A_335] {strides = array<i32>} : memref<128x64xf32, #tpu.memory_space<vmem>>, vector<16xf32>,
        tpu.vector_store %arg20[%swap3A_334, %swap3A_335], %mul3A_333 {strides = array<i32>} : memref<128x64xf32, #tpu.memory_space<vmem>>, vector<16xf32>,
        %get3A_337 = arith.index_cast %add3A_328 : i32 to index
        %get3A_338 = arith.constant 16 : index
        %get3A_339 = tpu.vector_load %arg20[%get3A_337, %get3A_338] {strides = array<i32>} : memref<128x64xf32, #tpu.memory_space<vmem>>, vector<16xf32>,
        %mul3A_340 = vector.broadcast %squeeze3A_324 : f32 to vector<16xf32>
        %mul3A_341 = arith.mulf %get3A_339, %mul3A_340 : vector<16xf32>
        %swap3A_342 = arith.index_cast %add3A_328 : i32 to index
        %swap3A_343 = arith.constant 16 : index
        %swap3A_344 = tpu.vector_load %arg20[%swap3A_342, %swap3A_343] {strides = array<i32>} : memref<128x64xf32, #tpu.memory_space<vmem>>, vector<16xf32>,
        tpu.vector_store %arg20[%swap3A_342, %swap3A_343], %mul3A_341 {strides = array<i32>} : memref<128x64xf32, #tpu.memory_space<vmem>>, vector<16xf32>,
        %get3A_345 = arith.index_cast %add3A_328 : i32 to index
        %get3A_346 = arith.constant 32 : index
        %get3A_347 = tpu.vector_load %arg20[%get3A_345, %get3A_346] {strides = array<i32>} : memref<128x64xf32, #tpu.memory_space<vmem>>, vector<16xf32>,
        %mul3A_348 = vector.broadcast %squeeze3A_324 : f32 to vector<16xf32>
        %mul3A_349 = arith.mulf %get3A_347, %mul3A_348 : vector<16xf32>
        %swap3A_350 = arith.index_cast %add3A_328 : i32 to index
        %swap3A_351 = arith.constant 32 : index
        %swap3A_352 = tpu.vector_load %arg20[%swap3A_350, %swap3A_351] {strides = array<i32>} : memref<128x64xf32, #tpu.memory_space<vmem>>, vector<16xf32>,
        tpu.vector_store %arg20[%swap3A_350, %swap3A_351], %mul3A_349 {strides = array<i32>} : memref<128x64xf32, #tpu.memory_space<vmem>>, vector<16xf32>,
        %get3A_353 = arith.index_cast %add3A_328 : i32 to index
        %get3A_354 = arith.constant 48 : index
        %get3A_355 = tpu.vector_load %arg20[%get3A_353, %get3A_354] {strides = array<i32>} : memref<128x64xf32, #tpu.memory_space<vmem>>, vector<16xf32>,
        %mul3A_356 = vector.broadcast %squeeze3A_324 : f32 to vector<16xf32>
        %mul3A_357 = arith.mulf %get3A_355, %mul3A_356 : vector<16xf32>
        %swap3A_358 = arith.index_cast %add3A_328 : i32 to index
        %swap3A_359 = arith.constant 48 : index
        %swap3A_360 = tpu.vector_load %arg20[%swap3A_358, %swap3A_359] {strides = array<i32>} : memref<128x64xf32, #tpu.memory_space<vmem>>, vector<16xf32>,
        tpu.vector_store %arg20[%swap3A_358, %swap3A_359], %mul3A_357 {strides = array<i32>} : memref<128x64xf32, #tpu.memory_space<vmem>>, vector<16xf32>,
        %slice3A_361 = vector.extract_strided_slice %get3A_172 {offsets = [5], sizes = [1], strides = [1]} : vector<16xf32> to vector<1xf32>
        %squeeze3A_362 = vector.extract %slice3A_361[0] : f32 from vector<1xf32>
        %mul3A_363 = arith.constant 16 : i32
        %mul3A_364 = arith.muli %scan3A_167, %mul3A_363 : i32
        %add3A_365 = arith.constant 5 : i32
        %add3A_366 = arith.addi %mul3A_364, %add3A_365 : i32
        %get3A_367 = arith.index_cast %add3A_366 : i32 to index
        %get3A_368 = arith.constant 0 : index
        %get3A_369 = tpu.vector_load %arg20[%get3A_367, %get3A_368] {strides = array<i32>} : memref<128x64xf32, #tpu.memory_space<vmem>>, vector<16xf32>,
        %mul3A_370 = vector.broadcast %squeeze3A_362 : f32 to vector<16xf32>
        %mul3A_371 = arith.mulf %get3A_369, %mul3A_370 : vector<16xf32>
        %swap3A_372 = arith.index_cast %add3A_366 : i32 to index
        %swap3A_373 = arith.constant 0 : index
        %swap3A_374 = tpu.vector_load %arg20[%swap3A_372, %swap3A_373] {strides = array<i32>} : memref<128x64xf32, #tpu.memory_space<vmem>>, vector<16xf32>,
        tpu.vector_store %arg20[%swap3A_372, %swap3A_373], %mul3A_371 {strides = array<i32>} : memref<128x64xf32, #tpu.memory_space<vmem>>, vector<16xf32>,
        %get3A_375 = arith.index_cast %add3A_366 : i32 to index
        %get3A_376 = arith.constant 16 : index
        %get3A_377 = tpu.vector_load %arg20[%get3A_375, %get3A_376] {strides = array<i32>} : memref<128x64xf32, #tpu.memory_space<vmem>>, vector<16xf32>,
        %mul3A_378 = vector.broadcast %squeeze3A_362 : f32 to vector<16xf32>
        %mul3A_379 = arith.mulf %get3A_377, %mul3A_378 : vector<16xf32>
        %swap3A_380 = arith.index_cast %add3A_366 : i32 to index
        %swap3A_381 = arith.constant 16 : index
        %swap3A_382 = tpu.vector_load %arg20[%swap3A_380, %swap3A_381] {strides = array<i32>} : memref<128x64xf32, #tpu.memory_space<vmem>>, vector<16xf32>,
        tpu.vector_store %arg20[%swap3A_380, %swap3A_381], %mul3A_379 {strides = array<i32>} : memref<128x64xf32, #tpu.memory_space<vmem>>, vector<16xf32>,
        %get3A_383 = arith.index_cast %add3A_366 : i32 to index
        %get3A_384 = arith.constant 32 : index
        %get3A_385 = tpu.vector_load %arg20[%get3A_383, %get3A_384] {strides = array<i32>} : memref<128x64xf32, #tpu.memory_space<vmem>>, vector<16xf32>,
        %mul3A_386 = vector.broadcast %squeeze3A_362 : f32 to vector<16xf32>
        %mul3A_387 = arith.mulf %get3A_385, %mul3A_386 : vector<16xf32>
        %swap3A_388 = arith.index_cast %add3A_366 : i32 to index
        %swap3A_389 = arith.constant 32 : index
        %swap3A_390 = tpu.vector_load %arg20[%swap3A_388, %swap3A_389] {strides = array<i32>} : memref<128x64xf32, #tpu.memory_space<vmem>>, vector<16xf32>,
        tpu.vector_store %arg20[%swap3A_388, %swap3A_389], %mul3A_387 {strides = array<i32>} : memref<128x64xf32, #tpu.memory_space<vmem>>, vector<16xf32>,
        %get3A_391 = arith.index_cast %add3A_366 : i32 to index
        %get3A_392 = arith.constant 48 : index
        %get3A_393 = tpu.vector_load %arg20[%get3A_391, %get3A_392] {strides = array<i32>} : memref<128x64xf32, #tpu.memory_space<vmem>>, vector<16xf32>,
        %mul3A_394 = vector.broadcast %squeeze3A_362 : f32 to vector<16xf32>
        %mul3A_395 = arith.mulf %get3A_393, %mul3A_394 : vector<16xf32>
        %swap3A_396 = arith.index_cast %add3A_366 : i32 to index
        %swap3A_397 = arith.constant 48 : index
        %swap3A_398 = tpu.vector_load %arg20[%swap3A_396, %swap3A_397] {strides = array<i32>} : memref<128x64xf32, #tpu.memory_space<vmem>>, vector<16xf32>,
        tpu.vector_store %arg20[%swap3A_396, %swap3A_397], %mul3A_395 {strides = array<i32>} : memref<128x64xf32, #tpu.memory_space<vmem>>, vector<16xf32>,
        %slice3A_399 = vector.extract_strided_slice %get3A_172 {offsets = [6], sizes = [1], strides = [1]} : vector<16xf32> to vector<1xf32>
        %squeeze3A_400 = vector.extract %slice3A_399[0] : f32 from vector<1xf32>
        %mul3A_401 = arith.constant 16 : i32
        %mul3A_402 = arith.muli %scan3A_167, %mul3A_401 : i32
        %add3A_403 = arith.constant 6 : i32
        %add3A_404 = arith.addi %mul3A_402, %add3A_403 : i32
        %get3A_405 = arith.index_cast %add3A_404 : i32 to index
        %get3A_406 = arith.constant 0 : index
        %get3A_407 = tpu.vector_load %arg20[%get3A_405, %get3A_406] {strides = array<i32>} : memref<128x64xf32, #tpu.memory_space<vmem>>, vector<16xf32>,
        %mul3A_408 = vector.broadcast %squeeze3A_400 : f32 to vector<16xf32>
        %mul3A_409 = arith.mulf %get3A_407, %mul3A_408 : vector<16xf32>
        %swap3A_410 = arith.index_cast %add3A_404 : i32 to index
        %swap3A_411 = arith.constant 0 : index
        %swap3A_412 = tpu.vector_load %arg20[%swap3A_410, %swap3A_411] {strides = array<i32>} : memref<128x64xf32, #tpu.memory_space<vmem>>, vector<16xf32>,
        tpu.vector_store %arg20[%swap3A_410, %swap3A_411], %mul3A_409 {strides = array<i32>} : memref<128x64xf32, #tpu.memory_space<vmem>>, vector<16xf32>,
        %get3A_413 = arith.index_cast %add3A_404 : i32 to index
        %get3A_414 = arith.constant 16 : index
        %get3A_415 = tpu.vector_load %arg20[%get3A_413, %get3A_414] {strides = array<i32>} : memref<128x64xf32, #tpu.memory_space<vmem>>, vector<16xf32>,
        %mul3A_416 = vector.broadcast %squeeze3A_400 : f32 to vector<16xf32>
        %mul3A_417 = arith.mulf %get3A_415, %mul3A_416 : vector<16xf32>
        %swap3A_418 = arith.index_cast %add3A_404 : i32 to index
        %swap3A_419 = arith.constant 16 : index
        %swap3A_420 = tpu.vector_load %arg20[%swap3A_418, %swap3A_419] {strides = array<i32>} : memref<128x64xf32, #tpu.memory_space<vmem>>, vector<16xf32>,
        tpu.vector_store %arg20[%swap3A_418, %swap3A_419], %mul3A_417 {strides = array<i32>} : memref<128x64xf32, #tpu.memory_space<vmem>>, vector<16xf32>,
        %get3A_421 = arith.index_cast %add3A_404 : i32 to index
        %get3A_422 = arith.constant 32 : index
        %get3A_423 = tpu.vector_load %arg20[%get3A_421, %get3A_422] {strides = array<i32>} : memref<128x64xf32, #tpu.memory_space<vmem>>, vector<16xf32>,
        %mul3A_424 = vector.broadcast %squeeze3A_400 : f32 to vector<16xf32>
        %mul3A_425 = arith.mulf %get3A_423, %mul3A_424 : vector<16xf32>
        %swap3A_426 = arith.index_cast %add3A_404 : i32 to index
        %swap3A_427 = arith.constant 32 : index
        %swap3A_428 = tpu.vector_load %arg20[%swap3A_426, %swap3A_427] {strides = array<i32>} : memref<128x64xf32, #tpu.memory_space<vmem>>, vector<16xf32>,
        tpu.vector_store %arg20[%swap3A_426, %swap3A_427], %mul3A_425 {strides = array<i32>} : memref<128x64xf32, #tpu.memory_space<vmem>>, vector<16xf32>,
        %get3A_429 = arith.index_cast %add3A_404 : i32 to index
        %get3A_430 = arith.constant 48 : index
        %get3A_431 = tpu.vector_load %arg20[%get3A_429, %get3A_430] {strides = array<i32>} : memref<128x64xf32, #tpu.memory_space<vmem>>, vector<16xf32>,
        %mul3A_432 = vector.broadcast %squeeze3A_400 : f32 to vector<16xf32>
        %mul3A_433 = arith.mulf %get3A_431, %mul3A_432 : vector<16xf32>
        %swap3A_434 = arith.index_cast %add3A_404 : i32 to index
        %swap3A_435 = arith.constant 48 : index
        %swap3A_436 = tpu.vector_load %arg20[%swap3A_434, %swap3A_435] {strides = array<i32>} : memref<128x64xf32, #tpu.memory_space<vmem>>, vector<16xf32>,
        tpu.vector_store %arg20[%swap3A_434, %swap3A_435], %mul3A_433 {strides = array<i32>} : memref<128x64xf32, #tpu.memory_space<vmem>>, vector<16xf32>,
        %slice3A_437 = vector.extract_strided_slice %get3A_172 {offsets = [7], sizes = [1], strides = [1]} : vector<16xf32> to vector<1xf32>
        %squeeze3A_438 = vector.extract %slice3A_437[0] : f32 from vector<1xf32>
        %mul3A_439 = arith.constant 16 : i32
        %mul3A_440 = arith.muli %scan3A_167, %mul3A_439 : i32
        %add3A_441 = arith.constant 7 : i32
        %add3A_442 = arith.addi %mul3A_440, %add3A_441 : i32
        %get3A_443 = arith.index_cast %add3A_442 : i32 to index
        %get3A_444 = arith.constant 0 : index
        %get3A_445 = tpu.vector_load %arg20[%get3A_443, %get3A_444] {strides = array<i32>} : memref<128x64xf32, #tpu.memory_space<vmem>>, vector<16xf32>,
        %mul3A_446 = vector.broadcast %squeeze3A_438 : f32 to vector<16xf32>
        %mul3A_447 = arith.mulf %get3A_445, %mul3A_446 : vector<16xf32>
        %swap3A_448 = arith.index_cast %add3A_442 : i32 to index
        %swap3A_449 = arith.constant 0 : index
        %swap3A_450 = tpu.vector_load %arg20[%swap3A_448, %swap3A_449] {strides = array<i32>} : memref<128x64xf32, #tpu.memory_space<vmem>>, vector<16xf32>,
        tpu.vector_store %arg20[%swap3A_448, %swap3A_449], %mul3A_447 {strides = array<i32>} : memref<128x64xf32, #tpu.memory_space<vmem>>, vector<16xf32>,
        %get3A_451 = arith.index_cast %add3A_442 : i32 to index
        %get3A_452 = arith.constant 16 : index
        %get3A_453 = tpu.vector_load %arg20[%get3A_451, %get3A_452] {strides = array<i32>} : memref<128x64xf32, #tpu.memory_space<vmem>>, vector<16xf32>,
        %mul3A_454 = vector.broadcast %squeeze3A_438 : f32 to vector<16xf32>
        %mul3A_455 = arith.mulf %get3A_453, %mul3A_454 : vector<16xf32>
        %swap3A_456 = arith.index_cast %add3A_442 : i32 to index
        %swap3A_457 = arith.constant 16 : index
        %swap3A_458 = tpu.vector_load %arg20[%swap3A_456, %swap3A_457] {strides = array<i32>} : memref<128x64xf32, #tpu.memory_space<vmem>>, vector<16xf32>,
        tpu.vector_store %arg20[%swap3A_456, %swap3A_457], %mul3A_455 {strides = array<i32>} : memref<128x64xf32, #tpu.memory_space<vmem>>, vector<16xf32>,
        %get3A_459 = arith.index_cast %add3A_442 : i32 to index
        %get3A_460 = arith.constant 32 : index
        %get3A_461 = tpu.vector_load %arg20[%get3A_459, %get3A_460] {strides = array<i32>} : memref<128x64xf32, #tpu.memory_space<vmem>>, vector<16xf32>,
        %mul3A_462 = vector.broadcast %squeeze3A_438 : f32 to vector<16xf32>
        %mul3A_463 = arith.mulf %get3A_461, %mul3A_462 : vector<16xf32>
        %swap3A_464 = arith.index_cast %add3A_442 : i32 to index
        %swap3A_465 = arith.constant 32 : index
        %swap3A_466 = tpu.vector_load %arg20[%swap3A_464, %swap3A_465] {strides = array<i32>} : memref<128x64xf32, #tpu.memory_space<vmem>>, vector<16xf32>,
        tpu.vector_store %arg20[%swap3A_464, %swap3A_465], %mul3A_463 {strides = array<i32>} : memref<128x64xf32, #tpu.memory_space<vmem>>, vector<16xf32>,
        %get3A_467 = arith.index_cast %add3A_442 : i32 to index
        %get3A_468 = arith.constant 48 : index
        %get3A_469 = tpu.vector_load %arg20[%get3A_467, %get3A_468] {strides = array<i32>} : memref<128x64xf32, #tpu.memory_space<vmem>>, vector<16xf32>,
        %mul3A_470 = vector.broadcast %squeeze3A_438 : f32 to vector<16xf32>
        %mul3A_471 = arith.mulf %get3A_469, %mul3A_470 : vector<16xf32>
        %swap3A_472 = arith.index_cast %add3A_442 : i32 to index
        %swap3A_473 = arith.constant 48 : index
        %swap3A_474 = tpu.vector_load %arg20[%swap3A_472, %swap3A_473] {strides = array<i32>} : memref<128x64xf32, #tpu.memory_space<vmem>>, vector<16xf32>,
        tpu.vector_store %arg20[%swap3A_472, %swap3A_473], %mul3A_471 {strides = array<i32>} : memref<128x64xf32, #tpu.memory_space<vmem>>, vector<16xf32>,
        %slice3A_475 = vector.extract_strided_slice %get3A_172 {offsets = [8], sizes = [1], strides = [1]} : vector<16xf32> to vector<1xf32>
        %squeeze3A_476 = vector.extract %slice3A_475[0] : f32 from vector<1xf32>
        %mul3A_477 = arith.constant 16 : i32
        %mul3A_478 = arith.muli %scan3A_167, %mul3A_477 : i32
        %add3A_479 = arith.constant 8 : i32
        %add3A_480 = arith.addi %mul3A_478, %add3A_479 : i32
        %get3A_481 = arith.index_cast %add3A_480 : i32 to index
        %get3A_482 = arith.constant 0 : index
        %get3A_483 = tpu.vector_load %arg20[%get3A_481, %get3A_482] {strides = array<i32>} : memref<128x64xf32, #tpu.memory_space<vmem>>, vector<16xf32>,
        %mul3A_484 = vector.broadcast %squeeze3A_476 : f32 to vector<16xf32>
        %mul3A_485 = arith.mulf %get3A_483, %mul3A_484 : vector<16xf32>
        %swap3A_486 = arith.index_cast %add3A_480 : i32 to index
        %swap3A_487 = arith.constant 0 : index
        %swap3A_488 = tpu.vector_load %arg20[%swap3A_486, %swap3A_487] {strides = array<i32>} : memref<128x64xf32, #tpu.memory_space<vmem>>, vector<16xf32>,
        tpu.vector_store %arg20[%swap3A_486, %swap3A_487], %mul3A_485 {strides = array<i32>} : memref<128x64xf32, #tpu.memory_space<vmem>>, vector<16xf32>,
        %get3A_489 = arith.index_cast %add3A_480 : i32 to index
        %get3A_490 = arith.constant 16 : index
        %get3A_491 = tpu.vector_load %arg20[%get3A_489, %get3A_490] {strides = array<i32>} : memref<128x64xf32, #tpu.memory_space<vmem>>, vector<16xf32>,
        %mul3A_492 = vector.broadcast %squeeze3A_476 : f32 to vector<16xf32>
        %mul3A_493 = arith.mulf %get3A_491, %mul3A_492 : vector<16xf32>
        %swap3A_494 = arith.index_cast %add3A_480 : i32 to index
        %swap3A_495 = arith.constant 16 : index
        %swap3A_496 = tpu.vector_load %arg20[%swap3A_494, %swap3A_495] {strides = array<i32>} : memref<128x64xf32, #tpu.memory_space<vmem>>, vector<16xf32>,
        tpu.vector_store %arg20[%swap3A_494, %swap3A_495], %mul3A_493 {strides = array<i32>} : memref<128x64xf32, #tpu.memory_space<vmem>>, vector<16xf32>,
        %get3A_497 = arith.index_cast %add3A_480 : i32 to index
        %get3A_498 = arith.constant 32 : index
        %get3A_499 = tpu.vector_load %arg20[%get3A_497, %get3A_498] {strides = array<i32>} : memref<128x64xf32, #tpu.memory_space<vmem>>, vector<16xf32>,
        %mul3A_500 = vector.broadcast %squeeze3A_476 : f32 to vector<16xf32>
        %mul3A_501 = arith.mulf %get3A_499, %mul3A_500 : vector<16xf32>
        %swap3A_502 = arith.index_cast %add3A_480 : i32 to index
        %swap3A_503 = arith.constant 32 : index
        %swap3A_504 = tpu.vector_load %arg20[%swap3A_502, %swap3A_503] {strides = array<i32>} : memref<128x64xf32, #tpu.memory_space<vmem>>, vector<16xf32>,
        tpu.vector_store %arg20[%swap3A_502, %swap3A_503], %mul3A_501 {strides = array<i32>} : memref<128x64xf32, #tpu.memory_space<vmem>>, vector<16xf32>,
        %get3A_505 = arith.index_cast %add3A_480 : i32 to index
        %get3A_506 = arith.constant 48 : index
        %get3A_507 = tpu.vector_load %arg20[%get3A_505, %get3A_506] {strides = array<i32>} : memref<128x64xf32, #tpu.memory_space<vmem>>, vector<16xf32>,
        %mul3A_508 = vector.broadcast %squeeze3A_476 : f32 to vector<16xf32>
        %mul3A_509 = arith.mulf %get3A_507, %mul3A_508 : vector<16xf32>
        %swap3A_510 = arith.index_cast %add3A_480 : i32 to index
        %swap3A_511 = arith.constant 48 : index
        %swap3A_512 = tpu.vector_load %arg20[%swap3A_510, %swap3A_511] {strides = array<i32>} : memref<128x64xf32, #tpu.memory_space<vmem>>, vector<16xf32>,
        tpu.vector_store %arg20[%swap3A_510, %swap3A_511], %mul3A_509 {strides = array<i32>} : memref<128x64xf32, #tpu.memory_space<vmem>>, vector<16xf32>,
        %slice3A_513 = vector.extract_strided_slice %get3A_172 {offsets = [9], sizes = [1], strides = [1]} : vector<16xf32> to vector<1xf32>
        %squeeze3A_514 = vector.extract %slice3A_513[0] : f32 from vector<1xf32>
        %mul3A_515 = arith.constant 16 : i32
        %mul3A_516 = arith.muli %scan3A_167, %mul3A_515 : i32
        %add3A_517 = arith.constant 9 : i32
        %add3A_518 = arith.addi %mul3A_516, %add3A_517 : i32
        %get3A_519 = arith.index_cast %add3A_518 : i32 to index
        %get3A_520 = arith.constant 0 : index
        %get3A_521 = tpu.vector_load %arg20[%get3A_519, %get3A_520] {strides = array<i32>} : memref<128x64xf32, #tpu.memory_space<vmem>>, vector<16xf32>,
        %mul3A_522 = vector.broadcast %squeeze3A_514 : f32 to vector<16xf32>
        %mul3A_523 = arith.mulf %get3A_521, %mul3A_522 : vector<16xf32>
        %swap3A_524 = arith.index_cast %add3A_518 : i32 to index
        %swap3A_525 = arith.constant 0 : index
        %swap3A_526 = tpu.vector_load %arg20[%swap3A_524, %swap3A_525] {strides = array<i32>} : memref<128x64xf32, #tpu.memory_space<vmem>>, vector<16xf32>,
        tpu.vector_store %arg20[%swap3A_524, %swap3A_525], %mul3A_523 {strides = array<i32>} : memref<128x64xf32, #tpu.memory_space<vmem>>, vector<16xf32>,
        %get3A_527 = arith.index_cast %add3A_518 : i32 to index
        %get3A_528 = arith.constant 16 : index
        %get3A_529 = tpu.vector_load %arg20[%get3A_527, %get3A_528] {strides = array<i32>} : memref<128x64xf32, #tpu.memory_space<vmem>>, vector<16xf32>,
        %mul3A_530 = vector.broadcast %squeeze3A_514 : f32 to vector<16xf32>
        %mul3A_531 = arith.mulf %get3A_529, %mul3A_530 : vector<16xf32>
        %swap3A_532 = arith.index_cast %add3A_518 : i32 to index
        %swap3A_533 = arith.constant 16 : index
        %swap3A_534 = tpu.vector_load %arg20[%swap3A_532, %swap3A_533] {strides = array<i32>} : memref<128x64xf32, #tpu.memory_space<vmem>>, vector<16xf32>,
        tpu.vector_store %arg20[%swap3A_532, %swap3A_533], %mul3A_531 {strides = array<i32>} : memref<128x64xf32, #tpu.memory_space<vmem>>, vector<16xf32>,
        %get3A_535 = arith.index_cast %add3A_518 : i32 to index
        %get3A_536 = arith.constant 32 : index
        %get3A_537 = tpu.vector_load %arg20[%get3A_535, %get3A_536] {strides = array<i32>} : memref<128x64xf32, #tpu.memory_space<vmem>>, vector<16xf32>,
        %mul3A_538 = vector.broadcast %squeeze3A_514 : f32 to vector<16xf32>
        %mul3A_539 = arith.mulf %get3A_537, %mul3A_538 : vector<16xf32>
        %swap3A_540 = arith.index_cast %add3A_518 : i32 to index
        %swap3A_541 = arith.constant 32 : index
        %swap3A_542 = tpu.vector_load %arg20[%swap3A_540, %swap3A_541] {strides = array<i32>} : memref<128x64xf32, #tpu.memory_space<vmem>>, vector<16xf32>,
        tpu.vector_store %arg20[%swap3A_540, %swap3A_541], %mul3A_539 {strides = array<i32>} : memref<128x64xf32, #tpu.memory_space<vmem>>, vector<16xf32>,
        %get3A_543 = arith.index_cast %add3A_518 : i32 to index
        %get3A_544 = arith.constant 48 : index
        %get3A_545 = tpu.vector_load %arg20[%get3A_543, %get3A_544] {strides = array<i32>} : memref<128x64xf32, #tpu.memory_space<vmem>>, vector<16xf32>,
        %mul3A_546 = vector.broadcast %squeeze3A_514 : f32 to vector<16xf32>
        %mul3A_547 = arith.mulf %get3A_545, %mul3A_546 : vector<16xf32>
        %swap3A_548 = arith.index_cast %add3A_518 : i32 to index
        %swap3A_549 = arith.constant 48 : index
        %swap3A_550 = tpu.vector_load %arg20[%swap3A_548, %swap3A_549] {strides = array<i32>} : memref<128x64xf32, #tpu.memory_space<vmem>>, vector<16xf32>,
        tpu.vector_store %arg20[%swap3A_548, %swap3A_549], %mul3A_547 {strides = array<i32>} : memref<128x64xf32, #tpu.memory_space<vmem>>, vector<16xf32>,
        %slice3A_551 = vector.extract_strided_slice %get3A_172 {offsets = [10], sizes = [1], strides = [1]} : vector<16xf32> to vector<1xf32>
        %squeeze3A_552 = vector.extract %slice3A_551[0] : f32 from vector<1xf32>
        %mul3A_553 = arith.constant 16 : i32
        %mul3A_554 = arith.muli %scan3A_167, %mul3A_553 : i32
        %add3A_555 = arith.constant 10 : i32
        %add3A_556 = arith.addi %mul3A_554, %add3A_555 : i32
        %get3A_557 = arith.index_cast %add3A_556 : i32 to index
        %get3A_558 = arith.constant 0 : index
        %get3A_559 = tpu.vector_load %arg20[%get3A_557, %get3A_558] {strides = array<i32>} : memref<128x64xf32, #tpu.memory_space<vmem>>, vector<16xf32>,
        %mul3A_560 = vector.broadcast %squeeze3A_552 : f32 to vector<16xf32>
        %mul3A_561 = arith.mulf %get3A_559, %mul3A_560 : vector<16xf32>
        %swap3A_562 = arith.index_cast %add3A_556 : i32 to index
        %swap3A_563 = arith.constant 0 : index
        %swap3A_564 = tpu.vector_load %arg20[%swap3A_562, %swap3A_563] {strides = array<i32>} : memref<128x64xf32, #tpu.memory_space<vmem>>, vector<16xf32>,
        tpu.vector_store %arg20[%swap3A_562, %swap3A_563], %mul3A_561 {strides = array<i32>} : memref<128x64xf32, #tpu.memory_space<vmem>>, vector<16xf32>,
        %get3A_565 = arith.index_cast %add3A_556 : i32 to index
        %get3A_566 = arith.constant 16 : index
        %get3A_567 = tpu.vector_load %arg20[%get3A_565, %get3A_566] {strides = array<i32>} : memref<128x64xf32, #tpu.memory_space<vmem>>, vector<16xf32>,
        %mul3A_568 = vector.broadcast %squeeze3A_552 : f32 to vector<16xf32>
        %mul3A_569 = arith.mulf %get3A_567, %mul3A_568 : vector<16xf32>
        %swap3A_570 = arith.index_cast %add3A_556 : i32 to index
        %swap3A_571 = arith.constant 16 : index
        %swap3A_572 = tpu.vector_load %arg20[%swap3A_570, %swap3A_571] {strides = array<i32>} : memref<128x64xf32, #tpu.memory_space<vmem>>, vector<16xf32>,
        tpu.vector_store %arg20[%swap3A_570, %swap3A_571], %mul3A_569 {strides = array<i32>} : memref<128x64xf32, #tpu.memory_space<vmem>>, vector<16xf32>,
        %get3A_573 = arith.index_cast %add3A_556 : i32 to index
        %get3A_574 = arith.constant 32 : index
        %get3A_575 = tpu.vector_load %arg20[%get3A_573, %get3A_574] {strides = array<i32>} : memref<128x64xf32, #tpu.memory_space<vmem>>, vector<16xf32>,
        %mul3A_576 = vector.broadcast %squeeze3A_552 : f32 to vector<16xf32>
        %mul3A_577 = arith.mulf %get3A_575, %mul3A_576 : vector<16xf32>
        %swap3A_578 = arith.index_cast %add3A_556 : i32 to index
        %swap3A_579 = arith.constant 32 : index
        %swap3A_580 = tpu.vector_load %arg20[%swap3A_578, %swap3A_579] {strides = array<i32>} : memref<128x64xf32, #tpu.memory_space<vmem>>, vector<16xf32>,
        tpu.vector_store %arg20[%swap3A_578, %swap3A_579], %mul3A_577 {strides = array<i32>} : memref<128x64xf32, #tpu.memory_space<vmem>>, vector<16xf32>,
        %get3A_581 = arith.index_cast %add3A_556 : i32 to index
        %get3A_582 = arith.constant 48 : index
        %get3A_583 = tpu.vector_load %arg20[%get3A_581, %get3A_582] {strides = array<i32>} : memref<128x64xf32, #tpu.memory_space<vmem>>, vector<16xf32>,
        %mul3A_584 = vector.broadcast %squeeze3A_552 : f32 to vector<16xf32>
        %mul3A_585 = arith.mulf %get3A_583, %mul3A_584 : vector<16xf32>
        %swap3A_586 = arith.index_cast %add3A_556 : i32 to index
        %swap3A_587 = arith.constant 48 : index
        %swap3A_588 = tpu.vector_load %arg20[%swap3A_586, %swap3A_587] {strides = array<i32>} : memref<128x64xf32, #tpu.memory_space<vmem>>, vector<16xf32>,
        tpu.vector_store %arg20[%swap3A_586, %swap3A_587], %mul3A_585 {strides = array<i32>} : memref<128x64xf32, #tpu.memory_space<vmem>>, vector<16xf32>,
        %slice3A_589 = vector.extract_strided_slice %get3A_172 {offsets = [11], sizes = [1], strides = [1]} : vector<16xf32> to vector<1xf32>
        %squeeze3A_590 = vector.extract %slice3A_589[0] : f32 from vector<1xf32>
        %mul3A_591 = arith.constant 16 : i32
        %mul3A_592 = arith.muli %scan3A_167, %mul3A_591 : i32
        %add3A_593 = arith.constant 11 : i32
        %add3A_594 = arith.addi %mul3A_592, %add3A_593 : i32
        %get3A_595 = arith.index_cast %add3A_594 : i32 to index
        %get3A_596 = arith.constant 0 : index
        %get3A_597 = tpu.vector_load %arg20[%get3A_595, %get3A_596] {strides = array<i32>} : memref<128x64xf32, #tpu.memory_space<vmem>>, vector<16xf32>,
        %mul3A_598 = vector.broadcast %squeeze3A_590 : f32 to vector<16xf32>
        %mul3A_599 = arith.mulf %get3A_597, %mul3A_598 : vector<16xf32>
        %swap3A_600 = arith.index_cast %add3A_594 : i32 to index
        %swap3A_601 = arith.constant 0 : index
        %swap3A_602 = tpu.vector_load %arg20[%swap3A_600, %swap3A_601] {strides = array<i32>} : memref<128x64xf32, #tpu.memory_space<vmem>>, vector<16xf32>,
        tpu.vector_store %arg20[%swap3A_600, %swap3A_601], %mul3A_599 {strides = array<i32>} : memref<128x64xf32, #tpu.memory_space<vmem>>, vector<16xf32>,
        %get3A_603 = arith.index_cast %add3A_594 : i32 to index
        %get3A_604 = arith.constant 16 : index
        %get3A_605 = tpu.vector_load %arg20[%get3A_603, %get3A_604] {strides = array<i32>} : memref<128x64xf32, #tpu.memory_space<vmem>>, vector<16xf32>,
        %mul3A_606 = vector.broadcast %squeeze3A_590 : f32 to vector<16xf32>
        %mul3A_607 = arith.mulf %get3A_605, %mul3A_606 : vector<16xf32>
        %swap3A_608 = arith.index_cast %add3A_594 : i32 to index
        %swap3A_609 = arith.constant 16 : index
        %swap3A_610 = tpu.vector_load %arg20[%swap3A_608, %swap3A_609] {strides = array<i32>} : memref<128x64xf32, #tpu.memory_space<vmem>>, vector<16xf32>,
        tpu.vector_store %arg20[%swap3A_608, %swap3A_609], %mul3A_607 {strides = array<i32>} : memref<128x64xf32, #tpu.memory_space<vmem>>, vector<16xf32>,
        %get3A_611 = arith.index_cast %add3A_594 : i32 to index
        %get3A_612 = arith.constant 32 : index
        %get3A_613 = tpu.vector_load %arg20[%get3A_611, %get3A_612] {strides = array<i32>} : memref<128x64xf32, #tpu.memory_space<vmem>>, vector<16xf32>,
        %mul3A_614 = vector.broadcast %squeeze3A_590 : f32 to vector<16xf32>
        %mul3A_615 = arith.mulf %get3A_613, %mul3A_614 : vector<16xf32>
        %swap3A_616 = arith.index_cast %add3A_594 : i32 to index
        %swap3A_617 = arith.constant 32 : index
        %swap3A_618 = tpu.vector_load %arg20[%swap3A_616, %swap3A_617] {strides = array<i32>} : memref<128x64xf32, #tpu.memory_space<vmem>>, vector<16xf32>,
        tpu.vector_store %arg20[%swap3A_616, %swap3A_617], %mul3A_615 {strides = array<i32>} : memref<128x64xf32, #tpu.memory_space<vmem>>, vector<16xf32>,
        %get3A_619 = arith.index_cast %add3A_594 : i32 to index
        %get3A_620 = arith.constant 48 : index
        %get3A_621 = tpu.vector_load %arg20[%get3A_619, %get3A_620] {strides = array<i32>} : memref<128x64xf32, #tpu.memory_space<vmem>>, vector<16xf32>,
        %mul3A_622 = vector.broadcast %squeeze3A_590 : f32 to vector<16xf32>
        %mul3A_623 = arith.mulf %get3A_621, %mul3A_622 : vector<16xf32>
        %swap3A_624 = arith.index_cast %add3A_594 : i32 to index
        %swap3A_625 = arith.constant 48 : index
        %swap3A_626 = tpu.vector_load %arg20[%swap3A_624, %swap3A_625] {strides = array<i32>} : memref<128x64xf32, #tpu.memory_space<vmem>>, vector<16xf32>,
        tpu.vector_store %arg20[%swap3A_624, %swap3A_625], %mul3A_623 {strides = array<i32>} : memref<128x64xf32, #tpu.memory_space<vmem>>, vector<16xf32>,
        %slice3A_627 = vector.extract_strided_slice %get3A_172 {offsets = [12], sizes = [1], strides = [1]} : vector<16xf32> to vector<1xf32>
        %squeeze3A_628 = vector.extract %slice3A_627[0] : f32 from vector<1xf32>
        %mul3A_629 = arith.constant 16 : i32
        %mul3A_630 = arith.muli %scan3A_167, %mul3A_629 : i32
        %add3A_631 = arith.constant 12 : i32
        %add3A_632 = arith.addi %mul3A_630, %add3A_631 : i32
        %get3A_633 = arith.index_cast %add3A_632 : i32 to index
        %get3A_634 = arith.constant 0 : index
        %get3A_635 = tpu.vector_load %arg20[%get3A_633, %get3A_634] {strides = array<i32>} : memref<128x64xf32, #tpu.memory_space<vmem>>, vector<16xf32>,
        %mul3A_636 = vector.broadcast %squeeze3A_628 : f32 to vector<16xf32>
        %mul3A_637 = arith.mulf %get3A_635, %mul3A_636 : vector<16xf32>
        %swap3A_638 = arith.index_cast %add3A_632 : i32 to index
        %swap3A_639 = arith.constant 0 : index
        %swap3A_640 = tpu.vector_load %arg20[%swap3A_638, %swap3A_639] {strides = array<i32>} : memref<128x64xf32, #tpu.memory_space<vmem>>, vector<16xf32>,
        tpu.vector_store %arg20[%swap3A_638, %swap3A_639], %mul3A_637 {strides = array<i32>} : memref<128x64xf32, #tpu.memory_space<vmem>>, vector<16xf32>,
        %get3A_641 = arith.index_cast %add3A_632 : i32 to index
        %get3A_642 = arith.constant 16 : index
        %get3A_643 = tpu.vector_load %arg20[%get3A_641, %get3A_642] {strides = array<i32>} : memref<128x64xf32, #tpu.memory_space<vmem>>, vector<16xf32>,
        %mul3A_644 = vector.broadcast %squeeze3A_628 : f32 to vector<16xf32>
        %mul3A_645 = arith.mulf %get3A_643, %mul3A_644 : vector<16xf32>
        %swap3A_646 = arith.index_cast %add3A_632 : i32 to index
        %swap3A_647 = arith.constant 16 : index
        %swap3A_648 = tpu.vector_load %arg20[%swap3A_646, %swap3A_647] {strides = array<i32>} : memref<128x64xf32, #tpu.memory_space<vmem>>, vector<16xf32>,
        tpu.vector_store %arg20[%swap3A_646, %swap3A_647], %mul3A_645 {strides = array<i32>} : memref<128x64xf32, #tpu.memory_space<vmem>>, vector<16xf32>,
        %get3A_649 = arith.index_cast %add3A_632 : i32 to index
        %get3A_650 = arith.constant 32 : index
        %get3A_651 = tpu.vector_load %arg20[%get3A_649, %get3A_650] {strides = array<i32>} : memref<128x64xf32, #tpu.memory_space<vmem>>, vector<16xf32>,
        %mul3A_652 = vector.broadcast %squeeze3A_628 : f32 to vector<16xf32>
        %mul3A_653 = arith.mulf %get3A_651, %mul3A_652 : vector<16xf32>
        %swap3A_654 = arith.index_cast %add3A_632 : i32 to index
        %swap3A_655 = arith.constant 32 : index
        %swap3A_656 = tpu.vector_load %arg20[%swap3A_654, %swap3A_655] {strides = array<i32>} : memref<128x64xf32, #tpu.memory_space<vmem>>, vector<16xf32>,
        tpu.vector_store %arg20[%swap3A_654, %swap3A_655], %mul3A_653 {strides = array<i32>} : memref<128x64xf32, #tpu.memory_space<vmem>>, vector<16xf32>,
        %get3A_657 = arith.index_cast %add3A_632 : i32 to index
        %get3A_658 = arith.constant 48 : index
        %get3A_659 = tpu.vector_load %arg20[%get3A_657, %get3A_658] {strides = array<i32>} : memref<128x64xf32, #tpu.memory_space<vmem>>, vector<16xf32>,
        %mul3A_660 = vector.broadcast %squeeze3A_628 : f32 to vector<16xf32>
        %mul3A_661 = arith.mulf %get3A_659, %mul3A_660 : vector<16xf32>
        %swap3A_662 = arith.index_cast %add3A_632 : i32 to index
        %swap3A_663 = arith.constant 48 : index
        %swap3A_664 = tpu.vector_load %arg20[%swap3A_662, %swap3A_663] {strides = array<i32>} : memref<128x64xf32, #tpu.memory_space<vmem>>, vector<16xf32>,
        tpu.vector_store %arg20[%swap3A_662, %swap3A_663], %mul3A_661 {strides = array<i32>} : memref<128x64xf32, #tpu.memory_space<vmem>>, vector<16xf32>,
        %slice3A_665 = vector.extract_strided_slice %get3A_172 {offsets = [13], sizes = [1], strides = [1]} : vector<16xf32> to vector<1xf32>
        %squeeze3A_666 = vector.extract %slice3A_665[0] : f32 from vector<1xf32>
        %mul3A_667 = arith.constant 16 : i32
        %mul3A_668 = arith.muli %scan3A_167, %mul3A_667 : i32
        %add3A_669 = arith.constant 13 : i32
        %add3A_670 = arith.addi %mul3A_668, %add3A_669 : i32
        %get3A_671 = arith.index_cast %add3A_670 : i32 to index
        %get3A_672 = arith.constant 0 : index
        %get3A_673 = tpu.vector_load %arg20[%get3A_671, %get3A_672] {strides = array<i32>} : memref<128x64xf32, #tpu.memory_space<vmem>>, vector<16xf32>,
        %mul3A_674 = vector.broadcast %squeeze3A_666 : f32 to vector<16xf32>
        %mul3A_675 = arith.mulf %get3A_673, %mul3A_674 : vector<16xf32>
        %swap3A_676 = arith.index_cast %add3A_670 : i32 to index
        %swap3A_677 = arith.constant 0 : index
        %swap3A_678 = tpu.vector_load %arg20[%swap3A_676, %swap3A_677] {strides = array<i32>} : memref<128x64xf32, #tpu.memory_space<vmem>>, vector<16xf32>,
        tpu.vector_store %arg20[%swap3A_676, %swap3A_677], %mul3A_675 {strides = array<i32>} : memref<128x64xf32, #tpu.memory_space<vmem>>, vector<16xf32>,
        %get3A_679 = arith.index_cast %add3A_670 : i32 to index
        %get3A_680 = arith.constant 16 : index
        %get3A_681 = tpu.vector_load %arg20[%get3A_679, %get3A_680] {strides = array<i32>} : memref<128x64xf32, #tpu.memory_space<vmem>>, vector<16xf32>,
        %mul3A_682 = vector.broadcast %squeeze3A_666 : f32 to vector<16xf32>
        %mul3A_683 = arith.mulf %get3A_681, %mul3A_682 : vector<16xf32>
        %swap3A_684 = arith.index_cast %add3A_670 : i32 to index
        %swap3A_685 = arith.constant 16 : index
        %swap3A_686 = tpu.vector_load %arg20[%swap3A_684, %swap3A_685] {strides = array<i32>} : memref<128x64xf32, #tpu.memory_space<vmem>>, vector<16xf32>,
        tpu.vector_store %arg20[%swap3A_684, %swap3A_685], %mul3A_683 {strides = array<i32>} : memref<128x64xf32, #tpu.memory_space<vmem>>, vector<16xf32>,
        %get3A_687 = arith.index_cast %add3A_670 : i32 to index
        %get3A_688 = arith.constant 32 : index
        %get3A_689 = tpu.vector_load %arg20[%get3A_687, %get3A_688] {strides = array<i32>} : memref<128x64xf32, #tpu.memory_space<vmem>>, vector<16xf32>,
        %mul3A_690 = vector.broadcast %squeeze3A_666 : f32 to vector<16xf32>
        %mul3A_691 = arith.mulf %get3A_689, %mul3A_690 : vector<16xf32>
        %swap3A_692 = arith.index_cast %add3A_670 : i32 to index
        %swap3A_693 = arith.constant 32 : index
        %swap3A_694 = tpu.vector_load %arg20[%swap3A_692, %swap3A_693] {strides = array<i32>} : memref<128x64xf32, #tpu.memory_space<vmem>>, vector<16xf32>,
        tpu.vector_store %arg20[%swap3A_692, %swap3A_693], %mul3A_691 {strides = array<i32>} : memref<128x64xf32, #tpu.memory_space<vmem>>, vector<16xf32>,
        %get3A_695 = arith.index_cast %add3A_670 : i32 to index
        %get3A_696 = arith.constant 48 : index
        %get3A_697 = tpu.vector_load %arg20[%get3A_695, %get3A_696] {strides = array<i32>} : memref<128x64xf32, #tpu.memory_space<vmem>>, vector<16xf32>,
        %mul3A_698 = vector.broadcast %squeeze3A_666 : f32 to vector<16xf32>
        %mul3A_699 = arith.mulf %get3A_697, %mul3A_698 : vector<16xf32>
        %swap3A_700 = arith.index_cast %add3A_670 : i32 to index
        %swap3A_701 = arith.constant 48 : index
        %swap3A_702 = tpu.vector_load %arg20[%swap3A_700, %swap3A_701] {strides = array<i32>} : memref<128x64xf32, #tpu.memory_space<vmem>>, vector<16xf32>,
        tpu.vector_store %arg20[%swap3A_700, %swap3A_701], %mul3A_699 {strides = array<i32>} : memref<128x64xf32, #tpu.memory_space<vmem>>, vector<16xf32>,
        %slice3A_703 = vector.extract_strided_slice %get3A_172 {offsets = [14], sizes = [1], strides = [1]} : vector<16xf32> to vector<1xf32>
        %squeeze3A_704 = vector.extract %slice3A_703[0] : f32 from vector<1xf32>
        %mul3A_705 = arith.constant 16 : i32
        %mul3A_706 = arith.muli %scan3A_167, %mul3A_705 : i32
        %add3A_707 = arith.constant 14 : i32
        %add3A_708 = arith.addi %mul3A_706, %add3A_707 : i32
        %get3A_709 = arith.index_cast %add3A_708 : i32 to index
        %get3A_710 = arith.constant 0 : index
        %get3A_711 = tpu.vector_load %arg20[%get3A_709, %get3A_710] {strides = array<i32>} : memref<128x64xf32, #tpu.memory_space<vmem>>, vector<16xf32>,
        %mul3A_712 = vector.broadcast %squeeze3A_704 : f32 to vector<16xf32>
        %mul3A_713 = arith.mulf %get3A_711, %mul3A_712 : vector<16xf32>
        %swap3A_714 = arith.index_cast %add3A_708 : i32 to index
        %swap3A_715 = arith.constant 0 : index
        %swap3A_716 = tpu.vector_load %arg20[%swap3A_714, %swap3A_715] {strides = array<i32>} : memref<128x64xf32, #tpu.memory_space<vmem>>, vector<16xf32>,
        tpu.vector_store %arg20[%swap3A_714, %swap3A_715], %mul3A_713 {strides = array<i32>} : memref<128x64xf32, #tpu.memory_space<vmem>>, vector<16xf32>,
        %get3A_717 = arith.index_cast %add3A_708 : i32 to index
        %get3A_718 = arith.constant 16 : index
        %get3A_719 = tpu.vector_load %arg20[%get3A_717, %get3A_718] {strides = array<i32>} : memref<128x64xf32, #tpu.memory_space<vmem>>, vector<16xf32>,
        %mul3A_720 = vector.broadcast %squeeze3A_704 : f32 to vector<16xf32>
        %mul3A_721 = arith.mulf %get3A_719, %mul3A_720 : vector<16xf32>
        %swap3A_722 = arith.index_cast %add3A_708 : i32 to index
        %swap3A_723 = arith.constant 16 : index
        %swap3A_724 = tpu.vector_load %arg20[%swap3A_722, %swap3A_723] {strides = array<i32>} : memref<128x64xf32, #tpu.memory_space<vmem>>, vector<16xf32>,
        tpu.vector_store %arg20[%swap3A_722, %swap3A_723], %mul3A_721 {strides = array<i32>} : memref<128x64xf32, #tpu.memory_space<vmem>>, vector<16xf32>,
        %get3A_725 = arith.index_cast %add3A_708 : i32 to index
        %get3A_726 = arith.constant 32 : index
        %get3A_727 = tpu.vector_load %arg20[%get3A_725, %get3A_726] {strides = array<i32>} : memref<128x64xf32, #tpu.memory_space<vmem>>, vector<16xf32>,
        %mul3A_728 = vector.broadcast %squeeze3A_704 : f32 to vector<16xf32>
        %mul3A_729 = arith.mulf %get3A_727, %mul3A_728 : vector<16xf32>
        %swap3A_730 = arith.index_cast %add3A_708 : i32 to index
        %swap3A_731 = arith.constant 32 : index
        %swap3A_732 = tpu.vector_load %arg20[%swap3A_730, %swap3A_731] {strides = array<i32>} : memref<128x64xf32, #tpu.memory_space<vmem>>, vector<16xf32>,
        tpu.vector_store %arg20[%swap3A_730, %swap3A_731], %mul3A_729 {strides = array<i32>} : memref<128x64xf32, #tpu.memory_space<vmem>>, vector<16xf32>,
        %get3A_733 = arith.index_cast %add3A_708 : i32 to index
        %get3A_734 = arith.constant 48 : index
        %get3A_735 = tpu.vector_load %arg20[%get3A_733, %get3A_734] {strides = array<i32>} : memref<128x64xf32, #tpu.memory_space<vmem>>, vector<16xf32>,
        %mul3A_736 = vector.broadcast %squeeze3A_704 : f32 to vector<16xf32>
        %mul3A_737 = arith.mulf %get3A_735, %mul3A_736 : vector<16xf32>
        %swap3A_738 = arith.index_cast %add3A_708 : i32 to index
        %swap3A_739 = arith.constant 48 : index
        %swap3A_740 = tpu.vector_load %arg20[%swap3A_738, %swap3A_739] {strides = array<i32>} : memref<128x64xf32, #tpu.memory_space<vmem>>, vector<16xf32>,
        tpu.vector_store %arg20[%swap3A_738, %swap3A_739], %mul3A_737 {strides = array<i32>} : memref<128x64xf32, #tpu.memory_space<vmem>>, vector<16xf32>,
        %slice3A_741 = vector.extract_strided_slice %get3A_172 {offsets = [15], sizes = [1], strides = [1]} : vector<16xf32> to vector<1xf32>
        %squeeze3A_742 = vector.extract %slice3A_741[0] : f32 from vector<1xf32>
        %mul3A_743 = arith.constant 16 : i32
        %mul3A_744 = arith.muli %scan3A_167, %mul3A_743 : i32
        %add3A_745 = arith.constant 15 : i32
        %add3A_746 = arith.addi %mul3A_744, %add3A_745 : i32
        %get3A_747 = arith.index_cast %add3A_746 : i32 to index
        %get3A_748 = arith.constant 0 : index
        %get3A_749 = tpu.vector_load %arg20[%get3A_747, %get3A_748] {strides = array<i32>} : memref<128x64xf32, #tpu.memory_space<vmem>>, vector<16xf32>,
        %mul3A_750 = vector.broadcast %squeeze3A_742 : f32 to vector<16xf32>
        %mul3A_751 = arith.mulf %get3A_749, %mul3A_750 : vector<16xf32>
        %swap3A_752 = arith.index_cast %add3A_746 : i32 to index
        %swap3A_753 = arith.constant 0 : index
        %swap3A_754 = tpu.vector_load %arg20[%swap3A_752, %swap3A_753] {strides = array<i32>} : memref<128x64xf32, #tpu.memory_space<vmem>>, vector<16xf32>,
        tpu.vector_store %arg20[%swap3A_752, %swap3A_753], %mul3A_751 {strides = array<i32>} : memref<128x64xf32, #tpu.memory_space<vmem>>, vector<16xf32>,
        %get3A_755 = arith.index_cast %add3A_746 : i32 to index
        %get3A_756 = arith.constant 16 : index
        %get3A_757 = tpu.vector_load %arg20[%get3A_755, %get3A_756] {strides = array<i32>} : memref<128x64xf32, #tpu.memory_space<vmem>>, vector<16xf32>,
        %mul3A_758 = vector.broadcast %squeeze3A_742 : f32 to vector<16xf32>
        %mul3A_759 = arith.mulf %get3A_757, %mul3A_758 : vector<16xf32>
        %swap3A_760 = arith.index_cast %add3A_746 : i32 to index
        %swap3A_761 = arith.constant 16 : index
        %swap3A_762 = tpu.vector_load %arg20[%swap3A_760, %swap3A_761] {strides = array<i32>} : memref<128x64xf32, #tpu.memory_space<vmem>>, vector<16xf32>,
        tpu.vector_store %arg20[%swap3A_760, %swap3A_761], %mul3A_759 {strides = array<i32>} : memref<128x64xf32, #tpu.memory_space<vmem>>, vector<16xf32>,
        %get3A_763 = arith.index_cast %add3A_746 : i32 to index
        %get3A_764 = arith.constant 32 : index
        %get3A_765 = tpu.vector_load %arg20[%get3A_763, %get3A_764] {strides = array<i32>} : memref<128x64xf32, #tpu.memory_space<vmem>>, vector<16xf32>,
        %mul3A_766 = vector.broadcast %squeeze3A_742 : f32 to vector<16xf32>
        %mul3A_767 = arith.mulf %get3A_765, %mul3A_766 : vector<16xf32>
        %swap3A_768 = arith.index_cast %add3A_746 : i32 to index
        %swap3A_769 = arith.constant 32 : index
        %swap3A_770 = tpu.vector_load %arg20[%swap3A_768, %swap3A_769] {strides = array<i32>} : memref<128x64xf32, #tpu.memory_space<vmem>>, vector<16xf32>,
        tpu.vector_store %arg20[%swap3A_768, %swap3A_769], %mul3A_767 {strides = array<i32>} : memref<128x64xf32, #tpu.memory_space<vmem>>, vector<16xf32>,
        %get3A_771 = arith.index_cast %add3A_746 : i32 to index
        %get3A_772 = arith.constant 48 : index
        %get3A_773 = tpu.vector_load %arg20[%get3A_771, %get3A_772] {strides = array<i32>} : memref<128x64xf32, #tpu.memory_space<vmem>>, vector<16xf32>,
        %mul3A_774 = vector.broadcast %squeeze3A_742 : f32 to vector<16xf32>
        %mul3A_775 = arith.mulf %get3A_773, %mul3A_774 : vector<16xf32>
        %swap3A_776 = arith.index_cast %add3A_746 : i32 to index
        %swap3A_777 = arith.constant 48 : index
        %swap3A_778 = tpu.vector_load %arg20[%swap3A_776, %swap3A_777] {strides = array<i32>} : memref<128x64xf32, #tpu.memory_space<vmem>>, vector<16xf32>,
        tpu.vector_store %arg20[%swap3A_776, %swap3A_777], %mul3A_775 {strides = array<i32>} : memref<128x64xf32, #tpu.memory_space<vmem>>, vector<16xf32>,
        %scan3A_779 = arith.constant 0 : i32
        scf.yield %scan3A_779 : i32
      }
      %scan3A_163 = arith.constant 8 : i32
      %add3A_164 = arith.constant 1 : i32
      %add3A_165 = arith.addi %mul3A_124, %add3A_164 : i32
      "tpu.region"() ({
        %run_scoped3A = tpu.sem_alloc : memref<!tpu.dma_semaphore, #tpu.memory_space<semaphore_mem>>
        %dma_start3A_167 = arith.constant 0 : i32
        %dma_start3A_168 = tpu.memref_slice %arg13[%add3A_165, %dma_start3A_167] : memref<160x128xi32, #tpu.memory_space<vmem>> -> memref<1x128xi32, #tpu.memory_space<vmem>>
        %dma_start3A_169 = tpu.memref_squeeze %dma_start3A_168 : memref<1x128xi32, #tpu.memory_space<vmem>> -> memref<128xi32, #tpu.memory_space<vmem>>
        %dma_start3A_170 = arith.constant 0 : i32
        %dma_start3A_171 = arith.constant 0 : i32
        %dma_start3A_172 = tpu.memref_slice %arg26[%dma_start3A_170, %dma_start3A_171] : memref<10240x64xf32, #tpu.memory_space<vmem_shared>> -> memref<10240x64xf32, #tpu.memory_space<vmem_shared>>
        tpu.enqueue_indirect_dma source(%arg20 : memref<128x64xf32, #tpu.memory_space<vmem>>) target(%dma_start3A_172 : memref<10240x64xf32, #tpu.memory_space<vmem_shared>>) offsets(%dma_start3A_169 : memref<128xi32, #tpu.memory_space<vmem>>) semaphore(%run_scoped3A : memref<!tpu.dma_semaphore, #tpu.memory_space<semaphore_mem>>) {add = true}
        %dma_wait3A_173 = arith.constant 0 : i32
        %dma_wait3A_174 = tpu.memref_slice %arg13[%add3A_165, %dma_wait3A_173] : memref<160x128xi32, #tpu.memory_space<vmem>> -> memref<1x128xi32, #tpu.memory_space<vmem>>
        %dma_wait3A_175 = tpu.memref_squeeze %dma_wait3A_174 : memref<1x128xi32, #tpu.memory_space<vmem>> -> memref<128xi32, #tpu.memory_space<vmem>>
        %dma_wait3A_176 = arith.constant 0 : i32
        %dma_wait3A_177 = arith.constant 0 : i32
        %dma_wait3A_178 = tpu.memref_slice %arg26[%dma_wait3A_176, %dma_wait3A_177] : memref<10240x64xf32, #tpu.memory_space<vmem_shared>> -> memref<10240x64xf32, #tpu.memory_space<vmem_shared>>
        tpu.wait_indirect_dma semaphore(%run_scoped3A : memref<!tpu.dma_semaphore, #tpu.memory_space<semaphore_mem>>) src(%arg20 : memref<128x64xf32, #tpu.memory_space<vmem>>) dst(%dma_wait3A_178 : memref<10240x64xf32, #tpu.memory_space<vmem_shared>>)
        tpu.yield
      }) : () -> ()
      %scan3A_166 = arith.constant 0 : i32
      scf.yield %scan3A_166 : i32
    }
    %scan3A_64 = arith.constant 80 : i32
    %barrier3A_65 = arith.constant 0 : index
    tpu.barrier barrier_id(%barrier3A_65)
    "tpu.trace_stop"() : () -> ()
    "tpu.trace_start"() <{level = 10 : i32, message = "ph4_dump1"}> : () -> ()
    %scan3A_66 = arith.constant 0 : i32
    %scan3A_67 = arith.constant 0 : i32
    %scan3A_68 = arith.constant 5 : i32
    %scan3A_69 = arith.addi %scan3A_67, %scan3A_68 : i32
    %scan3A_70 = arith.constant 1 : i32
    %scan3A_71 = scf.for %scan3A_121 = %scan3A_67 to %scan3A_69 step %scan3A_70 iter_args(%scan3A_122 = %scan3A_66) -> (i32)  : i32 {
      %mul3A_123 = arith.constant 640 : i32
      %mul3A_124 = arith.muli %arg1, %mul3A_123 : i32
      %mul3A_125 = arith.constant 128 : i32
      %mul3A_126 = arith.muli %scan3A_121, %mul3A_125 : i32
      %add3A_127 = arith.addi %mul3A_124, %mul3A_126 : i32
      "tpu.region"() ({
        %run_scoped3A = tpu.sem_alloc : memref<!tpu.dma_semaphore, #tpu.memory_space<semaphore_mem>>
        %dma_start3A_139 = arith.constant 0 : i32
        %dma_start3A_140 = tpu.memref_slice %arg26[%add3A_127, %dma_start3A_139] : memref<10240x64xf32, #tpu.memory_space<vmem_shared>> -> memref<128x64xf32, #tpu.memory_space<vmem_shared>>
        %dma_start3A_141 = arith.constant 0 : i32
        %dma_start3A_142 = tpu.memref_slice %arg26[%add3A_127, %dma_start3A_141] : memref<10240x64xf32, #tpu.memory_space<vmem_shared>> -> memref<128x64xf32, #tpu.memory_space<vmem_shared>>
        tpu.enqueue_dma source(%dma_start3A_142 : memref<128x64xf32, #tpu.memory_space<vmem_shared>>) target(%arg19 : memref<128x64xf32, #tpu.memory_space<vmem>>) target_semaphore(%run_scoped3A : memref<!tpu.dma_semaphore, #tpu.memory_space<semaphore_mem>>)
        %dma_wait3A = arith.constant 0 : i32
        %dma_wait3A_143 = tpu.memref_slice %arg26[%add3A_127, %dma_wait3A] : memref<10240x64xf32, #tpu.memory_space<vmem_shared>> -> memref<128x64xf32, #tpu.memory_space<vmem_shared>>
        %dma_wait3A_144 = arith.constant 0 : i32
        %dma_wait3A_145 = tpu.memref_slice %arg26[%add3A_127, %dma_wait3A_144] : memref<10240x64xf32, #tpu.memory_space<vmem_shared>> -> memref<128x64xf32, #tpu.memory_space<vmem_shared>>
        tpu.wait_dma2 semaphore(%run_scoped3A : memref<!tpu.dma_semaphore, #tpu.memory_space<semaphore_mem>>) src(%dma_wait3A_145 : memref<128x64xf32, #tpu.memory_space<vmem_shared>>) dst(%arg19 : memref<128x64xf32, #tpu.memory_space<vmem>>)
        tpu.yield
      }) : () -> ()
      %scan3A_128 = arith.constant 0 : i32
      %scan3A_129 = arith.constant 0 : i32
      %scan3A_130 = arith.constant 128 : i32
      %scan3A_131 = arith.addi %scan3A_129, %scan3A_130 : i32
      %scan3A_132 = arith.constant 1 : i32
      %scan3A_133 = scf.for %scan3A_139 = %scan3A_129 to %scan3A_131 step %scan3A_132 iter_args(%scan3A_140 = %scan3A_128) -> (i32)  : i32 {
        %get3A = arith.index_cast %scan3A_139 : i32 to index
        %get3A_141 = arith.constant 0 : index
        %get3A_142 = tpu.vector_load %arg19[%get3A, %get3A_141] {strides = array<i32>} : memref<128x64xf32, #tpu.memory_space<vmem>>, vector<16xf32>,
        %get3A_143 = arith.constant 0 : index
        %get3A_144 = tpu.vector_load %arg21[%get3A_143] {strides = array<i32>} : memref<64xf32, #tpu.memory_space<vmem>>, vector<16xf32>,
        %add3A_145 = arith.addf %get3A_142, %get3A_144 : vector<16xf32>
        %swap3A_146 = arith.index_cast %scan3A_139 : i32 to index
        %swap3A_147 = arith.constant 0 : index
        %swap3A_148 = tpu.vector_load %arg19[%swap3A_146, %swap3A_147] {strides = array<i32>} : memref<128x64xf32, #tpu.memory_space<vmem>>, vector<16xf32>,
        tpu.vector_store %arg19[%swap3A_146, %swap3A_147], %add3A_145 {strides = array<i32>} : memref<128x64xf32, #tpu.memory_space<vmem>>, vector<16xf32>,
        %get3A_149 = arith.index_cast %scan3A_139 : i32 to index
        %get3A_150 = arith.constant 16 : index
        %get3A_151 = tpu.vector_load %arg19[%get3A_149, %get3A_150] {strides = array<i32>} : memref<128x64xf32, #tpu.memory_space<vmem>>, vector<16xf32>,
        %get3A_152 = arith.constant 16 : index
        %get3A_153 = tpu.vector_load %arg21[%get3A_152] {strides = array<i32>} : memref<64xf32, #tpu.memory_space<vmem>>, vector<16xf32>,
        %add3A_154 = arith.addf %get3A_151, %get3A_153 : vector<16xf32>
        %swap3A_155 = arith.index_cast %scan3A_139 : i32 to index
        %swap3A_156 = arith.constant 16 : index
        %swap3A_157 = tpu.vector_load %arg19[%swap3A_155, %swap3A_156] {strides = array<i32>} : memref<128x64xf32, #tpu.memory_space<vmem>>, vector<16xf32>,
        tpu.vector_store %arg19[%swap3A_155, %swap3A_156], %add3A_154 {strides = array<i32>} : memref<128x64xf32, #tpu.memory_space<vmem>>, vector<16xf32>,
        %get3A_158 = arith.index_cast %scan3A_139 : i32 to index
        %get3A_159 = arith.constant 32 : index
        %get3A_160 = tpu.vector_load %arg19[%get3A_158, %get3A_159] {strides = array<i32>} : memref<128x64xf32, #tpu.memory_space<vmem>>, vector<16xf32>,
        %get3A_161 = arith.constant 32 : index
        %get3A_162 = tpu.vector_load %arg21[%get3A_161] {strides = array<i32>} : memref<64xf32, #tpu.memory_space<vmem>>, vector<16xf32>,
        %add3A_163 = arith.addf %get3A_160, %get3A_162 : vector<16xf32>
        %swap3A_164 = arith.index_cast %scan3A_139 : i32 to index
        %swap3A_165 = arith.constant 32 : index
        %swap3A_166 = tpu.vector_load %arg19[%swap3A_164, %swap3A_165] {strides = array<i32>} : memref<128x64xf32, #tpu.memory_space<vmem>>, vector<16xf32>,
        tpu.vector_store %arg19[%swap3A_164, %swap3A_165], %add3A_163 {strides = array<i32>} : memref<128x64xf32, #tpu.memory_space<vmem>>, vector<16xf32>,
        %get3A_167 = arith.index_cast %scan3A_139 : i32 to index
        %get3A_168 = arith.constant 48 : index
        %get3A_169 = tpu.vector_load %arg19[%get3A_167, %get3A_168] {strides = array<i32>} : memref<128x64xf32, #tpu.memory_space<vmem>>, vector<16xf32>,
        %get3A_170 = arith.constant 48 : index
        %get3A_171 = tpu.vector_load %arg21[%get3A_170] {strides = array<i32>} : memref<64xf32, #tpu.memory_space<vmem>>, vector<16xf32>,
        %add3A_172 = arith.addf %get3A_169, %get3A_171 : vector<16xf32>
        %swap3A_173 = arith.index_cast %scan3A_139 : i32 to index
        %swap3A_174 = arith.constant 48 : index
        %swap3A_175 = tpu.vector_load %arg19[%swap3A_173, %swap3A_174] {strides = array<i32>} : memref<128x64xf32, #tpu.memory_space<vmem>>, vector<16xf32>,
        tpu.vector_store %arg19[%swap3A_173, %swap3A_174], %add3A_172 {strides = array<i32>} : memref<128x64xf32, #tpu.memory_space<vmem>>, vector<16xf32>,
        %scan3A_176 = arith.constant 0 : i32
        scf.yield %scan3A_176 : i32
      }
      %scan3A_134 = arith.constant 128 : i32
      %mul3A_135 = arith.constant 10240 : i32
      %mul3A_136 = arith.muli %arg0, %mul3A_135 : i32
      %add3A_137 = arith.addi %mul3A_136, %add3A_127 : i32
      "tpu.region"() ({
        %run_scoped3A = tpu.sem_alloc : memref<!tpu.dma_semaphore, #tpu.memory_space<semaphore_mem>>
        %dma_start3A_139 = arith.constant 0 : i32
        %dma_start3A_140 = tpu.memref_slice %arg10[%add3A_137, %dma_start3A_139] : memref<20480x64xf32, #tpu.memory_space<hbm>> -> memref<128x64xf32, #tpu.memory_space<hbm>>
        %dma_start3A_141 = arith.constant 0 : i32
        %dma_start3A_142 = tpu.memref_slice %arg10[%add3A_137, %dma_start3A_141] : memref<20480x64xf32, #tpu.memory_space<hbm>> -> memref<128x64xf32, #tpu.memory_space<hbm>>
        tpu.enqueue_dma source(%arg19 : memref<128x64xf32, #tpu.memory_space<vmem>>) target(%dma_start3A_142 : memref<128x64xf32, #tpu.memory_space<hbm>>) target_semaphore(%run_scoped3A : memref<!tpu.dma_semaphore, #tpu.memory_space<semaphore_mem>>)
        %dma_wait3A = arith.constant 0 : i32
        %dma_wait3A_143 = tpu.memref_slice %arg10[%add3A_137, %dma_wait3A] : memref<20480x64xf32, #tpu.memory_space<hbm>> -> memref<128x64xf32, #tpu.memory_space<hbm>>
        %dma_wait3A_144 = arith.constant 0 : i32
        %dma_wait3A_145 = tpu.memref_slice %arg10[%add3A_137, %dma_wait3A_144] : memref<20480x64xf32, #tpu.memory_space<hbm>> -> memref<128x64xf32, #tpu.memory_space<hbm>>
        tpu.wait_dma2 semaphore(%run_scoped3A : memref<!tpu.dma_semaphore, #tpu.memory_space<semaphore_mem>>) src(%arg19 : memref<128x64xf32, #tpu.memory_space<vmem>>) dst(%dma_wait3A_145 : memref<128x64xf32, #tpu.memory_space<hbm>>)
        tpu.yield
      }) : () -> ()
      %scan3A_138 = arith.constant 0 : i32
      scf.yield %scan3A_138 : i32
    }
    %scan3A_72 = arith.constant 5 : i32
    %scan3A_73 = arith.constant 0 : i32
    %scan3A_74 = arith.constant 0 : i32
    %scan3A_75 = arith.constant 128 : i32
    %scan3A_76 = arith.addi %scan3A_74, %scan3A_75 : i32
    %scan3A_77 = arith.constant 1 : i32
    %scan3A_78 = scf.for %scan3A_121 = %scan3A_74 to %scan3A_76 step %scan3A_77 iter_args(%scan3A_122 = %scan3A_73) -> (i32)  : i32 {
      %swap3A_123 = arith.index_cast %scan3A_121 : i32 to index
      %swap3A_124 = arith.constant 0 : index
      %swap3A_125 = tpu.vector_load %arg19[%swap3A_123, %swap3A_124] {strides = array<i32>} : memref<128x64xf32, #tpu.memory_space<vmem>>, vector<16xf32>,
      tpu.vector_store %arg19[%swap3A_123, %swap3A_124], %broadcast_in_dim3A_0 {strides = array<i32>} : memref<128x64xf32, #tpu.memory_space<vmem>>, vector<16xf32>,
      %swap3A_126 = arith.index_cast %scan3A_121 : i32 to index
      %swap3A_127 = arith.constant 16 : index
      %swap3A_128 = tpu.vector_load %arg19[%swap3A_126, %swap3A_127] {strides = array<i32>} : memref<128x64xf32, #tpu.memory_space<vmem>>, vector<16xf32>,
      tpu.vector_store %arg19[%swap3A_126, %swap3A_127], %broadcast_in_dim3A_0 {strides = array<i32>} : memref<128x64xf32, #tpu.memory_space<vmem>>, vector<16xf32>,
      %swap3A_129 = arith.index_cast %scan3A_121 : i32 to index
      %swap3A_130 = arith.constant 32 : index
      %swap3A_131 = tpu.vector_load %arg19[%swap3A_129, %swap3A_130] {strides = array<i32>} : memref<128x64xf32, #tpu.memory_space<vmem>>, vector<16xf32>,
      tpu.vector_store %arg19[%swap3A_129, %swap3A_130], %broadcast_in_dim3A_0 {strides = array<i32>} : memref<128x64xf32, #tpu.memory_space<vmem>>, vector<16xf32>,
      %swap3A_132 = arith.index_cast %scan3A_121 : i32 to index
      %swap3A_133 = arith.constant 48 : index
      %swap3A_134 = tpu.vector_load %arg19[%swap3A_132, %swap3A_133] {strides = array<i32>} : memref<128x64xf32, #tpu.memory_space<vmem>>, vector<16xf32>,
      tpu.vector_store %arg19[%swap3A_132, %swap3A_133], %broadcast_in_dim3A_0 {strides = array<i32>} : memref<128x64xf32, #tpu.memory_space<vmem>>, vector<16xf32>,
      %scan3A_135 = arith.constant 0 : i32
      scf.yield %scan3A_135 : i32
    }
    %scan3A_79 = arith.constant 128 : i32
    %scan3A_80 = arith.constant 0 : i32
    %scan3A_81 = arith.constant 0 : i32
    %scan3A_82 = arith.constant 5 : i32
    %scan3A_83 = arith.addi %scan3A_81, %scan3A_82 : i32
    %scan3A_84 = arith.constant 1 : i32
    %scan3A_85 = scf.for %scan3A_121 = %scan3A_81 to %scan3A_83 step %scan3A_84 iter_args(%scan3A_122 = %scan3A_80) -> (i32)  : i32 {
      %mul3A_123 = arith.constant 640 : i32
      %mul3A_124 = arith.muli %arg1, %mul3A_123 : i32
      %mul3A_125 = arith.constant 128 : i32
      %mul3A_126 = arith.muli %scan3A_121, %mul3A_125 : i32
      %add3A_127 = arith.addi %mul3A_124, %mul3A_126 : i32
      "tpu.region"() ({
        %run_scoped3A = tpu.sem_alloc : memref<!tpu.dma_semaphore, #tpu.memory_space<semaphore_mem>>
        %dma_start3A_129 = arith.constant 0 : i32
        %dma_start3A_130 = tpu.memref_slice %arg26[%add3A_127, %dma_start3A_129] : memref<10240x64xf32, #tpu.memory_space<vmem_shared>> -> memref<128x64xf32, #tpu.memory_space<vmem_shared>>
        %dma_start3A_131 = arith.constant 0 : i32
        %dma_start3A_132 = tpu.memref_slice %arg26[%add3A_127, %dma_start3A_131] : memref<10240x64xf32, #tpu.memory_space<vmem_shared>> -> memref<128x64xf32, #tpu.memory_space<vmem_shared>>
        tpu.enqueue_dma source(%arg19 : memref<128x64xf32, #tpu.memory_space<vmem>>) target(%dma_start3A_132 : memref<128x64xf32, #tpu.memory_space<vmem_shared>>) target_semaphore(%run_scoped3A : memref<!tpu.dma_semaphore, #tpu.memory_space<semaphore_mem>>)
        %dma_wait3A = arith.constant 0 : i32
        %dma_wait3A_133 = tpu.memref_slice %arg26[%add3A_127, %dma_wait3A] : memref<10240x64xf32, #tpu.memory_space<vmem_shared>> -> memref<128x64xf32, #tpu.memory_space<vmem_shared>>
        %dma_wait3A_134 = arith.constant 0 : i32
        %dma_wait3A_135 = tpu.memref_slice %arg26[%add3A_127, %dma_wait3A_134] : memref<10240x64xf32, #tpu.memory_space<vmem_shared>> -> memref<128x64xf32, #tpu.memory_space<vmem_shared>>
        tpu.wait_dma2 semaphore(%run_scoped3A : memref<!tpu.dma_semaphore, #tpu.memory_space<semaphore_mem>>) src(%arg19 : memref<128x64xf32, #tpu.memory_space<vmem>>) dst(%dma_wait3A_135 : memref<128x64xf32, #tpu.memory_space<vmem_shared>>)
        tpu.yield
      }) : () -> ()
      %scan3A_128 = arith.constant 0 : i32
      scf.yield %scan3A_128 : i32
    }
    %scan3A_86 = arith.constant 5 : i32
    %barrier3A_87 = arith.constant 0 : index
    tpu.barrier barrier_id(%barrier3A_87)
    %dma_start3A_88 = arith.constant 0 : i32
    "tpu.trace_stop"() : () -> ()
    "tpu.trace_start"() <{level = 10 : i32, message = "ph5_conv2"}> : () -> ()
    %dma_start3A_89 = arith.constant 0 : i32
    %dma_start3A_90 = tpu.memref_slice %arg12[%dma_start3A_88, %dma_start3A_89] : memref<160x128xi32, #tpu.memory_space<vmem>> -> memref<1x128xi32, #tpu.memory_space<vmem>>
    %dma_start3A_91 = tpu.memref_squeeze %dma_start3A_90 : memref<1x128xi32, #tpu.memory_space<vmem>> -> memref<128xi32, #tpu.memory_space<vmem>>
    %dma_start3A_92 = arith.constant 0 : i32
    %dma_start3A_93 = arith.constant 0 : i32
    %dma_start3A_94 = tpu.memref_slice %arg10[%dma_start3A_92, %dma_start3A_93] : memref<20480x64xf32, #tpu.memory_space<hbm>> -> memref<20480x64xf32, #tpu.memory_space<hbm>>
    tpu.enqueue_indirect_dma source(%dma_start3A_94 : memref<20480x64xf32, #tpu.memory_space<hbm>>) target(%arg19 : memref<128x64xf32, #tpu.memory_space<vmem>>) offsets(%dma_start3A_91 : memref<128xi32, #tpu.memory_space<vmem>>) semaphore(%arg23 : memref<!tpu.dma_semaphore, #tpu.memory_space<semaphore_mem>>)
    %scan3A_95 = arith.constant 0 : i32
    %scan3A_96 = arith.constant 0 : i32
    %scan3A_97 = arith.constant 80 : i32
    %scan3A_98 = arith.addi %scan3A_96, %scan3A_97 : i32
    %scan3A_99 = arith.constant 1 : i32
    %scan3A_100 = scf.for %scan3A_121 = %scan3A_96 to %scan3A_98 step %scan3A_99 iter_args(%scan3A_122 = %scan3A_95) -> (i32)  : i32 {
      %mul3A_123 = arith.constant 2 : i32
      %mul3A_124 = arith.muli %mul3A_123, %scan3A_121 : i32
      %add3A_125 = arith.constant 1 : i32
      %add3A_126 = arith.addi %mul3A_124, %add3A_125 : i32
      %dma_start3A_127 = arith.constant 0 : i32
      %dma_start3A_128 = tpu.memref_slice %arg12[%add3A_126, %dma_start3A_127] : memref<160x128xi32, #tpu.memory_space<vmem>> -> memref<1x128xi32, #tpu.memory_space<vmem>>
      %dma_start3A_129 = tpu.memref_squeeze %dma_start3A_128 : memref<1x128xi32, #tpu.memory_space<vmem>> -> memref<128xi32, #tpu.memory_space<vmem>>
      %dma_start3A_130 = arith.constant 0 : i32
      %dma_start3A_131 = arith.constant 0 : i32
      %dma_start3A_132 = tpu.memref_slice %arg10[%dma_start3A_130, %dma_start3A_131] : memref<20480x64xf32, #tpu.memory_space<hbm>> -> memref<20480x64xf32, #tpu.memory_space<hbm>>
      tpu.enqueue_indirect_dma source(%dma_start3A_132 : memref<20480x64xf32, #tpu.memory_space<hbm>>) target(%arg20 : memref<128x64xf32, #tpu.memory_space<vmem>>) offsets(%dma_start3A_129 : memref<128xi32, #tpu.memory_space<vmem>>) semaphore(%arg24 : memref<!tpu.dma_semaphore, #tpu.memory_space<semaphore_mem>>)
      %dma_wait3A = arith.constant 0 : i32
      %dma_wait3A_133 = tpu.memref_slice %arg12[%mul3A_124, %dma_wait3A] : memref<160x128xi32, #tpu.memory_space<vmem>> -> memref<1x128xi32, #tpu.memory_space<vmem>>
      %dma_wait3A_134 = tpu.memref_squeeze %dma_wait3A_133 : memref<1x128xi32, #tpu.memory_space<vmem>> -> memref<128xi32, #tpu.memory_space<vmem>>
      %dma_wait3A_135 = arith.constant 0 : i32
      %dma_wait3A_136 = arith.constant 0 : i32
      %dma_wait3A_137 = tpu.memref_slice %arg10[%dma_wait3A_135, %dma_wait3A_136] : memref<20480x64xf32, #tpu.memory_space<hbm>> -> memref<20480x64xf32, #tpu.memory_space<hbm>>
      tpu.wait_indirect_dma semaphore(%arg23 : memref<!tpu.dma_semaphore, #tpu.memory_space<semaphore_mem>>) src(%dma_wait3A_137 : memref<20480x64xf32, #tpu.memory_space<hbm>>) dst(%arg19 : memref<128x64xf32, #tpu.memory_space<vmem>>)
      %scan3A_138 = arith.constant 0 : i32
      %scan3A_139 = arith.constant 0 : i32
      %scan3A_140 = arith.constant 8 : i32
      %scan3A_141 = arith.addi %scan3A_139, %scan3A_140 : i32
      %scan3A_142 = arith.constant 1 : i32
      %scan3A_143 = scf.for %scan3A_167 = %scan3A_139 to %scan3A_141 step %scan3A_142 iter_args(%scan3A_168 = %scan3A_138) -> (i32)  : i32 {
        %mul3A_169 = arith.constant 16 : i32
        %mul3A_170 = arith.muli %scan3A_167, %mul3A_169 : i32
        %get3A = arith.index_cast %mul3A_124 : i32 to index
        %get3A_171 = arith.index_cast %mul3A_170 : i32 to index
        %get3A_172 = tpu.vector_load %arg14[%get3A, %get3A_171] {strides = array<i32>} : memref<160x128xf32, #tpu.memory_space<vmem>>, vector<16xf32>,
        %slice3A = vector.extract_strided_slice %get3A_172 {offsets = [0], sizes = [1], strides = [1]} : vector<16xf32> to vector<1xf32>
        %squeeze3A = vector.extract %slice3A[0] : f32 from vector<1xf32>
        %mul3A_173 = arith.constant 16 : i32
        %mul3A_174 = arith.muli %scan3A_167, %mul3A_173 : i32
        %add3A_175 = arith.constant 0 : i32
        %add3A_176 = arith.addi %mul3A_174, %add3A_175 : i32
        %get3A_177 = arith.index_cast %add3A_176 : i32 to index
        %get3A_178 = arith.constant 0 : index
        %get3A_179 = tpu.vector_load %arg19[%get3A_177, %get3A_178] {strides = array<i32>} : memref<128x64xf32, #tpu.memory_space<vmem>>, vector<16xf32>,
        %mul3A_180 = vector.broadcast %squeeze3A : f32 to vector<16xf32>
        %mul3A_181 = arith.mulf %get3A_179, %mul3A_180 : vector<16xf32>
        %swap3A_182 = arith.index_cast %add3A_176 : i32 to index
        %swap3A_183 = arith.constant 0 : index
        %swap3A_184 = tpu.vector_load %arg19[%swap3A_182, %swap3A_183] {strides = array<i32>} : memref<128x64xf32, #tpu.memory_space<vmem>>, vector<16xf32>,
        tpu.vector_store %arg19[%swap3A_182, %swap3A_183], %mul3A_181 {strides = array<i32>} : memref<128x64xf32, #tpu.memory_space<vmem>>, vector<16xf32>,
        %get3A_185 = arith.index_cast %add3A_176 : i32 to index
        %get3A_186 = arith.constant 16 : index
        %get3A_187 = tpu.vector_load %arg19[%get3A_185, %get3A_186] {strides = array<i32>} : memref<128x64xf32, #tpu.memory_space<vmem>>, vector<16xf32>,
        %mul3A_188 = vector.broadcast %squeeze3A : f32 to vector<16xf32>
        %mul3A_189 = arith.mulf %get3A_187, %mul3A_188 : vector<16xf32>
        %swap3A_190 = arith.index_cast %add3A_176 : i32 to index
        %swap3A_191 = arith.constant 16 : index
        %swap3A_192 = tpu.vector_load %arg19[%swap3A_190, %swap3A_191] {strides = array<i32>} : memref<128x64xf32, #tpu.memory_space<vmem>>, vector<16xf32>,
        tpu.vector_store %arg19[%swap3A_190, %swap3A_191], %mul3A_189 {strides = array<i32>} : memref<128x64xf32, #tpu.memory_space<vmem>>, vector<16xf32>,
        %get3A_193 = arith.index_cast %add3A_176 : i32 to index
        %get3A_194 = arith.constant 32 : index
        %get3A_195 = tpu.vector_load %arg19[%get3A_193, %get3A_194] {strides = array<i32>} : memref<128x64xf32, #tpu.memory_space<vmem>>, vector<16xf32>,
        %mul3A_196 = vector.broadcast %squeeze3A : f32 to vector<16xf32>
        %mul3A_197 = arith.mulf %get3A_195, %mul3A_196 : vector<16xf32>
        %swap3A_198 = arith.index_cast %add3A_176 : i32 to index
        %swap3A_199 = arith.constant 32 : index
        %swap3A_200 = tpu.vector_load %arg19[%swap3A_198, %swap3A_199] {strides = array<i32>} : memref<128x64xf32, #tpu.memory_space<vmem>>, vector<16xf32>,
        tpu.vector_store %arg19[%swap3A_198, %swap3A_199], %mul3A_197 {strides = array<i32>} : memref<128x64xf32, #tpu.memory_space<vmem>>, vector<16xf32>,
        %get3A_201 = arith.index_cast %add3A_176 : i32 to index
        %get3A_202 = arith.constant 48 : index
        %get3A_203 = tpu.vector_load %arg19[%get3A_201, %get3A_202] {strides = array<i32>} : memref<128x64xf32, #tpu.memory_space<vmem>>, vector<16xf32>,
        %mul3A_204 = vector.broadcast %squeeze3A : f32 to vector<16xf32>
        %mul3A_205 = arith.mulf %get3A_203, %mul3A_204 : vector<16xf32>
        %swap3A_206 = arith.index_cast %add3A_176 : i32 to index
        %swap3A_207 = arith.constant 48 : index
        %swap3A_208 = tpu.vector_load %arg19[%swap3A_206, %swap3A_207] {strides = array<i32>} : memref<128x64xf32, #tpu.memory_space<vmem>>, vector<16xf32>,
        tpu.vector_store %arg19[%swap3A_206, %swap3A_207], %mul3A_205 {strides = array<i32>} : memref<128x64xf32, #tpu.memory_space<vmem>>, vector<16xf32>,
        %slice3A_209 = vector.extract_strided_slice %get3A_172 {offsets = [1], sizes = [1], strides = [1]} : vector<16xf32> to vector<1xf32>
        %squeeze3A_210 = vector.extract %slice3A_209[0] : f32 from vector<1xf32>
        %mul3A_211 = arith.constant 16 : i32
        %mul3A_212 = arith.muli %scan3A_167, %mul3A_211 : i32
        %add3A_213 = arith.constant 1 : i32
        %add3A_214 = arith.addi %mul3A_212, %add3A_213 : i32
        %get3A_215 = arith.index_cast %add3A_214 : i32 to index
        %get3A_216 = arith.constant 0 : index
        %get3A_217 = tpu.vector_load %arg19[%get3A_215, %get3A_216] {strides = array<i32>} : memref<128x64xf32, #tpu.memory_space<vmem>>, vector<16xf32>,
        %mul3A_218 = vector.broadcast %squeeze3A_210 : f32 to vector<16xf32>
        %mul3A_219 = arith.mulf %get3A_217, %mul3A_218 : vector<16xf32>
        %swap3A_220 = arith.index_cast %add3A_214 : i32 to index
        %swap3A_221 = arith.constant 0 : index
        %swap3A_222 = tpu.vector_load %arg19[%swap3A_220, %swap3A_221] {strides = array<i32>} : memref<128x64xf32, #tpu.memory_space<vmem>>, vector<16xf32>,
        tpu.vector_store %arg19[%swap3A_220, %swap3A_221], %mul3A_219 {strides = array<i32>} : memref<128x64xf32, #tpu.memory_space<vmem>>, vector<16xf32>,
        %get3A_223 = arith.index_cast %add3A_214 : i32 to index
        %get3A_224 = arith.constant 16 : index
        %get3A_225 = tpu.vector_load %arg19[%get3A_223, %get3A_224] {strides = array<i32>} : memref<128x64xf32, #tpu.memory_space<vmem>>, vector<16xf32>,
        %mul3A_226 = vector.broadcast %squeeze3A_210 : f32 to vector<16xf32>
        %mul3A_227 = arith.mulf %get3A_225, %mul3A_226 : vector<16xf32>
        %swap3A_228 = arith.index_cast %add3A_214 : i32 to index
        %swap3A_229 = arith.constant 16 : index
        %swap3A_230 = tpu.vector_load %arg19[%swap3A_228, %swap3A_229] {strides = array<i32>} : memref<128x64xf32, #tpu.memory_space<vmem>>, vector<16xf32>,
        tpu.vector_store %arg19[%swap3A_228, %swap3A_229], %mul3A_227 {strides = array<i32>} : memref<128x64xf32, #tpu.memory_space<vmem>>, vector<16xf32>,
        %get3A_231 = arith.index_cast %add3A_214 : i32 to index
        %get3A_232 = arith.constant 32 : index
        %get3A_233 = tpu.vector_load %arg19[%get3A_231, %get3A_232] {strides = array<i32>} : memref<128x64xf32, #tpu.memory_space<vmem>>, vector<16xf32>,
        %mul3A_234 = vector.broadcast %squeeze3A_210 : f32 to vector<16xf32>
        %mul3A_235 = arith.mulf %get3A_233, %mul3A_234 : vector<16xf32>
        %swap3A_236 = arith.index_cast %add3A_214 : i32 to index
        %swap3A_237 = arith.constant 32 : index
        %swap3A_238 = tpu.vector_load %arg19[%swap3A_236, %swap3A_237] {strides = array<i32>} : memref<128x64xf32, #tpu.memory_space<vmem>>, vector<16xf32>,
        tpu.vector_store %arg19[%swap3A_236, %swap3A_237], %mul3A_235 {strides = array<i32>} : memref<128x64xf32, #tpu.memory_space<vmem>>, vector<16xf32>,
        %get3A_239 = arith.index_cast %add3A_214 : i32 to index
        %get3A_240 = arith.constant 48 : index
        %get3A_241 = tpu.vector_load %arg19[%get3A_239, %get3A_240] {strides = array<i32>} : memref<128x64xf32, #tpu.memory_space<vmem>>, vector<16xf32>,
        %mul3A_242 = vector.broadcast %squeeze3A_210 : f32 to vector<16xf32>
        %mul3A_243 = arith.mulf %get3A_241, %mul3A_242 : vector<16xf32>
        %swap3A_244 = arith.index_cast %add3A_214 : i32 to index
        %swap3A_245 = arith.constant 48 : index
        %swap3A_246 = tpu.vector_load %arg19[%swap3A_244, %swap3A_245] {strides = array<i32>} : memref<128x64xf32, #tpu.memory_space<vmem>>, vector<16xf32>,
        tpu.vector_store %arg19[%swap3A_244, %swap3A_245], %mul3A_243 {strides = array<i32>} : memref<128x64xf32, #tpu.memory_space<vmem>>, vector<16xf32>,
        %slice3A_247 = vector.extract_strided_slice %get3A_172 {offsets = [2], sizes = [1], strides = [1]} : vector<16xf32> to vector<1xf32>
        %squeeze3A_248 = vector.extract %slice3A_247[0] : f32 from vector<1xf32>
        %mul3A_249 = arith.constant 16 : i32
        %mul3A_250 = arith.muli %scan3A_167, %mul3A_249 : i32
        %add3A_251 = arith.constant 2 : i32
        %add3A_252 = arith.addi %mul3A_250, %add3A_251 : i32
        %get3A_253 = arith.index_cast %add3A_252 : i32 to index
        %get3A_254 = arith.constant 0 : index
        %get3A_255 = tpu.vector_load %arg19[%get3A_253, %get3A_254] {strides = array<i32>} : memref<128x64xf32, #tpu.memory_space<vmem>>, vector<16xf32>,
        %mul3A_256 = vector.broadcast %squeeze3A_248 : f32 to vector<16xf32>
        %mul3A_257 = arith.mulf %get3A_255, %mul3A_256 : vector<16xf32>
        %swap3A_258 = arith.index_cast %add3A_252 : i32 to index
        %swap3A_259 = arith.constant 0 : index
        %swap3A_260 = tpu.vector_load %arg19[%swap3A_258, %swap3A_259] {strides = array<i32>} : memref<128x64xf32, #tpu.memory_space<vmem>>, vector<16xf32>,
        tpu.vector_store %arg19[%swap3A_258, %swap3A_259], %mul3A_257 {strides = array<i32>} : memref<128x64xf32, #tpu.memory_space<vmem>>, vector<16xf32>,
        %get3A_261 = arith.index_cast %add3A_252 : i32 to index
        %get3A_262 = arith.constant 16 : index
        %get3A_263 = tpu.vector_load %arg19[%get3A_261, %get3A_262] {strides = array<i32>} : memref<128x64xf32, #tpu.memory_space<vmem>>, vector<16xf32>,
        %mul3A_264 = vector.broadcast %squeeze3A_248 : f32 to vector<16xf32>
        %mul3A_265 = arith.mulf %get3A_263, %mul3A_264 : vector<16xf32>
        %swap3A_266 = arith.index_cast %add3A_252 : i32 to index
        %swap3A_267 = arith.constant 16 : index
        %swap3A_268 = tpu.vector_load %arg19[%swap3A_266, %swap3A_267] {strides = array<i32>} : memref<128x64xf32, #tpu.memory_space<vmem>>, vector<16xf32>,
        tpu.vector_store %arg19[%swap3A_266, %swap3A_267], %mul3A_265 {strides = array<i32>} : memref<128x64xf32, #tpu.memory_space<vmem>>, vector<16xf32>,
        %get3A_269 = arith.index_cast %add3A_252 : i32 to index
        %get3A_270 = arith.constant 32 : index
        %get3A_271 = tpu.vector_load %arg19[%get3A_269, %get3A_270] {strides = array<i32>} : memref<128x64xf32, #tpu.memory_space<vmem>>, vector<16xf32>,
        %mul3A_272 = vector.broadcast %squeeze3A_248 : f32 to vector<16xf32>
        %mul3A_273 = arith.mulf %get3A_271, %mul3A_272 : vector<16xf32>
        %swap3A_274 = arith.index_cast %add3A_252 : i32 to index
        %swap3A_275 = arith.constant 32 : index
        %swap3A_276 = tpu.vector_load %arg19[%swap3A_274, %swap3A_275] {strides = array<i32>} : memref<128x64xf32, #tpu.memory_space<vmem>>, vector<16xf32>,
        tpu.vector_store %arg19[%swap3A_274, %swap3A_275], %mul3A_273 {strides = array<i32>} : memref<128x64xf32, #tpu.memory_space<vmem>>, vector<16xf32>,
        %get3A_277 = arith.index_cast %add3A_252 : i32 to index
        %get3A_278 = arith.constant 48 : index
        %get3A_279 = tpu.vector_load %arg19[%get3A_277, %get3A_278] {strides = array<i32>} : memref<128x64xf32, #tpu.memory_space<vmem>>, vector<16xf32>,
        %mul3A_280 = vector.broadcast %squeeze3A_248 : f32 to vector<16xf32>
        %mul3A_281 = arith.mulf %get3A_279, %mul3A_280 : vector<16xf32>
        %swap3A_282 = arith.index_cast %add3A_252 : i32 to index
        %swap3A_283 = arith.constant 48 : index
        %swap3A_284 = tpu.vector_load %arg19[%swap3A_282, %swap3A_283] {strides = array<i32>} : memref<128x64xf32, #tpu.memory_space<vmem>>, vector<16xf32>,
        tpu.vector_store %arg19[%swap3A_282, %swap3A_283], %mul3A_281 {strides = array<i32>} : memref<128x64xf32, #tpu.memory_space<vmem>>, vector<16xf32>,
        %slice3A_285 = vector.extract_strided_slice %get3A_172 {offsets = [3], sizes = [1], strides = [1]} : vector<16xf32> to vector<1xf32>
        %squeeze3A_286 = vector.extract %slice3A_285[0] : f32 from vector<1xf32>
        %mul3A_287 = arith.constant 16 : i32
        %mul3A_288 = arith.muli %scan3A_167, %mul3A_287 : i32
        %add3A_289 = arith.constant 3 : i32
        %add3A_290 = arith.addi %mul3A_288, %add3A_289 : i32
        %get3A_291 = arith.index_cast %add3A_290 : i32 to index
        %get3A_292 = arith.constant 0 : index
        %get3A_293 = tpu.vector_load %arg19[%get3A_291, %get3A_292] {strides = array<i32>} : memref<128x64xf32, #tpu.memory_space<vmem>>, vector<16xf32>,
        %mul3A_294 = vector.broadcast %squeeze3A_286 : f32 to vector<16xf32>
        %mul3A_295 = arith.mulf %get3A_293, %mul3A_294 : vector<16xf32>
        %swap3A_296 = arith.index_cast %add3A_290 : i32 to index
        %swap3A_297 = arith.constant 0 : index
        %swap3A_298 = tpu.vector_load %arg19[%swap3A_296, %swap3A_297] {strides = array<i32>} : memref<128x64xf32, #tpu.memory_space<vmem>>, vector<16xf32>,
        tpu.vector_store %arg19[%swap3A_296, %swap3A_297], %mul3A_295 {strides = array<i32>} : memref<128x64xf32, #tpu.memory_space<vmem>>, vector<16xf32>,
        %get3A_299 = arith.index_cast %add3A_290 : i32 to index
        %get3A_300 = arith.constant 16 : index
        %get3A_301 = tpu.vector_load %arg19[%get3A_299, %get3A_300] {strides = array<i32>} : memref<128x64xf32, #tpu.memory_space<vmem>>, vector<16xf32>,
        %mul3A_302 = vector.broadcast %squeeze3A_286 : f32 to vector<16xf32>
        %mul3A_303 = arith.mulf %get3A_301, %mul3A_302 : vector<16xf32>
        %swap3A_304 = arith.index_cast %add3A_290 : i32 to index
        %swap3A_305 = arith.constant 16 : index
        %swap3A_306 = tpu.vector_load %arg19[%swap3A_304, %swap3A_305] {strides = array<i32>} : memref<128x64xf32, #tpu.memory_space<vmem>>, vector<16xf32>,
        tpu.vector_store %arg19[%swap3A_304, %swap3A_305], %mul3A_303 {strides = array<i32>} : memref<128x64xf32, #tpu.memory_space<vmem>>, vector<16xf32>,
        %get3A_307 = arith.index_cast %add3A_290 : i32 to index
        %get3A_308 = arith.constant 32 : index
        %get3A_309 = tpu.vector_load %arg19[%get3A_307, %get3A_308] {strides = array<i32>} : memref<128x64xf32, #tpu.memory_space<vmem>>, vector<16xf32>,
        %mul3A_310 = vector.broadcast %squeeze3A_286 : f32 to vector<16xf32>
        %mul3A_311 = arith.mulf %get3A_309, %mul3A_310 : vector<16xf32>
        %swap3A_312 = arith.index_cast %add3A_290 : i32 to index
        %swap3A_313 = arith.constant 32 : index
        %swap3A_314 = tpu.vector_load %arg19[%swap3A_312, %swap3A_313] {strides = array<i32>} : memref<128x64xf32, #tpu.memory_space<vmem>>, vector<16xf32>,
        tpu.vector_store %arg19[%swap3A_312, %swap3A_313], %mul3A_311 {strides = array<i32>} : memref<128x64xf32, #tpu.memory_space<vmem>>, vector<16xf32>,
        %get3A_315 = arith.index_cast %add3A_290 : i32 to index
        %get3A_316 = arith.constant 48 : index
        %get3A_317 = tpu.vector_load %arg19[%get3A_315, %get3A_316] {strides = array<i32>} : memref<128x64xf32, #tpu.memory_space<vmem>>, vector<16xf32>,
        %mul3A_318 = vector.broadcast %squeeze3A_286 : f32 to vector<16xf32>
        %mul3A_319 = arith.mulf %get3A_317, %mul3A_318 : vector<16xf32>
        %swap3A_320 = arith.index_cast %add3A_290 : i32 to index
        %swap3A_321 = arith.constant 48 : index
        %swap3A_322 = tpu.vector_load %arg19[%swap3A_320, %swap3A_321] {strides = array<i32>} : memref<128x64xf32, #tpu.memory_space<vmem>>, vector<16xf32>,
        tpu.vector_store %arg19[%swap3A_320, %swap3A_321], %mul3A_319 {strides = array<i32>} : memref<128x64xf32, #tpu.memory_space<vmem>>, vector<16xf32>,
        %slice3A_323 = vector.extract_strided_slice %get3A_172 {offsets = [4], sizes = [1], strides = [1]} : vector<16xf32> to vector<1xf32>
        %squeeze3A_324 = vector.extract %slice3A_323[0] : f32 from vector<1xf32>
        %mul3A_325 = arith.constant 16 : i32
        %mul3A_326 = arith.muli %scan3A_167, %mul3A_325 : i32
        %add3A_327 = arith.constant 4 : i32
        %add3A_328 = arith.addi %mul3A_326, %add3A_327 : i32
        %get3A_329 = arith.index_cast %add3A_328 : i32 to index
        %get3A_330 = arith.constant 0 : index
        %get3A_331 = tpu.vector_load %arg19[%get3A_329, %get3A_330] {strides = array<i32>} : memref<128x64xf32, #tpu.memory_space<vmem>>, vector<16xf32>,
        %mul3A_332 = vector.broadcast %squeeze3A_324 : f32 to vector<16xf32>
        %mul3A_333 = arith.mulf %get3A_331, %mul3A_332 : vector<16xf32>
        %swap3A_334 = arith.index_cast %add3A_328 : i32 to index
        %swap3A_335 = arith.constant 0 : index
        %swap3A_336 = tpu.vector_load %arg19[%swap3A_334, %swap3A_335] {strides = array<i32>} : memref<128x64xf32, #tpu.memory_space<vmem>>, vector<16xf32>,
        tpu.vector_store %arg19[%swap3A_334, %swap3A_335], %mul3A_333 {strides = array<i32>} : memref<128x64xf32, #tpu.memory_space<vmem>>, vector<16xf32>,
        %get3A_337 = arith.index_cast %add3A_328 : i32 to index
        %get3A_338 = arith.constant 16 : index
        %get3A_339 = tpu.vector_load %arg19[%get3A_337, %get3A_338] {strides = array<i32>} : memref<128x64xf32, #tpu.memory_space<vmem>>, vector<16xf32>,
        %mul3A_340 = vector.broadcast %squeeze3A_324 : f32 to vector<16xf32>
        %mul3A_341 = arith.mulf %get3A_339, %mul3A_340 : vector<16xf32>
        %swap3A_342 = arith.index_cast %add3A_328 : i32 to index
        %swap3A_343 = arith.constant 16 : index
        %swap3A_344 = tpu.vector_load %arg19[%swap3A_342, %swap3A_343] {strides = array<i32>} : memref<128x64xf32, #tpu.memory_space<vmem>>, vector<16xf32>,
        tpu.vector_store %arg19[%swap3A_342, %swap3A_343], %mul3A_341 {strides = array<i32>} : memref<128x64xf32, #tpu.memory_space<vmem>>, vector<16xf32>,
        %get3A_345 = arith.index_cast %add3A_328 : i32 to index
        %get3A_346 = arith.constant 32 : index
        %get3A_347 = tpu.vector_load %arg19[%get3A_345, %get3A_346] {strides = array<i32>} : memref<128x64xf32, #tpu.memory_space<vmem>>, vector<16xf32>,
        %mul3A_348 = vector.broadcast %squeeze3A_324 : f32 to vector<16xf32>
        %mul3A_349 = arith.mulf %get3A_347, %mul3A_348 : vector<16xf32>
        %swap3A_350 = arith.index_cast %add3A_328 : i32 to index
        %swap3A_351 = arith.constant 32 : index
        %swap3A_352 = tpu.vector_load %arg19[%swap3A_350, %swap3A_351] {strides = array<i32>} : memref<128x64xf32, #tpu.memory_space<vmem>>, vector<16xf32>,
        tpu.vector_store %arg19[%swap3A_350, %swap3A_351], %mul3A_349 {strides = array<i32>} : memref<128x64xf32, #tpu.memory_space<vmem>>, vector<16xf32>,
        %get3A_353 = arith.index_cast %add3A_328 : i32 to index
        %get3A_354 = arith.constant 48 : index
        %get3A_355 = tpu.vector_load %arg19[%get3A_353, %get3A_354] {strides = array<i32>} : memref<128x64xf32, #tpu.memory_space<vmem>>, vector<16xf32>,
        %mul3A_356 = vector.broadcast %squeeze3A_324 : f32 to vector<16xf32>
        %mul3A_357 = arith.mulf %get3A_355, %mul3A_356 : vector<16xf32>
        %swap3A_358 = arith.index_cast %add3A_328 : i32 to index
        %swap3A_359 = arith.constant 48 : index
        %swap3A_360 = tpu.vector_load %arg19[%swap3A_358, %swap3A_359] {strides = array<i32>} : memref<128x64xf32, #tpu.memory_space<vmem>>, vector<16xf32>,
        tpu.vector_store %arg19[%swap3A_358, %swap3A_359], %mul3A_357 {strides = array<i32>} : memref<128x64xf32, #tpu.memory_space<vmem>>, vector<16xf32>,
        %slice3A_361 = vector.extract_strided_slice %get3A_172 {offsets = [5], sizes = [1], strides = [1]} : vector<16xf32> to vector<1xf32>
        %squeeze3A_362 = vector.extract %slice3A_361[0] : f32 from vector<1xf32>
        %mul3A_363 = arith.constant 16 : i32
        %mul3A_364 = arith.muli %scan3A_167, %mul3A_363 : i32
        %add3A_365 = arith.constant 5 : i32
        %add3A_366 = arith.addi %mul3A_364, %add3A_365 : i32
        %get3A_367 = arith.index_cast %add3A_366 : i32 to index
        %get3A_368 = arith.constant 0 : index
        %get3A_369 = tpu.vector_load %arg19[%get3A_367, %get3A_368] {strides = array<i32>} : memref<128x64xf32, #tpu.memory_space<vmem>>, vector<16xf32>,
        %mul3A_370 = vector.broadcast %squeeze3A_362 : f32 to vector<16xf32>
        %mul3A_371 = arith.mulf %get3A_369, %mul3A_370 : vector<16xf32>
        %swap3A_372 = arith.index_cast %add3A_366 : i32 to index
        %swap3A_373 = arith.constant 0 : index
        %swap3A_374 = tpu.vector_load %arg19[%swap3A_372, %swap3A_373] {strides = array<i32>} : memref<128x64xf32, #tpu.memory_space<vmem>>, vector<16xf32>,
        tpu.vector_store %arg19[%swap3A_372, %swap3A_373], %mul3A_371 {strides = array<i32>} : memref<128x64xf32, #tpu.memory_space<vmem>>, vector<16xf32>,
        %get3A_375 = arith.index_cast %add3A_366 : i32 to index
        %get3A_376 = arith.constant 16 : index
        %get3A_377 = tpu.vector_load %arg19[%get3A_375, %get3A_376] {strides = array<i32>} : memref<128x64xf32, #tpu.memory_space<vmem>>, vector<16xf32>,
        %mul3A_378 = vector.broadcast %squeeze3A_362 : f32 to vector<16xf32>
        %mul3A_379 = arith.mulf %get3A_377, %mul3A_378 : vector<16xf32>
        %swap3A_380 = arith.index_cast %add3A_366 : i32 to index
        %swap3A_381 = arith.constant 16 : index
        %swap3A_382 = tpu.vector_load %arg19[%swap3A_380, %swap3A_381] {strides = array<i32>} : memref<128x64xf32, #tpu.memory_space<vmem>>, vector<16xf32>,
        tpu.vector_store %arg19[%swap3A_380, %swap3A_381], %mul3A_379 {strides = array<i32>} : memref<128x64xf32, #tpu.memory_space<vmem>>, vector<16xf32>,
        %get3A_383 = arith.index_cast %add3A_366 : i32 to index
        %get3A_384 = arith.constant 32 : index
        %get3A_385 = tpu.vector_load %arg19[%get3A_383, %get3A_384] {strides = array<i32>} : memref<128x64xf32, #tpu.memory_space<vmem>>, vector<16xf32>,
        %mul3A_386 = vector.broadcast %squeeze3A_362 : f32 to vector<16xf32>
        %mul3A_387 = arith.mulf %get3A_385, %mul3A_386 : vector<16xf32>
        %swap3A_388 = arith.index_cast %add3A_366 : i32 to index
        %swap3A_389 = arith.constant 32 : index
        %swap3A_390 = tpu.vector_load %arg19[%swap3A_388, %swap3A_389] {strides = array<i32>} : memref<128x64xf32, #tpu.memory_space<vmem>>, vector<16xf32>,
        tpu.vector_store %arg19[%swap3A_388, %swap3A_389], %mul3A_387 {strides = array<i32>} : memref<128x64xf32, #tpu.memory_space<vmem>>, vector<16xf32>,
        %get3A_391 = arith.index_cast %add3A_366 : i32 to index
        %get3A_392 = arith.constant 48 : index
        %get3A_393 = tpu.vector_load %arg19[%get3A_391, %get3A_392] {strides = array<i32>} : memref<128x64xf32, #tpu.memory_space<vmem>>, vector<16xf32>,
        %mul3A_394 = vector.broadcast %squeeze3A_362 : f32 to vector<16xf32>
        %mul3A_395 = arith.mulf %get3A_393, %mul3A_394 : vector<16xf32>
        %swap3A_396 = arith.index_cast %add3A_366 : i32 to index
        %swap3A_397 = arith.constant 48 : index
        %swap3A_398 = tpu.vector_load %arg19[%swap3A_396, %swap3A_397] {strides = array<i32>} : memref<128x64xf32, #tpu.memory_space<vmem>>, vector<16xf32>,
        tpu.vector_store %arg19[%swap3A_396, %swap3A_397], %mul3A_395 {strides = array<i32>} : memref<128x64xf32, #tpu.memory_space<vmem>>, vector<16xf32>,
        %slice3A_399 = vector.extract_strided_slice %get3A_172 {offsets = [6], sizes = [1], strides = [1]} : vector<16xf32> to vector<1xf32>
        %squeeze3A_400 = vector.extract %slice3A_399[0] : f32 from vector<1xf32>
        %mul3A_401 = arith.constant 16 : i32
        %mul3A_402 = arith.muli %scan3A_167, %mul3A_401 : i32
        %add3A_403 = arith.constant 6 : i32
        %add3A_404 = arith.addi %mul3A_402, %add3A_403 : i32
        %get3A_405 = arith.index_cast %add3A_404 : i32 to index
        %get3A_406 = arith.constant 0 : index
        %get3A_407 = tpu.vector_load %arg19[%get3A_405, %get3A_406] {strides = array<i32>} : memref<128x64xf32, #tpu.memory_space<vmem>>, vector<16xf32>,
        %mul3A_408 = vector.broadcast %squeeze3A_400 : f32 to vector<16xf32>
        %mul3A_409 = arith.mulf %get3A_407, %mul3A_408 : vector<16xf32>
        %swap3A_410 = arith.index_cast %add3A_404 : i32 to index
        %swap3A_411 = arith.constant 0 : index
        %swap3A_412 = tpu.vector_load %arg19[%swap3A_410, %swap3A_411] {strides = array<i32>} : memref<128x64xf32, #tpu.memory_space<vmem>>, vector<16xf32>,
        tpu.vector_store %arg19[%swap3A_410, %swap3A_411], %mul3A_409 {strides = array<i32>} : memref<128x64xf32, #tpu.memory_space<vmem>>, vector<16xf32>,
        %get3A_413 = arith.index_cast %add3A_404 : i32 to index
        %get3A_414 = arith.constant 16 : index
        %get3A_415 = tpu.vector_load %arg19[%get3A_413, %get3A_414] {strides = array<i32>} : memref<128x64xf32, #tpu.memory_space<vmem>>, vector<16xf32>,
        %mul3A_416 = vector.broadcast %squeeze3A_400 : f32 to vector<16xf32>
        %mul3A_417 = arith.mulf %get3A_415, %mul3A_416 : vector<16xf32>
        %swap3A_418 = arith.index_cast %add3A_404 : i32 to index
        %swap3A_419 = arith.constant 16 : index
        %swap3A_420 = tpu.vector_load %arg19[%swap3A_418, %swap3A_419] {strides = array<i32>} : memref<128x64xf32, #tpu.memory_space<vmem>>, vector<16xf32>,
        tpu.vector_store %arg19[%swap3A_418, %swap3A_419], %mul3A_417 {strides = array<i32>} : memref<128x64xf32, #tpu.memory_space<vmem>>, vector<16xf32>,
        %get3A_421 = arith.index_cast %add3A_404 : i32 to index
        %get3A_422 = arith.constant 32 : index
        %get3A_423 = tpu.vector_load %arg19[%get3A_421, %get3A_422] {strides = array<i32>} : memref<128x64xf32, #tpu.memory_space<vmem>>, vector<16xf32>,
        %mul3A_424 = vector.broadcast %squeeze3A_400 : f32 to vector<16xf32>
        %mul3A_425 = arith.mulf %get3A_423, %mul3A_424 : vector<16xf32>
        %swap3A_426 = arith.index_cast %add3A_404 : i32 to index
        %swap3A_427 = arith.constant 32 : index
        %swap3A_428 = tpu.vector_load %arg19[%swap3A_426, %swap3A_427] {strides = array<i32>} : memref<128x64xf32, #tpu.memory_space<vmem>>, vector<16xf32>,
        tpu.vector_store %arg19[%swap3A_426, %swap3A_427], %mul3A_425 {strides = array<i32>} : memref<128x64xf32, #tpu.memory_space<vmem>>, vector<16xf32>,
        %get3A_429 = arith.index_cast %add3A_404 : i32 to index
        %get3A_430 = arith.constant 48 : index
        %get3A_431 = tpu.vector_load %arg19[%get3A_429, %get3A_430] {strides = array<i32>} : memref<128x64xf32, #tpu.memory_space<vmem>>, vector<16xf32>,
        %mul3A_432 = vector.broadcast %squeeze3A_400 : f32 to vector<16xf32>
        %mul3A_433 = arith.mulf %get3A_431, %mul3A_432 : vector<16xf32>
        %swap3A_434 = arith.index_cast %add3A_404 : i32 to index
        %swap3A_435 = arith.constant 48 : index
        %swap3A_436 = tpu.vector_load %arg19[%swap3A_434, %swap3A_435] {strides = array<i32>} : memref<128x64xf32, #tpu.memory_space<vmem>>, vector<16xf32>,
        tpu.vector_store %arg19[%swap3A_434, %swap3A_435], %mul3A_433 {strides = array<i32>} : memref<128x64xf32, #tpu.memory_space<vmem>>, vector<16xf32>,
        %slice3A_437 = vector.extract_strided_slice %get3A_172 {offsets = [7], sizes = [1], strides = [1]} : vector<16xf32> to vector<1xf32>
        %squeeze3A_438 = vector.extract %slice3A_437[0] : f32 from vector<1xf32>
        %mul3A_439 = arith.constant 16 : i32
        %mul3A_440 = arith.muli %scan3A_167, %mul3A_439 : i32
        %add3A_441 = arith.constant 7 : i32
        %add3A_442 = arith.addi %mul3A_440, %add3A_441 : i32
        %get3A_443 = arith.index_cast %add3A_442 : i32 to index
        %get3A_444 = arith.constant 0 : index
        %get3A_445 = tpu.vector_load %arg19[%get3A_443, %get3A_444] {strides = array<i32>} : memref<128x64xf32, #tpu.memory_space<vmem>>, vector<16xf32>,
        %mul3A_446 = vector.broadcast %squeeze3A_438 : f32 to vector<16xf32>
        %mul3A_447 = arith.mulf %get3A_445, %mul3A_446 : vector<16xf32>
        %swap3A_448 = arith.index_cast %add3A_442 : i32 to index
        %swap3A_449 = arith.constant 0 : index
        %swap3A_450 = tpu.vector_load %arg19[%swap3A_448, %swap3A_449] {strides = array<i32>} : memref<128x64xf32, #tpu.memory_space<vmem>>, vector<16xf32>,
        tpu.vector_store %arg19[%swap3A_448, %swap3A_449], %mul3A_447 {strides = array<i32>} : memref<128x64xf32, #tpu.memory_space<vmem>>, vector<16xf32>,
        %get3A_451 = arith.index_cast %add3A_442 : i32 to index
        %get3A_452 = arith.constant 16 : index
        %get3A_453 = tpu.vector_load %arg19[%get3A_451, %get3A_452] {strides = array<i32>} : memref<128x64xf32, #tpu.memory_space<vmem>>, vector<16xf32>,
        %mul3A_454 = vector.broadcast %squeeze3A_438 : f32 to vector<16xf32>
        %mul3A_455 = arith.mulf %get3A_453, %mul3A_454 : vector<16xf32>
        %swap3A_456 = arith.index_cast %add3A_442 : i32 to index
        %swap3A_457 = arith.constant 16 : index
        %swap3A_458 = tpu.vector_load %arg19[%swap3A_456, %swap3A_457] {strides = array<i32>} : memref<128x64xf32, #tpu.memory_space<vmem>>, vector<16xf32>,
        tpu.vector_store %arg19[%swap3A_456, %swap3A_457], %mul3A_455 {strides = array<i32>} : memref<128x64xf32, #tpu.memory_space<vmem>>, vector<16xf32>,
        %get3A_459 = arith.index_cast %add3A_442 : i32 to index
        %get3A_460 = arith.constant 32 : index
        %get3A_461 = tpu.vector_load %arg19[%get3A_459, %get3A_460] {strides = array<i32>} : memref<128x64xf32, #tpu.memory_space<vmem>>, vector<16xf32>,
        %mul3A_462 = vector.broadcast %squeeze3A_438 : f32 to vector<16xf32>
        %mul3A_463 = arith.mulf %get3A_461, %mul3A_462 : vector<16xf32>
        %swap3A_464 = arith.index_cast %add3A_442 : i32 to index
        %swap3A_465 = arith.constant 32 : index
        %swap3A_466 = tpu.vector_load %arg19[%swap3A_464, %swap3A_465] {strides = array<i32>} : memref<128x64xf32, #tpu.memory_space<vmem>>, vector<16xf32>,
        tpu.vector_store %arg19[%swap3A_464, %swap3A_465], %mul3A_463 {strides = array<i32>} : memref<128x64xf32, #tpu.memory_space<vmem>>, vector<16xf32>,
        %get3A_467 = arith.index_cast %add3A_442 : i32 to index
        %get3A_468 = arith.constant 48 : index
        %get3A_469 = tpu.vector_load %arg19[%get3A_467, %get3A_468] {strides = array<i32>} : memref<128x64xf32, #tpu.memory_space<vmem>>, vector<16xf32>,
        %mul3A_470 = vector.broadcast %squeeze3A_438 : f32 to vector<16xf32>
        %mul3A_471 = arith.mulf %get3A_469, %mul3A_470 : vector<16xf32>
        %swap3A_472 = arith.index_cast %add3A_442 : i32 to index
        %swap3A_473 = arith.constant 48 : index
        %swap3A_474 = tpu.vector_load %arg19[%swap3A_472, %swap3A_473] {strides = array<i32>} : memref<128x64xf32, #tpu.memory_space<vmem>>, vector<16xf32>,
        tpu.vector_store %arg19[%swap3A_472, %swap3A_473], %mul3A_471 {strides = array<i32>} : memref<128x64xf32, #tpu.memory_space<vmem>>, vector<16xf32>,
        %slice3A_475 = vector.extract_strided_slice %get3A_172 {offsets = [8], sizes = [1], strides = [1]} : vector<16xf32> to vector<1xf32>
        %squeeze3A_476 = vector.extract %slice3A_475[0] : f32 from vector<1xf32>
        %mul3A_477 = arith.constant 16 : i32
        %mul3A_478 = arith.muli %scan3A_167, %mul3A_477 : i32
        %add3A_479 = arith.constant 8 : i32
        %add3A_480 = arith.addi %mul3A_478, %add3A_479 : i32
        %get3A_481 = arith.index_cast %add3A_480 : i32 to index
        %get3A_482 = arith.constant 0 : index
        %get3A_483 = tpu.vector_load %arg19[%get3A_481, %get3A_482] {strides = array<i32>} : memref<128x64xf32, #tpu.memory_space<vmem>>, vector<16xf32>,
        %mul3A_484 = vector.broadcast %squeeze3A_476 : f32 to vector<16xf32>
        %mul3A_485 = arith.mulf %get3A_483, %mul3A_484 : vector<16xf32>
        %swap3A_486 = arith.index_cast %add3A_480 : i32 to index
        %swap3A_487 = arith.constant 0 : index
        %swap3A_488 = tpu.vector_load %arg19[%swap3A_486, %swap3A_487] {strides = array<i32>} : memref<128x64xf32, #tpu.memory_space<vmem>>, vector<16xf32>,
        tpu.vector_store %arg19[%swap3A_486, %swap3A_487], %mul3A_485 {strides = array<i32>} : memref<128x64xf32, #tpu.memory_space<vmem>>, vector<16xf32>,
        %get3A_489 = arith.index_cast %add3A_480 : i32 to index
        %get3A_490 = arith.constant 16 : index
        %get3A_491 = tpu.vector_load %arg19[%get3A_489, %get3A_490] {strides = array<i32>} : memref<128x64xf32, #tpu.memory_space<vmem>>, vector<16xf32>,
        %mul3A_492 = vector.broadcast %squeeze3A_476 : f32 to vector<16xf32>
        %mul3A_493 = arith.mulf %get3A_491, %mul3A_492 : vector<16xf32>
        %swap3A_494 = arith.index_cast %add3A_480 : i32 to index
        %swap3A_495 = arith.constant 16 : index
        %swap3A_496 = tpu.vector_load %arg19[%swap3A_494, %swap3A_495] {strides = array<i32>} : memref<128x64xf32, #tpu.memory_space<vmem>>, vector<16xf32>,
        tpu.vector_store %arg19[%swap3A_494, %swap3A_495], %mul3A_493 {strides = array<i32>} : memref<128x64xf32, #tpu.memory_space<vmem>>, vector<16xf32>,
        %get3A_497 = arith.index_cast %add3A_480 : i32 to index
        %get3A_498 = arith.constant 32 : index
        %get3A_499 = tpu.vector_load %arg19[%get3A_497, %get3A_498] {strides = array<i32>} : memref<128x64xf32, #tpu.memory_space<vmem>>, vector<16xf32>,
        %mul3A_500 = vector.broadcast %squeeze3A_476 : f32 to vector<16xf32>
        %mul3A_501 = arith.mulf %get3A_499, %mul3A_500 : vector<16xf32>
        %swap3A_502 = arith.index_cast %add3A_480 : i32 to index
        %swap3A_503 = arith.constant 32 : index
        %swap3A_504 = tpu.vector_load %arg19[%swap3A_502, %swap3A_503] {strides = array<i32>} : memref<128x64xf32, #tpu.memory_space<vmem>>, vector<16xf32>,
        tpu.vector_store %arg19[%swap3A_502, %swap3A_503], %mul3A_501 {strides = array<i32>} : memref<128x64xf32, #tpu.memory_space<vmem>>, vector<16xf32>,
        %get3A_505 = arith.index_cast %add3A_480 : i32 to index
        %get3A_506 = arith.constant 48 : index
        %get3A_507 = tpu.vector_load %arg19[%get3A_505, %get3A_506] {strides = array<i32>} : memref<128x64xf32, #tpu.memory_space<vmem>>, vector<16xf32>,
        %mul3A_508 = vector.broadcast %squeeze3A_476 : f32 to vector<16xf32>
        %mul3A_509 = arith.mulf %get3A_507, %mul3A_508 : vector<16xf32>
        %swap3A_510 = arith.index_cast %add3A_480 : i32 to index
        %swap3A_511 = arith.constant 48 : index
        %swap3A_512 = tpu.vector_load %arg19[%swap3A_510, %swap3A_511] {strides = array<i32>} : memref<128x64xf32, #tpu.memory_space<vmem>>, vector<16xf32>,
        tpu.vector_store %arg19[%swap3A_510, %swap3A_511], %mul3A_509 {strides = array<i32>} : memref<128x64xf32, #tpu.memory_space<vmem>>, vector<16xf32>,
        %slice3A_513 = vector.extract_strided_slice %get3A_172 {offsets = [9], sizes = [1], strides = [1]} : vector<16xf32> to vector<1xf32>
        %squeeze3A_514 = vector.extract %slice3A_513[0] : f32 from vector<1xf32>
        %mul3A_515 = arith.constant 16 : i32
        %mul3A_516 = arith.muli %scan3A_167, %mul3A_515 : i32
        %add3A_517 = arith.constant 9 : i32
        %add3A_518 = arith.addi %mul3A_516, %add3A_517 : i32
        %get3A_519 = arith.index_cast %add3A_518 : i32 to index
        %get3A_520 = arith.constant 0 : index
        %get3A_521 = tpu.vector_load %arg19[%get3A_519, %get3A_520] {strides = array<i32>} : memref<128x64xf32, #tpu.memory_space<vmem>>, vector<16xf32>,
        %mul3A_522 = vector.broadcast %squeeze3A_514 : f32 to vector<16xf32>
        %mul3A_523 = arith.mulf %get3A_521, %mul3A_522 : vector<16xf32>
        %swap3A_524 = arith.index_cast %add3A_518 : i32 to index
        %swap3A_525 = arith.constant 0 : index
        %swap3A_526 = tpu.vector_load %arg19[%swap3A_524, %swap3A_525] {strides = array<i32>} : memref<128x64xf32, #tpu.memory_space<vmem>>, vector<16xf32>,
        tpu.vector_store %arg19[%swap3A_524, %swap3A_525], %mul3A_523 {strides = array<i32>} : memref<128x64xf32, #tpu.memory_space<vmem>>, vector<16xf32>,
        %get3A_527 = arith.index_cast %add3A_518 : i32 to index
        %get3A_528 = arith.constant 16 : index
        %get3A_529 = tpu.vector_load %arg19[%get3A_527, %get3A_528] {strides = array<i32>} : memref<128x64xf32, #tpu.memory_space<vmem>>, vector<16xf32>,
        %mul3A_530 = vector.broadcast %squeeze3A_514 : f32 to vector<16xf32>
        %mul3A_531 = arith.mulf %get3A_529, %mul3A_530 : vector<16xf32>
        %swap3A_532 = arith.index_cast %add3A_518 : i32 to index
        %swap3A_533 = arith.constant 16 : index
        %swap3A_534 = tpu.vector_load %arg19[%swap3A_532, %swap3A_533] {strides = array<i32>} : memref<128x64xf32, #tpu.memory_space<vmem>>, vector<16xf32>,
        tpu.vector_store %arg19[%swap3A_532, %swap3A_533], %mul3A_531 {strides = array<i32>} : memref<128x64xf32, #tpu.memory_space<vmem>>, vector<16xf32>,
        %get3A_535 = arith.index_cast %add3A_518 : i32 to index
        %get3A_536 = arith.constant 32 : index
        %get3A_537 = tpu.vector_load %arg19[%get3A_535, %get3A_536] {strides = array<i32>} : memref<128x64xf32, #tpu.memory_space<vmem>>, vector<16xf32>,
        %mul3A_538 = vector.broadcast %squeeze3A_514 : f32 to vector<16xf32>
        %mul3A_539 = arith.mulf %get3A_537, %mul3A_538 : vector<16xf32>
        %swap3A_540 = arith.index_cast %add3A_518 : i32 to index
        %swap3A_541 = arith.constant 32 : index
        %swap3A_542 = tpu.vector_load %arg19[%swap3A_540, %swap3A_541] {strides = array<i32>} : memref<128x64xf32, #tpu.memory_space<vmem>>, vector<16xf32>,
        tpu.vector_store %arg19[%swap3A_540, %swap3A_541], %mul3A_539 {strides = array<i32>} : memref<128x64xf32, #tpu.memory_space<vmem>>, vector<16xf32>,
        %get3A_543 = arith.index_cast %add3A_518 : i32 to index
        %get3A_544 = arith.constant 48 : index
        %get3A_545 = tpu.vector_load %arg19[%get3A_543, %get3A_544] {strides = array<i32>} : memref<128x64xf32, #tpu.memory_space<vmem>>, vector<16xf32>,
        %mul3A_546 = vector.broadcast %squeeze3A_514 : f32 to vector<16xf32>
        %mul3A_547 = arith.mulf %get3A_545, %mul3A_546 : vector<16xf32>
        %swap3A_548 = arith.index_cast %add3A_518 : i32 to index
        %swap3A_549 = arith.constant 48 : index
        %swap3A_550 = tpu.vector_load %arg19[%swap3A_548, %swap3A_549] {strides = array<i32>} : memref<128x64xf32, #tpu.memory_space<vmem>>, vector<16xf32>,
        tpu.vector_store %arg19[%swap3A_548, %swap3A_549], %mul3A_547 {strides = array<i32>} : memref<128x64xf32, #tpu.memory_space<vmem>>, vector<16xf32>,
        %slice3A_551 = vector.extract_strided_slice %get3A_172 {offsets = [10], sizes = [1], strides = [1]} : vector<16xf32> to vector<1xf32>
        %squeeze3A_552 = vector.extract %slice3A_551[0] : f32 from vector<1xf32>
        %mul3A_553 = arith.constant 16 : i32
        %mul3A_554 = arith.muli %scan3A_167, %mul3A_553 : i32
        %add3A_555 = arith.constant 10 : i32
        %add3A_556 = arith.addi %mul3A_554, %add3A_555 : i32
        %get3A_557 = arith.index_cast %add3A_556 : i32 to index
        %get3A_558 = arith.constant 0 : index
        %get3A_559 = tpu.vector_load %arg19[%get3A_557, %get3A_558] {strides = array<i32>} : memref<128x64xf32, #tpu.memory_space<vmem>>, vector<16xf32>,
        %mul3A_560 = vector.broadcast %squeeze3A_552 : f32 to vector<16xf32>
        %mul3A_561 = arith.mulf %get3A_559, %mul3A_560 : vector<16xf32>
        %swap3A_562 = arith.index_cast %add3A_556 : i32 to index
        %swap3A_563 = arith.constant 0 : index
        %swap3A_564 = tpu.vector_load %arg19[%swap3A_562, %swap3A_563] {strides = array<i32>} : memref<128x64xf32, #tpu.memory_space<vmem>>, vector<16xf32>,
        tpu.vector_store %arg19[%swap3A_562, %swap3A_563], %mul3A_561 {strides = array<i32>} : memref<128x64xf32, #tpu.memory_space<vmem>>, vector<16xf32>,
        %get3A_565 = arith.index_cast %add3A_556 : i32 to index
        %get3A_566 = arith.constant 16 : index
        %get3A_567 = tpu.vector_load %arg19[%get3A_565, %get3A_566] {strides = array<i32>} : memref<128x64xf32, #tpu.memory_space<vmem>>, vector<16xf32>,
        %mul3A_568 = vector.broadcast %squeeze3A_552 : f32 to vector<16xf32>
        %mul3A_569 = arith.mulf %get3A_567, %mul3A_568 : vector<16xf32>
        %swap3A_570 = arith.index_cast %add3A_556 : i32 to index
        %swap3A_571 = arith.constant 16 : index
        %swap3A_572 = tpu.vector_load %arg19[%swap3A_570, %swap3A_571] {strides = array<i32>} : memref<128x64xf32, #tpu.memory_space<vmem>>, vector<16xf32>,
        tpu.vector_store %arg19[%swap3A_570, %swap3A_571], %mul3A_569 {strides = array<i32>} : memref<128x64xf32, #tpu.memory_space<vmem>>, vector<16xf32>,
        %get3A_573 = arith.index_cast %add3A_556 : i32 to index
        %get3A_574 = arith.constant 32 : index
        %get3A_575 = tpu.vector_load %arg19[%get3A_573, %get3A_574] {strides = array<i32>} : memref<128x64xf32, #tpu.memory_space<vmem>>, vector<16xf32>,
        %mul3A_576 = vector.broadcast %squeeze3A_552 : f32 to vector<16xf32>
        %mul3A_577 = arith.mulf %get3A_575, %mul3A_576 : vector<16xf32>
        %swap3A_578 = arith.index_cast %add3A_556 : i32 to index
        %swap3A_579 = arith.constant 32 : index
        %swap3A_580 = tpu.vector_load %arg19[%swap3A_578, %swap3A_579] {strides = array<i32>} : memref<128x64xf32, #tpu.memory_space<vmem>>, vector<16xf32>,
        tpu.vector_store %arg19[%swap3A_578, %swap3A_579], %mul3A_577 {strides = array<i32>} : memref<128x64xf32, #tpu.memory_space<vmem>>, vector<16xf32>,
        %get3A_581 = arith.index_cast %add3A_556 : i32 to index
        %get3A_582 = arith.constant 48 : index
        %get3A_583 = tpu.vector_load %arg19[%get3A_581, %get3A_582] {strides = array<i32>} : memref<128x64xf32, #tpu.memory_space<vmem>>, vector<16xf32>,
        %mul3A_584 = vector.broadcast %squeeze3A_552 : f32 to vector<16xf32>
        %mul3A_585 = arith.mulf %get3A_583, %mul3A_584 : vector<16xf32>
        %swap3A_586 = arith.index_cast %add3A_556 : i32 to index
        %swap3A_587 = arith.constant 48 : index
        %swap3A_588 = tpu.vector_load %arg19[%swap3A_586, %swap3A_587] {strides = array<i32>} : memref<128x64xf32, #tpu.memory_space<vmem>>, vector<16xf32>,
        tpu.vector_store %arg19[%swap3A_586, %swap3A_587], %mul3A_585 {strides = array<i32>} : memref<128x64xf32, #tpu.memory_space<vmem>>, vector<16xf32>,
        %slice3A_589 = vector.extract_strided_slice %get3A_172 {offsets = [11], sizes = [1], strides = [1]} : vector<16xf32> to vector<1xf32>
        %squeeze3A_590 = vector.extract %slice3A_589[0] : f32 from vector<1xf32>
        %mul3A_591 = arith.constant 16 : i32
        %mul3A_592 = arith.muli %scan3A_167, %mul3A_591 : i32
        %add3A_593 = arith.constant 11 : i32
        %add3A_594 = arith.addi %mul3A_592, %add3A_593 : i32
        %get3A_595 = arith.index_cast %add3A_594 : i32 to index
        %get3A_596 = arith.constant 0 : index
        %get3A_597 = tpu.vector_load %arg19[%get3A_595, %get3A_596] {strides = array<i32>} : memref<128x64xf32, #tpu.memory_space<vmem>>, vector<16xf32>,
        %mul3A_598 = vector.broadcast %squeeze3A_590 : f32 to vector<16xf32>
        %mul3A_599 = arith.mulf %get3A_597, %mul3A_598 : vector<16xf32>
        %swap3A_600 = arith.index_cast %add3A_594 : i32 to index
        %swap3A_601 = arith.constant 0 : index
        %swap3A_602 = tpu.vector_load %arg19[%swap3A_600, %swap3A_601] {strides = array<i32>} : memref<128x64xf32, #tpu.memory_space<vmem>>, vector<16xf32>,
        tpu.vector_store %arg19[%swap3A_600, %swap3A_601], %mul3A_599 {strides = array<i32>} : memref<128x64xf32, #tpu.memory_space<vmem>>, vector<16xf32>,
        %get3A_603 = arith.index_cast %add3A_594 : i32 to index
        %get3A_604 = arith.constant 16 : index
        %get3A_605 = tpu.vector_load %arg19[%get3A_603, %get3A_604] {strides = array<i32>} : memref<128x64xf32, #tpu.memory_space<vmem>>, vector<16xf32>,
        %mul3A_606 = vector.broadcast %squeeze3A_590 : f32 to vector<16xf32>
        %mul3A_607 = arith.mulf %get3A_605, %mul3A_606 : vector<16xf32>
        %swap3A_608 = arith.index_cast %add3A_594 : i32 to index
        %swap3A_609 = arith.constant 16 : index
        %swap3A_610 = tpu.vector_load %arg19[%swap3A_608, %swap3A_609] {strides = array<i32>} : memref<128x64xf32, #tpu.memory_space<vmem>>, vector<16xf32>,
        tpu.vector_store %arg19[%swap3A_608, %swap3A_609], %mul3A_607 {strides = array<i32>} : memref<128x64xf32, #tpu.memory_space<vmem>>, vector<16xf32>,
        %get3A_611 = arith.index_cast %add3A_594 : i32 to index
        %get3A_612 = arith.constant 32 : index
        %get3A_613 = tpu.vector_load %arg19[%get3A_611, %get3A_612] {strides = array<i32>} : memref<128x64xf32, #tpu.memory_space<vmem>>, vector<16xf32>,
        %mul3A_614 = vector.broadcast %squeeze3A_590 : f32 to vector<16xf32>
        %mul3A_615 = arith.mulf %get3A_613, %mul3A_614 : vector<16xf32>
        %swap3A_616 = arith.index_cast %add3A_594 : i32 to index
        %swap3A_617 = arith.constant 32 : index
        %swap3A_618 = tpu.vector_load %arg19[%swap3A_616, %swap3A_617] {strides = array<i32>} : memref<128x64xf32, #tpu.memory_space<vmem>>, vector<16xf32>,
        tpu.vector_store %arg19[%swap3A_616, %swap3A_617], %mul3A_615 {strides = array<i32>} : memref<128x64xf32, #tpu.memory_space<vmem>>, vector<16xf32>,
        %get3A_619 = arith.index_cast %add3A_594 : i32 to index
        %get3A_620 = arith.constant 48 : index
        %get3A_621 = tpu.vector_load %arg19[%get3A_619, %get3A_620] {strides = array<i32>} : memref<128x64xf32, #tpu.memory_space<vmem>>, vector<16xf32>,
        %mul3A_622 = vector.broadcast %squeeze3A_590 : f32 to vector<16xf32>
        %mul3A_623 = arith.mulf %get3A_621, %mul3A_622 : vector<16xf32>
        %swap3A_624 = arith.index_cast %add3A_594 : i32 to index
        %swap3A_625 = arith.constant 48 : index
        %swap3A_626 = tpu.vector_load %arg19[%swap3A_624, %swap3A_625] {strides = array<i32>} : memref<128x64xf32, #tpu.memory_space<vmem>>, vector<16xf32>,
        tpu.vector_store %arg19[%swap3A_624, %swap3A_625], %mul3A_623 {strides = array<i32>} : memref<128x64xf32, #tpu.memory_space<vmem>>, vector<16xf32>,
        %slice3A_627 = vector.extract_strided_slice %get3A_172 {offsets = [12], sizes = [1], strides = [1]} : vector<16xf32> to vector<1xf32>
        %squeeze3A_628 = vector.extract %slice3A_627[0] : f32 from vector<1xf32>
        %mul3A_629 = arith.constant 16 : i32
        %mul3A_630 = arith.muli %scan3A_167, %mul3A_629 : i32
        %add3A_631 = arith.constant 12 : i32
        %add3A_632 = arith.addi %mul3A_630, %add3A_631 : i32
        %get3A_633 = arith.index_cast %add3A_632 : i32 to index
        %get3A_634 = arith.constant 0 : index
        %get3A_635 = tpu.vector_load %arg19[%get3A_633, %get3A_634] {strides = array<i32>} : memref<128x64xf32, #tpu.memory_space<vmem>>, vector<16xf32>,
        %mul3A_636 = vector.broadcast %squeeze3A_628 : f32 to vector<16xf32>
        %mul3A_637 = arith.mulf %get3A_635, %mul3A_636 : vector<16xf32>
        %swap3A_638 = arith.index_cast %add3A_632 : i32 to index
        %swap3A_639 = arith.constant 0 : index
        %swap3A_640 = tpu.vector_load %arg19[%swap3A_638, %swap3A_639] {strides = array<i32>} : memref<128x64xf32, #tpu.memory_space<vmem>>, vector<16xf32>,
        tpu.vector_store %arg19[%swap3A_638, %swap3A_639], %mul3A_637 {strides = array<i32>} : memref<128x64xf32, #tpu.memory_space<vmem>>, vector<16xf32>,
        %get3A_641 = arith.index_cast %add3A_632 : i32 to index
        %get3A_642 = arith.constant 16 : index
        %get3A_643 = tpu.vector_load %arg19[%get3A_641, %get3A_642] {strides = array<i32>} : memref<128x64xf32, #tpu.memory_space<vmem>>, vector<16xf32>,
        %mul3A_644 = vector.broadcast %squeeze3A_628 : f32 to vector<16xf32>
        %mul3A_645 = arith.mulf %get3A_643, %mul3A_644 : vector<16xf32>
        %swap3A_646 = arith.index_cast %add3A_632 : i32 to index
        %swap3A_647 = arith.constant 16 : index
        %swap3A_648 = tpu.vector_load %arg19[%swap3A_646, %swap3A_647] {strides = array<i32>} : memref<128x64xf32, #tpu.memory_space<vmem>>, vector<16xf32>,
        tpu.vector_store %arg19[%swap3A_646, %swap3A_647], %mul3A_645 {strides = array<i32>} : memref<128x64xf32, #tpu.memory_space<vmem>>, vector<16xf32>,
        %get3A_649 = arith.index_cast %add3A_632 : i32 to index
        %get3A_650 = arith.constant 32 : index
        %get3A_651 = tpu.vector_load %arg19[%get3A_649, %get3A_650] {strides = array<i32>} : memref<128x64xf32, #tpu.memory_space<vmem>>, vector<16xf32>,
        %mul3A_652 = vector.broadcast %squeeze3A_628 : f32 to vector<16xf32>
        %mul3A_653 = arith.mulf %get3A_651, %mul3A_652 : vector<16xf32>
        %swap3A_654 = arith.index_cast %add3A_632 : i32 to index
        %swap3A_655 = arith.constant 32 : index
        %swap3A_656 = tpu.vector_load %arg19[%swap3A_654, %swap3A_655] {strides = array<i32>} : memref<128x64xf32, #tpu.memory_space<vmem>>, vector<16xf32>,
        tpu.vector_store %arg19[%swap3A_654, %swap3A_655], %mul3A_653 {strides = array<i32>} : memref<128x64xf32, #tpu.memory_space<vmem>>, vector<16xf32>,
        %get3A_657 = arith.index_cast %add3A_632 : i32 to index
        %get3A_658 = arith.constant 48 : index
        %get3A_659 = tpu.vector_load %arg19[%get3A_657, %get3A_658] {strides = array<i32>} : memref<128x64xf32, #tpu.memory_space<vmem>>, vector<16xf32>,
        %mul3A_660 = vector.broadcast %squeeze3A_628 : f32 to vector<16xf32>
        %mul3A_661 = arith.mulf %get3A_659, %mul3A_660 : vector<16xf32>
        %swap3A_662 = arith.index_cast %add3A_632 : i32 to index
        %swap3A_663 = arith.constant 48 : index
        %swap3A_664 = tpu.vector_load %arg19[%swap3A_662, %swap3A_663] {strides = array<i32>} : memref<128x64xf32, #tpu.memory_space<vmem>>, vector<16xf32>,
        tpu.vector_store %arg19[%swap3A_662, %swap3A_663], %mul3A_661 {strides = array<i32>} : memref<128x64xf32, #tpu.memory_space<vmem>>, vector<16xf32>,
        %slice3A_665 = vector.extract_strided_slice %get3A_172 {offsets = [13], sizes = [1], strides = [1]} : vector<16xf32> to vector<1xf32>
        %squeeze3A_666 = vector.extract %slice3A_665[0] : f32 from vector<1xf32>
        %mul3A_667 = arith.constant 16 : i32
        %mul3A_668 = arith.muli %scan3A_167, %mul3A_667 : i32
        %add3A_669 = arith.constant 13 : i32
        %add3A_670 = arith.addi %mul3A_668, %add3A_669 : i32
        %get3A_671 = arith.index_cast %add3A_670 : i32 to index
        %get3A_672 = arith.constant 0 : index
        %get3A_673 = tpu.vector_load %arg19[%get3A_671, %get3A_672] {strides = array<i32>} : memref<128x64xf32, #tpu.memory_space<vmem>>, vector<16xf32>,
        %mul3A_674 = vector.broadcast %squeeze3A_666 : f32 to vector<16xf32>
        %mul3A_675 = arith.mulf %get3A_673, %mul3A_674 : vector<16xf32>
        %swap3A_676 = arith.index_cast %add3A_670 : i32 to index
        %swap3A_677 = arith.constant 0 : index
        %swap3A_678 = tpu.vector_load %arg19[%swap3A_676, %swap3A_677] {strides = array<i32>} : memref<128x64xf32, #tpu.memory_space<vmem>>, vector<16xf32>,
        tpu.vector_store %arg19[%swap3A_676, %swap3A_677], %mul3A_675 {strides = array<i32>} : memref<128x64xf32, #tpu.memory_space<vmem>>, vector<16xf32>,
        %get3A_679 = arith.index_cast %add3A_670 : i32 to index
        %get3A_680 = arith.constant 16 : index
        %get3A_681 = tpu.vector_load %arg19[%get3A_679, %get3A_680] {strides = array<i32>} : memref<128x64xf32, #tpu.memory_space<vmem>>, vector<16xf32>,
        %mul3A_682 = vector.broadcast %squeeze3A_666 : f32 to vector<16xf32>
        %mul3A_683 = arith.mulf %get3A_681, %mul3A_682 : vector<16xf32>
        %swap3A_684 = arith.index_cast %add3A_670 : i32 to index
        %swap3A_685 = arith.constant 16 : index
        %swap3A_686 = tpu.vector_load %arg19[%swap3A_684, %swap3A_685] {strides = array<i32>} : memref<128x64xf32, #tpu.memory_space<vmem>>, vector<16xf32>,
        tpu.vector_store %arg19[%swap3A_684, %swap3A_685], %mul3A_683 {strides = array<i32>} : memref<128x64xf32, #tpu.memory_space<vmem>>, vector<16xf32>,
        %get3A_687 = arith.index_cast %add3A_670 : i32 to index
        %get3A_688 = arith.constant 32 : index
        %get3A_689 = tpu.vector_load %arg19[%get3A_687, %get3A_688] {strides = array<i32>} : memref<128x64xf32, #tpu.memory_space<vmem>>, vector<16xf32>,
        %mul3A_690 = vector.broadcast %squeeze3A_666 : f32 to vector<16xf32>
        %mul3A_691 = arith.mulf %get3A_689, %mul3A_690 : vector<16xf32>
        %swap3A_692 = arith.index_cast %add3A_670 : i32 to index
        %swap3A_693 = arith.constant 32 : index
        %swap3A_694 = tpu.vector_load %arg19[%swap3A_692, %swap3A_693] {strides = array<i32>} : memref<128x64xf32, #tpu.memory_space<vmem>>, vector<16xf32>,
        tpu.vector_store %arg19[%swap3A_692, %swap3A_693], %mul3A_691 {strides = array<i32>} : memref<128x64xf32, #tpu.memory_space<vmem>>, vector<16xf32>,
        %get3A_695 = arith.index_cast %add3A_670 : i32 to index
        %get3A_696 = arith.constant 48 : index
        %get3A_697 = tpu.vector_load %arg19[%get3A_695, %get3A_696] {strides = array<i32>} : memref<128x64xf32, #tpu.memory_space<vmem>>, vector<16xf32>,
        %mul3A_698 = vector.broadcast %squeeze3A_666 : f32 to vector<16xf32>
        %mul3A_699 = arith.mulf %get3A_697, %mul3A_698 : vector<16xf32>
        %swap3A_700 = arith.index_cast %add3A_670 : i32 to index
        %swap3A_701 = arith.constant 48 : index
        %swap3A_702 = tpu.vector_load %arg19[%swap3A_700, %swap3A_701] {strides = array<i32>} : memref<128x64xf32, #tpu.memory_space<vmem>>, vector<16xf32>,
        tpu.vector_store %arg19[%swap3A_700, %swap3A_701], %mul3A_699 {strides = array<i32>} : memref<128x64xf32, #tpu.memory_space<vmem>>, vector<16xf32>,
        %slice3A_703 = vector.extract_strided_slice %get3A_172 {offsets = [14], sizes = [1], strides = [1]} : vector<16xf32> to vector<1xf32>
        %squeeze3A_704 = vector.extract %slice3A_703[0] : f32 from vector<1xf32>
        %mul3A_705 = arith.constant 16 : i32
        %mul3A_706 = arith.muli %scan3A_167, %mul3A_705 : i32
        %add3A_707 = arith.constant 14 : i32
        %add3A_708 = arith.addi %mul3A_706, %add3A_707 : i32
        %get3A_709 = arith.index_cast %add3A_708 : i32 to index
        %get3A_710 = arith.constant 0 : index
        %get3A_711 = tpu.vector_load %arg19[%get3A_709, %get3A_710] {strides = array<i32>} : memref<128x64xf32, #tpu.memory_space<vmem>>, vector<16xf32>,
        %mul3A_712 = vector.broadcast %squeeze3A_704 : f32 to vector<16xf32>
        %mul3A_713 = arith.mulf %get3A_711, %mul3A_712 : vector<16xf32>
        %swap3A_714 = arith.index_cast %add3A_708 : i32 to index
        %swap3A_715 = arith.constant 0 : index
        %swap3A_716 = tpu.vector_load %arg19[%swap3A_714, %swap3A_715] {strides = array<i32>} : memref<128x64xf32, #tpu.memory_space<vmem>>, vector<16xf32>,
        tpu.vector_store %arg19[%swap3A_714, %swap3A_715], %mul3A_713 {strides = array<i32>} : memref<128x64xf32, #tpu.memory_space<vmem>>, vector<16xf32>,
        %get3A_717 = arith.index_cast %add3A_708 : i32 to index
        %get3A_718 = arith.constant 16 : index
        %get3A_719 = tpu.vector_load %arg19[%get3A_717, %get3A_718] {strides = array<i32>} : memref<128x64xf32, #tpu.memory_space<vmem>>, vector<16xf32>,
        %mul3A_720 = vector.broadcast %squeeze3A_704 : f32 to vector<16xf32>
        %mul3A_721 = arith.mulf %get3A_719, %mul3A_720 : vector<16xf32>
        %swap3A_722 = arith.index_cast %add3A_708 : i32 to index
        %swap3A_723 = arith.constant 16 : index
        %swap3A_724 = tpu.vector_load %arg19[%swap3A_722, %swap3A_723] {strides = array<i32>} : memref<128x64xf32, #tpu.memory_space<vmem>>, vector<16xf32>,
        tpu.vector_store %arg19[%swap3A_722, %swap3A_723], %mul3A_721 {strides = array<i32>} : memref<128x64xf32, #tpu.memory_space<vmem>>, vector<16xf32>,
        %get3A_725 = arith.index_cast %add3A_708 : i32 to index
        %get3A_726 = arith.constant 32 : index
        %get3A_727 = tpu.vector_load %arg19[%get3A_725, %get3A_726] {strides = array<i32>} : memref<128x64xf32, #tpu.memory_space<vmem>>, vector<16xf32>,
        %mul3A_728 = vector.broadcast %squeeze3A_704 : f32 to vector<16xf32>
        %mul3A_729 = arith.mulf %get3A_727, %mul3A_728 : vector<16xf32>
        %swap3A_730 = arith.index_cast %add3A_708 : i32 to index
        %swap3A_731 = arith.constant 32 : index
        %swap3A_732 = tpu.vector_load %arg19[%swap3A_730, %swap3A_731] {strides = array<i32>} : memref<128x64xf32, #tpu.memory_space<vmem>>, vector<16xf32>,
        tpu.vector_store %arg19[%swap3A_730, %swap3A_731], %mul3A_729 {strides = array<i32>} : memref<128x64xf32, #tpu.memory_space<vmem>>, vector<16xf32>,
        %get3A_733 = arith.index_cast %add3A_708 : i32 to index
        %get3A_734 = arith.constant 48 : index
        %get3A_735 = tpu.vector_load %arg19[%get3A_733, %get3A_734] {strides = array<i32>} : memref<128x64xf32, #tpu.memory_space<vmem>>, vector<16xf32>,
        %mul3A_736 = vector.broadcast %squeeze3A_704 : f32 to vector<16xf32>
        %mul3A_737 = arith.mulf %get3A_735, %mul3A_736 : vector<16xf32>
        %swap3A_738 = arith.index_cast %add3A_708 : i32 to index
        %swap3A_739 = arith.constant 48 : index
        %swap3A_740 = tpu.vector_load %arg19[%swap3A_738, %swap3A_739] {strides = array<i32>} : memref<128x64xf32, #tpu.memory_space<vmem>>, vector<16xf32>,
        tpu.vector_store %arg19[%swap3A_738, %swap3A_739], %mul3A_737 {strides = array<i32>} : memref<128x64xf32, #tpu.memory_space<vmem>>, vector<16xf32>,
        %slice3A_741 = vector.extract_strided_slice %get3A_172 {offsets = [15], sizes = [1], strides = [1]} : vector<16xf32> to vector<1xf32>
        %squeeze3A_742 = vector.extract %slice3A_741[0] : f32 from vector<1xf32>
        %mul3A_743 = arith.constant 16 : i32
        %mul3A_744 = arith.muli %scan3A_167, %mul3A_743 : i32
        %add3A_745 = arith.constant 15 : i32
        %add3A_746 = arith.addi %mul3A_744, %add3A_745 : i32
        %get3A_747 = arith.index_cast %add3A_746 : i32 to index
        %get3A_748 = arith.constant 0 : index
        %get3A_749 = tpu.vector_load %arg19[%get3A_747, %get3A_748] {strides = array<i32>} : memref<128x64xf32, #tpu.memory_space<vmem>>, vector<16xf32>,
        %mul3A_750 = vector.broadcast %squeeze3A_742 : f32 to vector<16xf32>
        %mul3A_751 = arith.mulf %get3A_749, %mul3A_750 : vector<16xf32>
        %swap3A_752 = arith.index_cast %add3A_746 : i32 to index
        %swap3A_753 = arith.constant 0 : index
        %swap3A_754 = tpu.vector_load %arg19[%swap3A_752, %swap3A_753] {strides = array<i32>} : memref<128x64xf32, #tpu.memory_space<vmem>>, vector<16xf32>,
        tpu.vector_store %arg19[%swap3A_752, %swap3A_753], %mul3A_751 {strides = array<i32>} : memref<128x64xf32, #tpu.memory_space<vmem>>, vector<16xf32>,
        %get3A_755 = arith.index_cast %add3A_746 : i32 to index
        %get3A_756 = arith.constant 16 : index
        %get3A_757 = tpu.vector_load %arg19[%get3A_755, %get3A_756] {strides = array<i32>} : memref<128x64xf32, #tpu.memory_space<vmem>>, vector<16xf32>,
        %mul3A_758 = vector.broadcast %squeeze3A_742 : f32 to vector<16xf32>
        %mul3A_759 = arith.mulf %get3A_757, %mul3A_758 : vector<16xf32>
        %swap3A_760 = arith.index_cast %add3A_746 : i32 to index
        %swap3A_761 = arith.constant 16 : index
        %swap3A_762 = tpu.vector_load %arg19[%swap3A_760, %swap3A_761] {strides = array<i32>} : memref<128x64xf32, #tpu.memory_space<vmem>>, vector<16xf32>,
        tpu.vector_store %arg19[%swap3A_760, %swap3A_761], %mul3A_759 {strides = array<i32>} : memref<128x64xf32, #tpu.memory_space<vmem>>, vector<16xf32>,
        %get3A_763 = arith.index_cast %add3A_746 : i32 to index
        %get3A_764 = arith.constant 32 : index
        %get3A_765 = tpu.vector_load %arg19[%get3A_763, %get3A_764] {strides = array<i32>} : memref<128x64xf32, #tpu.memory_space<vmem>>, vector<16xf32>,
        %mul3A_766 = vector.broadcast %squeeze3A_742 : f32 to vector<16xf32>
        %mul3A_767 = arith.mulf %get3A_765, %mul3A_766 : vector<16xf32>
        %swap3A_768 = arith.index_cast %add3A_746 : i32 to index
        %swap3A_769 = arith.constant 32 : index
        %swap3A_770 = tpu.vector_load %arg19[%swap3A_768, %swap3A_769] {strides = array<i32>} : memref<128x64xf32, #tpu.memory_space<vmem>>, vector<16xf32>,
        tpu.vector_store %arg19[%swap3A_768, %swap3A_769], %mul3A_767 {strides = array<i32>} : memref<128x64xf32, #tpu.memory_space<vmem>>, vector<16xf32>,
        %get3A_771 = arith.index_cast %add3A_746 : i32 to index
        %get3A_772 = arith.constant 48 : index
        %get3A_773 = tpu.vector_load %arg19[%get3A_771, %get3A_772] {strides = array<i32>} : memref<128x64xf32, #tpu.memory_space<vmem>>, vector<16xf32>,
        %mul3A_774 = vector.broadcast %squeeze3A_742 : f32 to vector<16xf32>
        %mul3A_775 = arith.mulf %get3A_773, %mul3A_774 : vector<16xf32>
        %swap3A_776 = arith.index_cast %add3A_746 : i32 to index
        %swap3A_777 = arith.constant 48 : index
        %swap3A_778 = tpu.vector_load %arg19[%swap3A_776, %swap3A_777] {strides = array<i32>} : memref<128x64xf32, #tpu.memory_space<vmem>>, vector<16xf32>,
        tpu.vector_store %arg19[%swap3A_776, %swap3A_777], %mul3A_775 {strides = array<i32>} : memref<128x64xf32, #tpu.memory_space<vmem>>, vector<16xf32>,
        %scan3A_779 = arith.constant 0 : i32
        scf.yield %scan3A_779 : i32
      }
      %scan3A_144 = arith.constant 8 : i32
      "tpu.region"() ({
        %run_scoped3A = tpu.sem_alloc : memref<!tpu.dma_semaphore, #tpu.memory_space<semaphore_mem>>
        %dma_start3A_167 = arith.constant 0 : i32
        %dma_start3A_168 = tpu.memref_slice %arg13[%mul3A_124, %dma_start3A_167] : memref<160x128xi32, #tpu.memory_space<vmem>> -> memref<1x128xi32, #tpu.memory_space<vmem>>
        %dma_start3A_169 = tpu.memref_squeeze %dma_start3A_168 : memref<1x128xi32, #tpu.memory_space<vmem>> -> memref<128xi32, #tpu.memory_space<vmem>>
        %dma_start3A_170 = arith.constant 0 : i32
        %dma_start3A_171 = arith.constant 0 : i32
        %dma_start3A_172 = tpu.memref_slice %arg26[%dma_start3A_170, %dma_start3A_171] : memref<10240x64xf32, #tpu.memory_space<vmem_shared>> -> memref<10240x64xf32, #tpu.memory_space<vmem_shared>>
        tpu.enqueue_indirect_dma source(%arg19 : memref<128x64xf32, #tpu.memory_space<vmem>>) target(%dma_start3A_172 : memref<10240x64xf32, #tpu.memory_space<vmem_shared>>) offsets(%dma_start3A_169 : memref<128xi32, #tpu.memory_space<vmem>>) semaphore(%run_scoped3A : memref<!tpu.dma_semaphore, #tpu.memory_space<semaphore_mem>>) {add = true}
        %dma_wait3A_173 = arith.constant 0 : i32
        %dma_wait3A_174 = tpu.memref_slice %arg13[%mul3A_124, %dma_wait3A_173] : memref<160x128xi32, #tpu.memory_space<vmem>> -> memref<1x128xi32, #tpu.memory_space<vmem>>
        %dma_wait3A_175 = tpu.memref_squeeze %dma_wait3A_174 : memref<1x128xi32, #tpu.memory_space<vmem>> -> memref<128xi32, #tpu.memory_space<vmem>>
        %dma_wait3A_176 = arith.constant 0 : i32
        %dma_wait3A_177 = arith.constant 0 : i32
        %dma_wait3A_178 = tpu.memref_slice %arg26[%dma_wait3A_176, %dma_wait3A_177] : memref<10240x64xf32, #tpu.memory_space<vmem_shared>> -> memref<10240x64xf32, #tpu.memory_space<vmem_shared>>
        tpu.wait_indirect_dma semaphore(%run_scoped3A : memref<!tpu.dma_semaphore, #tpu.memory_space<semaphore_mem>>) src(%arg19 : memref<128x64xf32, #tpu.memory_space<vmem>>) dst(%dma_wait3A_178 : memref<10240x64xf32, #tpu.memory_space<vmem_shared>>)
        tpu.yield
      }) : () -> ()
      %lt3A = arith.constant 79 : i32
      %lt3A_145 = arith.cmpi slt, %scan3A_121, %lt3A : i32
      %convert_element_type3A = arith.extui %lt3A_145 : i1 to i32
      %cond3A = arith.constant 0 : i32
      %cond3A_146 = arith.cmpi ne, %convert_element_type3A, %cond3A : i32
      scf.if %cond3A_146 {
        %add3A_167 = arith.constant 2 : i32
        %add3A_168 = arith.addi %mul3A_124, %add3A_167 : i32
        %dma_start3A_169 = arith.constant 0 : i32
        %dma_start3A_170 = tpu.memref_slice %arg12[%add3A_168, %dma_start3A_169] : memref<160x128xi32, #tpu.memory_space<vmem>> -> memref<1x128xi32, #tpu.memory_space<vmem>>
        %dma_start3A_171 = tpu.memref_squeeze %dma_start3A_170 : memref<1x128xi32, #tpu.memory_space<vmem>> -> memref<128xi32, #tpu.memory_space<vmem>>
        %dma_start3A_172 = arith.constant 0 : i32
        %dma_start3A_173 = arith.constant 0 : i32
        %dma_start3A_174 = tpu.memref_slice %arg10[%dma_start3A_172, %dma_start3A_173] : memref<20480x64xf32, #tpu.memory_space<hbm>> -> memref<20480x64xf32, #tpu.memory_space<hbm>>
        tpu.enqueue_indirect_dma source(%dma_start3A_174 : memref<20480x64xf32, #tpu.memory_space<hbm>>) target(%arg19 : memref<128x64xf32, #tpu.memory_space<vmem>>) offsets(%dma_start3A_171 : memref<128xi32, #tpu.memory_space<vmem>>) semaphore(%arg23 : memref<!tpu.dma_semaphore, #tpu.memory_space<semaphore_mem>>)
      } else {
      }
      %add3A_147 = arith.constant 1 : i32
      %add3A_148 = arith.addi %mul3A_124, %add3A_147 : i32
      %dma_wait3A_149 = arith.constant 0 : i32
      %dma_wait3A_150 = tpu.memref_slice %arg12[%add3A_148, %dma_wait3A_149] : memref<160x128xi32, #tpu.memory_space<vmem>> -> memref<1x128xi32, #tpu.memory_space<vmem>>
      %dma_wait3A_151 = tpu.memref_squeeze %dma_wait3A_150 : memref<1x128xi32, #tpu.memory_space<vmem>> -> memref<128xi32, #tpu.memory_space<vmem>>
      %dma_wait3A_152 = arith.constant 0 : i32
      %dma_wait3A_153 = arith.constant 0 : i32
      %dma_wait3A_154 = tpu.memref_slice %arg10[%dma_wait3A_152, %dma_wait3A_153] : memref<20480x64xf32, #tpu.memory_space<hbm>> -> memref<20480x64xf32, #tpu.memory_space<hbm>>
      tpu.wait_indirect_dma semaphore(%arg24 : memref<!tpu.dma_semaphore, #tpu.memory_space<semaphore_mem>>) src(%dma_wait3A_154 : memref<20480x64xf32, #tpu.memory_space<hbm>>) dst(%arg20 : memref<128x64xf32, #tpu.memory_space<vmem>>)
      %add3A_155 = arith.constant 1 : i32
      %add3A_156 = arith.addi %mul3A_124, %add3A_155 : i32
      %scan3A_157 = arith.constant 0 : i32
      %scan3A_158 = arith.constant 0 : i32
      %scan3A_159 = arith.constant 8 : i32
      %scan3A_160 = arith.addi %scan3A_158, %scan3A_159 : i32
      %scan3A_161 = arith.constant 1 : i32
      %scan3A_162 = scf.for %scan3A_167 = %scan3A_158 to %scan3A_160 step %scan3A_161 iter_args(%scan3A_168 = %scan3A_157) -> (i32)  : i32 {
        %mul3A_169 = arith.constant 16 : i32
        %mul3A_170 = arith.muli %scan3A_167, %mul3A_169 : i32
        %get3A = arith.index_cast %add3A_156 : i32 to index
        %get3A_171 = arith.index_cast %mul3A_170 : i32 to index
        %get3A_172 = tpu.vector_load %arg14[%get3A, %get3A_171] {strides = array<i32>} : memref<160x128xf32, #tpu.memory_space<vmem>>, vector<16xf32>,
        %slice3A = vector.extract_strided_slice %get3A_172 {offsets = [0], sizes = [1], strides = [1]} : vector<16xf32> to vector<1xf32>
        %squeeze3A = vector.extract %slice3A[0] : f32 from vector<1xf32>
        %mul3A_173 = arith.constant 16 : i32
        %mul3A_174 = arith.muli %scan3A_167, %mul3A_173 : i32
        %add3A_175 = arith.constant 0 : i32
        %add3A_176 = arith.addi %mul3A_174, %add3A_175 : i32
        %get3A_177 = arith.index_cast %add3A_176 : i32 to index
        %get3A_178 = arith.constant 0 : index
        %get3A_179 = tpu.vector_load %arg20[%get3A_177, %get3A_178] {strides = array<i32>} : memref<128x64xf32, #tpu.memory_space<vmem>>, vector<16xf32>,
        %mul3A_180 = vector.broadcast %squeeze3A : f32 to vector<16xf32>
        %mul3A_181 = arith.mulf %get3A_179, %mul3A_180 : vector<16xf32>
        %swap3A_182 = arith.index_cast %add3A_176 : i32 to index
        %swap3A_183 = arith.constant 0 : index
        %swap3A_184 = tpu.vector_load %arg20[%swap3A_182, %swap3A_183] {strides = array<i32>} : memref<128x64xf32, #tpu.memory_space<vmem>>, vector<16xf32>,
        tpu.vector_store %arg20[%swap3A_182, %swap3A_183], %mul3A_181 {strides = array<i32>} : memref<128x64xf32, #tpu.memory_space<vmem>>, vector<16xf32>,
        %get3A_185 = arith.index_cast %add3A_176 : i32 to index
        %get3A_186 = arith.constant 16 : index
        %get3A_187 = tpu.vector_load %arg20[%get3A_185, %get3A_186] {strides = array<i32>} : memref<128x64xf32, #tpu.memory_space<vmem>>, vector<16xf32>,
        %mul3A_188 = vector.broadcast %squeeze3A : f32 to vector<16xf32>
        %mul3A_189 = arith.mulf %get3A_187, %mul3A_188 : vector<16xf32>
        %swap3A_190 = arith.index_cast %add3A_176 : i32 to index
        %swap3A_191 = arith.constant 16 : index
        %swap3A_192 = tpu.vector_load %arg20[%swap3A_190, %swap3A_191] {strides = array<i32>} : memref<128x64xf32, #tpu.memory_space<vmem>>, vector<16xf32>,
        tpu.vector_store %arg20[%swap3A_190, %swap3A_191], %mul3A_189 {strides = array<i32>} : memref<128x64xf32, #tpu.memory_space<vmem>>, vector<16xf32>,
        %get3A_193 = arith.index_cast %add3A_176 : i32 to index
        %get3A_194 = arith.constant 32 : index
        %get3A_195 = tpu.vector_load %arg20[%get3A_193, %get3A_194] {strides = array<i32>} : memref<128x64xf32, #tpu.memory_space<vmem>>, vector<16xf32>,
        %mul3A_196 = vector.broadcast %squeeze3A : f32 to vector<16xf32>
        %mul3A_197 = arith.mulf %get3A_195, %mul3A_196 : vector<16xf32>
        %swap3A_198 = arith.index_cast %add3A_176 : i32 to index
        %swap3A_199 = arith.constant 32 : index
        %swap3A_200 = tpu.vector_load %arg20[%swap3A_198, %swap3A_199] {strides = array<i32>} : memref<128x64xf32, #tpu.memory_space<vmem>>, vector<16xf32>,
        tpu.vector_store %arg20[%swap3A_198, %swap3A_199], %mul3A_197 {strides = array<i32>} : memref<128x64xf32, #tpu.memory_space<vmem>>, vector<16xf32>,
        %get3A_201 = arith.index_cast %add3A_176 : i32 to index
        %get3A_202 = arith.constant 48 : index
        %get3A_203 = tpu.vector_load %arg20[%get3A_201, %get3A_202] {strides = array<i32>} : memref<128x64xf32, #tpu.memory_space<vmem>>, vector<16xf32>,
        %mul3A_204 = vector.broadcast %squeeze3A : f32 to vector<16xf32>
        %mul3A_205 = arith.mulf %get3A_203, %mul3A_204 : vector<16xf32>
        %swap3A_206 = arith.index_cast %add3A_176 : i32 to index
        %swap3A_207 = arith.constant 48 : index
        %swap3A_208 = tpu.vector_load %arg20[%swap3A_206, %swap3A_207] {strides = array<i32>} : memref<128x64xf32, #tpu.memory_space<vmem>>, vector<16xf32>,
        tpu.vector_store %arg20[%swap3A_206, %swap3A_207], %mul3A_205 {strides = array<i32>} : memref<128x64xf32, #tpu.memory_space<vmem>>, vector<16xf32>,
        %slice3A_209 = vector.extract_strided_slice %get3A_172 {offsets = [1], sizes = [1], strides = [1]} : vector<16xf32> to vector<1xf32>
        %squeeze3A_210 = vector.extract %slice3A_209[0] : f32 from vector<1xf32>
        %mul3A_211 = arith.constant 16 : i32
        %mul3A_212 = arith.muli %scan3A_167, %mul3A_211 : i32
        %add3A_213 = arith.constant 1 : i32
        %add3A_214 = arith.addi %mul3A_212, %add3A_213 : i32
        %get3A_215 = arith.index_cast %add3A_214 : i32 to index
        %get3A_216 = arith.constant 0 : index
        %get3A_217 = tpu.vector_load %arg20[%get3A_215, %get3A_216] {strides = array<i32>} : memref<128x64xf32, #tpu.memory_space<vmem>>, vector<16xf32>,
        %mul3A_218 = vector.broadcast %squeeze3A_210 : f32 to vector<16xf32>
        %mul3A_219 = arith.mulf %get3A_217, %mul3A_218 : vector<16xf32>
        %swap3A_220 = arith.index_cast %add3A_214 : i32 to index
        %swap3A_221 = arith.constant 0 : index
        %swap3A_222 = tpu.vector_load %arg20[%swap3A_220, %swap3A_221] {strides = array<i32>} : memref<128x64xf32, #tpu.memory_space<vmem>>, vector<16xf32>,
        tpu.vector_store %arg20[%swap3A_220, %swap3A_221], %mul3A_219 {strides = array<i32>} : memref<128x64xf32, #tpu.memory_space<vmem>>, vector<16xf32>,
        %get3A_223 = arith.index_cast %add3A_214 : i32 to index
        %get3A_224 = arith.constant 16 : index
        %get3A_225 = tpu.vector_load %arg20[%get3A_223, %get3A_224] {strides = array<i32>} : memref<128x64xf32, #tpu.memory_space<vmem>>, vector<16xf32>,
        %mul3A_226 = vector.broadcast %squeeze3A_210 : f32 to vector<16xf32>
        %mul3A_227 = arith.mulf %get3A_225, %mul3A_226 : vector<16xf32>
        %swap3A_228 = arith.index_cast %add3A_214 : i32 to index
        %swap3A_229 = arith.constant 16 : index
        %swap3A_230 = tpu.vector_load %arg20[%swap3A_228, %swap3A_229] {strides = array<i32>} : memref<128x64xf32, #tpu.memory_space<vmem>>, vector<16xf32>,
        tpu.vector_store %arg20[%swap3A_228, %swap3A_229], %mul3A_227 {strides = array<i32>} : memref<128x64xf32, #tpu.memory_space<vmem>>, vector<16xf32>,
        %get3A_231 = arith.index_cast %add3A_214 : i32 to index
        %get3A_232 = arith.constant 32 : index
        %get3A_233 = tpu.vector_load %arg20[%get3A_231, %get3A_232] {strides = array<i32>} : memref<128x64xf32, #tpu.memory_space<vmem>>, vector<16xf32>,
        %mul3A_234 = vector.broadcast %squeeze3A_210 : f32 to vector<16xf32>
        %mul3A_235 = arith.mulf %get3A_233, %mul3A_234 : vector<16xf32>
        %swap3A_236 = arith.index_cast %add3A_214 : i32 to index
        %swap3A_237 = arith.constant 32 : index
        %swap3A_238 = tpu.vector_load %arg20[%swap3A_236, %swap3A_237] {strides = array<i32>} : memref<128x64xf32, #tpu.memory_space<vmem>>, vector<16xf32>,
        tpu.vector_store %arg20[%swap3A_236, %swap3A_237], %mul3A_235 {strides = array<i32>} : memref<128x64xf32, #tpu.memory_space<vmem>>, vector<16xf32>,
        %get3A_239 = arith.index_cast %add3A_214 : i32 to index
        %get3A_240 = arith.constant 48 : index
        %get3A_241 = tpu.vector_load %arg20[%get3A_239, %get3A_240] {strides = array<i32>} : memref<128x64xf32, #tpu.memory_space<vmem>>, vector<16xf32>,
        %mul3A_242 = vector.broadcast %squeeze3A_210 : f32 to vector<16xf32>
        %mul3A_243 = arith.mulf %get3A_241, %mul3A_242 : vector<16xf32>
        %swap3A_244 = arith.index_cast %add3A_214 : i32 to index
        %swap3A_245 = arith.constant 48 : index
        %swap3A_246 = tpu.vector_load %arg20[%swap3A_244, %swap3A_245] {strides = array<i32>} : memref<128x64xf32, #tpu.memory_space<vmem>>, vector<16xf32>,
        tpu.vector_store %arg20[%swap3A_244, %swap3A_245], %mul3A_243 {strides = array<i32>} : memref<128x64xf32, #tpu.memory_space<vmem>>, vector<16xf32>,
        %slice3A_247 = vector.extract_strided_slice %get3A_172 {offsets = [2], sizes = [1], strides = [1]} : vector<16xf32> to vector<1xf32>
        %squeeze3A_248 = vector.extract %slice3A_247[0] : f32 from vector<1xf32>
        %mul3A_249 = arith.constant 16 : i32
        %mul3A_250 = arith.muli %scan3A_167, %mul3A_249 : i32
        %add3A_251 = arith.constant 2 : i32
        %add3A_252 = arith.addi %mul3A_250, %add3A_251 : i32
        %get3A_253 = arith.index_cast %add3A_252 : i32 to index
        %get3A_254 = arith.constant 0 : index
        %get3A_255 = tpu.vector_load %arg20[%get3A_253, %get3A_254] {strides = array<i32>} : memref<128x64xf32, #tpu.memory_space<vmem>>, vector<16xf32>,
        %mul3A_256 = vector.broadcast %squeeze3A_248 : f32 to vector<16xf32>
        %mul3A_257 = arith.mulf %get3A_255, %mul3A_256 : vector<16xf32>
        %swap3A_258 = arith.index_cast %add3A_252 : i32 to index
        %swap3A_259 = arith.constant 0 : index
        %swap3A_260 = tpu.vector_load %arg20[%swap3A_258, %swap3A_259] {strides = array<i32>} : memref<128x64xf32, #tpu.memory_space<vmem>>, vector<16xf32>,
        tpu.vector_store %arg20[%swap3A_258, %swap3A_259], %mul3A_257 {strides = array<i32>} : memref<128x64xf32, #tpu.memory_space<vmem>>, vector<16xf32>,
        %get3A_261 = arith.index_cast %add3A_252 : i32 to index
        %get3A_262 = arith.constant 16 : index
        %get3A_263 = tpu.vector_load %arg20[%get3A_261, %get3A_262] {strides = array<i32>} : memref<128x64xf32, #tpu.memory_space<vmem>>, vector<16xf32>,
        %mul3A_264 = vector.broadcast %squeeze3A_248 : f32 to vector<16xf32>
        %mul3A_265 = arith.mulf %get3A_263, %mul3A_264 : vector<16xf32>
        %swap3A_266 = arith.index_cast %add3A_252 : i32 to index
        %swap3A_267 = arith.constant 16 : index
        %swap3A_268 = tpu.vector_load %arg20[%swap3A_266, %swap3A_267] {strides = array<i32>} : memref<128x64xf32, #tpu.memory_space<vmem>>, vector<16xf32>,
        tpu.vector_store %arg20[%swap3A_266, %swap3A_267], %mul3A_265 {strides = array<i32>} : memref<128x64xf32, #tpu.memory_space<vmem>>, vector<16xf32>,
        %get3A_269 = arith.index_cast %add3A_252 : i32 to index
        %get3A_270 = arith.constant 32 : index
        %get3A_271 = tpu.vector_load %arg20[%get3A_269, %get3A_270] {strides = array<i32>} : memref<128x64xf32, #tpu.memory_space<vmem>>, vector<16xf32>,
        %mul3A_272 = vector.broadcast %squeeze3A_248 : f32 to vector<16xf32>
        %mul3A_273 = arith.mulf %get3A_271, %mul3A_272 : vector<16xf32>
        %swap3A_274 = arith.index_cast %add3A_252 : i32 to index
        %swap3A_275 = arith.constant 32 : index
        %swap3A_276 = tpu.vector_load %arg20[%swap3A_274, %swap3A_275] {strides = array<i32>} : memref<128x64xf32, #tpu.memory_space<vmem>>, vector<16xf32>,
        tpu.vector_store %arg20[%swap3A_274, %swap3A_275], %mul3A_273 {strides = array<i32>} : memref<128x64xf32, #tpu.memory_space<vmem>>, vector<16xf32>,
        %get3A_277 = arith.index_cast %add3A_252 : i32 to index
        %get3A_278 = arith.constant 48 : index
        %get3A_279 = tpu.vector_load %arg20[%get3A_277, %get3A_278] {strides = array<i32>} : memref<128x64xf32, #tpu.memory_space<vmem>>, vector<16xf32>,
        %mul3A_280 = vector.broadcast %squeeze3A_248 : f32 to vector<16xf32>
        %mul3A_281 = arith.mulf %get3A_279, %mul3A_280 : vector<16xf32>
        %swap3A_282 = arith.index_cast %add3A_252 : i32 to index
        %swap3A_283 = arith.constant 48 : index
        %swap3A_284 = tpu.vector_load %arg20[%swap3A_282, %swap3A_283] {strides = array<i32>} : memref<128x64xf32, #tpu.memory_space<vmem>>, vector<16xf32>,
        tpu.vector_store %arg20[%swap3A_282, %swap3A_283], %mul3A_281 {strides = array<i32>} : memref<128x64xf32, #tpu.memory_space<vmem>>, vector<16xf32>,
        %slice3A_285 = vector.extract_strided_slice %get3A_172 {offsets = [3], sizes = [1], strides = [1]} : vector<16xf32> to vector<1xf32>
        %squeeze3A_286 = vector.extract %slice3A_285[0] : f32 from vector<1xf32>
        %mul3A_287 = arith.constant 16 : i32
        %mul3A_288 = arith.muli %scan3A_167, %mul3A_287 : i32
        %add3A_289 = arith.constant 3 : i32
        %add3A_290 = arith.addi %mul3A_288, %add3A_289 : i32
        %get3A_291 = arith.index_cast %add3A_290 : i32 to index
        %get3A_292 = arith.constant 0 : index
        %get3A_293 = tpu.vector_load %arg20[%get3A_291, %get3A_292] {strides = array<i32>} : memref<128x64xf32, #tpu.memory_space<vmem>>, vector<16xf32>,
        %mul3A_294 = vector.broadcast %squeeze3A_286 : f32 to vector<16xf32>
        %mul3A_295 = arith.mulf %get3A_293, %mul3A_294 : vector<16xf32>
        %swap3A_296 = arith.index_cast %add3A_290 : i32 to index
        %swap3A_297 = arith.constant 0 : index
        %swap3A_298 = tpu.vector_load %arg20[%swap3A_296, %swap3A_297] {strides = array<i32>} : memref<128x64xf32, #tpu.memory_space<vmem>>, vector<16xf32>,
        tpu.vector_store %arg20[%swap3A_296, %swap3A_297], %mul3A_295 {strides = array<i32>} : memref<128x64xf32, #tpu.memory_space<vmem>>, vector<16xf32>,
        %get3A_299 = arith.index_cast %add3A_290 : i32 to index
        %get3A_300 = arith.constant 16 : index
        %get3A_301 = tpu.vector_load %arg20[%get3A_299, %get3A_300] {strides = array<i32>} : memref<128x64xf32, #tpu.memory_space<vmem>>, vector<16xf32>,
        %mul3A_302 = vector.broadcast %squeeze3A_286 : f32 to vector<16xf32>
        %mul3A_303 = arith.mulf %get3A_301, %mul3A_302 : vector<16xf32>
        %swap3A_304 = arith.index_cast %add3A_290 : i32 to index
        %swap3A_305 = arith.constant 16 : index
        %swap3A_306 = tpu.vector_load %arg20[%swap3A_304, %swap3A_305] {strides = array<i32>} : memref<128x64xf32, #tpu.memory_space<vmem>>, vector<16xf32>,
        tpu.vector_store %arg20[%swap3A_304, %swap3A_305], %mul3A_303 {strides = array<i32>} : memref<128x64xf32, #tpu.memory_space<vmem>>, vector<16xf32>,
        %get3A_307 = arith.index_cast %add3A_290 : i32 to index
        %get3A_308 = arith.constant 32 : index
        %get3A_309 = tpu.vector_load %arg20[%get3A_307, %get3A_308] {strides = array<i32>} : memref<128x64xf32, #tpu.memory_space<vmem>>, vector<16xf32>,
        %mul3A_310 = vector.broadcast %squeeze3A_286 : f32 to vector<16xf32>
        %mul3A_311 = arith.mulf %get3A_309, %mul3A_310 : vector<16xf32>
        %swap3A_312 = arith.index_cast %add3A_290 : i32 to index
        %swap3A_313 = arith.constant 32 : index
        %swap3A_314 = tpu.vector_load %arg20[%swap3A_312, %swap3A_313] {strides = array<i32>} : memref<128x64xf32, #tpu.memory_space<vmem>>, vector<16xf32>,
        tpu.vector_store %arg20[%swap3A_312, %swap3A_313], %mul3A_311 {strides = array<i32>} : memref<128x64xf32, #tpu.memory_space<vmem>>, vector<16xf32>,
        %get3A_315 = arith.index_cast %add3A_290 : i32 to index
        %get3A_316 = arith.constant 48 : index
        %get3A_317 = tpu.vector_load %arg20[%get3A_315, %get3A_316] {strides = array<i32>} : memref<128x64xf32, #tpu.memory_space<vmem>>, vector<16xf32>,
        %mul3A_318 = vector.broadcast %squeeze3A_286 : f32 to vector<16xf32>
        %mul3A_319 = arith.mulf %get3A_317, %mul3A_318 : vector<16xf32>
        %swap3A_320 = arith.index_cast %add3A_290 : i32 to index
        %swap3A_321 = arith.constant 48 : index
        %swap3A_322 = tpu.vector_load %arg20[%swap3A_320, %swap3A_321] {strides = array<i32>} : memref<128x64xf32, #tpu.memory_space<vmem>>, vector<16xf32>,
        tpu.vector_store %arg20[%swap3A_320, %swap3A_321], %mul3A_319 {strides = array<i32>} : memref<128x64xf32, #tpu.memory_space<vmem>>, vector<16xf32>,
        %slice3A_323 = vector.extract_strided_slice %get3A_172 {offsets = [4], sizes = [1], strides = [1]} : vector<16xf32> to vector<1xf32>
        %squeeze3A_324 = vector.extract %slice3A_323[0] : f32 from vector<1xf32>
        %mul3A_325 = arith.constant 16 : i32
        %mul3A_326 = arith.muli %scan3A_167, %mul3A_325 : i32
        %add3A_327 = arith.constant 4 : i32
        %add3A_328 = arith.addi %mul3A_326, %add3A_327 : i32
        %get3A_329 = arith.index_cast %add3A_328 : i32 to index
        %get3A_330 = arith.constant 0 : index
        %get3A_331 = tpu.vector_load %arg20[%get3A_329, %get3A_330] {strides = array<i32>} : memref<128x64xf32, #tpu.memory_space<vmem>>, vector<16xf32>,
        %mul3A_332 = vector.broadcast %squeeze3A_324 : f32 to vector<16xf32>
        %mul3A_333 = arith.mulf %get3A_331, %mul3A_332 : vector<16xf32>
        %swap3A_334 = arith.index_cast %add3A_328 : i32 to index
        %swap3A_335 = arith.constant 0 : index
        %swap3A_336 = tpu.vector_load %arg20[%swap3A_334, %swap3A_335] {strides = array<i32>} : memref<128x64xf32, #tpu.memory_space<vmem>>, vector<16xf32>,
        tpu.vector_store %arg20[%swap3A_334, %swap3A_335], %mul3A_333 {strides = array<i32>} : memref<128x64xf32, #tpu.memory_space<vmem>>, vector<16xf32>,
        %get3A_337 = arith.index_cast %add3A_328 : i32 to index
        %get3A_338 = arith.constant 16 : index
        %get3A_339 = tpu.vector_load %arg20[%get3A_337, %get3A_338] {strides = array<i32>} : memref<128x64xf32, #tpu.memory_space<vmem>>, vector<16xf32>,
        %mul3A_340 = vector.broadcast %squeeze3A_324 : f32 to vector<16xf32>
        %mul3A_341 = arith.mulf %get3A_339, %mul3A_340 : vector<16xf32>
        %swap3A_342 = arith.index_cast %add3A_328 : i32 to index
        %swap3A_343 = arith.constant 16 : index
        %swap3A_344 = tpu.vector_load %arg20[%swap3A_342, %swap3A_343] {strides = array<i32>} : memref<128x64xf32, #tpu.memory_space<vmem>>, vector<16xf32>,
        tpu.vector_store %arg20[%swap3A_342, %swap3A_343], %mul3A_341 {strides = array<i32>} : memref<128x64xf32, #tpu.memory_space<vmem>>, vector<16xf32>,
        %get3A_345 = arith.index_cast %add3A_328 : i32 to index
        %get3A_346 = arith.constant 32 : index
        %get3A_347 = tpu.vector_load %arg20[%get3A_345, %get3A_346] {strides = array<i32>} : memref<128x64xf32, #tpu.memory_space<vmem>>, vector<16xf32>,
        %mul3A_348 = vector.broadcast %squeeze3A_324 : f32 to vector<16xf32>
        %mul3A_349 = arith.mulf %get3A_347, %mul3A_348 : vector<16xf32>
        %swap3A_350 = arith.index_cast %add3A_328 : i32 to index
        %swap3A_351 = arith.constant 32 : index
        %swap3A_352 = tpu.vector_load %arg20[%swap3A_350, %swap3A_351] {strides = array<i32>} : memref<128x64xf32, #tpu.memory_space<vmem>>, vector<16xf32>,
        tpu.vector_store %arg20[%swap3A_350, %swap3A_351], %mul3A_349 {strides = array<i32>} : memref<128x64xf32, #tpu.memory_space<vmem>>, vector<16xf32>,
        %get3A_353 = arith.index_cast %add3A_328 : i32 to index
        %get3A_354 = arith.constant 48 : index
        %get3A_355 = tpu.vector_load %arg20[%get3A_353, %get3A_354] {strides = array<i32>} : memref<128x64xf32, #tpu.memory_space<vmem>>, vector<16xf32>,
        %mul3A_356 = vector.broadcast %squeeze3A_324 : f32 to vector<16xf32>
        %mul3A_357 = arith.mulf %get3A_355, %mul3A_356 : vector<16xf32>
        %swap3A_358 = arith.index_cast %add3A_328 : i32 to index
        %swap3A_359 = arith.constant 48 : index
        %swap3A_360 = tpu.vector_load %arg20[%swap3A_358, %swap3A_359] {strides = array<i32>} : memref<128x64xf32, #tpu.memory_space<vmem>>, vector<16xf32>,
        tpu.vector_store %arg20[%swap3A_358, %swap3A_359], %mul3A_357 {strides = array<i32>} : memref<128x64xf32, #tpu.memory_space<vmem>>, vector<16xf32>,
        %slice3A_361 = vector.extract_strided_slice %get3A_172 {offsets = [5], sizes = [1], strides = [1]} : vector<16xf32> to vector<1xf32>
        %squeeze3A_362 = vector.extract %slice3A_361[0] : f32 from vector<1xf32>
        %mul3A_363 = arith.constant 16 : i32
        %mul3A_364 = arith.muli %scan3A_167, %mul3A_363 : i32
        %add3A_365 = arith.constant 5 : i32
        %add3A_366 = arith.addi %mul3A_364, %add3A_365 : i32
        %get3A_367 = arith.index_cast %add3A_366 : i32 to index
        %get3A_368 = arith.constant 0 : index
        %get3A_369 = tpu.vector_load %arg20[%get3A_367, %get3A_368] {strides = array<i32>} : memref<128x64xf32, #tpu.memory_space<vmem>>, vector<16xf32>,
        %mul3A_370 = vector.broadcast %squeeze3A_362 : f32 to vector<16xf32>
        %mul3A_371 = arith.mulf %get3A_369, %mul3A_370 : vector<16xf32>
        %swap3A_372 = arith.index_cast %add3A_366 : i32 to index
        %swap3A_373 = arith.constant 0 : index
        %swap3A_374 = tpu.vector_load %arg20[%swap3A_372, %swap3A_373] {strides = array<i32>} : memref<128x64xf32, #tpu.memory_space<vmem>>, vector<16xf32>,
        tpu.vector_store %arg20[%swap3A_372, %swap3A_373], %mul3A_371 {strides = array<i32>} : memref<128x64xf32, #tpu.memory_space<vmem>>, vector<16xf32>,
        %get3A_375 = arith.index_cast %add3A_366 : i32 to index
        %get3A_376 = arith.constant 16 : index
        %get3A_377 = tpu.vector_load %arg20[%get3A_375, %get3A_376] {strides = array<i32>} : memref<128x64xf32, #tpu.memory_space<vmem>>, vector<16xf32>,
        %mul3A_378 = vector.broadcast %squeeze3A_362 : f32 to vector<16xf32>
        %mul3A_379 = arith.mulf %get3A_377, %mul3A_378 : vector<16xf32>
        %swap3A_380 = arith.index_cast %add3A_366 : i32 to index
        %swap3A_381 = arith.constant 16 : index
        %swap3A_382 = tpu.vector_load %arg20[%swap3A_380, %swap3A_381] {strides = array<i32>} : memref<128x64xf32, #tpu.memory_space<vmem>>, vector<16xf32>,
        tpu.vector_store %arg20[%swap3A_380, %swap3A_381], %mul3A_379 {strides = array<i32>} : memref<128x64xf32, #tpu.memory_space<vmem>>, vector<16xf32>,
        %get3A_383 = arith.index_cast %add3A_366 : i32 to index
        %get3A_384 = arith.constant 32 : index
        %get3A_385 = tpu.vector_load %arg20[%get3A_383, %get3A_384] {strides = array<i32>} : memref<128x64xf32, #tpu.memory_space<vmem>>, vector<16xf32>,
        %mul3A_386 = vector.broadcast %squeeze3A_362 : f32 to vector<16xf32>
        %mul3A_387 = arith.mulf %get3A_385, %mul3A_386 : vector<16xf32>
        %swap3A_388 = arith.index_cast %add3A_366 : i32 to index
        %swap3A_389 = arith.constant 32 : index
        %swap3A_390 = tpu.vector_load %arg20[%swap3A_388, %swap3A_389] {strides = array<i32>} : memref<128x64xf32, #tpu.memory_space<vmem>>, vector<16xf32>,
        tpu.vector_store %arg20[%swap3A_388, %swap3A_389], %mul3A_387 {strides = array<i32>} : memref<128x64xf32, #tpu.memory_space<vmem>>, vector<16xf32>,
        %get3A_391 = arith.index_cast %add3A_366 : i32 to index
        %get3A_392 = arith.constant 48 : index
        %get3A_393 = tpu.vector_load %arg20[%get3A_391, %get3A_392] {strides = array<i32>} : memref<128x64xf32, #tpu.memory_space<vmem>>, vector<16xf32>,
        %mul3A_394 = vector.broadcast %squeeze3A_362 : f32 to vector<16xf32>
        %mul3A_395 = arith.mulf %get3A_393, %mul3A_394 : vector<16xf32>
        %swap3A_396 = arith.index_cast %add3A_366 : i32 to index
        %swap3A_397 = arith.constant 48 : index
        %swap3A_398 = tpu.vector_load %arg20[%swap3A_396, %swap3A_397] {strides = array<i32>} : memref<128x64xf32, #tpu.memory_space<vmem>>, vector<16xf32>,
        tpu.vector_store %arg20[%swap3A_396, %swap3A_397], %mul3A_395 {strides = array<i32>} : memref<128x64xf32, #tpu.memory_space<vmem>>, vector<16xf32>,
        %slice3A_399 = vector.extract_strided_slice %get3A_172 {offsets = [6], sizes = [1], strides = [1]} : vector<16xf32> to vector<1xf32>
        %squeeze3A_400 = vector.extract %slice3A_399[0] : f32 from vector<1xf32>
        %mul3A_401 = arith.constant 16 : i32
        %mul3A_402 = arith.muli %scan3A_167, %mul3A_401 : i32
        %add3A_403 = arith.constant 6 : i32
        %add3A_404 = arith.addi %mul3A_402, %add3A_403 : i32
        %get3A_405 = arith.index_cast %add3A_404 : i32 to index
        %get3A_406 = arith.constant 0 : index
        %get3A_407 = tpu.vector_load %arg20[%get3A_405, %get3A_406] {strides = array<i32>} : memref<128x64xf32, #tpu.memory_space<vmem>>, vector<16xf32>,
        %mul3A_408 = vector.broadcast %squeeze3A_400 : f32 to vector<16xf32>
        %mul3A_409 = arith.mulf %get3A_407, %mul3A_408 : vector<16xf32>
        %swap3A_410 = arith.index_cast %add3A_404 : i32 to index
        %swap3A_411 = arith.constant 0 : index
        %swap3A_412 = tpu.vector_load %arg20[%swap3A_410, %swap3A_411] {strides = array<i32>} : memref<128x64xf32, #tpu.memory_space<vmem>>, vector<16xf32>,
        tpu.vector_store %arg20[%swap3A_410, %swap3A_411], %mul3A_409 {strides = array<i32>} : memref<128x64xf32, #tpu.memory_space<vmem>>, vector<16xf32>,
        %get3A_413 = arith.index_cast %add3A_404 : i32 to index
        %get3A_414 = arith.constant 16 : index
        %get3A_415 = tpu.vector_load %arg20[%get3A_413, %get3A_414] {strides = array<i32>} : memref<128x64xf32, #tpu.memory_space<vmem>>, vector<16xf32>,
        %mul3A_416 = vector.broadcast %squeeze3A_400 : f32 to vector<16xf32>
        %mul3A_417 = arith.mulf %get3A_415, %mul3A_416 : vector<16xf32>
        %swap3A_418 = arith.index_cast %add3A_404 : i32 to index
        %swap3A_419 = arith.constant 16 : index
        %swap3A_420 = tpu.vector_load %arg20[%swap3A_418, %swap3A_419] {strides = array<i32>} : memref<128x64xf32, #tpu.memory_space<vmem>>, vector<16xf32>,
        tpu.vector_store %arg20[%swap3A_418, %swap3A_419], %mul3A_417 {strides = array<i32>} : memref<128x64xf32, #tpu.memory_space<vmem>>, vector<16xf32>,
        %get3A_421 = arith.index_cast %add3A_404 : i32 to index
        %get3A_422 = arith.constant 32 : index
        %get3A_423 = tpu.vector_load %arg20[%get3A_421, %get3A_422] {strides = array<i32>} : memref<128x64xf32, #tpu.memory_space<vmem>>, vector<16xf32>,
        %mul3A_424 = vector.broadcast %squeeze3A_400 : f32 to vector<16xf32>
        %mul3A_425 = arith.mulf %get3A_423, %mul3A_424 : vector<16xf32>
        %swap3A_426 = arith.index_cast %add3A_404 : i32 to index
        %swap3A_427 = arith.constant 32 : index
        %swap3A_428 = tpu.vector_load %arg20[%swap3A_426, %swap3A_427] {strides = array<i32>} : memref<128x64xf32, #tpu.memory_space<vmem>>, vector<16xf32>,
        tpu.vector_store %arg20[%swap3A_426, %swap3A_427], %mul3A_425 {strides = array<i32>} : memref<128x64xf32, #tpu.memory_space<vmem>>, vector<16xf32>,
        %get3A_429 = arith.index_cast %add3A_404 : i32 to index
        %get3A_430 = arith.constant 48 : index
        %get3A_431 = tpu.vector_load %arg20[%get3A_429, %get3A_430] {strides = array<i32>} : memref<128x64xf32, #tpu.memory_space<vmem>>, vector<16xf32>,
        %mul3A_432 = vector.broadcast %squeeze3A_400 : f32 to vector<16xf32>
        %mul3A_433 = arith.mulf %get3A_431, %mul3A_432 : vector<16xf32>
        %swap3A_434 = arith.index_cast %add3A_404 : i32 to index
        %swap3A_435 = arith.constant 48 : index
        %swap3A_436 = tpu.vector_load %arg20[%swap3A_434, %swap3A_435] {strides = array<i32>} : memref<128x64xf32, #tpu.memory_space<vmem>>, vector<16xf32>,
        tpu.vector_store %arg20[%swap3A_434, %swap3A_435], %mul3A_433 {strides = array<i32>} : memref<128x64xf32, #tpu.memory_space<vmem>>, vector<16xf32>,
        %slice3A_437 = vector.extract_strided_slice %get3A_172 {offsets = [7], sizes = [1], strides = [1]} : vector<16xf32> to vector<1xf32>
        %squeeze3A_438 = vector.extract %slice3A_437[0] : f32 from vector<1xf32>
        %mul3A_439 = arith.constant 16 : i32
        %mul3A_440 = arith.muli %scan3A_167, %mul3A_439 : i32
        %add3A_441 = arith.constant 7 : i32
        %add3A_442 = arith.addi %mul3A_440, %add3A_441 : i32
        %get3A_443 = arith.index_cast %add3A_442 : i32 to index
        %get3A_444 = arith.constant 0 : index
        %get3A_445 = tpu.vector_load %arg20[%get3A_443, %get3A_444] {strides = array<i32>} : memref<128x64xf32, #tpu.memory_space<vmem>>, vector<16xf32>,
        %mul3A_446 = vector.broadcast %squeeze3A_438 : f32 to vector<16xf32>
        %mul3A_447 = arith.mulf %get3A_445, %mul3A_446 : vector<16xf32>
        %swap3A_448 = arith.index_cast %add3A_442 : i32 to index
        %swap3A_449 = arith.constant 0 : index
        %swap3A_450 = tpu.vector_load %arg20[%swap3A_448, %swap3A_449] {strides = array<i32>} : memref<128x64xf32, #tpu.memory_space<vmem>>, vector<16xf32>,
        tpu.vector_store %arg20[%swap3A_448, %swap3A_449], %mul3A_447 {strides = array<i32>} : memref<128x64xf32, #tpu.memory_space<vmem>>, vector<16xf32>,
        %get3A_451 = arith.index_cast %add3A_442 : i32 to index
        %get3A_452 = arith.constant 16 : index
        %get3A_453 = tpu.vector_load %arg20[%get3A_451, %get3A_452] {strides = array<i32>} : memref<128x64xf32, #tpu.memory_space<vmem>>, vector<16xf32>,
        %mul3A_454 = vector.broadcast %squeeze3A_438 : f32 to vector<16xf32>
        %mul3A_455 = arith.mulf %get3A_453, %mul3A_454 : vector<16xf32>
        %swap3A_456 = arith.index_cast %add3A_442 : i32 to index
        %swap3A_457 = arith.constant 16 : index
        %swap3A_458 = tpu.vector_load %arg20[%swap3A_456, %swap3A_457] {strides = array<i32>} : memref<128x64xf32, #tpu.memory_space<vmem>>, vector<16xf32>,
        tpu.vector_store %arg20[%swap3A_456, %swap3A_457], %mul3A_455 {strides = array<i32>} : memref<128x64xf32, #tpu.memory_space<vmem>>, vector<16xf32>,
        %get3A_459 = arith.index_cast %add3A_442 : i32 to index
        %get3A_460 = arith.constant 32 : index
        %get3A_461 = tpu.vector_load %arg20[%get3A_459, %get3A_460] {strides = array<i32>} : memref<128x64xf32, #tpu.memory_space<vmem>>, vector<16xf32>,
        %mul3A_462 = vector.broadcast %squeeze3A_438 : f32 to vector<16xf32>
        %mul3A_463 = arith.mulf %get3A_461, %mul3A_462 : vector<16xf32>
        %swap3A_464 = arith.index_cast %add3A_442 : i32 to index
        %swap3A_465 = arith.constant 32 : index
        %swap3A_466 = tpu.vector_load %arg20[%swap3A_464, %swap3A_465] {strides = array<i32>} : memref<128x64xf32, #tpu.memory_space<vmem>>, vector<16xf32>,
        tpu.vector_store %arg20[%swap3A_464, %swap3A_465], %mul3A_463 {strides = array<i32>} : memref<128x64xf32, #tpu.memory_space<vmem>>, vector<16xf32>,
        %get3A_467 = arith.index_cast %add3A_442 : i32 to index
        %get3A_468 = arith.constant 48 : index
        %get3A_469 = tpu.vector_load %arg20[%get3A_467, %get3A_468] {strides = array<i32>} : memref<128x64xf32, #tpu.memory_space<vmem>>, vector<16xf32>,
        %mul3A_470 = vector.broadcast %squeeze3A_438 : f32 to vector<16xf32>
        %mul3A_471 = arith.mulf %get3A_469, %mul3A_470 : vector<16xf32>
        %swap3A_472 = arith.index_cast %add3A_442 : i32 to index
        %swap3A_473 = arith.constant 48 : index
        %swap3A_474 = tpu.vector_load %arg20[%swap3A_472, %swap3A_473] {strides = array<i32>} : memref<128x64xf32, #tpu.memory_space<vmem>>, vector<16xf32>,
        tpu.vector_store %arg20[%swap3A_472, %swap3A_473], %mul3A_471 {strides = array<i32>} : memref<128x64xf32, #tpu.memory_space<vmem>>, vector<16xf32>,
        %slice3A_475 = vector.extract_strided_slice %get3A_172 {offsets = [8], sizes = [1], strides = [1]} : vector<16xf32> to vector<1xf32>
        %squeeze3A_476 = vector.extract %slice3A_475[0] : f32 from vector<1xf32>
        %mul3A_477 = arith.constant 16 : i32
        %mul3A_478 = arith.muli %scan3A_167, %mul3A_477 : i32
        %add3A_479 = arith.constant 8 : i32
        %add3A_480 = arith.addi %mul3A_478, %add3A_479 : i32
        %get3A_481 = arith.index_cast %add3A_480 : i32 to index
        %get3A_482 = arith.constant 0 : index
        %get3A_483 = tpu.vector_load %arg20[%get3A_481, %get3A_482] {strides = array<i32>} : memref<128x64xf32, #tpu.memory_space<vmem>>, vector<16xf32>,
        %mul3A_484 = vector.broadcast %squeeze3A_476 : f32 to vector<16xf32>
        %mul3A_485 = arith.mulf %get3A_483, %mul3A_484 : vector<16xf32>
        %swap3A_486 = arith.index_cast %add3A_480 : i32 to index
        %swap3A_487 = arith.constant 0 : index
        %swap3A_488 = tpu.vector_load %arg20[%swap3A_486, %swap3A_487] {strides = array<i32>} : memref<128x64xf32, #tpu.memory_space<vmem>>, vector<16xf32>,
        tpu.vector_store %arg20[%swap3A_486, %swap3A_487], %mul3A_485 {strides = array<i32>} : memref<128x64xf32, #tpu.memory_space<vmem>>, vector<16xf32>,
        %get3A_489 = arith.index_cast %add3A_480 : i32 to index
        %get3A_490 = arith.constant 16 : index
        %get3A_491 = tpu.vector_load %arg20[%get3A_489, %get3A_490] {strides = array<i32>} : memref<128x64xf32, #tpu.memory_space<vmem>>, vector<16xf32>,
        %mul3A_492 = vector.broadcast %squeeze3A_476 : f32 to vector<16xf32>
        %mul3A_493 = arith.mulf %get3A_491, %mul3A_492 : vector<16xf32>
        %swap3A_494 = arith.index_cast %add3A_480 : i32 to index
        %swap3A_495 = arith.constant 16 : index
        %swap3A_496 = tpu.vector_load %arg20[%swap3A_494, %swap3A_495] {strides = array<i32>} : memref<128x64xf32, #tpu.memory_space<vmem>>, vector<16xf32>,
        tpu.vector_store %arg20[%swap3A_494, %swap3A_495], %mul3A_493 {strides = array<i32>} : memref<128x64xf32, #tpu.memory_space<vmem>>, vector<16xf32>,
        %get3A_497 = arith.index_cast %add3A_480 : i32 to index
        %get3A_498 = arith.constant 32 : index
        %get3A_499 = tpu.vector_load %arg20[%get3A_497, %get3A_498] {strides = array<i32>} : memref<128x64xf32, #tpu.memory_space<vmem>>, vector<16xf32>,
        %mul3A_500 = vector.broadcast %squeeze3A_476 : f32 to vector<16xf32>
        %mul3A_501 = arith.mulf %get3A_499, %mul3A_500 : vector<16xf32>
        %swap3A_502 = arith.index_cast %add3A_480 : i32 to index
        %swap3A_503 = arith.constant 32 : index
        %swap3A_504 = tpu.vector_load %arg20[%swap3A_502, %swap3A_503] {strides = array<i32>} : memref<128x64xf32, #tpu.memory_space<vmem>>, vector<16xf32>,
        tpu.vector_store %arg20[%swap3A_502, %swap3A_503], %mul3A_501 {strides = array<i32>} : memref<128x64xf32, #tpu.memory_space<vmem>>, vector<16xf32>,
        %get3A_505 = arith.index_cast %add3A_480 : i32 to index
        %get3A_506 = arith.constant 48 : index
        %get3A_507 = tpu.vector_load %arg20[%get3A_505, %get3A_506] {strides = array<i32>} : memref<128x64xf32, #tpu.memory_space<vmem>>, vector<16xf32>,
        %mul3A_508 = vector.broadcast %squeeze3A_476 : f32 to vector<16xf32>
        %mul3A_509 = arith.mulf %get3A_507, %mul3A_508 : vector<16xf32>
        %swap3A_510 = arith.index_cast %add3A_480 : i32 to index
        %swap3A_511 = arith.constant 48 : index
        %swap3A_512 = tpu.vector_load %arg20[%swap3A_510, %swap3A_511] {strides = array<i32>} : memref<128x64xf32, #tpu.memory_space<vmem>>, vector<16xf32>,
        tpu.vector_store %arg20[%swap3A_510, %swap3A_511], %mul3A_509 {strides = array<i32>} : memref<128x64xf32, #tpu.memory_space<vmem>>, vector<16xf32>,
        %slice3A_513 = vector.extract_strided_slice %get3A_172 {offsets = [9], sizes = [1], strides = [1]} : vector<16xf32> to vector<1xf32>
        %squeeze3A_514 = vector.extract %slice3A_513[0] : f32 from vector<1xf32>
        %mul3A_515 = arith.constant 16 : i32
        %mul3A_516 = arith.muli %scan3A_167, %mul3A_515 : i32
        %add3A_517 = arith.constant 9 : i32
        %add3A_518 = arith.addi %mul3A_516, %add3A_517 : i32
        %get3A_519 = arith.index_cast %add3A_518 : i32 to index
        %get3A_520 = arith.constant 0 : index
        %get3A_521 = tpu.vector_load %arg20[%get3A_519, %get3A_520] {strides = array<i32>} : memref<128x64xf32, #tpu.memory_space<vmem>>, vector<16xf32>,
        %mul3A_522 = vector.broadcast %squeeze3A_514 : f32 to vector<16xf32>
        %mul3A_523 = arith.mulf %get3A_521, %mul3A_522 : vector<16xf32>
        %swap3A_524 = arith.index_cast %add3A_518 : i32 to index
        %swap3A_525 = arith.constant 0 : index
        %swap3A_526 = tpu.vector_load %arg20[%swap3A_524, %swap3A_525] {strides = array<i32>} : memref<128x64xf32, #tpu.memory_space<vmem>>, vector<16xf32>,
        tpu.vector_store %arg20[%swap3A_524, %swap3A_525], %mul3A_523 {strides = array<i32>} : memref<128x64xf32, #tpu.memory_space<vmem>>, vector<16xf32>,
        %get3A_527 = arith.index_cast %add3A_518 : i32 to index
        %get3A_528 = arith.constant 16 : index
        %get3A_529 = tpu.vector_load %arg20[%get3A_527, %get3A_528] {strides = array<i32>} : memref<128x64xf32, #tpu.memory_space<vmem>>, vector<16xf32>,
        %mul3A_530 = vector.broadcast %squeeze3A_514 : f32 to vector<16xf32>
        %mul3A_531 = arith.mulf %get3A_529, %mul3A_530 : vector<16xf32>
        %swap3A_532 = arith.index_cast %add3A_518 : i32 to index
        %swap3A_533 = arith.constant 16 : index
        %swap3A_534 = tpu.vector_load %arg20[%swap3A_532, %swap3A_533] {strides = array<i32>} : memref<128x64xf32, #tpu.memory_space<vmem>>, vector<16xf32>,
        tpu.vector_store %arg20[%swap3A_532, %swap3A_533], %mul3A_531 {strides = array<i32>} : memref<128x64xf32, #tpu.memory_space<vmem>>, vector<16xf32>,
        %get3A_535 = arith.index_cast %add3A_518 : i32 to index
        %get3A_536 = arith.constant 32 : index
        %get3A_537 = tpu.vector_load %arg20[%get3A_535, %get3A_536] {strides = array<i32>} : memref<128x64xf32, #tpu.memory_space<vmem>>, vector<16xf32>,
        %mul3A_538 = vector.broadcast %squeeze3A_514 : f32 to vector<16xf32>
        %mul3A_539 = arith.mulf %get3A_537, %mul3A_538 : vector<16xf32>
        %swap3A_540 = arith.index_cast %add3A_518 : i32 to index
        %swap3A_541 = arith.constant 32 : index
        %swap3A_542 = tpu.vector_load %arg20[%swap3A_540, %swap3A_541] {strides = array<i32>} : memref<128x64xf32, #tpu.memory_space<vmem>>, vector<16xf32>,
        tpu.vector_store %arg20[%swap3A_540, %swap3A_541], %mul3A_539 {strides = array<i32>} : memref<128x64xf32, #tpu.memory_space<vmem>>, vector<16xf32>,
        %get3A_543 = arith.index_cast %add3A_518 : i32 to index
        %get3A_544 = arith.constant 48 : index
        %get3A_545 = tpu.vector_load %arg20[%get3A_543, %get3A_544] {strides = array<i32>} : memref<128x64xf32, #tpu.memory_space<vmem>>, vector<16xf32>,
        %mul3A_546 = vector.broadcast %squeeze3A_514 : f32 to vector<16xf32>
        %mul3A_547 = arith.mulf %get3A_545, %mul3A_546 : vector<16xf32>
        %swap3A_548 = arith.index_cast %add3A_518 : i32 to index
        %swap3A_549 = arith.constant 48 : index
        %swap3A_550 = tpu.vector_load %arg20[%swap3A_548, %swap3A_549] {strides = array<i32>} : memref<128x64xf32, #tpu.memory_space<vmem>>, vector<16xf32>,
        tpu.vector_store %arg20[%swap3A_548, %swap3A_549], %mul3A_547 {strides = array<i32>} : memref<128x64xf32, #tpu.memory_space<vmem>>, vector<16xf32>,
        %slice3A_551 = vector.extract_strided_slice %get3A_172 {offsets = [10], sizes = [1], strides = [1]} : vector<16xf32> to vector<1xf32>
        %squeeze3A_552 = vector.extract %slice3A_551[0] : f32 from vector<1xf32>
        %mul3A_553 = arith.constant 16 : i32
        %mul3A_554 = arith.muli %scan3A_167, %mul3A_553 : i32
        %add3A_555 = arith.constant 10 : i32
        %add3A_556 = arith.addi %mul3A_554, %add3A_555 : i32
        %get3A_557 = arith.index_cast %add3A_556 : i32 to index
        %get3A_558 = arith.constant 0 : index
        %get3A_559 = tpu.vector_load %arg20[%get3A_557, %get3A_558] {strides = array<i32>} : memref<128x64xf32, #tpu.memory_space<vmem>>, vector<16xf32>,
        %mul3A_560 = vector.broadcast %squeeze3A_552 : f32 to vector<16xf32>
        %mul3A_561 = arith.mulf %get3A_559, %mul3A_560 : vector<16xf32>
        %swap3A_562 = arith.index_cast %add3A_556 : i32 to index
        %swap3A_563 = arith.constant 0 : index
        %swap3A_564 = tpu.vector_load %arg20[%swap3A_562, %swap3A_563] {strides = array<i32>} : memref<128x64xf32, #tpu.memory_space<vmem>>, vector<16xf32>,
        tpu.vector_store %arg20[%swap3A_562, %swap3A_563], %mul3A_561 {strides = array<i32>} : memref<128x64xf32, #tpu.memory_space<vmem>>, vector<16xf32>,
        %get3A_565 = arith.index_cast %add3A_556 : i32 to index
        %get3A_566 = arith.constant 16 : index
        %get3A_567 = tpu.vector_load %arg20[%get3A_565, %get3A_566] {strides = array<i32>} : memref<128x64xf32, #tpu.memory_space<vmem>>, vector<16xf32>,
        %mul3A_568 = vector.broadcast %squeeze3A_552 : f32 to vector<16xf32>
        %mul3A_569 = arith.mulf %get3A_567, %mul3A_568 : vector<16xf32>
        %swap3A_570 = arith.index_cast %add3A_556 : i32 to index
        %swap3A_571 = arith.constant 16 : index
        %swap3A_572 = tpu.vector_load %arg20[%swap3A_570, %swap3A_571] {strides = array<i32>} : memref<128x64xf32, #tpu.memory_space<vmem>>, vector<16xf32>,
        tpu.vector_store %arg20[%swap3A_570, %swap3A_571], %mul3A_569 {strides = array<i32>} : memref<128x64xf32, #tpu.memory_space<vmem>>, vector<16xf32>,
        %get3A_573 = arith.index_cast %add3A_556 : i32 to index
        %get3A_574 = arith.constant 32 : index
        %get3A_575 = tpu.vector_load %arg20[%get3A_573, %get3A_574] {strides = array<i32>} : memref<128x64xf32, #tpu.memory_space<vmem>>, vector<16xf32>,
        %mul3A_576 = vector.broadcast %squeeze3A_552 : f32 to vector<16xf32>
        %mul3A_577 = arith.mulf %get3A_575, %mul3A_576 : vector<16xf32>
        %swap3A_578 = arith.index_cast %add3A_556 : i32 to index
        %swap3A_579 = arith.constant 32 : index
        %swap3A_580 = tpu.vector_load %arg20[%swap3A_578, %swap3A_579] {strides = array<i32>} : memref<128x64xf32, #tpu.memory_space<vmem>>, vector<16xf32>,
        tpu.vector_store %arg20[%swap3A_578, %swap3A_579], %mul3A_577 {strides = array<i32>} : memref<128x64xf32, #tpu.memory_space<vmem>>, vector<16xf32>,
        %get3A_581 = arith.index_cast %add3A_556 : i32 to index
        %get3A_582 = arith.constant 48 : index
        %get3A_583 = tpu.vector_load %arg20[%get3A_581, %get3A_582] {strides = array<i32>} : memref<128x64xf32, #tpu.memory_space<vmem>>, vector<16xf32>,
        %mul3A_584 = vector.broadcast %squeeze3A_552 : f32 to vector<16xf32>
        %mul3A_585 = arith.mulf %get3A_583, %mul3A_584 : vector<16xf32>
        %swap3A_586 = arith.index_cast %add3A_556 : i32 to index
        %swap3A_587 = arith.constant 48 : index
        %swap3A_588 = tpu.vector_load %arg20[%swap3A_586, %swap3A_587] {strides = array<i32>} : memref<128x64xf32, #tpu.memory_space<vmem>>, vector<16xf32>,
        tpu.vector_store %arg20[%swap3A_586, %swap3A_587], %mul3A_585 {strides = array<i32>} : memref<128x64xf32, #tpu.memory_space<vmem>>, vector<16xf32>,
        %slice3A_589 = vector.extract_strided_slice %get3A_172 {offsets = [11], sizes = [1], strides = [1]} : vector<16xf32> to vector<1xf32>
        %squeeze3A_590 = vector.extract %slice3A_589[0] : f32 from vector<1xf32>
        %mul3A_591 = arith.constant 16 : i32
        %mul3A_592 = arith.muli %scan3A_167, %mul3A_591 : i32
        %add3A_593 = arith.constant 11 : i32
        %add3A_594 = arith.addi %mul3A_592, %add3A_593 : i32
        %get3A_595 = arith.index_cast %add3A_594 : i32 to index
        %get3A_596 = arith.constant 0 : index
        %get3A_597 = tpu.vector_load %arg20[%get3A_595, %get3A_596] {strides = array<i32>} : memref<128x64xf32, #tpu.memory_space<vmem>>, vector<16xf32>,
        %mul3A_598 = vector.broadcast %squeeze3A_590 : f32 to vector<16xf32>
        %mul3A_599 = arith.mulf %get3A_597, %mul3A_598 : vector<16xf32>
        %swap3A_600 = arith.index_cast %add3A_594 : i32 to index
        %swap3A_601 = arith.constant 0 : index
        %swap3A_602 = tpu.vector_load %arg20[%swap3A_600, %swap3A_601] {strides = array<i32>} : memref<128x64xf32, #tpu.memory_space<vmem>>, vector<16xf32>,
        tpu.vector_store %arg20[%swap3A_600, %swap3A_601], %mul3A_599 {strides = array<i32>} : memref<128x64xf32, #tpu.memory_space<vmem>>, vector<16xf32>,
        %get3A_603 = arith.index_cast %add3A_594 : i32 to index
        %get3A_604 = arith.constant 16 : index
        %get3A_605 = tpu.vector_load %arg20[%get3A_603, %get3A_604] {strides = array<i32>} : memref<128x64xf32, #tpu.memory_space<vmem>>, vector<16xf32>,
        %mul3A_606 = vector.broadcast %squeeze3A_590 : f32 to vector<16xf32>
        %mul3A_607 = arith.mulf %get3A_605, %mul3A_606 : vector<16xf32>
        %swap3A_608 = arith.index_cast %add3A_594 : i32 to index
        %swap3A_609 = arith.constant 16 : index
        %swap3A_610 = tpu.vector_load %arg20[%swap3A_608, %swap3A_609] {strides = array<i32>} : memref<128x64xf32, #tpu.memory_space<vmem>>, vector<16xf32>,
        tpu.vector_store %arg20[%swap3A_608, %swap3A_609], %mul3A_607 {strides = array<i32>} : memref<128x64xf32, #tpu.memory_space<vmem>>, vector<16xf32>,
        %get3A_611 = arith.index_cast %add3A_594 : i32 to index
        %get3A_612 = arith.constant 32 : index
        %get3A_613 = tpu.vector_load %arg20[%get3A_611, %get3A_612] {strides = array<i32>} : memref<128x64xf32, #tpu.memory_space<vmem>>, vector<16xf32>,
        %mul3A_614 = vector.broadcast %squeeze3A_590 : f32 to vector<16xf32>
        %mul3A_615 = arith.mulf %get3A_613, %mul3A_614 : vector<16xf32>
        %swap3A_616 = arith.index_cast %add3A_594 : i32 to index
        %swap3A_617 = arith.constant 32 : index
        %swap3A_618 = tpu.vector_load %arg20[%swap3A_616, %swap3A_617] {strides = array<i32>} : memref<128x64xf32, #tpu.memory_space<vmem>>, vector<16xf32>,
        tpu.vector_store %arg20[%swap3A_616, %swap3A_617], %mul3A_615 {strides = array<i32>} : memref<128x64xf32, #tpu.memory_space<vmem>>, vector<16xf32>,
        %get3A_619 = arith.index_cast %add3A_594 : i32 to index
        %get3A_620 = arith.constant 48 : index
        %get3A_621 = tpu.vector_load %arg20[%get3A_619, %get3A_620] {strides = array<i32>} : memref<128x64xf32, #tpu.memory_space<vmem>>, vector<16xf32>,
        %mul3A_622 = vector.broadcast %squeeze3A_590 : f32 to vector<16xf32>
        %mul3A_623 = arith.mulf %get3A_621, %mul3A_622 : vector<16xf32>
        %swap3A_624 = arith.index_cast %add3A_594 : i32 to index
        %swap3A_625 = arith.constant 48 : index
        %swap3A_626 = tpu.vector_load %arg20[%swap3A_624, %swap3A_625] {strides = array<i32>} : memref<128x64xf32, #tpu.memory_space<vmem>>, vector<16xf32>,
        tpu.vector_store %arg20[%swap3A_624, %swap3A_625], %mul3A_623 {strides = array<i32>} : memref<128x64xf32, #tpu.memory_space<vmem>>, vector<16xf32>,
        %slice3A_627 = vector.extract_strided_slice %get3A_172 {offsets = [12], sizes = [1], strides = [1]} : vector<16xf32> to vector<1xf32>
        %squeeze3A_628 = vector.extract %slice3A_627[0] : f32 from vector<1xf32>
        %mul3A_629 = arith.constant 16 : i32
        %mul3A_630 = arith.muli %scan3A_167, %mul3A_629 : i32
        %add3A_631 = arith.constant 12 : i32
        %add3A_632 = arith.addi %mul3A_630, %add3A_631 : i32
        %get3A_633 = arith.index_cast %add3A_632 : i32 to index
        %get3A_634 = arith.constant 0 : index
        %get3A_635 = tpu.vector_load %arg20[%get3A_633, %get3A_634] {strides = array<i32>} : memref<128x64xf32, #tpu.memory_space<vmem>>, vector<16xf32>,
        %mul3A_636 = vector.broadcast %squeeze3A_628 : f32 to vector<16xf32>
        %mul3A_637 = arith.mulf %get3A_635, %mul3A_636 : vector<16xf32>
        %swap3A_638 = arith.index_cast %add3A_632 : i32 to index
        %swap3A_639 = arith.constant 0 : index
        %swap3A_640 = tpu.vector_load %arg20[%swap3A_638, %swap3A_639] {strides = array<i32>} : memref<128x64xf32, #tpu.memory_space<vmem>>, vector<16xf32>,
        tpu.vector_store %arg20[%swap3A_638, %swap3A_639], %mul3A_637 {strides = array<i32>} : memref<128x64xf32, #tpu.memory_space<vmem>>, vector<16xf32>,
        %get3A_641 = arith.index_cast %add3A_632 : i32 to index
        %get3A_642 = arith.constant 16 : index
        %get3A_643 = tpu.vector_load %arg20[%get3A_641, %get3A_642] {strides = array<i32>} : memref<128x64xf32, #tpu.memory_space<vmem>>, vector<16xf32>,
        %mul3A_644 = vector.broadcast %squeeze3A_628 : f32 to vector<16xf32>
        %mul3A_645 = arith.mulf %get3A_643, %mul3A_644 : vector<16xf32>
        %swap3A_646 = arith.index_cast %add3A_632 : i32 to index
        %swap3A_647 = arith.constant 16 : index
        %swap3A_648 = tpu.vector_load %arg20[%swap3A_646, %swap3A_647] {strides = array<i32>} : memref<128x64xf32, #tpu.memory_space<vmem>>, vector<16xf32>,
        tpu.vector_store %arg20[%swap3A_646, %swap3A_647], %mul3A_645 {strides = array<i32>} : memref<128x64xf32, #tpu.memory_space<vmem>>, vector<16xf32>,
        %get3A_649 = arith.index_cast %add3A_632 : i32 to index
        %get3A_650 = arith.constant 32 : index
        %get3A_651 = tpu.vector_load %arg20[%get3A_649, %get3A_650] {strides = array<i32>} : memref<128x64xf32, #tpu.memory_space<vmem>>, vector<16xf32>,
        %mul3A_652 = vector.broadcast %squeeze3A_628 : f32 to vector<16xf32>
        %mul3A_653 = arith.mulf %get3A_651, %mul3A_652 : vector<16xf32>
        %swap3A_654 = arith.index_cast %add3A_632 : i32 to index
        %swap3A_655 = arith.constant 32 : index
        %swap3A_656 = tpu.vector_load %arg20[%swap3A_654, %swap3A_655] {strides = array<i32>} : memref<128x64xf32, #tpu.memory_space<vmem>>, vector<16xf32>,
        tpu.vector_store %arg20[%swap3A_654, %swap3A_655], %mul3A_653 {strides = array<i32>} : memref<128x64xf32, #tpu.memory_space<vmem>>, vector<16xf32>,
        %get3A_657 = arith.index_cast %add3A_632 : i32 to index
        %get3A_658 = arith.constant 48 : index
        %get3A_659 = tpu.vector_load %arg20[%get3A_657, %get3A_658] {strides = array<i32>} : memref<128x64xf32, #tpu.memory_space<vmem>>, vector<16xf32>,
        %mul3A_660 = vector.broadcast %squeeze3A_628 : f32 to vector<16xf32>
        %mul3A_661 = arith.mulf %get3A_659, %mul3A_660 : vector<16xf32>
        %swap3A_662 = arith.index_cast %add3A_632 : i32 to index
        %swap3A_663 = arith.constant 48 : index
        %swap3A_664 = tpu.vector_load %arg20[%swap3A_662, %swap3A_663] {strides = array<i32>} : memref<128x64xf32, #tpu.memory_space<vmem>>, vector<16xf32>,
        tpu.vector_store %arg20[%swap3A_662, %swap3A_663], %mul3A_661 {strides = array<i32>} : memref<128x64xf32, #tpu.memory_space<vmem>>, vector<16xf32>,
        %slice3A_665 = vector.extract_strided_slice %get3A_172 {offsets = [13], sizes = [1], strides = [1]} : vector<16xf32> to vector<1xf32>
        %squeeze3A_666 = vector.extract %slice3A_665[0] : f32 from vector<1xf32>
        %mul3A_667 = arith.constant 16 : i32
        %mul3A_668 = arith.muli %scan3A_167, %mul3A_667 : i32
        %add3A_669 = arith.constant 13 : i32
        %add3A_670 = arith.addi %mul3A_668, %add3A_669 : i32
        %get3A_671 = arith.index_cast %add3A_670 : i32 to index
        %get3A_672 = arith.constant 0 : index
        %get3A_673 = tpu.vector_load %arg20[%get3A_671, %get3A_672] {strides = array<i32>} : memref<128x64xf32, #tpu.memory_space<vmem>>, vector<16xf32>,
        %mul3A_674 = vector.broadcast %squeeze3A_666 : f32 to vector<16xf32>
        %mul3A_675 = arith.mulf %get3A_673, %mul3A_674 : vector<16xf32>
        %swap3A_676 = arith.index_cast %add3A_670 : i32 to index
        %swap3A_677 = arith.constant 0 : index
        %swap3A_678 = tpu.vector_load %arg20[%swap3A_676, %swap3A_677] {strides = array<i32>} : memref<128x64xf32, #tpu.memory_space<vmem>>, vector<16xf32>,
        tpu.vector_store %arg20[%swap3A_676, %swap3A_677], %mul3A_675 {strides = array<i32>} : memref<128x64xf32, #tpu.memory_space<vmem>>, vector<16xf32>,
        %get3A_679 = arith.index_cast %add3A_670 : i32 to index
        %get3A_680 = arith.constant 16 : index
        %get3A_681 = tpu.vector_load %arg20[%get3A_679, %get3A_680] {strides = array<i32>} : memref<128x64xf32, #tpu.memory_space<vmem>>, vector<16xf32>,
        %mul3A_682 = vector.broadcast %squeeze3A_666 : f32 to vector<16xf32>
        %mul3A_683 = arith.mulf %get3A_681, %mul3A_682 : vector<16xf32>
        %swap3A_684 = arith.index_cast %add3A_670 : i32 to index
        %swap3A_685 = arith.constant 16 : index
        %swap3A_686 = tpu.vector_load %arg20[%swap3A_684, %swap3A_685] {strides = array<i32>} : memref<128x64xf32, #tpu.memory_space<vmem>>, vector<16xf32>,
        tpu.vector_store %arg20[%swap3A_684, %swap3A_685], %mul3A_683 {strides = array<i32>} : memref<128x64xf32, #tpu.memory_space<vmem>>, vector<16xf32>,
        %get3A_687 = arith.index_cast %add3A_670 : i32 to index
        %get3A_688 = arith.constant 32 : index
        %get3A_689 = tpu.vector_load %arg20[%get3A_687, %get3A_688] {strides = array<i32>} : memref<128x64xf32, #tpu.memory_space<vmem>>, vector<16xf32>,
        %mul3A_690 = vector.broadcast %squeeze3A_666 : f32 to vector<16xf32>
        %mul3A_691 = arith.mulf %get3A_689, %mul3A_690 : vector<16xf32>
        %swap3A_692 = arith.index_cast %add3A_670 : i32 to index
        %swap3A_693 = arith.constant 32 : index
        %swap3A_694 = tpu.vector_load %arg20[%swap3A_692, %swap3A_693] {strides = array<i32>} : memref<128x64xf32, #tpu.memory_space<vmem>>, vector<16xf32>,
        tpu.vector_store %arg20[%swap3A_692, %swap3A_693], %mul3A_691 {strides = array<i32>} : memref<128x64xf32, #tpu.memory_space<vmem>>, vector<16xf32>,
        %get3A_695 = arith.index_cast %add3A_670 : i32 to index
        %get3A_696 = arith.constant 48 : index
        %get3A_697 = tpu.vector_load %arg20[%get3A_695, %get3A_696] {strides = array<i32>} : memref<128x64xf32, #tpu.memory_space<vmem>>, vector<16xf32>,
        %mul3A_698 = vector.broadcast %squeeze3A_666 : f32 to vector<16xf32>
        %mul3A_699 = arith.mulf %get3A_697, %mul3A_698 : vector<16xf32>
        %swap3A_700 = arith.index_cast %add3A_670 : i32 to index
        %swap3A_701 = arith.constant 48 : index
        %swap3A_702 = tpu.vector_load %arg20[%swap3A_700, %swap3A_701] {strides = array<i32>} : memref<128x64xf32, #tpu.memory_space<vmem>>, vector<16xf32>,
        tpu.vector_store %arg20[%swap3A_700, %swap3A_701], %mul3A_699 {strides = array<i32>} : memref<128x64xf32, #tpu.memory_space<vmem>>, vector<16xf32>,
        %slice3A_703 = vector.extract_strided_slice %get3A_172 {offsets = [14], sizes = [1], strides = [1]} : vector<16xf32> to vector<1xf32>
        %squeeze3A_704 = vector.extract %slice3A_703[0] : f32 from vector<1xf32>
        %mul3A_705 = arith.constant 16 : i32
        %mul3A_706 = arith.muli %scan3A_167, %mul3A_705 : i32
        %add3A_707 = arith.constant 14 : i32
        %add3A_708 = arith.addi %mul3A_706, %add3A_707 : i32
        %get3A_709 = arith.index_cast %add3A_708 : i32 to index
        %get3A_710 = arith.constant 0 : index
        %get3A_711 = tpu.vector_load %arg20[%get3A_709, %get3A_710] {strides = array<i32>} : memref<128x64xf32, #tpu.memory_space<vmem>>, vector<16xf32>,
        %mul3A_712 = vector.broadcast %squeeze3A_704 : f32 to vector<16xf32>
        %mul3A_713 = arith.mulf %get3A_711, %mul3A_712 : vector<16xf32>
        %swap3A_714 = arith.index_cast %add3A_708 : i32 to index
        %swap3A_715 = arith.constant 0 : index
        %swap3A_716 = tpu.vector_load %arg20[%swap3A_714, %swap3A_715] {strides = array<i32>} : memref<128x64xf32, #tpu.memory_space<vmem>>, vector<16xf32>,
        tpu.vector_store %arg20[%swap3A_714, %swap3A_715], %mul3A_713 {strides = array<i32>} : memref<128x64xf32, #tpu.memory_space<vmem>>, vector<16xf32>,
        %get3A_717 = arith.index_cast %add3A_708 : i32 to index
        %get3A_718 = arith.constant 16 : index
        %get3A_719 = tpu.vector_load %arg20[%get3A_717, %get3A_718] {strides = array<i32>} : memref<128x64xf32, #tpu.memory_space<vmem>>, vector<16xf32>,
        %mul3A_720 = vector.broadcast %squeeze3A_704 : f32 to vector<16xf32>
        %mul3A_721 = arith.mulf %get3A_719, %mul3A_720 : vector<16xf32>
        %swap3A_722 = arith.index_cast %add3A_708 : i32 to index
        %swap3A_723 = arith.constant 16 : index
        %swap3A_724 = tpu.vector_load %arg20[%swap3A_722, %swap3A_723] {strides = array<i32>} : memref<128x64xf32, #tpu.memory_space<vmem>>, vector<16xf32>,
        tpu.vector_store %arg20[%swap3A_722, %swap3A_723], %mul3A_721 {strides = array<i32>} : memref<128x64xf32, #tpu.memory_space<vmem>>, vector<16xf32>,
        %get3A_725 = arith.index_cast %add3A_708 : i32 to index
        %get3A_726 = arith.constant 32 : index
        %get3A_727 = tpu.vector_load %arg20[%get3A_725, %get3A_726] {strides = array<i32>} : memref<128x64xf32, #tpu.memory_space<vmem>>, vector<16xf32>,
        %mul3A_728 = vector.broadcast %squeeze3A_704 : f32 to vector<16xf32>
        %mul3A_729 = arith.mulf %get3A_727, %mul3A_728 : vector<16xf32>
        %swap3A_730 = arith.index_cast %add3A_708 : i32 to index
        %swap3A_731 = arith.constant 32 : index
        %swap3A_732 = tpu.vector_load %arg20[%swap3A_730, %swap3A_731] {strides = array<i32>} : memref<128x64xf32, #tpu.memory_space<vmem>>, vector<16xf32>,
        tpu.vector_store %arg20[%swap3A_730, %swap3A_731], %mul3A_729 {strides = array<i32>} : memref<128x64xf32, #tpu.memory_space<vmem>>, vector<16xf32>,
        %get3A_733 = arith.index_cast %add3A_708 : i32 to index
        %get3A_734 = arith.constant 48 : index
        %get3A_735 = tpu.vector_load %arg20[%get3A_733, %get3A_734] {strides = array<i32>} : memref<128x64xf32, #tpu.memory_space<vmem>>, vector<16xf32>,
        %mul3A_736 = vector.broadcast %squeeze3A_704 : f32 to vector<16xf32>
        %mul3A_737 = arith.mulf %get3A_735, %mul3A_736 : vector<16xf32>
        %swap3A_738 = arith.index_cast %add3A_708 : i32 to index
        %swap3A_739 = arith.constant 48 : index
        %swap3A_740 = tpu.vector_load %arg20[%swap3A_738, %swap3A_739] {strides = array<i32>} : memref<128x64xf32, #tpu.memory_space<vmem>>, vector<16xf32>,
        tpu.vector_store %arg20[%swap3A_738, %swap3A_739], %mul3A_737 {strides = array<i32>} : memref<128x64xf32, #tpu.memory_space<vmem>>, vector<16xf32>,
        %slice3A_741 = vector.extract_strided_slice %get3A_172 {offsets = [15], sizes = [1], strides = [1]} : vector<16xf32> to vector<1xf32>
        %squeeze3A_742 = vector.extract %slice3A_741[0] : f32 from vector<1xf32>
        %mul3A_743 = arith.constant 16 : i32
        %mul3A_744 = arith.muli %scan3A_167, %mul3A_743 : i32
        %add3A_745 = arith.constant 15 : i32
        %add3A_746 = arith.addi %mul3A_744, %add3A_745 : i32
        %get3A_747 = arith.index_cast %add3A_746 : i32 to index
        %get3A_748 = arith.constant 0 : index
        %get3A_749 = tpu.vector_load %arg20[%get3A_747, %get3A_748] {strides = array<i32>} : memref<128x64xf32, #tpu.memory_space<vmem>>, vector<16xf32>,
        %mul3A_750 = vector.broadcast %squeeze3A_742 : f32 to vector<16xf32>
        %mul3A_751 = arith.mulf %get3A_749, %mul3A_750 : vector<16xf32>
        %swap3A_752 = arith.index_cast %add3A_746 : i32 to index
        %swap3A_753 = arith.constant 0 : index
        %swap3A_754 = tpu.vector_load %arg20[%swap3A_752, %swap3A_753] {strides = array<i32>} : memref<128x64xf32, #tpu.memory_space<vmem>>, vector<16xf32>,
        tpu.vector_store %arg20[%swap3A_752, %swap3A_753], %mul3A_751 {strides = array<i32>} : memref<128x64xf32, #tpu.memory_space<vmem>>, vector<16xf32>,
        %get3A_755 = arith.index_cast %add3A_746 : i32 to index
        %get3A_756 = arith.constant 16 : index
        %get3A_757 = tpu.vector_load %arg20[%get3A_755, %get3A_756] {strides = array<i32>} : memref<128x64xf32, #tpu.memory_space<vmem>>, vector<16xf32>,
        %mul3A_758 = vector.broadcast %squeeze3A_742 : f32 to vector<16xf32>
        %mul3A_759 = arith.mulf %get3A_757, %mul3A_758 : vector<16xf32>
        %swap3A_760 = arith.index_cast %add3A_746 : i32 to index
        %swap3A_761 = arith.constant 16 : index
        %swap3A_762 = tpu.vector_load %arg20[%swap3A_760, %swap3A_761] {strides = array<i32>} : memref<128x64xf32, #tpu.memory_space<vmem>>, vector<16xf32>,
        tpu.vector_store %arg20[%swap3A_760, %swap3A_761], %mul3A_759 {strides = array<i32>} : memref<128x64xf32, #tpu.memory_space<vmem>>, vector<16xf32>,
        %get3A_763 = arith.index_cast %add3A_746 : i32 to index
        %get3A_764 = arith.constant 32 : index
        %get3A_765 = tpu.vector_load %arg20[%get3A_763, %get3A_764] {strides = array<i32>} : memref<128x64xf32, #tpu.memory_space<vmem>>, vector<16xf32>,
        %mul3A_766 = vector.broadcast %squeeze3A_742 : f32 to vector<16xf32>
        %mul3A_767 = arith.mulf %get3A_765, %mul3A_766 : vector<16xf32>
        %swap3A_768 = arith.index_cast %add3A_746 : i32 to index
        %swap3A_769 = arith.constant 32 : index
        %swap3A_770 = tpu.vector_load %arg20[%swap3A_768, %swap3A_769] {strides = array<i32>} : memref<128x64xf32, #tpu.memory_space<vmem>>, vector<16xf32>,
        tpu.vector_store %arg20[%swap3A_768, %swap3A_769], %mul3A_767 {strides = array<i32>} : memref<128x64xf32, #tpu.memory_space<vmem>>, vector<16xf32>,
        %get3A_771 = arith.index_cast %add3A_746 : i32 to index
        %get3A_772 = arith.constant 48 : index
        %get3A_773 = tpu.vector_load %arg20[%get3A_771, %get3A_772] {strides = array<i32>} : memref<128x64xf32, #tpu.memory_space<vmem>>, vector<16xf32>,
        %mul3A_774 = vector.broadcast %squeeze3A_742 : f32 to vector<16xf32>
        %mul3A_775 = arith.mulf %get3A_773, %mul3A_774 : vector<16xf32>
        %swap3A_776 = arith.index_cast %add3A_746 : i32 to index
        %swap3A_777 = arith.constant 48 : index
        %swap3A_778 = tpu.vector_load %arg20[%swap3A_776, %swap3A_777] {strides = array<i32>} : memref<128x64xf32, #tpu.memory_space<vmem>>, vector<16xf32>,
        tpu.vector_store %arg20[%swap3A_776, %swap3A_777], %mul3A_775 {strides = array<i32>} : memref<128x64xf32, #tpu.memory_space<vmem>>, vector<16xf32>,
        %scan3A_779 = arith.constant 0 : i32
        scf.yield %scan3A_779 : i32
      }
      %scan3A_163 = arith.constant 8 : i32
      %add3A_164 = arith.constant 1 : i32
      %add3A_165 = arith.addi %mul3A_124, %add3A_164 : i32
      "tpu.region"() ({
        %run_scoped3A = tpu.sem_alloc : memref<!tpu.dma_semaphore, #tpu.memory_space<semaphore_mem>>
        %dma_start3A_167 = arith.constant 0 : i32
        %dma_start3A_168 = tpu.memref_slice %arg13[%add3A_165, %dma_start3A_167] : memref<160x128xi32, #tpu.memory_space<vmem>> -> memref<1x128xi32, #tpu.memory_space<vmem>>
        %dma_start3A_169 = tpu.memref_squeeze %dma_start3A_168 : memref<1x128xi32, #tpu.memory_space<vmem>> -> memref<128xi32, #tpu.memory_space<vmem>>
        %dma_start3A_170 = arith.constant 0 : i32
        %dma_start3A_171 = arith.constant 0 : i32
        %dma_start3A_172 = tpu.memref_slice %arg26[%dma_start3A_170, %dma_start3A_171] : memref<10240x64xf32, #tpu.memory_space<vmem_shared>> -> memref<10240x64xf32, #tpu.memory_space<vmem_shared>>
        tpu.enqueue_indirect_dma source(%arg20 : memref<128x64xf32, #tpu.memory_space<vmem>>) target(%dma_start3A_172 : memref<10240x64xf32, #tpu.memory_space<vmem_shared>>) offsets(%dma_start3A_169 : memref<128xi32, #tpu.memory_space<vmem>>) semaphore(%run_scoped3A : memref<!tpu.dma_semaphore, #tpu.memory_space<semaphore_mem>>) {add = true}
        %dma_wait3A_173 = arith.constant 0 : i32
        %dma_wait3A_174 = tpu.memref_slice %arg13[%add3A_165, %dma_wait3A_173] : memref<160x128xi32, #tpu.memory_space<vmem>> -> memref<1x128xi32, #tpu.memory_space<vmem>>
        %dma_wait3A_175 = tpu.memref_squeeze %dma_wait3A_174 : memref<1x128xi32, #tpu.memory_space<vmem>> -> memref<128xi32, #tpu.memory_space<vmem>>
        %dma_wait3A_176 = arith.constant 0 : i32
        %dma_wait3A_177 = arith.constant 0 : i32
        %dma_wait3A_178 = tpu.memref_slice %arg26[%dma_wait3A_176, %dma_wait3A_177] : memref<10240x64xf32, #tpu.memory_space<vmem_shared>> -> memref<10240x64xf32, #tpu.memory_space<vmem_shared>>
        tpu.wait_indirect_dma semaphore(%run_scoped3A : memref<!tpu.dma_semaphore, #tpu.memory_space<semaphore_mem>>) src(%arg20 : memref<128x64xf32, #tpu.memory_space<vmem>>) dst(%dma_wait3A_178 : memref<10240x64xf32, #tpu.memory_space<vmem_shared>>)
        tpu.yield
      }) : () -> ()
      %scan3A_166 = arith.constant 0 : i32
      scf.yield %scan3A_166 : i32
    }
    %scan3A_101 = arith.constant 80 : i32
    %barrier3A_102 = arith.constant 0 : index
    tpu.barrier barrier_id(%barrier3A_102)
    "tpu.trace_stop"() : () -> ()
    "tpu.trace_start"() <{level = 10 : i32, message = "ph6_dump2"}> : () -> ()
    %add3A = arith.constant 2 : i32
    %add3A_103 = arith.addi %add3A, %arg0 : i32
    %mul3A_104 = arith.constant 64 : i32
    %mul3A_105 = arith.muli %add3A_103, %mul3A_104 : i32
    "tpu.region"() ({
      %run_scoped3A = tpu.sem_alloc : memref<!tpu.dma_semaphore, #tpu.memory_space<semaphore_mem>>
      %dma_start3A_121 = tpu.memref_slice %arg8[%mul3A_105] : memref<256xf32, #tpu.memory_space<hbm>> -> memref<64xf32, #tpu.memory_space<hbm>>
      %dma_start3A_122 = tpu.memref_slice %arg8[%mul3A_105] : memref<256xf32, #tpu.memory_space<hbm>> -> memref<64xf32, #tpu.memory_space<hbm>>
      tpu.enqueue_dma source(%dma_start3A_122 : memref<64xf32, #tpu.memory_space<hbm>>) target(%arg21 : memref<64xf32, #tpu.memory_space<vmem>>) target_semaphore(%run_scoped3A : memref<!tpu.dma_semaphore, #tpu.memory_space<semaphore_mem>>)
      %dma_wait3A = tpu.memref_slice %arg8[%mul3A_105] : memref<256xf32, #tpu.memory_space<hbm>> -> memref<64xf32, #tpu.memory_space<hbm>>
      %dma_wait3A_123 = tpu.memref_slice %arg8[%mul3A_105] : memref<256xf32, #tpu.memory_space<hbm>> -> memref<64xf32, #tpu.memory_space<hbm>>
      tpu.wait_dma2 semaphore(%run_scoped3A : memref<!tpu.dma_semaphore, #tpu.memory_space<semaphore_mem>>) src(%dma_wait3A_123 : memref<64xf32, #tpu.memory_space<hbm>>) dst(%arg21 : memref<64xf32, #tpu.memory_space<vmem>>)
      tpu.yield
    }) : () -> ()
    %scan3A_106 = arith.constant 0 : i32
    %scan3A_107 = arith.constant 0 : i32
    %scan3A_108 = arith.constant 5 : i32
    %scan3A_109 = arith.addi %scan3A_107, %scan3A_108 : i32
    %scan3A_110 = arith.constant 1 : i32
    %scan3A_111 = scf.for %scan3A_121 = %scan3A_107 to %scan3A_109 step %scan3A_110 iter_args(%scan3A_122 = %scan3A_106) -> (i32)  : i32 {
      %mul3A_123 = arith.constant 640 : i32
      %mul3A_124 = arith.muli %arg1, %mul3A_123 : i32
      %mul3A_125 = arith.constant 128 : i32
      %mul3A_126 = arith.muli %scan3A_121, %mul3A_125 : i32
      %add3A_127 = arith.addi %mul3A_124, %mul3A_126 : i32
      "tpu.region"() ({
        %run_scoped3A = tpu.sem_alloc : memref<!tpu.dma_semaphore, #tpu.memory_space<semaphore_mem>>
        %dma_start3A_139 = arith.constant 0 : i32
        %dma_start3A_140 = tpu.memref_slice %arg26[%add3A_127, %dma_start3A_139] : memref<10240x64xf32, #tpu.memory_space<vmem_shared>> -> memref<128x64xf32, #tpu.memory_space<vmem_shared>>
        %dma_start3A_141 = arith.constant 0 : i32
        %dma_start3A_142 = tpu.memref_slice %arg26[%add3A_127, %dma_start3A_141] : memref<10240x64xf32, #tpu.memory_space<vmem_shared>> -> memref<128x64xf32, #tpu.memory_space<vmem_shared>>
        tpu.enqueue_dma source(%dma_start3A_142 : memref<128x64xf32, #tpu.memory_space<vmem_shared>>) target(%arg19 : memref<128x64xf32, #tpu.memory_space<vmem>>) target_semaphore(%run_scoped3A : memref<!tpu.dma_semaphore, #tpu.memory_space<semaphore_mem>>)
        %dma_wait3A = arith.constant 0 : i32
        %dma_wait3A_143 = tpu.memref_slice %arg26[%add3A_127, %dma_wait3A] : memref<10240x64xf32, #tpu.memory_space<vmem_shared>> -> memref<128x64xf32, #tpu.memory_space<vmem_shared>>
        %dma_wait3A_144 = arith.constant 0 : i32
        %dma_wait3A_145 = tpu.memref_slice %arg26[%add3A_127, %dma_wait3A_144] : memref<10240x64xf32, #tpu.memory_space<vmem_shared>> -> memref<128x64xf32, #tpu.memory_space<vmem_shared>>
        tpu.wait_dma2 semaphore(%run_scoped3A : memref<!tpu.dma_semaphore, #tpu.memory_space<semaphore_mem>>) src(%dma_wait3A_145 : memref<128x64xf32, #tpu.memory_space<vmem_shared>>) dst(%arg19 : memref<128x64xf32, #tpu.memory_space<vmem>>)
        tpu.yield
      }) : () -> ()
      %scan3A_128 = arith.constant 0 : i32
      %scan3A_129 = arith.constant 0 : i32
      %scan3A_130 = arith.constant 128 : i32
      %scan3A_131 = arith.addi %scan3A_129, %scan3A_130 : i32
      %scan3A_132 = arith.constant 1 : i32
      %scan3A_133 = scf.for %scan3A_139 = %scan3A_129 to %scan3A_131 step %scan3A_132 iter_args(%scan3A_140 = %scan3A_128) -> (i32)  : i32 {
        %get3A = arith.index_cast %scan3A_139 : i32 to index
        %get3A_141 = arith.constant 0 : index
        %get3A_142 = tpu.vector_load %arg19[%get3A, %get3A_141] {strides = array<i32>} : memref<128x64xf32, #tpu.memory_space<vmem>>, vector<16xf32>,
        %get3A_143 = arith.constant 0 : index
        %get3A_144 = tpu.vector_load %arg21[%get3A_143] {strides = array<i32>} : memref<64xf32, #tpu.memory_space<vmem>>, vector<16xf32>,
        %add3A_145 = arith.addf %get3A_142, %get3A_144 : vector<16xf32>
        %swap3A_146 = arith.index_cast %scan3A_139 : i32 to index
        %swap3A_147 = arith.constant 0 : index
        %swap3A_148 = tpu.vector_load %arg19[%swap3A_146, %swap3A_147] {strides = array<i32>} : memref<128x64xf32, #tpu.memory_space<vmem>>, vector<16xf32>,
        tpu.vector_store %arg19[%swap3A_146, %swap3A_147], %add3A_145 {strides = array<i32>} : memref<128x64xf32, #tpu.memory_space<vmem>>, vector<16xf32>,
        %get3A_149 = arith.index_cast %scan3A_139 : i32 to index
        %get3A_150 = arith.constant 16 : index
        %get3A_151 = tpu.vector_load %arg19[%get3A_149, %get3A_150] {strides = array<i32>} : memref<128x64xf32, #tpu.memory_space<vmem>>, vector<16xf32>,
        %get3A_152 = arith.constant 16 : index
        %get3A_153 = tpu.vector_load %arg21[%get3A_152] {strides = array<i32>} : memref<64xf32, #tpu.memory_space<vmem>>, vector<16xf32>,
        %add3A_154 = arith.addf %get3A_151, %get3A_153 : vector<16xf32>
        %swap3A_155 = arith.index_cast %scan3A_139 : i32 to index
        %swap3A_156 = arith.constant 16 : index
        %swap3A_157 = tpu.vector_load %arg19[%swap3A_155, %swap3A_156] {strides = array<i32>} : memref<128x64xf32, #tpu.memory_space<vmem>>, vector<16xf32>,
        tpu.vector_store %arg19[%swap3A_155, %swap3A_156], %add3A_154 {strides = array<i32>} : memref<128x64xf32, #tpu.memory_space<vmem>>, vector<16xf32>,
        %get3A_158 = arith.index_cast %scan3A_139 : i32 to index
        %get3A_159 = arith.constant 32 : index
        %get3A_160 = tpu.vector_load %arg19[%get3A_158, %get3A_159] {strides = array<i32>} : memref<128x64xf32, #tpu.memory_space<vmem>>, vector<16xf32>,
        %get3A_161 = arith.constant 32 : index
        %get3A_162 = tpu.vector_load %arg21[%get3A_161] {strides = array<i32>} : memref<64xf32, #tpu.memory_space<vmem>>, vector<16xf32>,
        %add3A_163 = arith.addf %get3A_160, %get3A_162 : vector<16xf32>
        %swap3A_164 = arith.index_cast %scan3A_139 : i32 to index
        %swap3A_165 = arith.constant 32 : index
        %swap3A_166 = tpu.vector_load %arg19[%swap3A_164, %swap3A_165] {strides = array<i32>} : memref<128x64xf32, #tpu.memory_space<vmem>>, vector<16xf32>,
        tpu.vector_store %arg19[%swap3A_164, %swap3A_165], %add3A_163 {strides = array<i32>} : memref<128x64xf32, #tpu.memory_space<vmem>>, vector<16xf32>,
        %get3A_167 = arith.index_cast %scan3A_139 : i32 to index
        %get3A_168 = arith.constant 48 : index
        %get3A_169 = tpu.vector_load %arg19[%get3A_167, %get3A_168] {strides = array<i32>} : memref<128x64xf32, #tpu.memory_space<vmem>>, vector<16xf32>,
        %get3A_170 = arith.constant 48 : index
        %get3A_171 = tpu.vector_load %arg21[%get3A_170] {strides = array<i32>} : memref<64xf32, #tpu.memory_space<vmem>>, vector<16xf32>,
        %add3A_172 = arith.addf %get3A_169, %get3A_171 : vector<16xf32>
        %swap3A_173 = arith.index_cast %scan3A_139 : i32 to index
        %swap3A_174 = arith.constant 48 : index
        %swap3A_175 = tpu.vector_load %arg19[%swap3A_173, %swap3A_174] {strides = array<i32>} : memref<128x64xf32, #tpu.memory_space<vmem>>, vector<16xf32>,
        tpu.vector_store %arg19[%swap3A_173, %swap3A_174], %add3A_172 {strides = array<i32>} : memref<128x64xf32, #tpu.memory_space<vmem>>, vector<16xf32>,
        %scan3A_176 = arith.constant 0 : i32
        scf.yield %scan3A_176 : i32
      }
      %scan3A_134 = arith.constant 128 : i32
      %mul3A_135 = arith.constant 10240 : i32
      %mul3A_136 = arith.muli %arg0, %mul3A_135 : i32
      %add3A_137 = arith.addi %mul3A_136, %add3A_127 : i32
      "tpu.region"() ({
        %run_scoped3A = tpu.sem_alloc : memref<!tpu.dma_semaphore, #tpu.memory_space<semaphore_mem>>
        %dma_start3A_139 = arith.constant 0 : i32
        %dma_start3A_140 = tpu.memref_slice %arg11[%add3A_137, %dma_start3A_139] : memref<20480x64xf32, #tpu.memory_space<hbm>> -> memref<128x64xf32, #tpu.memory_space<hbm>>
        %dma_start3A_141 = arith.constant 0 : i32
        %dma_start3A_142 = tpu.memref_slice %arg11[%add3A_137, %dma_start3A_141] : memref<20480x64xf32, #tpu.memory_space<hbm>> -> memref<128x64xf32, #tpu.memory_space<hbm>>
        tpu.enqueue_dma source(%arg19 : memref<128x64xf32, #tpu.memory_space<vmem>>) target(%dma_start3A_142 : memref<128x64xf32, #tpu.memory_space<hbm>>) target_semaphore(%run_scoped3A : memref<!tpu.dma_semaphore, #tpu.memory_space<semaphore_mem>>)
        %dma_wait3A = arith.constant 0 : i32
        %dma_wait3A_143 = tpu.memref_slice %arg11[%add3A_137, %dma_wait3A] : memref<20480x64xf32, #tpu.memory_space<hbm>> -> memref<128x64xf32, #tpu.memory_space<hbm>>
        %dma_wait3A_144 = arith.constant 0 : i32
        %dma_wait3A_145 = tpu.memref_slice %arg11[%add3A_137, %dma_wait3A_144] : memref<20480x64xf32, #tpu.memory_space<hbm>> -> memref<128x64xf32, #tpu.memory_space<hbm>>
        tpu.wait_dma2 semaphore(%run_scoped3A : memref<!tpu.dma_semaphore, #tpu.memory_space<semaphore_mem>>) src(%arg19 : memref<128x64xf32, #tpu.memory_space<vmem>>) dst(%dma_wait3A_145 : memref<128x64xf32, #tpu.memory_space<hbm>>)
        tpu.yield
      }) : () -> ()
      %scan3A_138 = arith.constant 0 : i32
      scf.yield %scan3A_138 : i32
    }
    %scan3A_112 = arith.constant 5 : i32
    %barrier3A_113 = arith.constant 0 : index
    tpu.barrier barrier_id(%barrier3A_113)
    "tpu.trace_stop"() : () -> ()
    "tpu.trace_start"() <{level = 10 : i32, message = "ph7_tok"}> : () -> ()
    %scan3A_114 = arith.constant 0 : i32
    %scan3A_115 = arith.constant 0 : i32
    %scan3A_116 = arith.constant 10 : i32
    %scan3A_117 = arith.addi %scan3A_115, %scan3A_116 : i32
    %scan3A_118 = arith.constant 1 : i32
    %scan3A_119 = scf.for %scan3A_121 = %scan3A_115 to %scan3A_117 step %scan3A_118 iter_args(%scan3A_122 = %scan3A_114) -> (i32)  : i32 {
      %mul3A_123 = arith.constant 10 : i32
      %mul3A_124 = arith.muli %arg1, %mul3A_123 : i32
      %add3A_125 = arith.addi %mul3A_124, %scan3A_121 : i32
      "tpu.region"() ({
        %run_scoped3A = tpu.sem_alloc : memref<!tpu.dma_semaphore, #tpu.memory_space<semaphore_mem>>
        %dma_start3A_174 = arith.constant 0 : i32
        %dma_start3A_175 = tpu.memref_slice %arg7[%add3A_125, %dma_start3A_174] : memref<160x80xi32, #tpu.memory_space<hbm>> -> memref<1x80xi32, #tpu.memory_space<hbm>>
        %dma_start3A_176 = tpu.memref_squeeze %dma_start3A_175 : memref<1x80xi32, #tpu.memory_space<hbm>> -> memref<80xi32, #tpu.memory_space<hbm>>
        %dma_start3A_177 = arith.constant 0 : i32
        %dma_start3A_178 = tpu.memref_slice %arg7[%add3A_125, %dma_start3A_177] : memref<160x80xi32, #tpu.memory_space<hbm>> -> memref<1x80xi32, #tpu.memory_space<hbm>>
        %dma_start3A_179 = tpu.memref_squeeze %dma_start3A_178 : memref<1x80xi32, #tpu.memory_space<hbm>> -> memref<80xi32, #tpu.memory_space<hbm>>
        tpu.enqueue_dma source(%dma_start3A_179 : memref<80xi32, #tpu.memory_space<hbm>>) target(%arg18 : memref<80xi32, #tpu.memory_space<vmem>>) target_semaphore(%run_scoped3A : memref<!tpu.dma_semaphore, #tpu.memory_space<semaphore_mem>>)
        %dma_wait3A = arith.constant 0 : i32
        %dma_wait3A_180 = tpu.memref_slice %arg7[%add3A_125, %dma_wait3A] : memref<160x80xi32, #tpu.memory_space<hbm>> -> memref<1x80xi32, #tpu.memory_space<hbm>>
        %dma_wait3A_181 = tpu.memref_squeeze %dma_wait3A_180 : memref<1x80xi32, #tpu.memory_space<hbm>> -> memref<80xi32, #tpu.memory_space<hbm>>
        %dma_wait3A_182 = arith.constant 0 : i32
        %dma_wait3A_183 = tpu.memref_slice %arg7[%add3A_125, %dma_wait3A_182] : memref<160x80xi32, #tpu.memory_space<hbm>> -> memref<1x80xi32, #tpu.memory_space<hbm>>
        %dma_wait3A_184 = tpu.memref_squeeze %dma_wait3A_183 : memref<1x80xi32, #tpu.memory_space<hbm>> -> memref<80xi32, #tpu.memory_space<hbm>>
        tpu.wait_dma2 semaphore(%run_scoped3A : memref<!tpu.dma_semaphore, #tpu.memory_space<semaphore_mem>>) src(%dma_wait3A_184 : memref<80xi32, #tpu.memory_space<hbm>>) dst(%arg18 : memref<80xi32, #tpu.memory_space<vmem>>)
        tpu.yield
      }) : () -> ()
      %get3A = arith.constant 0 : index
      %get3A_126 = tpu.vector_load %arg18[%get3A] {strides = array<i32>} : memref<80xi32, #tpu.memory_space<vmem>>, vector<16xi32>,
      %mul3A_127 = arith.constant 10240 : i32
      %mul3A_128 = arith.muli %arg0, %mul3A_127 : i32
      %add3A_129 = vector.broadcast %mul3A_128 : i32 to vector<16xi32>
      %add3A_130 = arith.addi %get3A_126, %add3A_129 : vector<16xi32>
      %swap3A_131 = arith.constant 0 : index
      %swap3A_132 = tpu.vector_load %arg18[%swap3A_131] {strides = array<i32>} : memref<80xi32, #tpu.memory_space<vmem>>, vector<16xi32>,
      tpu.vector_store %arg18[%swap3A_131], %add3A_130 {strides = array<i32>} : memref<80xi32, #tpu.memory_space<vmem>>, vector<16xi32>,
      %get3A_133 = arith.constant 16 : index
      %get3A_134 = tpu.vector_load %arg18[%get3A_133] {strides = array<i32>} : memref<80xi32, #tpu.memory_space<vmem>>, vector<16xi32>,
      %mul3A_135 = arith.constant 10240 : i32
      %mul3A_136 = arith.muli %arg0, %mul3A_135 : i32
      %add3A_137 = vector.broadcast %mul3A_136 : i32 to vector<16xi32>
      %add3A_138 = arith.addi %get3A_134, %add3A_137 : vector<16xi32>
      %swap3A_139 = arith.constant 16 : index
      %swap3A_140 = tpu.vector_load %arg18[%swap3A_139] {strides = array<i32>} : memref<80xi32, #tpu.memory_space<vmem>>, vector<16xi32>,
      tpu.vector_store %arg18[%swap3A_139], %add3A_138 {strides = array<i32>} : memref<80xi32, #tpu.memory_space<vmem>>, vector<16xi32>,
      %get3A_141 = arith.constant 32 : index
      %get3A_142 = tpu.vector_load %arg18[%get3A_141] {strides = array<i32>} : memref<80xi32, #tpu.memory_space<vmem>>, vector<16xi32>,
      %mul3A_143 = arith.constant 10240 : i32
      %mul3A_144 = arith.muli %arg0, %mul3A_143 : i32
      %add3A_145 = vector.broadcast %mul3A_144 : i32 to vector<16xi32>
      %add3A_146 = arith.addi %get3A_142, %add3A_145 : vector<16xi32>
      %swap3A_147 = arith.constant 32 : index
      %swap3A_148 = tpu.vector_load %arg18[%swap3A_147] {strides = array<i32>} : memref<80xi32, #tpu.memory_space<vmem>>, vector<16xi32>,
      tpu.vector_store %arg18[%swap3A_147], %add3A_146 {strides = array<i32>} : memref<80xi32, #tpu.memory_space<vmem>>, vector<16xi32>,
      %get3A_149 = arith.constant 48 : index
      %get3A_150 = tpu.vector_load %arg18[%get3A_149] {strides = array<i32>} : memref<80xi32, #tpu.memory_space<vmem>>, vector<16xi32>,
      %mul3A_151 = arith.constant 10240 : i32
      %mul3A_152 = arith.muli %arg0, %mul3A_151 : i32
      %add3A_153 = vector.broadcast %mul3A_152 : i32 to vector<16xi32>
      %add3A_154 = arith.addi %get3A_150, %add3A_153 : vector<16xi32>
      %swap3A_155 = arith.constant 48 : index
      %swap3A_156 = tpu.vector_load %arg18[%swap3A_155] {strides = array<i32>} : memref<80xi32, #tpu.memory_space<vmem>>, vector<16xi32>,
      tpu.vector_store %arg18[%swap3A_155], %add3A_154 {strides = array<i32>} : memref<80xi32, #tpu.memory_space<vmem>>, vector<16xi32>,
      %get3A_157 = arith.constant 64 : index
      %get3A_158 = tpu.vector_load %arg18[%get3A_157] {strides = array<i32>} : memref<80xi32, #tpu.memory_space<vmem>>, vector<16xi32>,
      %mul3A_159 = arith.constant 10240 : i32
      %mul3A_160 = arith.muli %arg0, %mul3A_159 : i32
      %add3A_161 = vector.broadcast %mul3A_160 : i32 to vector<16xi32>
      %add3A_162 = arith.addi %get3A_158, %add3A_161 : vector<16xi32>
      %swap3A_163 = arith.constant 64 : index
      %swap3A_164 = tpu.vector_load %arg18[%swap3A_163] {strides = array<i32>} : memref<80xi32, #tpu.memory_space<vmem>>, vector<16xi32>,
      tpu.vector_store %arg18[%swap3A_163], %add3A_162 {strides = array<i32>} : memref<80xi32, #tpu.memory_space<vmem>>, vector<16xi32>,
      "tpu.region"() ({
        %run_scoped3A = tpu.sem_alloc : memref<!tpu.dma_semaphore, #tpu.memory_space<semaphore_mem>>
        %dma_start3A_174 = arith.constant 0 : i32
        %dma_start3A_175 = arith.constant 0 : i32
        %dma_start3A_176 = tpu.memref_slice %arg19[%dma_start3A_174, %dma_start3A_175] : memref<128x64xf32, #tpu.memory_space<vmem>> -> memref<80x64xf32, #tpu.memory_space<vmem>>
        %dma_start3A_177 = arith.constant 0 : i32
        %dma_start3A_178 = arith.constant 0 : i32
        %dma_start3A_179 = tpu.memref_slice %arg11[%dma_start3A_177, %dma_start3A_178] : memref<20480x64xf32, #tpu.memory_space<hbm>> -> memref<20480x64xf32, #tpu.memory_space<hbm>>
        tpu.enqueue_indirect_dma source(%dma_start3A_179 : memref<20480x64xf32, #tpu.memory_space<hbm>>) target(%dma_start3A_176 : memref<80x64xf32, #tpu.memory_space<vmem>>) offsets(%arg18 : memref<80xi32, #tpu.memory_space<vmem>>) semaphore(%run_scoped3A : memref<!tpu.dma_semaphore, #tpu.memory_space<semaphore_mem>>)
        %dma_wait3A = arith.constant 0 : i32
        %dma_wait3A_180 = arith.constant 0 : i32
        %dma_wait3A_181 = tpu.memref_slice %arg19[%dma_wait3A, %dma_wait3A_180] : memref<128x64xf32, #tpu.memory_space<vmem>> -> memref<80x64xf32, #tpu.memory_space<vmem>>
        %dma_wait3A_182 = arith.constant 0 : i32
        %dma_wait3A_183 = arith.constant 0 : i32
        %dma_wait3A_184 = tpu.memref_slice %arg11[%dma_wait3A_182, %dma_wait3A_183] : memref<20480x64xf32, #tpu.memory_space<hbm>> -> memref<20480x64xf32, #tpu.memory_space<hbm>>
        tpu.wait_indirect_dma semaphore(%run_scoped3A : memref<!tpu.dma_semaphore, #tpu.memory_space<semaphore_mem>>) src(%dma_wait3A_184 : memref<20480x64xf32, #tpu.memory_space<hbm>>) dst(%dma_wait3A_181 : memref<80x64xf32, #tpu.memory_space<vmem>>)
        tpu.yield
      }) : () -> ()
      %mul3A_165 = arith.constant 12800 : i32
      %mul3A_166 = arith.muli %arg0, %mul3A_165 : i32
      %mul3A_167 = arith.constant 800 : i32
      %mul3A_168 = arith.muli %arg1, %mul3A_167 : i32
      %add3A_169 = arith.addi %mul3A_166, %mul3A_168 : i32
      %mul3A_170 = arith.constant 80 : i32
      %mul3A_171 = arith.muli %scan3A_121, %mul3A_170 : i32
      %add3A_172 = arith.addi %add3A_169, %mul3A_171 : i32
      "tpu.region"() ({
        %run_scoped3A = tpu.sem_alloc : memref<!tpu.dma_semaphore, #tpu.memory_space<semaphore_mem>>
        %dma_start3A_174 = arith.constant 0 : i32
        %dma_start3A_175 = arith.constant 0 : i32
        %dma_start3A_176 = tpu.memref_slice %arg19[%dma_start3A_174, %dma_start3A_175] : memref<128x64xf32, #tpu.memory_space<vmem>> -> memref<80x64xf32, #tpu.memory_space<vmem>>
        %dma_start3A_177 = arith.constant 0 : i32
        %dma_start3A_178 = tpu.memref_slice %arg9[%add3A_172, %dma_start3A_177] : memref<25600x64xf32, #tpu.memory_space<hbm>> -> memref<80x64xf32, #tpu.memory_space<hbm>>
        %dma_start3A_179 = arith.constant 0 : i32
        %dma_start3A_180 = tpu.memref_slice %arg9[%add3A_172, %dma_start3A_179] : memref<25600x64xf32, #tpu.memory_space<hbm>> -> memref<80x64xf32, #tpu.memory_space<hbm>>
        %dma_start3A_181 = arith.constant 0 : i32
        %dma_start3A_182 = arith.constant 0 : i32
        %dma_start3A_183 = tpu.memref_slice %arg19[%dma_start3A_181, %dma_start3A_182] : memref<128x64xf32, #tpu.memory_space<vmem>> -> memref<80x64xf32, #tpu.memory_space<vmem>>
        tpu.enqueue_dma source(%dma_start3A_183 : memref<80x64xf32, #tpu.memory_space<vmem>>) target(%dma_start3A_180 : memref<80x64xf32, #tpu.memory_space<hbm>>) target_semaphore(%run_scoped3A : memref<!tpu.dma_semaphore, #tpu.memory_space<semaphore_mem>>)
        %dma_wait3A = arith.constant 0 : i32
        %dma_wait3A_184 = arith.constant 0 : i32
        %dma_wait3A_185 = tpu.memref_slice %arg19[%dma_wait3A, %dma_wait3A_184] : memref<128x64xf32, #tpu.memory_space<vmem>> -> memref<80x64xf32, #tpu.memory_space<vmem>>
        %dma_wait3A_186 = arith.constant 0 : i32
        %dma_wait3A_187 = tpu.memref_slice %arg9[%add3A_172, %dma_wait3A_186] : memref<25600x64xf32, #tpu.memory_space<hbm>> -> memref<80x64xf32, #tpu.memory_space<hbm>>
        %dma_wait3A_188 = arith.constant 0 : i32
        %dma_wait3A_189 = tpu.memref_slice %arg9[%add3A_172, %dma_wait3A_188] : memref<25600x64xf32, #tpu.memory_space<hbm>> -> memref<80x64xf32, #tpu.memory_space<hbm>>
        %dma_wait3A_190 = arith.constant 0 : i32
        %dma_wait3A_191 = arith.constant 0 : i32
        %dma_wait3A_192 = tpu.memref_slice %arg19[%dma_wait3A_190, %dma_wait3A_191] : memref<128x64xf32, #tpu.memory_space<vmem>> -> memref<80x64xf32, #tpu.memory_space<vmem>>
        tpu.wait_dma2 semaphore(%run_scoped3A : memref<!tpu.dma_semaphore, #tpu.memory_space<semaphore_mem>>) src(%dma_wait3A_192 : memref<80x64xf32, #tpu.memory_space<vmem>>) dst(%dma_wait3A_189 : memref<80x64xf32, #tpu.memory_space<hbm>>)
        tpu.yield
      }) : () -> ()
      %scan3A_173 = arith.constant 0 : i32
      scf.yield %scan3A_173 : i32
    }
    %scan3A_120 = arith.constant 10 : i32
    "tpu.trace_stop"() : () -> ()
    return
  }
}

</mosaic_0001>

<sc_bundles>
// kernel: _run.3.cloned.1.call-start
scs
__scs_entry_jumppad:
0x0: {  	(pc) =	sbr.rel $0x88, $3  }
0x1: {  	(tag) =	ssettag $0x0;
	lr =	simm.s32 $0x1  }
0x2: {  	[smem:$0x3F9A] =	sst lr;
	_ =	strace $0xD0000000  }
0x3: {  	_ = 	snop  }
0x4: {  	_ = 	snop  }
0x5: {  	_ = 	snop  }
0x6: {  	_ = 	snop  }
0x7: {  	_ = 	snop  }
__scs_overlays_trampoline_lowered:
0x8: {  	[smem:$0x3FA9] =	sst s0  }
0x9: {  	[smem:$0x3FAA] =	sst s1  }
0xa: {  	[smem:$0x3FAB] =	sst s2  }
0xb: {  	[smem:$0x3FAC] =	sst s3  }
0xc: {  	[smem:$0x3FAD] =	sst s4  }
0xd: {  	[smem:$0x3FAE] =	sst s5  }
0xe: {  	[smem:$0x3FAF] =	sst s6  }
0xf: {  	[smem:$0x3FB0] =	sst s7  }
0x10: {  	[smem:$0x3FB1] =	sst s8  }
0x11: {  	[smem:$0x3FB2] =	sst s9;
	s0 =	simm.s32 @!p0 $0x0  }
0x12: {  	s1 =	sld [smem:$0x3F98];
	s0 =	simm.s32 @p0 $0x1  }
0x13: {  	[smem:$0x3FB3] =	sst s0;
	s0 =	simm.s32 @!p1 $0x0  }
0x14: {  	s2 =	sld [smem:$0x3F97];
	s0 =	simm.s32 @p1 $0x1  }
0x15: {  	[smem:$0x3FB4] =	sst s0;
	s0 =	simm.s32 @!p2 $0x0  }
0x16: {  	s3 =	sld [smem:$0x3FDB];
	s0 =	simm.s32 @p2 $0x1  }
0x17: {  	s4 =	simm.s32 $0x1BF5;
	[smem:$0x3FB6] =	sst s0  }
0x18: {  	s0 =	sld [smem:$0x3F99];
	_ =	swait.ge [sflag:s4], $0x0  }
0x19: {  	s7 =	sld [smem:$0x3F9A]  }
0x1a: {  	s8 =	sadd.s32 $0xFFFFE003, lr  }
0x1b: {  	s9 =	sadd.s32 $0xFFFFFEF7, lr;
	s5 =	simm.s32 $0xFFFFFFFF;
	p2 =	slt.u32 s8, $0xFFFFF086  }
0x1c: {  	p1 =	slt.u32 s9, $0xF7A;
	s5 =	simm.s32 @!p2 $0x0  }
0x1d: {  	s5 =	simm.s32 @p1 $0x1;
	p0 =	seq.s32 s7, s2  }
0x1e: {  	s7 =	smul.u32 @!p0 $0xF7A, s2;
	p2 =	seq.s32 @!p0 s5, $0x0  }
0x1f: {  	s9 =	smul.u32 $0xF7A, s1;
	s8 =	simm.s32 @!p0 $0x1BF5;
	p2 =	por !p2, p0  }
0x20: {  	[sflag:s8] =	ssyncset.s32 @!p0 $0xFFFFF086;
	s6 =	sadd.s32 @!p0 s3, s7;
	s7 =	simm.s32 @!p0 $0x108  }
0x21: {  	s3 =	sadd.s32 s3, s9;
	s6 =	sadd.s32 @!p0 $0x88, s6;
	s7 =	simm.s32 @p2 $0x1082  }
0x22: {  	[simem:s7], [sflag:s8] =	dma.local @!p0 [hbm:s6], $0xF7A  }
0x23: {  	s9 =	sor.u32 $0xD0000000, s2;
	s6 =	simm.s32 $0x108;
	_ =	swait.ge @!p0 [sflag:s8], $0x0  }
0x24: {  	s3 =	sadd.s32 $0x88, s3;
	s6 =	simm.s32 @!p1 $0x1082;
	[sflag:s4] =	ssyncset.s32 $0xFFFFF086  }
0x25: {  	[simem:s6], [sflag:s4] =	dma.local [hbm:s3], $0xF7A  }
0x26: {  	[smem:$0x3F9A] =	sst s1;
	(tag) =	ssettag s2;
	_ =	strace s9  }
0x27: {  	s1 =	sld [smem:$0x3FAA]  }
0x28: {  	s2 =	sld [smem:$0x3FAB]  }
0x29: {  	s4 =	sld [smem:$0x3FAD]  }
0x2a: {  	p0 =	seq.s32 s5, $0x0;
	s5 =	sld [smem:$0x3FAE]  }
0x2b: {  	s6 =	sld [smem:$0x3FAF]  }
0x2c: {  	s7 =	sld [smem:$0x3FB0]  }
0x2d: {  	s3 =	simm.s32 $0x108;
	s8 =	sld [smem:$0x3FB1]  }
0x2e: {  	s3 =	simm.s32 @!p0 $0x1082;
	s9 =	sld [smem:$0x3FB2]  }
0x2f: {  	lr =	sadd.s32 s0, s3;
	s0 =	sld [smem:$0x3FA9]  }
0x30: {  	s3 =	sld [smem:$0x3FAC]  }
0x31: {  	[smem:$0x3FB5] =	sst s10  }
0x32: {  	s10 =	sld [smem:$0x3FB3];
	_ =	sdelay $0x3  }
0x33: {  	p0 =	seq.s32 s10, $0x1;
	s10 =	sld [smem:$0x3FB5];
	_ =	sdelay $0x3  }
0x34: {  	[smem:$0x3FB5] =	sst s10  }
0x35: {  	s10 =	sld [smem:$0x3FB4];
	_ =	sdelay $0x3  }
0x36: {  	p1 =	seq.s32 s10, $0x1;
	s10 =	sld [smem:$0x3FB5];
	_ =	sdelay $0x3  }
0x37: {  	[smem:$0x3FB5] =	sst s10  }
0x38: {  	s10 =	sld [smem:$0x3FB6]  }
0x39: {  	_ = 	snop;
	(pc) =	sbr.ind lr, $3  }
0x3a: {  	_ = 	snop  }
0x3b: {  	_ = 	snop  }
0x3c: {  	p2 =	seq.s32 s10, $0x1;
	s10 =	sld [smem:$0x3FB5]  }
0x3d: {  	_ =	shalt  }
0x3e: {  	_ =	shalt  }
0x3f: {  	_ =	shalt  }
0x40: {  	_ =	shalt  }
0x41: {  	_ =	shalt  }
0x42: {  	_ =	shalt  }
0x43: {  	_ =	shalt  }
0x44: {  	_ =	shalt  }
0x45: {  	_ =	shalt  }
0x46: {  	_ =	shalt  }
0x47: {  	_ =	shalt  }
0x48: {  	_ =	shalt  }
0x49: {  	_ =	shalt  }
0x4a: {  	_ =	shalt  }
0x4b: {  	_ =	shalt  }
0x4c: {  	_ =	shalt  }
0x4d: {  	_ =	shalt  }
0x4e: {  	_ =	shalt  }
0x4f: {  	_ =	shalt  }
0x50: {  	_ =	shalt  }
0x51: {  	_ =	shalt  }
0x52: {  	_ =	shalt  }
0x53: {  	_ =	shalt  }
0x54: {  	_ =	shalt  }
0x55: {  	_ =	shalt  }
0x56: {  	_ =	shalt  }
0x57: {  	_ =	shalt  }
0x58: {  	_ =	shalt  }
0x59: {  	_ =	shalt  }
0x5a: {  	_ =	shalt  }
0x5b: {  	_ =	shalt  }
0x5c: {  	_ =	shalt  }
0x5d: {  	_ =	shalt  }
0x5e: {  	_ =	shalt  }
0x5f: {  	_ =	shalt  }
0x60: {  	_ =	shalt  }
0x61: {  	_ =	shalt  }
0x62: {  	_ =	shalt  }
0x63: {  	_ =	shalt  }
0x64: {  	_ =	shalt  }
0x65: {  	_ =	shalt  }
0x66: {  	_ =	shalt  }
0x67: {  	_ =	shalt  }
0x68: {  	_ =	shalt  }
0x69: {  	_ =	shalt  }
0x6a: {  	_ =	shalt  }
0x6b: {  	_ =	shalt  }
0x6c: {  	_ =	shalt  }
0x6d: {  	_ =	shalt  }
0x6e: {  	_ =	shalt  }
0x6f: {  	_ =	shalt  }
0x70: {  	_ =	shalt  }
0x71: {  	_ =	shalt  }
0x72: {  	_ =	shalt  }
0x73: {  	_ =	shalt  }
0x74: {  	_ =	shalt  }
0x75: {  	_ =	shalt  }
0x76: {  	_ =	shalt  }
0x77: {  	_ =	shalt  }
0x78: {  	_ =	shalt  }
0x79: {  	_ =	shalt  }
0x7a: {  	_ =	shalt  }
0x7b: {  	_ =	shalt  }
0x7c: {  	_ =	shalt  }
0x7d: {  	_ =	shalt  }
0x7e: {  	_ =	shalt  }
0x7f: {  	_ =	shalt  }
0x80: {  	_ =	shalt  }
0x81: {  	_ =	shalt  }
0x82: {  	_ =	shalt  }
0x83: {  	_ =	shalt  }
0x84: {  	_ =	shalt  }
0x85: {  	_ =	shalt  }
0x86: {  	_ =	shalt  }
0x87: {  	_ =	shalt  }
.Lfunc_end0:
.L_simem_size_0:
called_computation_lowered:
.L_overlay_start_0:
0x88: {  	s2 =	sld [smem:$0x3FD9]  }
0x89: {  	s3 =	sld [smem:$0x3FFE];
	_ =	sdelay $0x1  }
0x8a: {  	s1 =	srdreg.scid  }
0x8b: {  	s0 =	sand.u32 $0x1, s1  }
0x8c: {  	s14 =	sshll.u32 s0, $0xA;
	s2 =	sadd.s32 s3, s2  }
0x8d: {  	s2 =	sadd.s32 s2, s14  }
0x8e: {  	[smem:$0x3FC1] =	sst s2  }
0x8f: {  	_ = 	snop  }
0x90: {  	s2 =	sld [smem:$0x3FC8]  }
0x91: {  	s15 =	sld [smem:$0x3FC7]  }
0x92: {  	s4 =	sld [smem:$0x3FD0]  }
0x93: {  	s5 =	sld [smem:$0x3FC6]  }
0x94: {  	s6 =	sld [smem:$0x3FC5]  }
0x95: {  	s8 =	simm.s32 $0xA;
	s9 =	simm.s32 $0x10;
	s7 =	sld [smem:$0x3FC3]  }
0x96: {  	[smem:s9], [sflag:s8] =	dma.local [hbm:s4], $0x1  }
0x97: {  	_ =	swait.eq [sflag:s8], $0x1  }
0x98: {  	s16 =	sld [smem:$0x10];
	[sflag:s8] =	ssyncset.done $0x0  }
0x99: {  	s17 =	sld [smem:$0x11];
	[sflag:s8] =	ssyncadd.s32 $0xFFFFFFFF  }
0x9a: {  	s18 =	sld [smem:$0x12];
	(tm) =	ssettm $0x1  }
0x9b: {  	s10 =	sld [smem:$0x3FFB];
	_ =	sdelay $0x3  }
0x9c: {  	_ =	strace s10  }
0x9d: {  	s10 =	sld [smem:$0x3FFC];
	_ =	sdelay $0x3  }
0x9e: {  	_ =	strace s10  }
0x9f: {  	s10 =	sld [smem:$0x3FFD];
	_ =	sdelay $0x3  }
0xa0: {  	_ =	strace s10  }
0xa1: {  	_ =	strace $0x8FFFFFFF  }
0xa2: {  	s19 =	sld [smem:$0x3FDB];
	_ =	sdelay $0x1  }
0xa3: {  	s11 =	simm.s32 $_scs_section_size  }
0xa4: {  	s12 =	simm.s32 $_size__tile_overlayer_lowered;
	s13 =	simm.s32 $_tile_overlayer_lowered  }
0xa5: {  	s22 =	simm.s32 $0x1BFF;
	s21 =	sshll.u32 s13, $0x1;
	s10 =	sadd.s32 s11, s19  }
0xa6: {  	s20 =	sshll.u32 s12, $0x1;
	s14 =	simm.s32 $0x0;
	s12 =	sadd.s32 s21, s10  }
0xa7: {  	[timem:s14], [sflag:s22] =	dma.local [hbm:s12], s20  }
0xa8: {  	_ =	swait.ge [sflag:s22], s20  }
0xa9: {  	s11 =	ssub.s32 $0x0, s20;
	[sflag:s22] =	ssyncset.done $0x0  }
0xaa: {  	[sflag:s22] =	ssyncadd.s32 s11;
	_ =	sdelay $0x1  }
0xab: {  	s23 =	simm.s32 $0x1B8B  }
0xac: {  	_ =	swait.ge [sflag:s23], $0x1  }
0xad: {  	[sflag:s23] =	ssyncset.done $0x0  }
0xae: {  	s25 =	simm.s32 $0x1B8E;
	s24 =	sld [smem:$0x3FFE];
	[sflag:s23] =	ssyncadd.s32 $0xFFFFFFFF  }
0xaf: {  	s26 =	simm.s32 $execute0_lowered;
	[smem:$0x3FD2] =	sst s25  }
0xb0: {  	s12 =	sshll.u32 s26, $0x1;
	_ =	strace $0x80000046;
	[dreg:$0x1] =	wrdreg $0xFFFFFFFF  }
0xb1: {  	s28 =	simm.s32 $_size_execute0_lowered;
	s10 =	sadd.s32 s10, s12;
	[dreg:$0x0] =	wrdreg $0x0  }
0xb2: {  	s12 =	sshll.u32 s28, $0x1;
	[dreg:$0x2] =	wrdreg s10  }
0xb3: {  	[dreg:$0x3] =	wrdreg s12  }
0xb4: {  	[dreg:$0x4] =	wrdreg $0xC0  }
0xb5: {  	_ =	task [dreg:s14], $0x5FFFF  }
0xb6: {  	[dreg:$0x1] =	wrdreg $0xFFFFFFFF  }
0xb7: {  	[dreg:$0x0] =	wrdreg $0x60  }
0xb8: {  	[dreg:$0x2] =	wrdreg s18  }
0xb9: {  	[dreg:$0x3] =	wrdreg s2  }
0xba: {  	[dreg:$0x4] =	wrdreg s15  }
0xbb: {  	[dreg:$0x5] =	wrdreg s5  }
0xbc: {  	[dreg:$0x6] =	wrdreg s6  }
0xbd: {  	[dreg:$0x7] =	wrdreg s24  }
0xbe: {  	[dreg:$0x8] =	wrdreg s7  }
0xbf: {  	[dreg:$0x9] =	wrdreg s16  }
0xc0: {  	[dreg:$0xa] =	wrdreg s17  }
0xc1: {  	[dreg:$0xb] =	wrdreg $0x15CA00  }
0xc2: {  	[dreg:$0xc] =	wrdreg $0x15F200  }
0xc3: {  	[dreg:$0xd] =	wrdreg $0x9  }
0xc4: {  	_ =	task.clear_ibuf [dreg:s14], $0xEFFFF;
	_ =	strace $0x90000046  }
0xc5: {  	s29 =	simm.s32 $0x9;
	_ =	strace $0x8000004F  }
0xc6: {  	_ =	swait.ge [sflag:s29], $0x1  }
0xc7: {  	[sflag:s29] =	ssyncadd.s32 $0xFFFFFFFF  }
0xc8: {  	_ =	strace $0x9000004F  }
0xc9: {  	_ =	sfence  }
0xca: {  	s30 =	sld [smem:$0x0];
	_ =	sdelay $0x2  }
0xcb: {  	s31 =	sshll.u32 s1, $0xD;
	s1 =	sshrl.u32 s1, $0x2  }
0xcc: {  	s3 =	sand.u32 $0x4000, s31;
	s1 =	sadd.s32 s1, s30  }
0xcd: {  	s0 =	sor.u32 s3, s0;
	s1 =	sshll.u32 s1, $0x11  }
0xce: {  	s0 =	sor.u32 s1, s0  }
0xcf: {  	s0 =	sadd.s32 $0x8F2B, s0  }
0xd0: {  	[sflag:s0] =	ssyncadd.remote.s32 $0x1  }
0xd1: {  	_ =	sfence.sel $0xFFFF  }
0xd2: {  	[dreg:$0x0] =	wrdreg $0xFFFFFFFF;
	(pc) =	sbr.abs _section_cstart, $3  }
0xd3: {  	[dreg:$0x1] =	wrdreg $0xFFFFFFFF  }
0xd4: {  	_ =	task.clear_ibuf [dreg:s14], $0x2FFFF;
	_ =	strace $0x9FFFFFFF  }
0xd5: {  	(tm) =	ssettm $0x7FFFFFFF  }
tec
execute0_lowered:
.L_overlay_start_1:
0x0: {  	(tag) =	ssettag $0x1  }
0x1: {  	s0 =	rddreg [dreg:$0x1]  }
0x2: {  	s1 =	rddreg [dreg:$0x2]  }
0x3: {  	s4 =	rddreg [dreg:$0x3]  }
0x4: {  	s8 =	rddreg [dreg:$0x4]  }
0x5: {  	s7 =	rddreg [dreg:$0x5]  }
0x6: {  	s9 =	rddreg [dreg:$0x6]  }
0x7: {  	s10 =	rddreg [dreg:$0x7]  }
0x8: {  	s3 =	rddreg [dreg:$0x9]  }
0x9: {  	s5 =	rddreg [dreg:$0xa]  }
0xa: {  	s11 =	srdreg.scid;
	s2 =	stileid.u32  }
0xb: {  	s6 =	simm.s32 $0x0;
	s29 =	simm.s32 $0x15C90;
	s21 =	smul.u32 $0x64, s2  }
0xc: {  	s30 =	simm.s32 $0x11C50;
	s31 =	simm.s32 $0xF000;
	s15 =	smul.u32 $0xA00, s2  }
0xd: {  	s28 =	simm.s32 $0xF180;
	s12 =	sand.u32 $0x1, s11;
	s23 =	smul.u32 $0x28000, s2  }
0xe: {  	[smem:$0x7FF] =	sst s6;
	s24 =	smul.u32 $0x1900, s2;
	s13 =	ssub.s32 $0x2, s12  }
0xf: {  	_ =	strace $0x80000047;
	s22 =	sshll.u32 s12, $0x3;
	s18 =	smul.u32 $0x19000, s12  }
0x10: {  	s14 =	sshrl.u32 s13, $0x1;
	s16 =	sadd.s32 s21, s7;
	s7 =	sadd.s32 $0x1400, s7  }
0x11: {  	s0 =	sadd.s32 s0, s15;
	s1 =	sadd.s32 s1, s15;
	s19 =	sadd.s32 s9, s22  }
0x12: {  	s25 =	sshrl.u32 s15, $0x2;
	s26 =	sshrl.u32 s23, $0x2;
	[dreg:$0xc] =	wrdreg s0  }
0x13: {  	s17 =	ssub.s32 s13, s14;
	[dreg:$0xd] =	wrdreg s1;
	s11 =	sadd.s32 s25, s3  }
0x14: {  	s13 =	smul.u32 $0x2800, s12;
	[dreg:$0xe] =	wrdreg s19;
	s20 =	sadd.s32 $0x10, s19  }
0x15: {  	s9 =	sadd.s32 s26, s5;
	s14 =	smul.u32 $0x280, s2;
	[dreg:$0x10] =	wrdreg s20  }
0x16: {  	s0 =	sadd.s32 s24, s18;
	s26 =	sadd.s32 s15, s8;
	[dreg:$0xf] =	wrdreg s9  }
0x17: {  	s19 =	simm.s32 $0x15C50;
	s0 =	sadd.s32 s10, s0;
	[dreg:$0x17] =	wrdreg s26  }
0x18: {  	s1 =	simm.s32 $0x80;
	s21 =	smax.u32 s17, $0x1;
	[dreg:$0x11] =	wrdreg s0  }
0x19: {  	s8 =	simm.s32 $0xF400;
	s22 =	sadd.s32 $0x2000, s9;
	[dreg:$0x12] =	wrdreg s21  }
0x1a: {  	s18 =	simm.s32 $0x50;
	s23 =	sadd.s32 $0x4000, s9;
	[dreg:$0x13] =	wrdreg s22  }
0x1b: {  	s2 =	simm.s32 $0x0;
	s24 =	sadd.s32 $0x6000, s9;
	[dreg:$0x14] =	wrdreg s23  }
0x1c: {  	s25 =	sadd.s32 $0x8000, s9;
	s26 =	simm.s32 $0xF100;
	[dreg:$0x15] =	wrdreg s24  }
0x1d: {  	s17 =	simm.s32 $0x1;
	s10 =	simm.s32 $0x11C00;
	[dreg:$0x16] =	wrdreg s25  }
0x1e: {  	s22 =	sadd.s32 s15, s4;
	s24 =	sadd.s32 $0xC00, s16;
	s25 =	simm.s32 $0x3  }
0x1f: {  	v1 =	vimm.f32 $0.0e+00;
	s4 =	simm.s32 $0xF080;
	s15 =	simm.s32 $0x13C50;
	s23 =	simm.s32 $0x2;
	v0 =	vmov s13  }
.LBB2_1:
0x20: {  	[dreg:$0x18] =	wrdreg s2  }
0x21: {  	s0 =	rddreg [dreg:$0xc]  }
0x22: {  	[tilespmem:s6], [sflag:$0x3] =	stream.linear.gather [hbm4b:s0+s6], $0x5000, $0x38;
	[tilespmem:$0x1FF20] =	vst v63  }
0x23: {  	_ =	swait.ge [sflag:s25], $0x5000  }
0x24: {  	[sflag:s25] =	ssyncset.done $0x0  }
0x25: {  	s20 =	simm.s32 $0x5000;
	s16 =	rddreg [dreg:$0xd];
	[sflag:s25] =	ssyncadd.s32 $0xFFFFB000  }
0x26: {  	[tilespmem:s20], [sflag:$0x3] =	stream.linear.gather [hbm4b:s16+s6], $0x5000, $0x38;
	[tilespmem:$0x1FF20] =	vst v63  }
0x27: {  	_ =	swait.ge [sflag:s25], $0x5000  }
0x28: {  	[sflag:s25] =	ssyncset.done $0x0  }
0x29: {  	s21 =	rddreg [dreg:$0xe];
	[sflag:s25] =	ssyncadd.s32 $0xFFFFB000  }
0x2a: {  	[tilespmem:s19], [sflag:$0x3] =	stream.linear.gather [hbm4b:s21+s6], $0x40, $0x38;
	[tilespmem:$0x1FF20] =	vst v63  }
0x2b: {  	_ =	swait.ge [sflag:s25], $0x40  }
0x2c: {  	[sflag:s25] =	ssyncset.done $0x0  }
0x2d: {  	[sflag:s25] =	ssyncadd.s32 $0xFFFFFFC0  }
0x2e: {  	s0 =	simm.s32 $0x0;
	[tilespmem:$0x15C90] =	vst v1  }
.LBB2_2:
0x2f: {  	p0 =	sne.s32 s0, $0x7F00  }
.Ltmp0:
0x30: {  	s9 =	sshra.s32 s0, $0x2;
	(pc) =	sbr.rel @p0 .LBB2_2-.Ltmp0, $4  }
0x31: {  	[tilespmem:s9+$0x11C50] =	vst v1  }
0x32: {  	[tilespmem:s9+$0x11C60] =	vst v1  }
0x33: {  	[tilespmem:s9+$0x11C70] =	vst v1  }
0x34: {  	s0 =	sadd.s32 $0x100, s0;
	[tilespmem:s9+$0x11C80] =	vst v1  }
0x35: {  	s0 =	sadd.s32 $0x0, s11  }
0x36: {  	[spmem:s0] =	stream.linear.scatter [tilespmem:s29], [sflag:$0x3], $0x10, $0x38;
	[tilespmem:$0x1FF20] =	vst v63  }
0x37: {  	s0 =	simm.s32 $0x40;
	_ =	swait.ge [sflag:s25], $0x10  }
.LBB2_4:
0x38: {  	s9 =	sshra.s32 s0, $0x2;
	[sflag:s25] =	ssyncset.done $0x0;
	p0 =	sne.s32 s0, $0x9C0  }
.Ltmp1:
0x39: {  	s9 =	sadd.s32 s9, s11;
	[sflag:s25] =	ssyncadd.s32 $0xFFFFFFF0;
	(pc) =	sbr.rel @p0 .LBB2_4-.Ltmp1, $3  }
0x3a: {  	[spmem:s9] =	stream.linear.scatter [tilespmem:s29], [sflag:$0x3], $0x10, $0x38;
	[tilespmem:$0x1FF20] =	vst v63  }
0x3b: {  	s0 =	sadd.s32 $0x40, s0;
	_ =	sdelay $0x1  }
0x3c: {  	_ =	swait.ge [sflag:s25], $0x10  }
0x3d: {  	[sflag:s25] =	ssyncset.done $0x0  }
0x3e: {  	s0 =	rddreg [dreg:$0xf];
	[sflag:s25] =	ssyncadd.s32 $0xFFFFFFF0  }
0x3f: {  	[spmem:s0] =	stream.linear.scatter [tilespmem:s30], [sflag:$0x3], $0x2000, $0x38;
	[tilespmem:$0x1FF20] =	vst v63  }
0x40: {  	_ =	swait.ge [sflag:s25], $0x2000  }
0x41: {  	[sflag:s25] =	ssyncset.done $0x0  }
0x42: {  	s20 =	rddreg [dreg:$0x13];
	[sflag:s25] =	ssyncadd.s32 $0xFFFFE000  }
0x43: {  	[spmem:s20] =	stream.linear.scatter [tilespmem:s30], [sflag:$0x3], $0x2000, $0x38;
	[tilespmem:$0x1FF20] =	vst v63  }
0x44: {  	_ =	swait.ge [sflag:s25], $0x2000  }
0x45: {  	[sflag:s25] =	ssyncset.done $0x0  }
0x46: {  	s21 =	rddreg [dreg:$0x14];
	[sflag:s25] =	ssyncadd.s32 $0xFFFFE000  }
0x47: {  	[spmem:s21] =	stream.linear.scatter [tilespmem:s30], [sflag:$0x3], $0x2000, $0x38;
	[tilespmem:$0x1FF20] =	vst v63  }
0x48: {  	_ =	swait.ge [sflag:s25], $0x2000  }
0x49: {  	[sflag:s25] =	ssyncset.done $0x0  }
0x4a: {  	s2 =	rddreg [dreg:$0x15];
	[sflag:s25] =	ssyncadd.s32 $0xFFFFE000  }
0x4b: {  	[spmem:s2] =	stream.linear.scatter [tilespmem:s30], [sflag:$0x3], $0x2000, $0x38;
	[tilespmem:$0x1FF20] =	vst v63  }
0x4c: {  	_ =	swait.ge [sflag:s25], $0x2000  }
0x4d: {  	[sflag:s25] =	ssyncset.done $0x0  }
0x4e: {  	s9 =	rddreg [dreg:$0x16];
	[sflag:s25] =	ssyncadd.s32 $0xFFFFE000  }
0x4f: {  	[spmem:s9] =	stream.linear.scatter [tilespmem:s30], [sflag:$0x3], $0x2000, $0x38;
	[tilespmem:$0x1FF20] =	vst v63  }
0x50: {  	_ =	swait.ge [sflag:s25], $0x2000  }
0x51: {  	[sflag:s25] =	ssyncset.done $0x0  }
0x52: {  	[sflag:s25] =	ssyncadd.s32 $0xFFFFE000  }
0x53: {  	[bflag:$0x0] =	sbarrier.arrive $0xFFFF  }
0x54: {  	s12 =	sadd.s32 $0x0, s22;
	_ =	strace $0x80000048  }
0x55: {  	[tilespmem:s31], [sflag:$0x3] =	stream.linear.gather [hbm4b:s12+s6], $0x200, $0x200038;
	[tilespmem:$0x1FF20] =	vst v63  }
0x56: {  	_ =	swait.ge [sflag:s25], $0x200  }
0x57: {  	[sflag:s25] =	ssyncset.done $0x0  }
0x58: {  	s16 =	simm.s32 $0x0;
	[sflag:s25] =	ssyncadd.s32 $0xFFFFFE00  }
0x59: {  	[spmem:s3] =	stream.indirect.scatter.add.f32 [tilespmem:s31], [sflag:$0x3], $0x1, s16, s1, $0x2000b8;
	[tilespmem:$0x1FF20] =	vst v63  }
0x5a: {  	_ =	swait.ge [sflag:s25], $0x80  }
0x5b: {  	[sflag:s25] =	ssyncset.done $0x0  }
0x5c: {  	s19 =	simm.s32 $0x80;
	[sflag:s25] =	ssyncadd.s32 $0xFFFFFF80  }
0x5d: {  	[spmem:s3] =	stream.indirect.scatter.add.f32 [tilespmem:s4], [sflag:$0x3], $0x1, s19, s1, $0x2000b8;
	[tilespmem:$0x1FF20] =	vst v63  }
0x5e: {  	_ =	swait.ge [sflag:s25], $0x80  }
0x5f: {  	[sflag:s25] =	ssyncset.done $0x0  }
0x60: {  	s20 =	simm.s32 $0x100;
	[sflag:s25] =	ssyncadd.s32 $0xFFFFFF80  }
0x61: {  	[spmem:s3] =	stream.indirect.scatter.add.f32 [tilespmem:s26], [sflag:$0x3], $0x1, s20, s1, $0x2000b8;
	[tilespmem:$0x1FF20] =	vst v63  }
0x62: {  	_ =	swait.ge [sflag:s25], $0x80  }
0x63: {  	[sflag:s25] =	ssyncset.done $0x0  }
0x64: {  	s21 =	simm.s32 $0x180;
	[sflag:s25] =	ssyncadd.s32 $0xFFFFFF80  }
0x65: {  	[spmem:s3] =	stream.indirect.scatter.add.f32 [tilespmem:s28], [sflag:$0x3], $0x1, s21, s1, $0x2000b8;
	[tilespmem:$0x1FF20] =	vst v63  }
0x66: {  	s0 =	simm.s32 $0x380;
	_ =	swait.ge [sflag:s25], $0x80  }
0x67: {  	s9 =	simm.s32 $0x40;
	s12 =	simm.s32 $0x80;
	[sflag:s25] =	ssyncset.done $0x0  }
.LBB2_6:
0x68: {  	s16 =	sadd.s32 s9, s22  }
0x69: {  	[sflag:s25] =	ssyncadd.s32 $0xFFFFFF80;
	s9 =	smov.u32 s12;
	s19 =	sadd.s32 $0x40, s12  }
0x6a: {  	[tilespmem:s31], [sflag:$0x3] =	stream.linear.gather [hbm4b:s16+s6], $0x200, $0x200038;
	[tilespmem:$0x1FF20] =	vst v63  }
0x6b: {  	p0 =	sne.s32 s12, $0x9C0;
	_ =	swait.ge [sflag:s25], $0x200  }
0x6c: {  	[sflag:s25] =	ssyncset.done $0x0  }
0x6d: {  	s12 =	sadd.s32 $0xFFFFFE80, s0;
	[sflag:s25] =	ssyncadd.s32 $0xFFFFFE00  }
0x6e: {  	[spmem:s3] =	stream.indirect.scatter.add.f32 [tilespmem:s31], [sflag:$0x3], $0x1, s12, s1, $0x2000b8;
	[tilespmem:$0x1FF20] =	vst v63  }
0x6f: {  	_ =	swait.ge [sflag:s25], $0x80  }
0x70: {  	[sflag:s25] =	ssyncset.done $0x0  }
0x71: {  	s12 =	sadd.s32 $0xFFFFFF00, s0;
	[sflag:s25] =	ssyncadd.s32 $0xFFFFFF80  }
0x72: {  	[spmem:s3] =	stream.indirect.scatter.add.f32 [tilespmem:s4], [sflag:$0x3], $0x1, s12, s1, $0x2000b8;
	[tilespmem:$0x1FF20] =	vst v63  }
0x73: {  	_ =	swait.ge [sflag:s25], $0x80  }
0x74: {  	[sflag:s25] =	ssyncset.done $0x0  }
0x75: {  	s12 =	sadd.s32 $0xFFFFFF80, s0;
	[sflag:s25] =	ssyncadd.s32 $0xFFFFFF80  }
0x76: {  	[spmem:s3] =	stream.indirect.scatter.add.f32 [tilespmem:s26], [sflag:$0x3], $0x1, s12, s1, $0x2000b8;
	[tilespmem:$0x1FF20] =	vst v63  }
0x77: {  	_ =	swait.ge [sflag:s25], $0x80  }
.Ltmp2:
0x78: {  	[sflag:s25] =	ssyncset.done $0x0;
	(pc) =	sbr.rel @p0 .LBB2_6-.Ltmp2, $4  }
0x79: {  	[sflag:s25] =	ssyncadd.s32 $0xFFFFFF80  }
0x7a: {  	[spmem:s3] =	stream.indirect.scatter.add.f32 [tilespmem:s28], [sflag:$0x3], $0x1, s0, s1, $0x2000b8;
	[tilespmem:$0x1FF20] =	vst v63  }
0x7b: {  	_ =	swait.ge [sflag:s25], $0x80  }
0x7c: {  	s12 =	smov.u32 s19;
	s0 =	sadd.s32 $0x200, s0;
	[sflag:s25] =	ssyncset.done $0x0  }
0x7d: {  	s9 =	sadd.s32 s9, s22;
	[sflag:s25] =	ssyncadd.s32 $0xFFFFFF80  }
0x7e: {  	[tilespmem:s31], [sflag:$0x3] =	stream.linear.gather [hbm4b:s9+s6], $0x200, $0x200038;
	[tilespmem:$0x1FF20] =	vst v63  }
0x7f: {  	_ =	swait.ge [sflag:s25], $0x200  }
0x80: {  	[sflag:s25] =	ssyncset.done $0x0  }
0x81: {  	s19 =	sadd.s32 $0xFFFFFE80, s0;
	[sflag:s25] =	ssyncadd.s32 $0xFFFFFE00  }
0x82: {  	[spmem:s3] =	stream.indirect.scatter.add.f32 [tilespmem:s31], [sflag:$0x3], $0x1, s19, s1, $0x2000b8;
	[tilespmem:$0x1FF20] =	vst v63  }
0x83: {  	_ =	swait.ge [sflag:s25], $0x80  }
0x84: {  	[sflag:s25] =	ssyncset.done $0x0  }
0x85: {  	s20 =	sadd.s32 $0xFFFFFF00, s0;
	[sflag:s25] =	ssyncadd.s32 $0xFFFFFF80  }
0x86: {  	[spmem:s3] =	stream.indirect.scatter.add.f32 [tilespmem:s4], [sflag:$0x3], $0x1, s20, s1, $0x2000b8;
	[tilespmem:$0x1FF20] =	vst v63  }
0x87: {  	_ =	swait.ge [sflag:s25], $0x80  }
0x88: {  	[sflag:s25] =	ssyncset.done $0x0  }
0x89: {  	s21 =	sadd.s32 $0xFFFFFF80, s0;
	[sflag:s25] =	ssyncadd.s32 $0xFFFFFF80  }
0x8a: {  	[spmem:s3] =	stream.indirect.scatter.add.f32 [tilespmem:s26], [sflag:$0x3], $0x1, s21, s1, $0x2000b8;
	[tilespmem:$0x1FF20] =	vst v63  }
0x8b: {  	_ =	swait.ge [sflag:s25], $0x80  }
0x8c: {  	[sflag:s25] =	ssyncset.done $0x0  }
0x8d: {  	[sflag:s25] =	ssyncadd.s32 $0xFFFFFF80  }
0x8e: {  	[spmem:s3] =	stream.indirect.scatter.add.f32 [tilespmem:s28], [sflag:$0x3], $0x1, s0, s1, $0x2000b8;
	[tilespmem:$0x1FF20] =	vst v63  }
0x8f: {  	_ =	swait.ge [sflag:s25], $0x80  }
0x90: {  	[sflag:s25] =	ssyncset.done $0x0  }
0x91: {  	[sflag:s25] =	ssyncadd.s32 $0xFFFFFF80  }
0x92: {  	[bflag:$0x0] =	sbarrier.arrive $0xFFFF  }
0x93: {  	_ =	strace $0x90000048  }
0x94: {  	[tilespmem:s8], [sflag:$0x3] =	stream.linear.gather [spmem:s3], $0x2800, $0x38;
	[tilespmem:$0x1FF20] =	vst v63  }
0x95: {  	_ =	swait.ge [sflag:s25], $0x2800  }
0x96: {  	[sflag:s25] =	ssyncset.done $0x0  }
0x97: {  	s9 =	simm.s32 $0x40;
	s0 =	simm.s32 $0x0;
	[sflag:s25] =	ssyncadd.s32 $0xFFFFD800  }
.LBB2_8:
0x98: {  	p0 =	sne.s32 s9, $0x9FC0;
	v2 =	vld [tilespmem:s0+$0xF400];
	_ =	sdelay $0x4  }
0x99: {  	v3 =	vshrl.u32 v2, $0x1;
	v4 =	vmul.f32 $5.000000000e-01, v2  }
0x9a: {  	v3 =	vsub.s32 $0x5F3759DF, v3  }
0x9b: {  	v5 =	vmul.f32 v3, v4;
	_ =	sdelay $0x1  }
0x9c: {  	v5 =	vmul.f32 v3, v5;
	_ =	sdelay $0x1  }
0x9d: {  	v5 =	vsub.f32 $1.500000000e+00, v5;
	_ =	sdelay $0x1  }
0x9e: {  	v3 =	vmul.f32 v3, v5;
	_ =	sdelay $0x1  }
0x9f: {  	v5 =	vmul.f32 v3, v4;
	_ =	sdelay $0x1  }
0xa0: {  	v5 =	vmul.f32 v5, v3;
	_ =	sdelay $0x1  }
0xa1: {  	v5 =	vsub.f32 $1.500000000e+00, v5;
	_ =	sdelay $0x1  }
0xa2: {  	v3 =	vmul.f32 v5, v3;
	_ =	sdelay $0x1  }
0xa3: {  	v4 =	vmul.f32 v3, v4;
	_ =	sdelay $0x1  }
0xa4: {  	v4 =	vmul.f32 v4, v3;
	_ =	sdelay $0x1  }
0xa5: {  	v4 =	vsub.f32 $1.500000000e+00, v4  }
.Ltmp3:
0xa6: {  	(pc) =	sbr.rel @p0 .LBB2_8-.Ltmp3, $4  }
0xa7: {  	v3 =	vmul.f32 v4, v3  }
0xa8: {  	vm0 =	vgt.f32 v2, $0.0e+00  }
0xa9: {  	v2 =	vnsel vm0, $0x0, v3  }
0xaa: {  	[tilespmem:s0+$0xF400] =	vst v2;
	s0 =	sshra.s32 s9, $0x2;
	s9 =	sadd.s32 $0x40, s9  }
0xab: {  	v2 =	vld [tilespmem:s0+$0xF400];
	_ =	sdelay $0x4  }
0xac: {  	v3 =	vshrl.u32 v2, $0x1;
	v4 =	vmul.f32 $5.000000000e-01, v2  }
0xad: {  	v3 =	vsub.s32 $0x5F3759DF, v3  }
0xae: {  	v5 =	vmul.f32 v3, v4;
	_ =	sdelay $0x1  }
0xaf: {  	v5 =	vmul.f32 v3, v5;
	_ =	sdelay $0x1  }
0xb0: {  	v5 =	vsub.f32 $1.500000000e+00, v5;
	_ =	sdelay $0x1  }
0xb1: {  	v3 =	vmul.f32 v3, v5;
	_ =	sdelay $0x1  }
0xb2: {  	v5 =	vmul.f32 v3, v4;
	_ =	sdelay $0x1  }
0xb3: {  	v5 =	vmul.f32 v5, v3;
	_ =	sdelay $0x1  }
0xb4: {  	v5 =	vsub.f32 $1.500000000e+00, v5;
	_ =	sdelay $0x1  }
0xb5: {  	v3 =	vmul.f32 v5, v3;
	_ =	sdelay $0x1  }
0xb6: {  	v4 =	vmul.f32 v3, v4;
	_ =	sdelay $0x1  }
0xb7: {  	v4 =	vmul.f32 v4, v3;
	_ =	sdelay $0x1  }
0xb8: {  	v4 =	vsub.f32 $1.500000000e+00, v4;
	_ =	sdelay $0x1  }
0xb9: {  	v3 =	vmul.f32 v4, v3  }
0xba: {  	vm0 =	vgt.f32 v2, $0.0e+00  }
0xbb: {  	v2 =	vnsel vm0, $0x0, v3  }
0xbc: {  	[tilespmem:s0+$0xF400] =	vst v2  }
0xbd: {  	s12 =	simm.s32 $0x0;
	s20 =	smov.u32 s22;
	_ =	strace $0x80000049  }
0xbe: {  	s21 =	simm.s32 $0x0;
	s0 =	simm.s32 $0xF200;
	s16 =	rddreg [dreg:$0x17]  }
.LBB2_10:
0xbf: {  	[tilespmem:s31], [sflag:$0x3] =	stream.linear.gather [hbm4b:s20+s12], $0x200, $0x200038;
	[tilespmem:$0x1FF20] =	vst v63  }
0xc0: {  	_ =	swait.ge [sflag:s25], $0x200  }
0xc1: {  	[sflag:s25] =	ssyncset.done $0x0  }
0xc2: {  	[sflag:s25] =	ssyncadd.s32 $0xFFFFFE00  }
0xc3: {  	[tilespmem:s0], [sflag:$0x3] =	stream.linear.gather [hbm4b:s16+s12], $0x200, $0x200038;
	[tilespmem:$0x1FF20] =	vst v63  }
0xc4: {  	_ =	swait.ge [sflag:s25], $0x200  }
0xc5: {  	[sflag:s25] =	ssyncset.done $0x0  }
0xc6: {  	s19 =	sshra.s32 s21, $0x2;
	[sflag:s25] =	ssyncadd.s32 $0xFFFFFE00  }
0xc7: {  	v2 =	vld [tilespmem:s19+$0x0]  }
0xc8: {  	v3 =	vld [tilespmem:s19+$0x5000];
	_ =	sdelay $0x5  }
0xc9: {  	v4 =	vld [tilespmem:$0xF200]  }
0xca: {  	v2 =	vld.idx.msk [tilespmem:v2+s8+$0x0], $0xffff  }
0xcb: {  	v3 =	vld.idx.msk [tilespmem:v3+s8+$0x0], $0xffff;
	_ =	sdelay $0x1  }
0xcc: {  	v5 =	vld [tilespmem:$0xF000];
	_ =	sdelay $0x1  }
0xcd: {  	v6 =	vld [tilespmem:s19+$0x10]  }
0xce: {  	v52 =	vld [tilespmem:s19+$0x5010];
	v2 =	vmul.f32 v3, v2;
	v3 =	vmul.f32 $8.000000110e-01, v4;
	_ =	sdelay $0x1  }
0xcf: {  	v2 =	vmul.f32 v5, v2;
	v3 =	vsub.f32 $8.999999760e-01, v3;
	_ =	sdelay $0x1  }
0xd0: {  	v2 =	vmul.f32 v3, v2;
	_ =	sdelay $0x1  }
0xd1: {  	[tilespmem:s19+$0xA000] =	vst v2  }
0xd2: {  	v2 =	vld.idx.msk [tilespmem:v6+s8+$0x0], $0xffff  }
0xd3: {  	v3 =	vld.idx.msk [tilespmem:v52+s8+$0x0], $0xffff  }
0xd4: {  	v53 =	vld [tilespmem:$0xF210];
	_ =	sdelay $0x1  }
0xd5: {  	v54 =	vld [tilespmem:$0xF010];
	_ =	sdelay $0x1  }
0xd6: {  	v55 =	vld [tilespmem:s19+$0x20]  }
0xd7: {  	v56 =	vld [tilespmem:s19+$0x5020];
	v2 =	vmul.f32 v3, v2;
	v3 =	vmul.f32 $8.000000110e-01, v53;
	_ =	sdelay $0x1  }
0xd8: {  	v2 =	vmul.f32 v54, v2;
	v3 =	vsub.f32 $8.999999760e-01, v3;
	_ =	sdelay $0x1  }
0xd9: {  	v2 =	vmul.f32 v3, v2;
	_ =	sdelay $0x1  }
0xda: {  	[tilespmem:s19+$0xA010] =	vst v2  }
0xdb: {  	v2 =	vld.idx.msk [tilespmem:v55+s8+$0x0], $0xffff  }
0xdc: {  	v3 =	vld.idx.msk [tilespmem:v56+s8+$0x0], $0xffff  }
0xdd: {  	v57 =	vld [tilespmem:$0xF220];
	_ =	sdelay $0x1  }
0xde: {  	v58 =	vld [tilespmem:$0xF020];
	_ =	sdelay $0x1  }
0xdf: {  	v59 =	vld [tilespmem:s19+$0x30]  }
0xe0: {  	v60 =	vld [tilespmem:s19+$0x5030];
	v2 =	vmul.f32 v3, v2;
	v3 =	vmul.f32 $8.000000110e-01, v57;
	_ =	sdelay $0x1  }
0xe1: {  	v2 =	vmul.f32 v58, v2;
	v3 =	vsub.f32 $8.999999760e-01, v3;
	_ =	sdelay $0x1  }
0xe2: {  	v2 =	vmul.f32 v3, v2;
	_ =	sdelay $0x1  }
0xe3: {  	[tilespmem:s19+$0xA020] =	vst v2  }
0xe4: {  	v2 =	vld.idx.msk [tilespmem:v59+s8+$0x0], $0xffff  }
0xe5: {  	v3 =	vld.idx.msk [tilespmem:v60+s8+$0x0], $0xffff  }
0xe6: {  	v61 =	vld [tilespmem:$0xF230];
	_ =	sdelay $0x1  }
0xe7: {  	v62 =	vld [tilespmem:$0xF030];
	_ =	sdelay $0x1  }
0xe8: {  	v63 =	vld [tilespmem:s19+$0x40]  }
0xe9: {  	v8 =	vld [tilespmem:s19+$0x5040];
	v2 =	vmul.f32 v3, v2;
	v3 =	vmul.f32 $8.000000110e-01, v61;
	_ =	sdelay $0x1  }
0xea: {  	v2 =	vmul.f32 v62, v2;
	v3 =	vsub.f32 $8.999999760e-01, v3;
	_ =	sdelay $0x1  }
0xeb: {  	v2 =	vmul.f32 v3, v2;
	_ =	sdelay $0x1  }
0xec: {  	[tilespmem:s19+$0xA030] =	vst v2  }
0xed: {  	v2 =	vld.idx.msk [tilespmem:v63+s8+$0x0], $0xffff  }
0xee: {  	v3 =	vld.idx.msk [tilespmem:v8+s8+$0x0], $0xffff  }
0xef: {  	v9 =	vld [tilespmem:$0xF240];
	_ =	sdelay $0x1  }
0xf0: {  	v10 =	vld [tilespmem:$0xF040];
	_ =	sdelay $0x1  }
0xf1: {  	v11 =	vld [tilespmem:s19+$0x50]  }
0xf2: {  	v12 =	vld [tilespmem:s19+$0x5050];
	v2 =	vmul.f32 v3, v2;
	v3 =	vmul.f32 $8.000000110e-01, v9;
	_ =	sdelay $0x1  }
0xf3: {  	v2 =	vmul.f32 v10, v2;
	v3 =	vsub.f32 $8.999999760e-01, v3;
	_ =	sdelay $0x1  }
0xf4: {  	v2 =	vmul.f32 v3, v2;
	_ =	sdelay $0x1  }
0xf5: {  	[tilespmem:s19+$0xA040] =	vst v2  }
0xf6: {  	v2 =	vld.idx.msk [tilespmem:v11+s8+$0x0], $0xffff  }
0xf7: {  	v3 =	vld.idx.msk [tilespmem:v12+s8+$0x0], $0xffff  }
0xf8: {  	v13 =	vld [tilespmem:$0xF250];
	_ =	sdelay $0x1  }
0xf9: {  	v14 =	vld [tilespmem:$0xF050];
	_ =	sdelay $0x1  }
0xfa: {  	v15 =	vld [tilespmem:s19+$0x60]  }
0xfb: {  	v16 =	vld [tilespmem:s19+$0x5060];
	v2 =	vmul.f32 v3, v2;
	v3 =	vmul.f32 $8.000000110e-01, v13;
	_ =	sdelay $0x1  }
0xfc: {  	v2 =	vmul.f32 v14, v2;
	v3 =	vsub.f32 $8.999999760e-01, v3;
	_ =	sdelay $0x1  }
0xfd: {  	v2 =	vmul.f32 v3, v2;
	_ =	sdelay $0x1  }
0xfe: {  	[tilespmem:s19+$0xA050] =	vst v2  }
0xff: {  	v2 =	vld.idx.msk [tilespmem:v15+s8+$0x0], $0xffff  }
0x100: {  	v3 =	vld.idx.msk [tilespmem:v16+s8+$0x0], $0xffff  }
0x101: {  	v17 =	vld [tilespmem:$0xF260];
	_ =	sdelay $0x1  }
0x102: {  	v18 =	vld [tilespmem:$0xF060];
	_ =	sdelay $0x1  }
0x103: {  	v19 =	vld [tilespmem:s19+$0x70]  }
0x104: {  	v20 =	vld [tilespmem:s19+$0x5070];
	v2 =	vmul.f32 v3, v2;
	v3 =	vmul.f32 $8.000000110e-01, v17;
	_ =	sdelay $0x1  }
0x105: {  	v2 =	vmul.f32 v18, v2;
	v3 =	vsub.f32 $8.999999760e-01, v3;
	_ =	sdelay $0x1  }
0x106: {  	v2 =	vmul.f32 v3, v2;
	_ =	sdelay $0x1  }
0x107: {  	[tilespmem:s19+$0xA060] =	vst v2  }
0x108: {  	v2 =	vld.idx.msk [tilespmem:v19+s8+$0x0], $0xffff  }
0x109: {  	v3 =	vld.idx.msk [tilespmem:v20+s8+$0x0], $0xffff  }
0x10a: {  	v21 =	vld [tilespmem:$0xF270];
	_ =	sdelay $0x1  }
0x10b: {  	v22 =	vld [tilespmem:$0xF070];
	_ =	sdelay $0x1  }
0x10c: {  	v23 =	vld [tilespmem:s19+$0x80]  }
0x10d: {  	v24 =	vld [tilespmem:s19+$0x5080];
	v2 =	vmul.f32 v3, v2;
	v3 =	vmul.f32 $8.000000110e-01, v21;
	_ =	sdelay $0x1  }
0x10e: {  	v2 =	vmul.f32 v22, v2;
	v3 =	vsub.f32 $8.999999760e-01, v3;
	_ =	sdelay $0x1  }
0x10f: {  	v2 =	vmul.f32 v3, v2;
	_ =	sdelay $0x1  }
0x110: {  	[tilespmem:s19+$0xA070] =	vst v2  }
0x111: {  	v2 =	vld.idx.msk [tilespmem:v23+s8+$0x0], $0xffff  }
0x112: {  	v3 =	vld.idx.msk [tilespmem:v24+s8+$0x0], $0xffff  }
0x113: {  	v25 =	vld [tilespmem:$0xF280];
	_ =	sdelay $0x1  }
0x114: {  	v26 =	vld [tilespmem:$0xF080];
	_ =	sdelay $0x1  }
0x115: {  	v27 =	vld [tilespmem:s19+$0x90]  }
0x116: {  	v28 =	vld [tilespmem:s19+$0x5090];
	v2 =	vmul.f32 v3, v2;
	v3 =	vmul.f32 $8.000000110e-01, v25;
	_ =	sdelay $0x1  }
0x117: {  	v2 =	vmul.f32 v26, v2;
	v3 =	vsub.f32 $8.999999760e-01, v3;
	_ =	sdelay $0x1  }
0x118: {  	v2 =	vmul.f32 v3, v2;
	_ =	sdelay $0x1  }
0x119: {  	[tilespmem:s19+$0xA080] =	vst v2  }
0x11a: {  	v2 =	vld.idx.msk [tilespmem:v27+s8+$0x0], $0xffff  }
0x11b: {  	v3 =	vld.idx.msk [tilespmem:v28+s8+$0x0], $0xffff  }
0x11c: {  	v29 =	vld [tilespmem:$0xF290];
	_ =	sdelay $0x1  }
0x11d: {  	v30 =	vld [tilespmem:$0xF090];
	_ =	sdelay $0x1  }
0x11e: {  	v31 =	vld [tilespmem:s19+$0xA0]  }
0x11f: {  	v32 =	vld [tilespmem:s19+$0x50A0];
	v2 =	vmul.f32 v3, v2;
	v3 =	vmul.f32 $8.000000110e-01, v29;
	_ =	sdelay $0x1  }
0x120: {  	v2 =	vmul.f32 v30, v2;
	v3 =	vsub.f32 $8.999999760e-01, v3;
	_ =	sdelay $0x1  }
0x121: {  	v2 =	vmul.f32 v3, v2;
	_ =	sdelay $0x1  }
0x122: {  	[tilespmem:s19+$0xA090] =	vst v2  }
0x123: {  	v2 =	vld.idx.msk [tilespmem:v31+s8+$0x0], $0xffff  }
0x124: {  	v3 =	vld.idx.msk [tilespmem:v32+s8+$0x0], $0xffff  }
0x125: {  	v33 =	vld [tilespmem:$0xF2A0];
	_ =	sdelay $0x1  }
0x126: {  	v34 =	vld [tilespmem:$0xF0A0];
	_ =	sdelay $0x1  }
0x127: {  	v35 =	vld [tilespmem:s19+$0xB0]  }
0x128: {  	v36 =	vld [tilespmem:s19+$0x50B0];
	v2 =	vmul.f32 v3, v2;
	v3 =	vmul.f32 $8.000000110e-01, v33;
	_ =	sdelay $0x1  }
0x129: {  	v2 =	vmul.f32 v34, v2;
	v3 =	vsub.f32 $8.999999760e-01, v3;
	_ =	sdelay $0x1  }
0x12a: {  	v2 =	vmul.f32 v3, v2;
	_ =	sdelay $0x1  }
0x12b: {  	[tilespmem:s19+$0xA0A0] =	vst v2  }
0x12c: {  	v2 =	vld.idx.msk [tilespmem:v35+s8+$0x0], $0xffff  }
0x12d: {  	v3 =	vld.idx.msk [tilespmem:v36+s8+$0x0], $0xffff  }
0x12e: {  	v37 =	vld [tilespmem:$0xF2B0];
	_ =	sdelay $0x1  }
0x12f: {  	v38 =	vld [tilespmem:$0xF0B0];
	_ =	sdelay $0x1  }
0x130: {  	v39 =	vld [tilespmem:s19+$0xC0]  }
0x131: {  	v40 =	vld [tilespmem:s19+$0x50C0];
	v2 =	vmul.f32 v3, v2;
	v3 =	vmul.f32 $8.000000110e-01, v37;
	_ =	sdelay $0x1  }
0x132: {  	v2 =	vmul.f32 v38, v2;
	v3 =	vsub.f32 $8.999999760e-01, v3;
	_ =	sdelay $0x1  }
0x133: {  	v2 =	vmul.f32 v3, v2;
	_ =	sdelay $0x1  }
0x134: {  	[tilespmem:s19+$0xA0B0] =	vst v2  }
0x135: {  	v2 =	vld.idx.msk [tilespmem:v39+s8+$0x0], $0xffff  }
0x136: {  	v3 =	vld.idx.msk [tilespmem:v40+s8+$0x0], $0xffff  }
0x137: {  	v41 =	vld [tilespmem:$0xF2C0];
	_ =	sdelay $0x1  }
0x138: {  	v42 =	vld [tilespmem:$0xF0C0];
	_ =	sdelay $0x1  }
0x139: {  	v43 =	vld [tilespmem:s19+$0xD0]  }
0x13a: {  	v44 =	vld [tilespmem:s19+$0x50D0];
	v2 =	vmul.f32 v3, v2;
	v3 =	vmul.f32 $8.000000110e-01, v41;
	_ =	sdelay $0x1  }
0x13b: {  	v2 =	vmul.f32 v42, v2;
	v3 =	vsub.f32 $8.999999760e-01, v3;
	_ =	sdelay $0x1  }
0x13c: {  	v2 =	vmul.f32 v3, v2;
	_ =	sdelay $0x1  }
0x13d: {  	[tilespmem:s19+$0xA0C0] =	vst v2  }
0x13e: {  	v2 =	vld.idx.msk [tilespmem:v43+s8+$0x0], $0xffff  }
0x13f: {  	v3 =	vld.idx.msk [tilespmem:v44+s8+$0x0], $0xffff  }
0x140: {  	v45 =	vld [tilespmem:$0xF2D0];
	_ =	sdelay $0x1  }
0x141: {  	v46 =	vld [tilespmem:$0xF0D0];
	_ =	sdelay $0x1  }
0x142: {  	v47 =	vld [tilespmem:s19+$0xE0]  }
0x143: {  	v48 =	vld [tilespmem:s19+$0x50E0];
	v2 =	vmul.f32 v3, v2;
	v3 =	vmul.f32 $8.000000110e-01, v45;
	_ =	sdelay $0x1  }
0x144: {  	v2 =	vmul.f32 v46, v2;
	v3 =	vsub.f32 $8.999999760e-01, v3;
	_ =	sdelay $0x1  }
0x145: {  	v2 =	vmul.f32 v3, v2;
	_ =	sdelay $0x1  }
0x146: {  	[tilespmem:s19+$0xA0D0] =	vst v2  }
0x147: {  	v2 =	vld.idx.msk [tilespmem:v47+s8+$0x0], $0xffff  }
0x148: {  	v3 =	vld.idx.msk [tilespmem:v48+s8+$0x0], $0xffff  }
0x149: {  	v49 =	vld [tilespmem:$0xF2E0];
	_ =	sdelay $0x1  }
0x14a: {  	v50 =	vld [tilespmem:$0xF0E0];
	_ =	sdelay $0x1  }
0x14b: {  	v51 =	vld [tilespmem:s19+$0xF0]  }
0x14c: {  	v52 =	vld [tilespmem:s19+$0x50F0];
	v2 =	vmul.f32 v3, v2;
	v3 =	vmul.f32 $8.000000110e-01, v49;
	_ =	sdelay $0x1  }
0x14d: {  	v2 =	vmul.f32 v50, v2;
	v3 =	vsub.f32 $8.999999760e-01, v3;
	_ =	sdelay $0x1  }
0x14e: {  	v2 =	vmul.f32 v3, v2;
	_ =	sdelay $0x1  }
0x14f: {  	[tilespmem:s19+$0xA0E0] =	vst v2  }
0x150: {  	v2 =	vld.idx.msk [tilespmem:v51+s8+$0x0], $0xffff  }
0x151: {  	v3 =	vld.idx.msk [tilespmem:v52+s8+$0x0], $0xffff  }
0x152: {  	v53 =	vld [tilespmem:$0xF2F0];
	_ =	sdelay $0x1  }
0x153: {  	v54 =	vld [tilespmem:$0xF0F0];
	_ =	sdelay $0x1  }
0x154: {  	v55 =	vld [tilespmem:s19+$0x100]  }
0x155: {  	v56 =	vld [tilespmem:s19+$0x5100];
	v2 =	vmul.f32 v3, v2;
	v3 =	vmul.f32 $8.000000110e-01, v53;
	_ =	sdelay $0x1  }
0x156: {  	v2 =	vmul.f32 v54, v2;
	v3 =	vsub.f32 $8.999999760e-01, v3;
	_ =	sdelay $0x1  }
0x157: {  	v2 =	vmul.f32 v3, v2;
	_ =	sdelay $0x1  }
0x158: {  	[tilespmem:s19+$0xA0F0] =	vst v2  }
0x159: {  	v2 =	vld.idx.msk [tilespmem:v55+s8+$0x0], $0xffff  }
0x15a: {  	v3 =	vld.idx.msk [tilespmem:v56+s8+$0x0], $0xffff  }
0x15b: {  	v57 =	vld [tilespmem:$0xF300];
	_ =	sdelay $0x1  }
0x15c: {  	v58 =	vld [tilespmem:$0xF100];
	_ =	sdelay $0x1  }
0x15d: {  	v59 =	vld [tilespmem:s19+$0x110]  }
0x15e: {  	v60 =	vld [tilespmem:s19+$0x5110];
	v2 =	vmul.f32 v3, v2;
	v3 =	vmul.f32 $8.000000110e-01, v57;
	_ =	sdelay $0x1  }
0x15f: {  	v2 =	vmul.f32 v58, v2;
	v3 =	vsub.f32 $8.999999760e-01, v3;
	_ =	sdelay $0x1  }
0x160: {  	v2 =	vmul.f32 v3, v2;
	_ =	sdelay $0x1  }
0x161: {  	[tilespmem:s19+$0xA100] =	vst v2  }
0x162: {  	v2 =	vld.idx.msk [tilespmem:v59+s8+$0x0], $0xffff  }
0x163: {  	v3 =	vld.idx.msk [tilespmem:v60+s8+$0x0], $0xffff  }
0x164: {  	v61 =	vld [tilespmem:$0xF310];
	_ =	sdelay $0x1  }
0x165: {  	v62 =	vld [tilespmem:$0xF110];
	_ =	sdelay $0x1  }
0x166: {  	v63 =	vld [tilespmem:s19+$0x120]  }
0x167: {  	v9 =	vld [tilespmem:s19+$0x5120];
	v2 =	vmul.f32 v3, v2;
	v3 =	vmul.f32 $8.000000110e-01, v61;
	_ =	sdelay $0x1  }
0x168: {  	v2 =	vmul.f32 v62, v2;
	v3 =	vsub.f32 $8.999999760e-01, v3;
	_ =	sdelay $0x1  }
0x169: {  	v2 =	vmul.f32 v3, v2;
	_ =	sdelay $0x1  }
0x16a: {  	[tilespmem:s19+$0xA110] =	vst v2  }
0x16b: {  	v2 =	vld.idx.msk [tilespmem:v63+s8+$0x0], $0xffff  }
0x16c: {  	v3 =	vld.idx.msk [tilespmem:v9+s8+$0x0], $0xffff  }
0x16d: {  	v10 =	vld [tilespmem:$0xF320];
	_ =	sdelay $0x1  }
0x16e: {  	v11 =	vld [tilespmem:$0xF120];
	_ =	sdelay $0x1  }
0x16f: {  	v12 =	vld [tilespmem:s19+$0x130]  }
0x170: {  	v13 =	vld [tilespmem:s19+$0x5130];
	v2 =	vmul.f32 v3, v2;
	v3 =	vmul.f32 $8.000000110e-01, v10;
	_ =	sdelay $0x1  }
0x171: {  	v2 =	vmul.f32 v11, v2;
	v3 =	vsub.f32 $8.999999760e-01, v3;
	_ =	sdelay $0x1  }
0x172: {  	v2 =	vmul.f32 v3, v2;
	_ =	sdelay $0x1  }
0x173: {  	[tilespmem:s19+$0xA120] =	vst v2  }
0x174: {  	v2 =	vld.idx.msk [tilespmem:v12+s8+$0x0], $0xffff  }
0x175: {  	v3 =	vld.idx.msk [tilespmem:v13+s8+$0x0], $0xffff  }
0x176: {  	v14 =	vld [tilespmem:$0xF330];
	_ =	sdelay $0x1  }
0x177: {  	v15 =	vld [tilespmem:$0xF130];
	_ =	sdelay $0x1  }
0x178: {  	v16 =	vld [tilespmem:s19+$0x140]  }
0x179: {  	v17 =	vld [tilespmem:s19+$0x5140];
	v2 =	vmul.f32 v3, v2;
	v3 =	vmul.f32 $8.000000110e-01, v14;
	_ =	sdelay $0x1  }
0x17a: {  	v2 =	vmul.f32 v15, v2;
	v3 =	vsub.f32 $8.999999760e-01, v3;
	_ =	sdelay $0x1  }
0x17b: {  	v2 =	vmul.f32 v3, v2;
	_ =	sdelay $0x1  }
0x17c: {  	[tilespmem:s19+$0xA130] =	vst v2  }
0x17d: {  	v2 =	vld.idx.msk [tilespmem:v16+s8+$0x0], $0xffff  }
0x17e: {  	v3 =	vld.idx.msk [tilespmem:v17+s8+$0x0], $0xffff  }
0x17f: {  	v18 =	vld [tilespmem:$0xF340];
	_ =	sdelay $0x1  }
0x180: {  	v19 =	vld [tilespmem:$0xF140];
	_ =	sdelay $0x1  }
0x181: {  	v20 =	vld [tilespmem:s19+$0x150]  }
0x182: {  	v21 =	vld [tilespmem:s19+$0x5150];
	v2 =	vmul.f32 v3, v2;
	v3 =	vmul.f32 $8.000000110e-01, v18;
	_ =	sdelay $0x1  }
0x183: {  	v2 =	vmul.f32 v19, v2;
	v3 =	vsub.f32 $8.999999760e-01, v3;
	_ =	sdelay $0x1  }
0x184: {  	v2 =	vmul.f32 v3, v2;
	_ =	sdelay $0x1  }
0x185: {  	[tilespmem:s19+$0xA140] =	vst v2  }
0x186: {  	v2 =	vld.idx.msk [tilespmem:v20+s8+$0x0], $0xffff  }
0x187: {  	v3 =	vld.idx.msk [tilespmem:v21+s8+$0x0], $0xffff  }
0x188: {  	v22 =	vld [tilespmem:$0xF350];
	_ =	sdelay $0x1  }
0x189: {  	v23 =	vld [tilespmem:$0xF150];
	_ =	sdelay $0x1  }
0x18a: {  	v24 =	vld [tilespmem:s19+$0x160]  }
0x18b: {  	v25 =	vld [tilespmem:s19+$0x5160];
	v2 =	vmul.f32 v3, v2;
	v3 =	vmul.f32 $8.000000110e-01, v22;
	_ =	sdelay $0x1  }
0x18c: {  	v2 =	vmul.f32 v23, v2;
	v3 =	vsub.f32 $8.999999760e-01, v3;
	_ =	sdelay $0x1  }
0x18d: {  	v2 =	vmul.f32 v3, v2;
	_ =	sdelay $0x1  }
0x18e: {  	[tilespmem:s19+$0xA150] =	vst v2  }
0x18f: {  	v2 =	vld.idx.msk [tilespmem:v24+s8+$0x0], $0xffff  }
0x190: {  	v3 =	vld.idx.msk [tilespmem:v25+s8+$0x0], $0xffff  }
0x191: {  	v26 =	vld [tilespmem:$0xF360];
	_ =	sdelay $0x1  }
0x192: {  	v27 =	vld [tilespmem:$0xF160];
	_ =	sdelay $0x1  }
0x193: {  	v28 =	vld [tilespmem:s19+$0x170]  }
0x194: {  	v29 =	vld [tilespmem:s19+$0x5170];
	v2 =	vmul.f32 v3, v2;
	v3 =	vmul.f32 $8.000000110e-01, v26;
	_ =	sdelay $0x1  }
0x195: {  	v2 =	vmul.f32 v27, v2;
	v3 =	vsub.f32 $8.999999760e-01, v3;
	_ =	sdelay $0x1  }
0x196: {  	v2 =	vmul.f32 v3, v2;
	_ =	sdelay $0x1  }
0x197: {  	[tilespmem:s19+$0xA160] =	vst v2  }
0x198: {  	v2 =	vld.idx.msk [tilespmem:v28+s8+$0x0], $0xffff  }
0x199: {  	v3 =	vld.idx.msk [tilespmem:v29+s8+$0x0], $0xffff  }
0x19a: {  	v30 =	vld [tilespmem:$0xF370];
	_ =	sdelay $0x1  }
0x19b: {  	v31 =	vld [tilespmem:$0xF170];
	_ =	sdelay $0x1  }
0x19c: {  	v32 =	vld [tilespmem:s19+$0x180]  }
0x19d: {  	v33 =	vld [tilespmem:s19+$0x5180];
	v2 =	vmul.f32 v3, v2;
	v3 =	vmul.f32 $8.000000110e-01, v30;
	_ =	sdelay $0x1  }
0x19e: {  	v2 =	vmul.f32 v31, v2;
	v3 =	vsub.f32 $8.999999760e-01, v3;
	_ =	sdelay $0x1  }
0x19f: {  	v2 =	vmul.f32 v3, v2;
	_ =	sdelay $0x1  }
0x1a0: {  	[tilespmem:s19+$0xA170] =	vst v2  }
0x1a1: {  	v2 =	vld.idx.msk [tilespmem:v32+s8+$0x0], $0xffff  }
0x1a2: {  	v3 =	vld.idx.msk [tilespmem:v33+s8+$0x0], $0xffff  }
0x1a3: {  	v34 =	vld [tilespmem:$0xF380];
	_ =	sdelay $0x1  }
0x1a4: {  	v35 =	vld [tilespmem:$0xF180];
	_ =	sdelay $0x1  }
0x1a5: {  	v36 =	vld [tilespmem:s19+$0x190]  }
0x1a6: {  	v37 =	vld [tilespmem:s19+$0x5190];
	v2 =	vmul.f32 v3, v2;
	v3 =	vmul.f32 $8.000000110e-01, v34;
	_ =	sdelay $0x1  }
0x1a7: {  	v2 =	vmul.f32 v35, v2;
	v3 =	vsub.f32 $8.999999760e-01, v3;
	_ =	sdelay $0x1  }
0x1a8: {  	v2 =	vmul.f32 v3, v2;
	_ =	sdelay $0x1  }
0x1a9: {  	[tilespmem:s19+$0xA180] =	vst v2  }
0x1aa: {  	v2 =	vld.idx.msk [tilespmem:v36+s8+$0x0], $0xffff  }
0x1ab: {  	v3 =	vld.idx.msk [tilespmem:v37+s8+$0x0], $0xffff  }
0x1ac: {  	v38 =	vld [tilespmem:$0xF390];
	_ =	sdelay $0x1  }
0x1ad: {  	v39 =	vld [tilespmem:$0xF190];
	_ =	sdelay $0x1  }
0x1ae: {  	v40 =	vld [tilespmem:s19+$0x1A0]  }
0x1af: {  	v41 =	vld [tilespmem:s19+$0x51A0];
	v2 =	vmul.f32 v3, v2;
	v3 =	vmul.f32 $8.000000110e-01, v38;
	_ =	sdelay $0x1  }
0x1b0: {  	v2 =	vmul.f32 v39, v2;
	v3 =	vsub.f32 $8.999999760e-01, v3;
	_ =	sdelay $0x1  }
0x1b1: {  	v2 =	vmul.f32 v3, v2;
	_ =	sdelay $0x1  }
0x1b2: {  	[tilespmem:s19+$0xA190] =	vst v2  }
0x1b3: {  	v2 =	vld.idx.msk [tilespmem:v40+s8+$0x0], $0xffff  }
0x1b4: {  	v3 =	vld.idx.msk [tilespmem:v41+s8+$0x0], $0xffff  }
0x1b5: {  	v42 =	vld [tilespmem:$0xF3A0];
	_ =	sdelay $0x1  }
0x1b6: {  	v43 =	vld [tilespmem:$0xF1A0];
	_ =	sdelay $0x1  }
0x1b7: {  	v44 =	vld [tilespmem:s19+$0x1B0]  }
0x1b8: {  	v45 =	vld [tilespmem:s19+$0x51B0];
	v2 =	vmul.f32 v3, v2;
	v3 =	vmul.f32 $8.000000110e-01, v42;
	_ =	sdelay $0x1  }
0x1b9: {  	v2 =	vmul.f32 v43, v2;
	v3 =	vsub.f32 $8.999999760e-01, v3;
	_ =	sdelay $0x1  }
0x1ba: {  	v2 =	vmul.f32 v3, v2;
	_ =	sdelay $0x1  }
0x1bb: {  	[tilespmem:s19+$0xA1A0] =	vst v2  }
0x1bc: {  	v2 =	vld.idx.msk [tilespmem:v44+s8+$0x0], $0xffff  }
0x1bd: {  	v3 =	vld.idx.msk [tilespmem:v45+s8+$0x0], $0xffff  }
0x1be: {  	v46 =	vld [tilespmem:$0xF3B0];
	_ =	sdelay $0x1  }
0x1bf: {  	v47 =	vld [tilespmem:$0xF1B0];
	_ =	sdelay $0x1  }
0x1c0: {  	v48 =	vld [tilespmem:s19+$0x1C0]  }
0x1c1: {  	v49 =	vld [tilespmem:s19+$0x51C0];
	v2 =	vmul.f32 v3, v2;
	v3 =	vmul.f32 $8.000000110e-01, v46;
	_ =	sdelay $0x1  }
0x1c2: {  	v2 =	vmul.f32 v47, v2;
	v3 =	vsub.f32 $8.999999760e-01, v3;
	_ =	sdelay $0x1  }
0x1c3: {  	v2 =	vmul.f32 v3, v2;
	_ =	sdelay $0x1  }
0x1c4: {  	[tilespmem:s19+$0xA1B0] =	vst v2  }
0x1c5: {  	v2 =	vld.idx.msk [tilespmem:v48+s8+$0x0], $0xffff  }
0x1c6: {  	v3 =	vld.idx.msk [tilespmem:v49+s8+$0x0], $0xffff  }
0x1c7: {  	v50 =	vld [tilespmem:$0xF3C0];
	_ =	sdelay $0x1  }
0x1c8: {  	v51 =	vld [tilespmem:$0xF1C0];
	_ =	sdelay $0x1  }
0x1c9: {  	v52 =	vld [tilespmem:s19+$0x1D0]  }
0x1ca: {  	v53 =	vld [tilespmem:s19+$0x51D0];
	v2 =	vmul.f32 v3, v2;
	v3 =	vmul.f32 $8.000000110e-01, v50;
	_ =	sdelay $0x1  }
0x1cb: {  	v2 =	vmul.f32 v51, v2;
	v3 =	vsub.f32 $8.999999760e-01, v3;
	_ =	sdelay $0x1  }
0x1cc: {  	v2 =	vmul.f32 v3, v2;
	_ =	sdelay $0x1  }
0x1cd: {  	[tilespmem:s19+$0xA1C0] =	vst v2  }
0x1ce: {  	v2 =	vld.idx.msk [tilespmem:v52+s8+$0x0], $0xffff  }
0x1cf: {  	v3 =	vld.idx.msk [tilespmem:v53+s8+$0x0], $0xffff  }
0x1d0: {  	v54 =	vld [tilespmem:$0xF3D0];
	_ =	sdelay $0x1  }
0x1d1: {  	v55 =	vld [tilespmem:$0xF1D0];
	_ =	sdelay $0x1  }
0x1d2: {  	v56 =	vld [tilespmem:s19+$0x1E0]  }
0x1d3: {  	v57 =	vld [tilespmem:s19+$0x51E0];
	v2 =	vmul.f32 v3, v2;
	v3 =	vmul.f32 $8.000000110e-01, v54;
	_ =	sdelay $0x1  }
0x1d4: {  	v2 =	vmul.f32 v55, v2;
	v3 =	vsub.f32 $8.999999760e-01, v3;
	_ =	sdelay $0x1  }
0x1d5: {  	v2 =	vmul.f32 v3, v2;
	_ =	sdelay $0x1  }
0x1d6: {  	[tilespmem:s19+$0xA1D0] =	vst v2  }
0x1d7: {  	v2 =	vld.idx.msk [tilespmem:v56+s8+$0x0], $0xffff  }
0x1d8: {  	v3 =	vld.idx.msk [tilespmem:v57+s8+$0x0], $0xffff  }
0x1d9: {  	v58 =	vld [tilespmem:$0xF3E0];
	_ =	sdelay $0x1  }
0x1da: {  	v59 =	vld [tilespmem:$0xF1E0];
	_ =	sdelay $0x1  }
0x1db: {  	v60 =	vld [tilespmem:s19+$0x1F0]  }
0x1dc: {  	v61 =	vld [tilespmem:s19+$0x51F0];
	v2 =	vmul.f32 v3, v2;
	v3 =	vmul.f32 $8.000000110e-01, v58;
	_ =	sdelay $0x1  }
0x1dd: {  	v2 =	vmul.f32 v59, v2;
	v3 =	vsub.f32 $8.999999760e-01, v3;
	_ =	sdelay $0x1  }
0x1de: {  	v2 =	vmul.f32 v3, v2;
	_ =	sdelay $0x1  }
0x1df: {  	[tilespmem:s19+$0xA1E0] =	vst v2  }
0x1e0: {  	v2 =	vld.idx.msk [tilespmem:v60+s8+$0x0], $0xffff  }
0x1e1: {  	v3 =	vld.idx.msk [tilespmem:v61+s8+$0x0], $0xffff  }
0x1e2: {  	v62 =	vld [tilespmem:$0xF3F0];
	_ =	sdelay $0x1  }
0x1e3: {  	v63 =	vld [tilespmem:$0xF1F0];
	_ =	sdelay $0x2  }
0x1e4: {  	v2 =	vmul.f32 v3, v2;
	v3 =	vmul.f32 $8.000000110e-01, v62  }
0x1e5: {  	p0 =	sne.s32 s21, $0x13800  }
.Ltmp4:
0x1e6: {  	v2 =	vmul.f32 v63, v2;
	v3 =	vsub.f32 $8.999999760e-01, v3;
	(pc) =	sbr.rel @p0 .LBB2_10-.Ltmp4, $3  }
0x1e7: {  	_ = 	snop  }
0x1e8: {  	v2 =	vmul.f32 v3, v2;
	_ =	sdelay $0x1  }
0x1e9: {  	s20 =	sadd.s32 $0x40, s20;
	s21 =	sadd.s32 $0x800, s21;
	s16 =	sadd.s32 $0x40, s16;
	[tilespmem:s19+$0xA1F0] =	vst v2  }
0x1ea: {  	s0 =	simm.s32 $0x0  }
0x1eb: {  	v4 =	vld [tilespmem:s0+$0x0]  }
0x1ec: {  	v6 =	vld [tilespmem:s0+$0x10]  }
0x1ed: {  	v5 =	vld [tilespmem:s0+$0x20]  }
0x1ee: {  	v3 =	vld [tilespmem:s0+$0x30]  }
0x1ef: {  	v2 =	vld [tilespmem:s0+$0x40]  }
0x1f0: {  	v7 =	vadd.s32 v0, v4;
	v4 =	vld [tilespmem:s0+$0x50]  }
0x1f1: {  	s9 =	simm.s32 $0x200;
	[tilespmem:s0+$0x0] =	vst v7;
	v7 =	vadd.s32 v0, v6;
	v6 =	vld [tilespmem:s0+$0x60]  }
.LBB2_12:
0x1f2: {  	s12 =	sshra.s32 s9, $0x2;
	p0 =	sne.s32 s9, $0x13E00;
	[tilespmem:s0+$0x10] =	vst v7;
	v5 =	vadd.s32 v0, v5;
	v7 =	vld [tilespmem:s0+$0x70]  }
0x1f3: {  	v8 =	vld [tilespmem:s12+$0x0];
	[tilespmem:s0+$0x20] =	vst v5;
	v3 =	vadd.s32 v0, v3  }
0x1f4: {  	v9 =	vld [tilespmem:s12+$0x10];
	[tilespmem:s0+$0x30] =	vst v3;
	v2 =	vadd.s32 v0, v2  }
.Ltmp5:
0x1f5: {  	v5 =	vld [tilespmem:s12+$0x20];
	[tilespmem:s0+$0x40] =	vst v2;
	v2 =	vadd.s32 v0, v4;
	(pc) =	sbr.rel @p0 .LBB2_12-.Ltmp5, $4  }
0x1f6: {  	v3 =	vld [tilespmem:s12+$0x30];
	[tilespmem:s0+$0x50] =	vst v2;
	v4 =	vadd.s32 v0, v6  }
0x1f7: {  	v2 =	vld [tilespmem:s12+$0x40];
	[tilespmem:s0+$0x60] =	vst v4;
	v6 =	vadd.s32 v0, v7  }
0x1f8: {  	v7 =	vadd.s32 v0, v8;
	v4 =	vld [tilespmem:s12+$0x50];
	[tilespmem:s0+$0x70] =	vst v6;
	s0 =	smov.u32 s12  }
0x1f9: {  	s9 =	sadd.s32 $0x200, s9;
	[tilespmem:s0+$0x0] =	vst v7;
	v7 =	vadd.s32 v0, v9;
	v6 =	vld [tilespmem:s0+$0x60]  }
0x1fa: {  	[tilespmem:s0+$0x10] =	vst v7;
	v5 =	vadd.s32 v0, v5;
	v63 =	vld [tilespmem:s0+$0x70]  }
0x1fb: {  	[tilespmem:s0+$0x20] =	vst v5;
	v3 =	vadd.s32 v0, v3  }
0x1fc: {  	[tilespmem:s0+$0x30] =	vst v3;
	v2 =	vadd.s32 v0, v2  }
0x1fd: {  	[tilespmem:s0+$0x40] =	vst v2;
	v2 =	vadd.s32 v0, v4  }
0x1fe: {  	[tilespmem:s0+$0x50] =	vst v2;
	v2 =	vadd.s32 v0, v6  }
0x1ff: {  	[tilespmem:s0+$0x60] =	vst v2;
	v2 =	vadd.s32 v0, v63  }
0x200: {  	[tilespmem:s0+$0x70] =	vst v2  }
0x201: {  	_ =	strace $0x90000049  }
0x202: {  	_ =	strace $0x8000004A  }
0x203: {  	s20 =	simm.s32 $0x0;
	s21 =	rddreg [dreg:$0x0]  }
0x204: {  	[tilespmem:s30], [sflag:$0x1] =	stream.indirect.gather [hbm4b:s21+s1], $0x40, s20, s1, $0x2000b8;
	[tilespmem:$0x1FF20] =	vst v63  }
0x205: {  	s16 =	simm.s32 $0xA080;
	s21 =	simm.s32 $0xA000  }
.LBB2_14:
0x206: {  	s0 =	sshll.u32 s20, $0x8  }
0x207: {  	s19 =	rddreg [dreg:$0x0];
	s12 =	sor.u32 $0x80, s0  }
0x208: {  	v2 =	vmov s21;
	[tilespmem:s15], [sflag:$0x2] =	stream.indirect.gather [hbm4b:s19+s1], $0x40, s12, s1, $0x2000b8;
	[tilespmem:$0x1FF20] =	vst v63  }
0x209: {  	_ =	swait.ge [sflag:s17], $0x2000  }
0x20a: {  	s9 =	simm.s32 $0x11E50;
	[sflag:s17] =	ssyncset.done $0x0  }
0x20b: {  	s0 =	simm.s32 $0x0;
	s19 =	sshll.u32 s20, $0xA;
	[sflag:s17] =	ssyncadd.s32 $0xFFFFE000  }
.LBB2_15:
0x20c: {  	s2 =	sshra.s32 s0, $0x2  }
0x20d: {  	v3 =	vld.idx.msk [tilespmem:v2+s2+$0x0 ss:$0x1], $0xffff;
	_ =	sdelay $0x1  }
0x20e: {  	v4 =	vld [tilespmem:s9+$0xFFFFFE00];
	_ =	sdelay $0x1  }
0x20f: {  	v43 =	vld [tilespmem:s9+$0xFFFFFE10]  }
0x210: {  	v5 =	vbroadcast v3, $0x0  }
0x211: {  	v44 =	vld [tilespmem:s9+$0xFFFFFE20]  }
0x212: {  	v4 =	vmul.f32 v5, v4  }
0x213: {  	v45 =	vld [tilespmem:s9+$0xFFFFFE30]  }
0x214: {  	[tilespmem:s9+$0xFFFFFE00] =	vst v4;
	v4 =	vmul.f32 v43, v5  }
0x215: {  	v46 =	vld [tilespmem:s9+$0xFFFFFE40]  }
0x216: {  	[tilespmem:s9+$0xFFFFFE10] =	vst v4;
	v4 =	vmul.f32 v44, v5  }
0x217: {  	v48 =	vld [tilespmem:s9+$0xFFFFFE50]  }
0x218: {  	v47 =	vbroadcast v3, $0x1;
	[tilespmem:s9+$0xFFFFFE20] =	vst v4;
	v4 =	vmul.f32 v45, v5  }
0x219: {  	v49 =	vld [tilespmem:s9+$0xFFFFFE60]  }
0x21a: {  	[tilespmem:s9+$0xFFFFFE30] =	vst v4;
	v4 =	vmul.f32 v46, v47  }
0x21b: {  	v50 =	vld [tilespmem:s9+$0xFFFFFE70]  }
0x21c: {  	[tilespmem:s9+$0xFFFFFE40] =	vst v4;
	v4 =	vmul.f32 v48, v47  }
0x21d: {  	v51 =	vld [tilespmem:s9+$0xFFFFFE80]  }
0x21e: {  	[tilespmem:s9+$0xFFFFFE50] =	vst v4;
	v4 =	vmul.f32 v49, v47  }
0x21f: {  	v53 =	vld [tilespmem:s9+$0xFFFFFE90]  }
0x220: {  	v52 =	vbroadcast v3, $0x2;
	[tilespmem:s9+$0xFFFFFE60] =	vst v4;
	v4 =	vmul.f32 v50, v47  }
0x221: {  	v54 =	vld [tilespmem:s9+$0xFFFFFEA0]  }
0x222: {  	[tilespmem:s9+$0xFFFFFE70] =	vst v4;
	v4 =	vmul.f32 v51, v52  }
0x223: {  	v55 =	vld [tilespmem:s9+$0xFFFFFEB0]  }
0x224: {  	[tilespmem:s9+$0xFFFFFE80] =	vst v4;
	v4 =	vmul.f32 v53, v52  }
0x225: {  	v56 =	vld [tilespmem:s9+$0xFFFFFEC0]  }
0x226: {  	[tilespmem:s9+$0xFFFFFE90] =	vst v4;
	v4 =	vmul.f32 v54, v52  }
0x227: {  	v58 =	vld [tilespmem:s9+$0xFFFFFED0]  }
0x228: {  	v57 =	vbroadcast v3, $0x3;
	[tilespmem:s9+$0xFFFFFEA0] =	vst v4;
	v4 =	vmul.f32 v55, v52  }
0x229: {  	v59 =	vld [tilespmem:s9+$0xFFFFFEE0]  }
0x22a: {  	[tilespmem:s9+$0xFFFFFEB0] =	vst v4;
	v4 =	vmul.f32 v56, v57  }
0x22b: {  	v60 =	vld [tilespmem:s9+$0xFFFFFEF0]  }
0x22c: {  	[tilespmem:s9+$0xFFFFFEC0] =	vst v4;
	v4 =	vmul.f32 v58, v57  }
0x22d: {  	v61 =	vld [tilespmem:s9+$0xFFFFFF00]  }
0x22e: {  	[tilespmem:s9+$0xFFFFFED0] =	vst v4;
	v4 =	vmul.f32 v59, v57  }
0x22f: {  	v63 =	vld [tilespmem:s9+$0xFFFFFF10]  }
0x230: {  	v62 =	vbroadcast v3, $0x4;
	[tilespmem:s9+$0xFFFFFEE0] =	vst v4;
	v4 =	vmul.f32 v60, v57  }
0x231: {  	v8 =	vld [tilespmem:s9+$0xFFFFFF20]  }
0x232: {  	[tilespmem:s9+$0xFFFFFEF0] =	vst v4;
	v4 =	vmul.f32 v61, v62  }
0x233: {  	v9 =	vld [tilespmem:s9+$0xFFFFFF30]  }
0x234: {  	[tilespmem:s9+$0xFFFFFF00] =	vst v4;
	v4 =	vmul.f32 v63, v62  }
0x235: {  	v10 =	vld [tilespmem:s9+$0xFFFFFF40]  }
0x236: {  	[tilespmem:s9+$0xFFFFFF10] =	vst v4;
	v4 =	vmul.f32 v8, v62  }
0x237: {  	v12 =	vld [tilespmem:s9+$0xFFFFFF50]  }
0x238: {  	v11 =	vbroadcast v3, $0x5;
	[tilespmem:s9+$0xFFFFFF20] =	vst v4;
	v4 =	vmul.f32 v9, v62  }
0x239: {  	v13 =	vld [tilespmem:s9+$0xFFFFFF60]  }
0x23a: {  	[tilespmem:s9+$0xFFFFFF30] =	vst v4;
	v4 =	vmul.f32 v10, v11  }
0x23b: {  	v14 =	vld [tilespmem:s9+$0xFFFFFF70]  }
0x23c: {  	[tilespmem:s9+$0xFFFFFF40] =	vst v4;
	v4 =	vmul.f32 v12, v11  }
0x23d: {  	v15 =	vld [tilespmem:s9+$0xFFFFFF80]  }
0x23e: {  	[tilespmem:s9+$0xFFFFFF50] =	vst v4;
	v4 =	vmul.f32 v13, v11  }
0x23f: {  	v17 =	vld [tilespmem:s9+$0xFFFFFF90]  }
0x240: {  	v16 =	vbroadcast v3, $0x6;
	[tilespmem:s9+$0xFFFFFF60] =	vst v4;
	v4 =	vmul.f32 v14, v11  }
0x241: {  	v18 =	vld [tilespmem:s9+$0xFFFFFFA0]  }
0x242: {  	[tilespmem:s9+$0xFFFFFF70] =	vst v4;
	v4 =	vmul.f32 v15, v16  }
0x243: {  	v19 =	vld [tilespmem:s9+$0xFFFFFFB0]  }
0x244: {  	[tilespmem:s9+$0xFFFFFF80] =	vst v4;
	v4 =	vmul.f32 v17, v16  }
0x245: {  	v20 =	vld [tilespmem:s9+$0xFFFFFFC0]  }
0x246: {  	[tilespmem:s9+$0xFFFFFF90] =	vst v4;
	v4 =	vmul.f32 v18, v16  }
0x247: {  	v22 =	vld [tilespmem:s9+$0xFFFFFFD0]  }
0x248: {  	v21 =	vbroadcast v3, $0x7;
	[tilespmem:s9+$0xFFFFFFA0] =	vst v4;
	v4 =	vmul.f32 v19, v16  }
0x249: {  	v23 =	vld [tilespmem:s9+$0xFFFFFFE0]  }
0x24a: {  	[tilespmem:s9+$0xFFFFFFB0] =	vst v4;
	v4 =	vmul.f32 v20, v21  }
0x24b: {  	v24 =	vld [tilespmem:s9+$0xFFFFFFF0]  }
0x24c: {  	[tilespmem:s9+$0xFFFFFFC0] =	vst v4;
	v4 =	vmul.f32 v22, v21  }
0x24d: {  	v25 =	vld [tilespmem:s9+$0x0]  }
0x24e: {  	[tilespmem:s9+$0xFFFFFFD0] =	vst v4;
	v4 =	vmul.f32 v23, v21  }
0x24f: {  	v27 =	vld [tilespmem:s9+$0x10]  }
0x250: {  	v26 =	vbroadcast v3, $0x8;
	[tilespmem:s9+$0xFFFFFFE0] =	vst v4;
	v4 =	vmul.f32 v24, v21  }
0x251: {  	v28 =	vld [tilespmem:s9+$0x20]  }
0x252: {  	[tilespmem:s9+$0xFFFFFFF0] =	vst v4;
	v4 =	vmul.f32 v25, v26  }
0x253: {  	v29 =	vld [tilespmem:s9+$0x30]  }
0x254: {  	[tilespmem:s9+$0x0] =	vst v4;
	v4 =	vmul.f32 v27, v26  }
0x255: {  	v30 =	vld [tilespmem:s9+$0x40]  }
0x256: {  	[tilespmem:s9+$0x10] =	vst v4;
	v4 =	vmul.f32 v28, v26  }
0x257: {  	v32 =	vld [tilespmem:s9+$0x50]  }
0x258: {  	v31 =	vbroadcast v3, $0x9;
	[tilespmem:s9+$0x20] =	vst v4;
	v4 =	vmul.f32 v29, v26  }
0x259: {  	v33 =	vld [tilespmem:s9+$0x60]  }
0x25a: {  	[tilespmem:s9+$0x30] =	vst v4;
	v4 =	vmul.f32 v30, v31  }
0x25b: {  	v34 =	vld [tilespmem:s9+$0x70]  }
0x25c: {  	[tilespmem:s9+$0x40] =	vst v4;
	v4 =	vmul.f32 v32, v31  }
0x25d: {  	v35 =	vld [tilespmem:s9+$0x80]  }
0x25e: {  	[tilespmem:s9+$0x50] =	vst v4;
	v4 =	vmul.f32 v33, v31  }
0x25f: {  	v37 =	vld [tilespmem:s9+$0x90]  }
0x260: {  	v36 =	vbroadcast v3, $0xA;
	[tilespmem:s9+$0x60] =	vst v4;
	v4 =	vmul.f32 v34, v31  }
0x261: {  	v38 =	vld [tilespmem:s9+$0xA0]  }
0x262: {  	[tilespmem:s9+$0x70] =	vst v4;
	v4 =	vmul.f32 v35, v36  }
0x263: {  	v39 =	vld [tilespmem:s9+$0xB0]  }
0x264: {  	[tilespmem:s9+$0x80] =	vst v4;
	v4 =	vmul.f32 v37, v36  }
0x265: {  	v40 =	vld [tilespmem:s9+$0xC0]  }
0x266: {  	[tilespmem:s9+$0x90] =	vst v4;
	v4 =	vmul.f32 v38, v36  }
0x267: {  	v42 =	vld [tilespmem:s9+$0xD0]  }
0x268: {  	v41 =	vbroadcast v3, $0xB;
	[tilespmem:s9+$0xA0] =	vst v4;
	v4 =	vmul.f32 v39, v36  }
0x269: {  	v43 =	vld [tilespmem:s9+$0xE0]  }
0x26a: {  	[tilespmem:s9+$0xB0] =	vst v4;
	v4 =	vmul.f32 v40, v41  }
0x26b: {  	v44 =	vld [tilespmem:s9+$0xF0]  }
0x26c: {  	[tilespmem:s9+$0xC0] =	vst v4;
	v4 =	vmul.f32 v42, v41  }
0x26d: {  	v45 =	vld [tilespmem:s9+$0x100]  }
0x26e: {  	[tilespmem:s9+$0xD0] =	vst v4;
	v4 =	vmul.f32 v43, v41  }
0x26f: {  	v47 =	vld [tilespmem:s9+$0x110]  }
0x270: {  	v46 =	vbroadcast v3, $0xC;
	[tilespmem:s9+$0xE0] =	vst v4;
	v4 =	vmul.f32 v44, v41  }
0x271: {  	v48 =	vld [tilespmem:s9+$0x120]  }
0x272: {  	[tilespmem:s9+$0xF0] =	vst v4;
	v4 =	vmul.f32 v45, v46  }
0x273: {  	v49 =	vld [tilespmem:s9+$0x130]  }
0x274: {  	[tilespmem:s9+$0x100] =	vst v4;
	v4 =	vmul.f32 v47, v46  }
0x275: {  	v50 =	vld [tilespmem:s9+$0x140]  }
0x276: {  	[tilespmem:s9+$0x110] =	vst v4;
	v4 =	vmul.f32 v48, v46  }
0x277: {  	v52 =	vld [tilespmem:s9+$0x150]  }
0x278: {  	v51 =	vbroadcast v3, $0xD;
	[tilespmem:s9+$0x120] =	vst v4;
	v4 =	vmul.f32 v49, v46  }
0x279: {  	v53 =	vld [tilespmem:s9+$0x160]  }
0x27a: {  	[tilespmem:s9+$0x130] =	vst v4;
	v4 =	vmul.f32 v50, v51  }
0x27b: {  	v54 =	vld [tilespmem:s9+$0x170]  }
0x27c: {  	[tilespmem:s9+$0x140] =	vst v4;
	v4 =	vmul.f32 v52, v51  }
0x27d: {  	v55 =	vld [tilespmem:s9+$0x180]  }
0x27e: {  	[tilespmem:s9+$0x150] =	vst v4;
	v4 =	vmul.f32 v53, v51  }
0x27f: {  	v57 =	vld [tilespmem:s9+$0x190]  }
0x280: {  	v56 =	vbroadcast v3, $0xE;
	[tilespmem:s9+$0x160] =	vst v4;
	v4 =	vmul.f32 v54, v51  }
0x281: {  	v58 =	vld [tilespmem:s9+$0x1A0]  }
0x282: {  	[tilespmem:s9+$0x170] =	vst v4;
	v4 =	vmul.f32 v55, v56  }
0x283: {  	v59 =	vld [tilespmem:s9+$0x1B0]  }
0x284: {  	[tilespmem:s9+$0x180] =	vst v4;
	v4 =	vmul.f32 v57, v56  }
0x285: {  	v60 =	vld [tilespmem:s9+$0x1C0]  }
0x286: {  	[tilespmem:s9+$0x190] =	vst v4;
	v4 =	vmul.f32 v58, v56  }
0x287: {  	v61 =	vld [tilespmem:s9+$0x1D0]  }
0x288: {  	v3 =	vbroadcast v3, $0xF;
	[tilespmem:s9+$0x1A0] =	vst v4;
	v4 =	vmul.f32 v59, v56  }
0x289: {  	v62 =	vld [tilespmem:s9+$0x1E0]  }
0x28a: {  	v63 =	vld [tilespmem:s9+$0x1F0];
	[tilespmem:s9+$0x1B0] =	vst v4;
	v4 =	vmul.f32 v60, v3;
	_ =	sdelay $0x1  }
0x28b: {  	p0 =	sne.s32 s0, $0x1C0;
	[tilespmem:s9+$0x1C0] =	vst v4;
	v4 =	vmul.f32 v61, v3  }
.Ltmp6:
0x28c: {  	_ = 	snop;
	(pc) =	sbr.rel @p0 .LBB2_15-.Ltmp6, $4  }
0x28d: {  	[tilespmem:s9+$0x1D0] =	vst v4;
	v4 =	vmul.f32 v62, v3  }
0x28e: {  	v3 =	vmul.f32 v63, v3  }
0x28f: {  	[tilespmem:s9+$0x1E0] =	vst v4  }
0x290: {  	s0 =	sadd.s32 $0x40, s0;
	[tilespmem:s9+$0x1F0] =	vst v3;
	s9 =	sadd.s32 $0x400, s9  }
0x291: {  	s0 =	sshrl.u32 s19, $0x2  }
0x292: {  	s0 =	sadd.s32 $0x5000, s0  }
0x293: {  	[spmem:s5] =	stream.indirect.scatter.add.f32 [tilespmem:s30], [sflag:$0x3], $0x40, s0, s1, $0x2000b8;
	[tilespmem:$0x1FF20] =	vst v63  }
0x294: {  	_ =	swait.ge [sflag:s25], $0x2000  }
0x295: {  	p0 =	seq.s32 s20, $0x4F;
	[sflag:s25] =	ssyncset.done $0x0  }
0x296: {  	s2 =	simm.s32 @!p0 $0x80;
	s0 =	sshrl.u32 @!p0 s19, $0x2;
	[sflag:s25] =	ssyncadd.s32 $0xFFFFE000  }
0x297: {  	s9 =	simm.s32 @!p0 $0x11C50;
	s0 =	sadd.s32 @!p0 $0x100, s0;
	s19 =	rddreg [dreg:$0x0]  }
0x298: {  	v2 =	vmov s16;
	[tilespmem:s9], [sflag:$0x1] =	stream.indirect.gather @!p0 [hbm4b:s19+s2], $0x40, s0, s2, $0x2000b8;
	[tilespmem:$0x1FF20] =	vst v63  }
0x299: {  	_ =	swait.ge [sflag:s23], $0x2000  }
0x29a: {  	[sflag:s23] =	ssyncset.done $0x0  }
0x29b: {  	s9 =	simm.s32 $0x0;
	s19 =	simm.s32 $0x13E50;
	[sflag:s23] =	ssyncadd.s32 $0xFFFFE000  }
.LBB2_17:
0x29c: {  	s0 =	sshra.s32 s9, $0x2  }
0x29d: {  	v3 =	vld.idx.msk [tilespmem:v2+s0+$0x0 ss:$0x1], $0xffff;
	_ =	sdelay $0x1  }
0x29e: {  	v4 =	vld [tilespmem:s19+$0xFFFFFE00];
	_ =	sdelay $0x1  }
0x29f: {  	v43 =	vld [tilespmem:s19+$0xFFFFFE10]  }
0x2a0: {  	v5 =	vbroadcast v3, $0x0  }
0x2a1: {  	v44 =	vld [tilespmem:s19+$0xFFFFFE20]  }
0x2a2: {  	v4 =	vmul.f32 v5, v4  }
0x2a3: {  	v45 =	vld [tilespmem:s19+$0xFFFFFE30]  }
0x2a4: {  	[tilespmem:s19+$0xFFFFFE00] =	vst v4;
	v4 =	vmul.f32 v43, v5  }
0x2a5: {  	v46 =	vld [tilespmem:s19+$0xFFFFFE40]  }
0x2a6: {  	[tilespmem:s19+$0xFFFFFE10] =	vst v4;
	v4 =	vmul.f32 v44, v5  }
0x2a7: {  	v48 =	vld [tilespmem:s19+$0xFFFFFE50]  }
0x2a8: {  	v47 =	vbroadcast v3, $0x1;
	[tilespmem:s19+$0xFFFFFE20] =	vst v4;
	v4 =	vmul.f32 v45, v5  }
0x2a9: {  	v49 =	vld [tilespmem:s19+$0xFFFFFE60]  }
0x2aa: {  	[tilespmem:s19+$0xFFFFFE30] =	vst v4;
	v4 =	vmul.f32 v46, v47  }
0x2ab: {  	v50 =	vld [tilespmem:s19+$0xFFFFFE70]  }
0x2ac: {  	[tilespmem:s19+$0xFFFFFE40] =	vst v4;
	v4 =	vmul.f32 v48, v47  }
0x2ad: {  	v51 =	vld [tilespmem:s19+$0xFFFFFE80]  }
0x2ae: {  	[tilespmem:s19+$0xFFFFFE50] =	vst v4;
	v4 =	vmul.f32 v49, v47  }
0x2af: {  	v53 =	vld [tilespmem:s19+$0xFFFFFE90]  }
0x2b0: {  	v52 =	vbroadcast v3, $0x2;
	[tilespmem:s19+$0xFFFFFE60] =	vst v4;
	v4 =	vmul.f32 v50, v47  }
0x2b1: {  	v54 =	vld [tilespmem:s19+$0xFFFFFEA0]  }
0x2b2: {  	[tilespmem:s19+$0xFFFFFE70] =	vst v4;
	v4 =	vmul.f32 v51, v52  }
0x2b3: {  	v55 =	vld [tilespmem:s19+$0xFFFFFEB0]  }
0x2b4: {  	[tilespmem:s19+$0xFFFFFE80] =	vst v4;
	v4 =	vmul.f32 v53, v52  }
0x2b5: {  	v56 =	vld [tilespmem:s19+$0xFFFFFEC0]  }
0x2b6: {  	[tilespmem:s19+$0xFFFFFE90] =	vst v4;
	v4 =	vmul.f32 v54, v52  }
0x2b7: {  	v58 =	vld [tilespmem:s19+$0xFFFFFED0]  }
0x2b8: {  	v57 =	vbroadcast v3, $0x3;
	[tilespmem:s19+$0xFFFFFEA0] =	vst v4;
	v4 =	vmul.f32 v55, v52  }
0x2b9: {  	v59 =	vld [tilespmem:s19+$0xFFFFFEE0]  }
0x2ba: {  	[tilespmem:s19+$0xFFFFFEB0] =	vst v4;
	v4 =	vmul.f32 v56, v57  }
0x2bb: {  	v60 =	vld [tilespmem:s19+$0xFFFFFEF0]  }
0x2bc: {  	[tilespmem:s19+$0xFFFFFEC0] =	vst v4;
	v4 =	vmul.f32 v58, v57  }
0x2bd: {  	v61 =	vld [tilespmem:s19+$0xFFFFFF00]  }
0x2be: {  	[tilespmem:s19+$0xFFFFFED0] =	vst v4;
	v4 =	vmul.f32 v59, v57  }
0x2bf: {  	v63 =	vld [tilespmem:s19+$0xFFFFFF10]  }
0x2c0: {  	v62 =	vbroadcast v3, $0x4;
	[tilespmem:s19+$0xFFFFFEE0] =	vst v4;
	v4 =	vmul.f32 v60, v57  }
0x2c1: {  	v8 =	vld [tilespmem:s19+$0xFFFFFF20]  }
0x2c2: {  	[tilespmem:s19+$0xFFFFFEF0] =	vst v4;
	v4 =	vmul.f32 v61, v62  }
0x2c3: {  	v9 =	vld [tilespmem:s19+$0xFFFFFF30]  }
0x2c4: {  	[tilespmem:s19+$0xFFFFFF00] =	vst v4;
	v4 =	vmul.f32 v63, v62  }
0x2c5: {  	v10 =	vld [tilespmem:s19+$0xFFFFFF40]  }
0x2c6: {  	[tilespmem:s19+$0xFFFFFF10] =	vst v4;
	v4 =	vmul.f32 v8, v62  }
0x2c7: {  	v12 =	vld [tilespmem:s19+$0xFFFFFF50]  }
0x2c8: {  	v11 =	vbroadcast v3, $0x5;
	[tilespmem:s19+$0xFFFFFF20] =	vst v4;
	v4 =	vmul.f32 v9, v62  }
0x2c9: {  	v13 =	vld [tilespmem:s19+$0xFFFFFF60]  }
0x2ca: {  	[tilespmem:s19+$0xFFFFFF30] =	vst v4;
	v4 =	vmul.f32 v10, v11  }
0x2cb: {  	v14 =	vld [tilespmem:s19+$0xFFFFFF70]  }
0x2cc: {  	[tilespmem:s19+$0xFFFFFF40] =	vst v4;
	v4 =	vmul.f32 v12, v11  }
0x2cd: {  	v15 =	vld [tilespmem:s19+$0xFFFFFF80]  }
0x2ce: {  	[tilespmem:s19+$0xFFFFFF50] =	vst v4;
	v4 =	vmul.f32 v13, v11  }
0x2cf: {  	v17 =	vld [tilespmem:s19+$0xFFFFFF90]  }
0x2d0: {  	v16 =	vbroadcast v3, $0x6;
	[tilespmem:s19+$0xFFFFFF60] =	vst v4;
	v4 =	vmul.f32 v14, v11  }
0x2d1: {  	v18 =	vld [tilespmem:s19+$0xFFFFFFA0]  }
0x2d2: {  	[tilespmem:s19+$0xFFFFFF70] =	vst v4;
	v4 =	vmul.f32 v15, v16  }
0x2d3: {  	v19 =	vld [tilespmem:s19+$0xFFFFFFB0]  }
0x2d4: {  	[tilespmem:s19+$0xFFFFFF80] =	vst v4;
	v4 =	vmul.f32 v17, v16  }
0x2d5: {  	v20 =	vld [tilespmem:s19+$0xFFFFFFC0]  }
0x2d6: {  	[tilespmem:s19+$0xFFFFFF90] =	vst v4;
	v4 =	vmul.f32 v18, v16  }
0x2d7: {  	v22 =	vld [tilespmem:s19+$0xFFFFFFD0]  }
0x2d8: {  	v21 =	vbroadcast v3, $0x7;
	[tilespmem:s19+$0xFFFFFFA0] =	vst v4;
	v4 =	vmul.f32 v19, v16  }
0x2d9: {  	v23 =	vld [tilespmem:s19+$0xFFFFFFE0]  }
0x2da: {  	[tilespmem:s19+$0xFFFFFFB0] =	vst v4;
	v4 =	vmul.f32 v20, v21  }
0x2db: {  	v24 =	vld [tilespmem:s19+$0xFFFFFFF0]  }
0x2dc: {  	[tilespmem:s19+$0xFFFFFFC0] =	vst v4;
	v4 =	vmul.f32 v22, v21  }
0x2dd: {  	v25 =	vld [tilespmem:s19+$0x0]  }
0x2de: {  	[tilespmem:s19+$0xFFFFFFD0] =	vst v4;
	v4 =	vmul.f32 v23, v21  }
0x2df: {  	v27 =	vld [tilespmem:s19+$0x10]  }
0x2e0: {  	v26 =	vbroadcast v3, $0x8;
	[tilespmem:s19+$0xFFFFFFE0] =	vst v4;
	v4 =	vmul.f32 v24, v21  }
0x2e1: {  	v28 =	vld [tilespmem:s19+$0x20]  }
0x2e2: {  	[tilespmem:s19+$0xFFFFFFF0] =	vst v4;
	v4 =	vmul.f32 v25, v26  }
0x2e3: {  	v29 =	vld [tilespmem:s19+$0x30]  }
0x2e4: {  	[tilespmem:s19+$0x0] =	vst v4;
	v4 =	vmul.f32 v27, v26  }
0x2e5: {  	v30 =	vld [tilespmem:s19+$0x40]  }
0x2e6: {  	[tilespmem:s19+$0x10] =	vst v4;
	v4 =	vmul.f32 v28, v26  }
0x2e7: {  	v32 =	vld [tilespmem:s19+$0x50]  }
0x2e8: {  	v31 =	vbroadcast v3, $0x9;
	[tilespmem:s19+$0x20] =	vst v4;
	v4 =	vmul.f32 v29, v26  }
0x2e9: {  	v33 =	vld [tilespmem:s19+$0x60]  }
0x2ea: {  	[tilespmem:s19+$0x30] =	vst v4;
	v4 =	vmul.f32 v30, v31  }
0x2eb: {  	v34 =	vld [tilespmem:s19+$0x70]  }
0x2ec: {  	[tilespmem:s19+$0x40] =	vst v4;
	v4 =	vmul.f32 v32, v31  }
0x2ed: {  	v35 =	vld [tilespmem:s19+$0x80]  }
0x2ee: {  	[tilespmem:s19+$0x50] =	vst v4;
	v4 =	vmul.f32 v33, v31  }
0x2ef: {  	v37 =	vld [tilespmem:s19+$0x90]  }
0x2f0: {  	v36 =	vbroadcast v3, $0xA;
	[tilespmem:s19+$0x60] =	vst v4;
	v4 =	vmul.f32 v34, v31  }
0x2f1: {  	v38 =	vld [tilespmem:s19+$0xA0]  }
0x2f2: {  	[tilespmem:s19+$0x70] =	vst v4;
	v4 =	vmul.f32 v35, v36  }
0x2f3: {  	v39 =	vld [tilespmem:s19+$0xB0]  }
0x2f4: {  	[tilespmem:s19+$0x80] =	vst v4;
	v4 =	vmul.f32 v37, v36  }
0x2f5: {  	v40 =	vld [tilespmem:s19+$0xC0]  }
0x2f6: {  	[tilespmem:s19+$0x90] =	vst v4;
	v4 =	vmul.f32 v38, v36  }
0x2f7: {  	v42 =	vld [tilespmem:s19+$0xD0]  }
0x2f8: {  	v41 =	vbroadcast v3, $0xB;
	[tilespmem:s19+$0xA0] =	vst v4;
	v4 =	vmul.f32 v39, v36  }
0x2f9: {  	v43 =	vld [tilespmem:s19+$0xE0]  }
0x2fa: {  	[tilespmem:s19+$0xB0] =	vst v4;
	v4 =	vmul.f32 v40, v41  }
0x2fb: {  	v44 =	vld [tilespmem:s19+$0xF0]  }
0x2fc: {  	[tilespmem:s19+$0xC0] =	vst v4;
	v4 =	vmul.f32 v42, v41  }
0x2fd: {  	v45 =	vld [tilespmem:s19+$0x100]  }
0x2fe: {  	[tilespmem:s19+$0xD0] =	vst v4;
	v4 =	vmul.f32 v43, v41  }
0x2ff: {  	v47 =	vld [tilespmem:s19+$0x110]  }
0x300: {  	v46 =	vbroadcast v3, $0xC;
	[tilespmem:s19+$0xE0] =	vst v4;
	v4 =	vmul.f32 v44, v41  }
0x301: {  	v48 =	vld [tilespmem:s19+$0x120]  }
0x302: {  	[tilespmem:s19+$0xF0] =	vst v4;
	v4 =	vmul.f32 v45, v46  }
0x303: {  	v49 =	vld [tilespmem:s19+$0x130]  }
0x304: {  	[tilespmem:s19+$0x100] =	vst v4;
	v4 =	vmul.f32 v47, v46  }
0x305: {  	v50 =	vld [tilespmem:s19+$0x140]  }
0x306: {  	[tilespmem:s19+$0x110] =	vst v4;
	v4 =	vmul.f32 v48, v46  }
0x307: {  	v52 =	vld [tilespmem:s19+$0x150]  }
0x308: {  	v51 =	vbroadcast v3, $0xD;
	[tilespmem:s19+$0x120] =	vst v4;
	v4 =	vmul.f32 v49, v46  }
0x309: {  	v53 =	vld [tilespmem:s19+$0x160]  }
0x30a: {  	[tilespmem:s19+$0x130] =	vst v4;
	v4 =	vmul.f32 v50, v51  }
0x30b: {  	v54 =	vld [tilespmem:s19+$0x170]  }
0x30c: {  	[tilespmem:s19+$0x140] =	vst v4;
	v4 =	vmul.f32 v52, v51  }
0x30d: {  	v55 =	vld [tilespmem:s19+$0x180]  }
0x30e: {  	[tilespmem:s19+$0x150] =	vst v4;
	v4 =	vmul.f32 v53, v51  }
0x30f: {  	v57 =	vld [tilespmem:s19+$0x190]  }
0x310: {  	v56 =	vbroadcast v3, $0xE;
	[tilespmem:s19+$0x160] =	vst v4;
	v4 =	vmul.f32 v54, v51  }
0x311: {  	v58 =	vld [tilespmem:s19+$0x1A0]  }
0x312: {  	[tilespmem:s19+$0x170] =	vst v4;
	v4 =	vmul.f32 v55, v56  }
0x313: {  	v59 =	vld [tilespmem:s19+$0x1B0]  }
0x314: {  	[tilespmem:s19+$0x180] =	vst v4;
	v4 =	vmul.f32 v57, v56  }
0x315: {  	v60 =	vld [tilespmem:s19+$0x1C0]  }
0x316: {  	[tilespmem:s19+$0x190] =	vst v4;
	v4 =	vmul.f32 v58, v56  }
0x317: {  	v61 =	vld [tilespmem:s19+$0x1D0]  }
0x318: {  	v3 =	vbroadcast v3, $0xF;
	[tilespmem:s19+$0x1A0] =	vst v4;
	v4 =	vmul.f32 v59, v56  }
0x319: {  	v62 =	vld [tilespmem:s19+$0x1E0]  }
0x31a: {  	v63 =	vld [tilespmem:s19+$0x1F0];
	[tilespmem:s19+$0x1B0] =	vst v4;
	v4 =	vmul.f32 v60, v3;
	_ =	sdelay $0x1  }
0x31b: {  	p0 =	sne.s32 s9, $0x1C0;
	[tilespmem:s19+$0x1C0] =	vst v4;
	v4 =	vmul.f32 v61, v3  }
.Ltmp7:
0x31c: {  	_ = 	snop;
	(pc) =	sbr.rel @p0 .LBB2_17-.Ltmp7, $4  }
0x31d: {  	[tilespmem:s19+$0x1D0] =	vst v4;
	v4 =	vmul.f32 v62, v3  }
0x31e: {  	v3 =	vmul.f32 v63, v3  }
0x31f: {  	[tilespmem:s19+$0x1E0] =	vst v4  }
0x320: {  	s9 =	sadd.s32 $0x40, s9;
	[tilespmem:s19+$0x1F0] =	vst v3;
	s19 =	sadd.s32 $0x400, s19  }
0x321: {  	s20 =	sadd.s32 $0x1, s20  }
0x322: {  	p0 =	sne.s32 s20, $0x50  }
.Ltmp8:
0x323: {  	s0 =	sadd.s32 $0x5000, s12;
	(pc) =	sbr.rel @p0 .LBB2_14-.Ltmp8, $4  }
0x324: {  	[spmem:s5] =	stream.indirect.scatter.add.f32 [tilespmem:s15], [sflag:$0x3], $0x40, s0, s1, $0x2000b8;
	[tilespmem:$0x1FF20] =	vst v63  }
0x325: {  	_ =	swait.ge [sflag:s25], $0x2000  }
0x326: {  	[sflag:s25] =	ssyncset.done $0x0  }
0x327: {  	s21 =	sadd.s32 $0x100, s21;
	s16 =	sadd.s32 $0x100, s16;
	[sflag:s25] =	ssyncadd.s32 $0xFFFFE000  }
0x328: {  	[bflag:$0x0] =	sbarrier.arrive $0xFFFF  }
0x329: {  	_ =	strace $0x9000004A  }
0x32a: {  	s0 =	simm.s32 $0x0;
	_ =	strace $0x8000004B  }
.LBB2_20:
0x32b: {  	s2 =	sshll.u32 s0, $0x7  }
0x32c: {  	s9 =	sadd.s32 s14, s2  }
0x32d: {  	s2 =	sshll.u32 s9, $0x6  }
0x32e: {  	s2 =	sand.u32 $0x3FFFFFC0, s2  }
0x32f: {  	s2 =	sadd.s32 s2, s5  }
0x330: {  	[tilespmem:s30], [sflag:$0x3] =	stream.linear.gather [spmem:s2], $0x2000, $0x200038;
	[tilespmem:$0x1FF20] =	vst v63  }
0x331: {  	_ =	swait.ge [sflag:s25], $0x2000  }
0x332: {  	[sflag:s25] =	ssyncset.done $0x0  }
0x333: {  	s12 =	simm.s32 $0x0;
	[sflag:s25] =	ssyncadd.s32 $0xFFFFE000  }
0x334: {  	s16 =	simm.s32 $0x100;
	v2 =	vld [tilespmem:s12+$0x11C50]  }
.LBB2_21:
0x335: {  	p0 =	sne.s32 s16, $0x7F00;
	v3 =	vld [tilespmem:$0x15C50];
	_ =	sdelay $0x4  }
0x336: {  	v2 =	vadd.f32 v3, v2;
	_ =	sdelay $0x1  }
0x337: {  	[tilespmem:s12+$0x11C50] =	vst v2;
	v2 =	vld [tilespmem:s12+$0x11C60]  }
0x338: {  	v3 =	vld [tilespmem:$0x15C60];
	_ =	sdelay $0x4  }
0x339: {  	v2 =	vadd.f32 v3, v2;
	_ =	sdelay $0x1  }
0x33a: {  	[tilespmem:s12+$0x11C60] =	vst v2;
	v2 =	vld [tilespmem:s12+$0x11C70]  }
0x33b: {  	v3 =	vld [tilespmem:$0x15C70];
	_ =	sdelay $0x4  }
0x33c: {  	v2 =	vadd.f32 v3, v2;
	_ =	sdelay $0x1  }
0x33d: {  	[tilespmem:s12+$0x11C70] =	vst v2;
	v2 =	vld [tilespmem:s12+$0x11C80]  }
0x33e: {  	v3 =	vld [tilespmem:$0x15C80];
	_ =	sdelay $0x2  }
.Ltmp9:
0x33f: {  	(pc) =	sbr.rel @p0 .LBB2_21-.Ltmp9, $4  }
0x340: {  	_ = 	snop  }
0x341: {  	v3 =	vadd.f32 v3, v2  }
0x342: {  	s2 =	sshra.s32 s16, $0x2  }
0x343: {  	s16 =	sadd.s32 $0x100, s16;
	v2 =	vld [tilespmem:s2+$0x11C50];
	[tilespmem:s12+$0x11C80] =	vst v3;
	s12 =	smov.u32 s2  }
0x344: {  	v3 =	vld [tilespmem:$0x15C50];
	_ =	sdelay $0x4  }
0x345: {  	v2 =	vadd.f32 v3, v2;
	_ =	sdelay $0x1  }
0x346: {  	[tilespmem:s12+$0x11C50] =	vst v2;
	v2 =	vld [tilespmem:s12+$0x11C60]  }
0x347: {  	v3 =	vld [tilespmem:$0x15C60];
	_ =	sdelay $0x4  }
0x348: {  	v2 =	vadd.f32 v3, v2;
	_ =	sdelay $0x1  }
0x349: {  	[tilespmem:s12+$0x11C60] =	vst v2;
	v2 =	vld [tilespmem:s12+$0x11C70]  }
0x34a: {  	v3 =	vld [tilespmem:$0x15C70];
	_ =	sdelay $0x4  }
0x34b: {  	v2 =	vadd.f32 v3, v2;
	_ =	sdelay $0x1  }
0x34c: {  	[tilespmem:s12+$0x11C70] =	vst v2;
	v2 =	vld [tilespmem:s12+$0x11C80]  }
0x34d: {  	v3 =	vld [tilespmem:$0x15C80];
	_ =	sdelay $0x4  }
0x34e: {  	s2 =	sadd.s32 s13, s9;
	s0 =	sadd.s32 $0x1, s0;
	v2 =	vadd.f32 v3, v2  }
0x34f: {  	s20 =	rddreg [dreg:$0x8];
	s2 =	sshll.u32 s2, $0x3;
	p0 =	sne.s32 s0, $0x5  }
.Ltmp10:
0x350: {  	s21 =	simm.s32 $0x0;
	s2 =	sadd.s32 s20, s2;
	[tilespmem:s12+$0x11C80] =	vst v2;
	(pc) =	sbr.rel @p0 .LBB2_20-.Ltmp10, $4  }
0x351: {  	[hbm4b:s2+s21] =	stream.linear.scatter [tilespmem:s30], [sflag:$0x3], $0x2000, $0x200038;
	[tilespmem:$0x1FF20] =	vst v63  }
0x352: {  	_ =	swait.ge [sflag:s25], $0x2000  }
0x353: {  	[sflag:s25] =	ssyncset.done $0x0  }
0x354: {  	[sflag:s25] =	ssyncadd.s32 $0xFFFFE000  }
0x355: {  	s9 =	simm.s32 $0x100;
	s0 =	simm.s32 $0x0  }
.LBB2_24:
0x356: {  	p0 =	sne.s32 s9, $0x7F00;
	[tilespmem:s0+$0x11C80] =	vst v1;
	s2 =	smov.u32 s9;
	s9 =	sadd.s32 $0x100, s9  }
.Ltmp11:
0x357: {  	[tilespmem:s0+$0x11C70] =	vst v1;
	(pc) =	sbr.rel @p0 .LBB2_24-.Ltmp11, $3  }
0x358: {  	[tilespmem:s0+$0x11C50] =	vst v1  }
0x359: {  	[tilespmem:s0+$0x11C60] =	vst v1;
	_ =	sdelay $0x1  }
0x35a: {  	s0 =	sshra.s32 s2, $0x2  }
0x35b: {  	[tilespmem:s0+$0x11C80] =	vst v1  }
0x35c: {  	[tilespmem:s0+$0x11C70] =	vst v1  }
0x35d: {  	[tilespmem:s0+$0x11C50] =	vst v1  }
0x35e: {  	[tilespmem:s0+$0x11C60] =	vst v1;
	s9 =	rddreg [dreg:$0xf]  }
0x35f: {  	[spmem:s9] =	stream.linear.scatter [tilespmem:s30], [sflag:$0x3], $0x2000, $0x200038;
	[tilespmem:$0x1FF20] =	vst v63  }
0x360: {  	_ =	swait.ge [sflag:s25], $0x2000  }
0x361: {  	[sflag:s25] =	ssyncset.done $0x0  }
0x362: {  	s12 =	rddreg [dreg:$0x13];
	[sflag:s25] =	ssyncadd.s32 $0xFFFFE000  }
0x363: {  	[spmem:s12] =	stream.linear.scatter [tilespmem:s30], [sflag:$0x3], $0x2000, $0x200038;
	[tilespmem:$0x1FF20] =	vst v63  }
0x364: {  	_ =	swait.ge [sflag:s25], $0x2000  }
0x365: {  	[sflag:s25] =	ssyncset.done $0x0  }
0x366: {  	s16 =	rddreg [dreg:$0x14];
	[sflag:s25] =	ssyncadd.s32 $0xFFFFE000  }
0x367: {  	[spmem:s16] =	stream.linear.scatter [tilespmem:s30], [sflag:$0x3], $0x2000, $0x200038;
	[tilespmem:$0x1FF20] =	vst v63  }
0x368: {  	_ =	swait.ge [sflag:s25], $0x2000  }
0x369: {  	[sflag:s25] =	ssyncset.done $0x0  }
0x36a: {  	s19 =	rddreg [dreg:$0x15];
	[sflag:s25] =	ssyncadd.s32 $0xFFFFE000  }
0x36b: {  	[spmem:s19] =	stream.linear.scatter [tilespmem:s30], [sflag:$0x3], $0x2000, $0x200038;
	[tilespmem:$0x1FF20] =	vst v63  }
0x36c: {  	_ =	swait.ge [sflag:s25], $0x2000  }
0x36d: {  	[sflag:s25] =	ssyncset.done $0x0  }
0x36e: {  	s20 =	rddreg [dreg:$0x16];
	[sflag:s25] =	ssyncadd.s32 $0xFFFFE000  }
0x36f: {  	[spmem:s20] =	stream.linear.scatter [tilespmem:s30], [sflag:$0x3], $0x2000, $0x200038;
	[tilespmem:$0x1FF20] =	vst v63  }
0x370: {  	_ =	swait.ge [sflag:s25], $0x2000  }
0x371: {  	[sflag:s25] =	ssyncset.done $0x0  }
0x372: {  	[sflag:s25] =	ssyncadd.s32 $0xFFFFE000  }
0x373: {  	[bflag:$0x0] =	sbarrier.arrive $0xFFFF  }
0x374: {  	_ =	strace $0x9000004B  }
0x375: {  	_ =	strace $0x8000004C  }
0x376: {  	s20 =	simm.s32 $0x0;
	s21 =	rddreg [dreg:$0x8]  }
0x377: {  	[tilespmem:s30], [sflag:$0x1] =	stream.indirect.gather [hbm4b:s21+s1], $0x40, s20, s1, $0x2000b8;
	[tilespmem:$0x1FF20] =	vst v63  }
0x378: {  	s16 =	simm.s32 $0xA080;
	s21 =	simm.s32 $0xA000  }
.LBB2_26:
0x379: {  	s0 =	sshll.u32 s20, $0x8  }
0x37a: {  	s19 =	rddreg [dreg:$0x8];
	s12 =	sor.u32 $0x80, s0  }
0x37b: {  	v2 =	vmov s21;
	[tilespmem:s15], [sflag:$0x2] =	stream.indirect.gather [hbm4b:s19+s1], $0x40, s12, s1, $0x2000b8;
	[tilespmem:$0x1FF20] =	vst v63  }
0x37c: {  	_ =	swait.ge [sflag:s17], $0x2000  }
0x37d: {  	s9 =	simm.s32 $0x11E50;
	[sflag:s17] =	ssyncset.done $0x0  }
0x37e: {  	s0 =	simm.s32 $0x0;
	s19 =	sshll.u32 s20, $0xA;
	[sflag:s17] =	ssyncadd.s32 $0xFFFFE000  }
.LBB2_27:
0x37f: {  	s2 =	sshra.s32 s0, $0x2  }
0x380: {  	v3 =	vld.idx.msk [tilespmem:v2+s2+$0x0 ss:$0x1], $0xffff;
	_ =	sdelay $0x1  }
0x381: {  	v4 =	vld [tilespmem:s9+$0xFFFFFE00];
	_ =	sdelay $0x1  }
0x382: {  	v43 =	vld [tilespmem:s9+$0xFFFFFE10]  }
0x383: {  	v5 =	vbroadcast v3, $0x0  }
0x384: {  	v44 =	vld [tilespmem:s9+$0xFFFFFE20]  }
0x385: {  	v4 =	vmul.f32 v5, v4  }
0x386: {  	v45 =	vld [tilespmem:s9+$0xFFFFFE30]  }
0x387: {  	[tilespmem:s9+$0xFFFFFE00] =	vst v4;
	v4 =	vmul.f32 v43, v5  }
0x388: {  	v46 =	vld [tilespmem:s9+$0xFFFFFE40]  }
0x389: {  	[tilespmem:s9+$0xFFFFFE10] =	vst v4;
	v4 =	vmul.f32 v44, v5  }
0x38a: {  	v48 =	vld [tilespmem:s9+$0xFFFFFE50]  }
0x38b: {  	v47 =	vbroadcast v3, $0x1;
	[tilespmem:s9+$0xFFFFFE20] =	vst v4;
	v4 =	vmul.f32 v45, v5  }
0x38c: {  	v49 =	vld [tilespmem:s9+$0xFFFFFE60]  }
0x38d: {  	[tilespmem:s9+$0xFFFFFE30] =	vst v4;
	v4 =	vmul.f32 v46, v47  }
0x38e: {  	v50 =	vld [tilespmem:s9+$0xFFFFFE70]  }
0x38f: {  	[tilespmem:s9+$0xFFFFFE40] =	vst v4;
	v4 =	vmul.f32 v48, v47  }
0x390: {  	v51 =	vld [tilespmem:s9+$0xFFFFFE80]  }
0x391: {  	[tilespmem:s9+$0xFFFFFE50] =	vst v4;
	v4 =	vmul.f32 v49, v47  }
0x392: {  	v53 =	vld [tilespmem:s9+$0xFFFFFE90]  }
0x393: {  	v52 =	vbroadcast v3, $0x2;
	[tilespmem:s9+$0xFFFFFE60] =	vst v4;
	v4 =	vmul.f32 v50, v47  }
0x394: {  	v54 =	vld [tilespmem:s9+$0xFFFFFEA0]  }
0x395: {  	[tilespmem:s9+$0xFFFFFE70] =	vst v4;
	v4 =	vmul.f32 v51, v52  }
0x396: {  	v55 =	vld [tilespmem:s9+$0xFFFFFEB0]  }
0x397: {  	[tilespmem:s9+$0xFFFFFE80] =	vst v4;
	v4 =	vmul.f32 v53, v52  }
0x398: {  	v56 =	vld [tilespmem:s9+$0xFFFFFEC0]  }
0x399: {  	[tilespmem:s9+$0xFFFFFE90] =	vst v4;
	v4 =	vmul.f32 v54, v52  }
0x39a: {  	v58 =	vld [tilespmem:s9+$0xFFFFFED0]  }
0x39b: {  	v57 =	vbroadcast v3, $0x3;
	[tilespmem:s9+$0xFFFFFEA0] =	vst v4;
	v4 =	vmul.f32 v55, v52  }
0x39c: {  	v59 =	vld [tilespmem:s9+$0xFFFFFEE0]  }
0x39d: {  	[tilespmem:s9+$0xFFFFFEB0] =	vst v4;
	v4 =	vmul.f32 v56, v57  }
0x39e: {  	v60 =	vld [tilespmem:s9+$0xFFFFFEF0]  }
0x39f: {  	[tilespmem:s9+$0xFFFFFEC0] =	vst v4;
	v4 =	vmul.f32 v58, v57  }
0x3a0: {  	v61 =	vld [tilespmem:s9+$0xFFFFFF00]  }
0x3a1: {  	[tilespmem:s9+$0xFFFFFED0] =	vst v4;
	v4 =	vmul.f32 v59, v57  }
0x3a2: {  	v63 =	vld [tilespmem:s9+$0xFFFFFF10]  }
0x3a3: {  	v62 =	vbroadcast v3, $0x4;
	[tilespmem:s9+$0xFFFFFEE0] =	vst v4;
	v4 =	vmul.f32 v60, v57  }
0x3a4: {  	v8 =	vld [tilespmem:s9+$0xFFFFFF20]  }
0x3a5: {  	[tilespmem:s9+$0xFFFFFEF0] =	vst v4;
	v4 =	vmul.f32 v61, v62  }
0x3a6: {  	v9 =	vld [tilespmem:s9+$0xFFFFFF30]  }
0x3a7: {  	[tilespmem:s9+$0xFFFFFF00] =	vst v4;
	v4 =	vmul.f32 v63, v62  }
0x3a8: {  	v10 =	vld [tilespmem:s9+$0xFFFFFF40]  }
0x3a9: {  	[tilespmem:s9+$0xFFFFFF10] =	vst v4;
	v4 =	vmul.f32 v8, v62  }
0x3aa: {  	v12 =	vld [tilespmem:s9+$0xFFFFFF50]  }
0x3ab: {  	v11 =	vbroadcast v3, $0x5;
	[tilespmem:s9+$0xFFFFFF20] =	vst v4;
	v4 =	vmul.f32 v9, v62  }
0x3ac: {  	v13 =	vld [tilespmem:s9+$0xFFFFFF60]  }
0x3ad: {  	[tilespmem:s9+$0xFFFFFF30] =	vst v4;
	v4 =	vmul.f32 v10, v11  }
0x3ae: {  	v14 =	vld [tilespmem:s9+$0xFFFFFF70]  }
0x3af: {  	[tilespmem:s9+$0xFFFFFF40] =	vst v4;
	v4 =	vmul.f32 v12, v11  }
0x3b0: {  	v15 =	vld [tilespmem:s9+$0xFFFFFF80]  }
0x3b1: {  	[tilespmem:s9+$0xFFFFFF50] =	vst v4;
	v4 =	vmul.f32 v13, v11  }
0x3b2: {  	v17 =	vld [tilespmem:s9+$0xFFFFFF90]  }
0x3b3: {  	v16 =	vbroadcast v3, $0x6;
	[tilespmem:s9+$0xFFFFFF60] =	vst v4;
	v4 =	vmul.f32 v14, v11  }
0x3b4: {  	v18 =	vld [tilespmem:s9+$0xFFFFFFA0]  }
0x3b5: {  	[tilespmem:s9+$0xFFFFFF70] =	vst v4;
	v4 =	vmul.f32 v15, v16  }
0x3b6: {  	v19 =	vld [tilespmem:s9+$0xFFFFFFB0]  }
0x3b7: {  	[tilespmem:s9+$0xFFFFFF80] =	vst v4;
	v4 =	vmul.f32 v17, v16  }
0x3b8: {  	v20 =	vld [tilespmem:s9+$0xFFFFFFC0]  }
0x3b9: {  	[tilespmem:s9+$0xFFFFFF90] =	vst v4;
	v4 =	vmul.f32 v18, v16  }
0x3ba: {  	v22 =	vld [tilespmem:s9+$0xFFFFFFD0]  }
0x3bb: {  	v21 =	vbroadcast v3, $0x7;
	[tilespmem:s9+$0xFFFFFFA0] =	vst v4;
	v4 =	vmul.f32 v19, v16  }
0x3bc: {  	v23 =	vld [tilespmem:s9+$0xFFFFFFE0]  }
0x3bd: {  	[tilespmem:s9+$0xFFFFFFB0] =	vst v4;
	v4 =	vmul.f32 v20, v21  }
0x3be: {  	v24 =	vld [tilespmem:s9+$0xFFFFFFF0]  }
0x3bf: {  	[tilespmem:s9+$0xFFFFFFC0] =	vst v4;
	v4 =	vmul.f32 v22, v21  }
0x3c0: {  	v25 =	vld [tilespmem:s9+$0x0]  }
0x3c1: {  	[tilespmem:s9+$0xFFFFFFD0] =	vst v4;
	v4 =	vmul.f32 v23, v21  }
0x3c2: {  	v27 =	vld [tilespmem:s9+$0x10]  }
0x3c3: {  	v26 =	vbroadcast v3, $0x8;
	[tilespmem:s9+$0xFFFFFFE0] =	vst v4;
	v4 =	vmul.f32 v24, v21  }
0x3c4: {  	v28 =	vld [tilespmem:s9+$0x20]  }
0x3c5: {  	[tilespmem:s9+$0xFFFFFFF0] =	vst v4;
	v4 =	vmul.f32 v25, v26  }
0x3c6: {  	v29 =	vld [tilespmem:s9+$0x30]  }
0x3c7: {  	[tilespmem:s9+$0x0] =	vst v4;
	v4 =	vmul.f32 v27, v26  }
0x3c8: {  	v30 =	vld [tilespmem:s9+$0x40]  }
0x3c9: {  	[tilespmem:s9+$0x10] =	vst v4;
	v4 =	vmul.f32 v28, v26  }
0x3ca: {  	v32 =	vld [tilespmem:s9+$0x50]  }
0x3cb: {  	v31 =	vbroadcast v3, $0x9;
	[tilespmem:s9+$0x20] =	vst v4;
	v4 =	vmul.f32 v29, v26  }
0x3cc: {  	v33 =	vld [tilespmem:s9+$0x60]  }
0x3cd: {  	[tilespmem:s9+$0x30] =	vst v4;
	v4 =	vmul.f32 v30, v31  }
0x3ce: {  	v34 =	vld [tilespmem:s9+$0x70]  }
0x3cf: {  	[tilespmem:s9+$0x40] =	vst v4;
	v4 =	vmul.f32 v32, v31  }
0x3d0: {  	v35 =	vld [tilespmem:s9+$0x80]  }
0x3d1: {  	[tilespmem:s9+$0x50] =	vst v4;
	v4 =	vmul.f32 v33, v31  }
0x3d2: {  	v37 =	vld [tilespmem:s9+$0x90]  }
0x3d3: {  	v36 =	vbroadcast v3, $0xA;
	[tilespmem:s9+$0x60] =	vst v4;
	v4 =	vmul.f32 v34, v31  }
0x3d4: {  	v38 =	vld [tilespmem:s9+$0xA0]  }
0x3d5: {  	[tilespmem:s9+$0x70] =	vst v4;
	v4 =	vmul.f32 v35, v36  }
0x3d6: {  	v39 =	vld [tilespmem:s9+$0xB0]  }
0x3d7: {  	[tilespmem:s9+$0x80] =	vst v4;
	v4 =	vmul.f32 v37, v36  }
0x3d8: {  	v40 =	vld [tilespmem:s9+$0xC0]  }
0x3d9: {  	[tilespmem:s9+$0x90] =	vst v4;
	v4 =	vmul.f32 v38, v36  }
0x3da: {  	v42 =	vld [tilespmem:s9+$0xD0]  }
0x3db: {  	v41 =	vbroadcast v3, $0xB;
	[tilespmem:s9+$0xA0] =	vst v4;
	v4 =	vmul.f32 v39, v36  }
0x3dc: {  	v43 =	vld [tilespmem:s9+$0xE0]  }
0x3dd: {  	[tilespmem:s9+$0xB0] =	vst v4;
	v4 =	vmul.f32 v40, v41  }
0x3de: {  	v44 =	vld [tilespmem:s9+$0xF0]  }
0x3df: {  	[tilespmem:s9+$0xC0] =	vst v4;
	v4 =	vmul.f32 v42, v41  }
0x3e0: {  	v45 =	vld [tilespmem:s9+$0x100]  }
0x3e1: {  	[tilespmem:s9+$0xD0] =	vst v4;
	v4 =	vmul.f32 v43, v41  }
0x3e2: {  	v47 =	vld [tilespmem:s9+$0x110]  }
0x3e3: {  	v46 =	vbroadcast v3, $0xC;
	[tilespmem:s9+$0xE0] =	vst v4;
	v4 =	vmul.f32 v44, v41  }
0x3e4: {  	v48 =	vld [tilespmem:s9+$0x120]  }
0x3e5: {  	[tilespmem:s9+$0xF0] =	vst v4;
	v4 =	vmul.f32 v45, v46  }
0x3e6: {  	v49 =	vld [tilespmem:s9+$0x130]  }
0x3e7: {  	[tilespmem:s9+$0x100] =	vst v4;
	v4 =	vmul.f32 v47, v46  }
0x3e8: {  	v50 =	vld [tilespmem:s9+$0x140]  }
0x3e9: {  	[tilespmem:s9+$0x110] =	vst v4;
	v4 =	vmul.f32 v48, v46  }
0x3ea: {  	v52 =	vld [tilespmem:s9+$0x150]  }
0x3eb: {  	v51 =	vbroadcast v3, $0xD;
	[tilespmem:s9+$0x120] =	vst v4;
	v4 =	vmul.f32 v49, v46  }
0x3ec: {  	v53 =	vld [tilespmem:s9+$0x160]  }
0x3ed: {  	[tilespmem:s9+$0x130] =	vst v4;
	v4 =	vmul.f32 v50, v51  }
0x3ee: {  	v54 =	vld [tilespmem:s9+$0x170]  }
0x3ef: {  	[tilespmem:s9+$0x140] =	vst v4;
	v4 =	vmul.f32 v52, v51  }
0x3f0: {  	v55 =	vld [tilespmem:s9+$0x180]  }
0x3f1: {  	[tilespmem:s9+$0x150] =	vst v4;
	v4 =	vmul.f32 v53, v51  }
0x3f2: {  	v57 =	vld [tilespmem:s9+$0x190]  }
0x3f3: {  	v56 =	vbroadcast v3, $0xE;
	[tilespmem:s9+$0x160] =	vst v4;
	v4 =	vmul.f32 v54, v51  }
0x3f4: {  	v58 =	vld [tilespmem:s9+$0x1A0]  }
0x3f5: {  	[tilespmem:s9+$0x170] =	vst v4;
	v4 =	vmul.f32 v55, v56  }
0x3f6: {  	v59 =	vld [tilespmem:s9+$0x1B0]  }
0x3f7: {  	[tilespmem:s9+$0x180] =	vst v4;
	v4 =	vmul.f32 v57, v56  }
0x3f8: {  	v60 =	vld [tilespmem:s9+$0x1C0]  }
0x3f9: {  	[tilespmem:s9+$0x190] =	vst v4;
	v4 =	vmul.f32 v58, v56  }
0x3fa: {  	v61 =	vld [tilespmem:s9+$0x1D0]  }
0x3fb: {  	v3 =	vbroadcast v3, $0xF;
	[tilespmem:s9+$0x1A0] =	vst v4;
	v4 =	vmul.f32 v59, v56  }
0x3fc: {  	v62 =	vld [tilespmem:s9+$0x1E0]  }
0x3fd: {  	v63 =	vld [tilespmem:s9+$0x1F0];
	[tilespmem:s9+$0x1B0] =	vst v4;
	v4 =	vmul.f32 v60, v3;
	_ =	sdelay $0x1  }
0x3fe: {  	p0 =	sne.s32 s0, $0x1C0;
	[tilespmem:s9+$0x1C0] =	vst v4;
	v4 =	vmul.f32 v61, v3  }
.Ltmp12:
0x3ff: {  	_ = 	snop;
	(pc) =	sbr.rel @p0 .LBB2_27-.Ltmp12, $4  }
0x400: {  	[tilespmem:s9+$0x1D0] =	vst v4;
	v4 =	vmul.f32 v62, v3  }
0x401: {  	v3 =	vmul.f32 v63, v3  }
0x402: {  	[tilespmem:s9+$0x1E0] =	vst v4  }
0x403: {  	s0 =	sadd.s32 $0x40, s0;
	[tilespmem:s9+$0x1F0] =	vst v3;
	s9 =	sadd.s32 $0x400, s9  }
0x404: {  	s0 =	sshrl.u32 s19, $0x2  }
0x405: {  	s0 =	sadd.s32 $0x5000, s0  }
0x406: {  	[spmem:s5] =	stream.indirect.scatter.add.f32 [tilespmem:s30], [sflag:$0x3], $0x40, s0, s1, $0x2000b8;
	[tilespmem:$0x1FF20] =	vst v63  }
0x407: {  	_ =	swait.ge [sflag:s25], $0x2000  }
0x408: {  	p0 =	seq.s32 s20, $0x4F;
	[sflag:s25] =	ssyncset.done $0x0  }
0x409: {  	s2 =	simm.s32 @!p0 $0x80;
	s0 =	sshrl.u32 @!p0 s19, $0x2;
	[sflag:s25] =	ssyncadd.s32 $0xFFFFE000  }
0x40a: {  	s9 =	simm.s32 @!p0 $0x11C50;
	s0 =	sadd.s32 @!p0 $0x100, s0;
	s19 =	rddreg [dreg:$0x8]  }
0x40b: {  	v2 =	vmov s16;
	[tilespmem:s9], [sflag:$0x1] =	stream.indirect.gather @!p0 [hbm4b:s19+s2], $0x40, s0, s2, $0x2000b8;
	[tilespmem:$0x1FF20] =	vst v63  }
0x40c: {  	_ =	swait.ge [sflag:s23], $0x2000  }
0x40d: {  	[sflag:s23] =	ssyncset.done $0x0  }
0x40e: {  	s9 =	simm.s32 $0x0;
	s19 =	simm.s32 $0x13E50;
	[sflag:s23] =	ssyncadd.s32 $0xFFFFE000  }
.LBB2_29:
0x40f: {  	s0 =	sshra.s32 s9, $0x2  }
0x410: {  	v3 =	vld.idx.msk [tilespmem:v2+s0+$0x0 ss:$0x1], $0xffff;
	_ =	sdelay $0x1  }
0x411: {  	v4 =	vld [tilespmem:s19+$0xFFFFFE00];
	_ =	sdelay $0x1  }
0x412: {  	v43 =	vld [tilespmem:s19+$0xFFFFFE10]  }
0x413: {  	v5 =	vbroadcast v3, $0x0  }
0x414: {  	v44 =	vld [tilespmem:s19+$0xFFFFFE20]  }
0x415: {  	v4 =	vmul.f32 v5, v4  }
0x416: {  	v45 =	vld [tilespmem:s19+$0xFFFFFE30]  }
0x417: {  	[tilespmem:s19+$0xFFFFFE00] =	vst v4;
	v4 =	vmul.f32 v43, v5  }
0x418: {  	v46 =	vld [tilespmem:s19+$0xFFFFFE40]  }
0x419: {  	[tilespmem:s19+$0xFFFFFE10] =	vst v4;
	v4 =	vmul.f32 v44, v5  }
0x41a: {  	v48 =	vld [tilespmem:s19+$0xFFFFFE50]  }
0x41b: {  	v47 =	vbroadcast v3, $0x1;
	[tilespmem:s19+$0xFFFFFE20] =	vst v4;
	v4 =	vmul.f32 v45, v5  }
0x41c: {  	v49 =	vld [tilespmem:s19+$0xFFFFFE60]  }
0x41d: {  	[tilespmem:s19+$0xFFFFFE30] =	vst v4;
	v4 =	vmul.f32 v46, v47  }
0x41e: {  	v50 =	vld [tilespmem:s19+$0xFFFFFE70]  }
0x41f: {  	[tilespmem:s19+$0xFFFFFE40] =	vst v4;
	v4 =	vmul.f32 v48, v47  }
0x420: {  	v51 =	vld [tilespmem:s19+$0xFFFFFE80]  }
0x421: {  	[tilespmem:s19+$0xFFFFFE50] =	vst v4;
	v4 =	vmul.f32 v49, v47  }
0x422: {  	v53 =	vld [tilespmem:s19+$0xFFFFFE90]  }
0x423: {  	v52 =	vbroadcast v3, $0x2;
	[tilespmem:s19+$0xFFFFFE60] =	vst v4;
	v4 =	vmul.f32 v50, v47  }
0x424: {  	v54 =	vld [tilespmem:s19+$0xFFFFFEA0]  }
0x425: {  	[tilespmem:s19+$0xFFFFFE70] =	vst v4;
	v4 =	vmul.f32 v51, v52  }
0x426: {  	v55 =	vld [tilespmem:s19+$0xFFFFFEB0]  }
0x427: {  	[tilespmem:s19+$0xFFFFFE80] =	vst v4;
	v4 =	vmul.f32 v53, v52  }
0x428: {  	v56 =	vld [tilespmem:s19+$0xFFFFFEC0]  }
0x429: {  	[tilespmem:s19+$0xFFFFFE90] =	vst v4;
	v4 =	vmul.f32 v54, v52  }
0x42a: {  	v58 =	vld [tilespmem:s19+$0xFFFFFED0]  }
0x42b: {  	v57 =	vbroadcast v3, $0x3;
	[tilespmem:s19+$0xFFFFFEA0] =	vst v4;
	v4 =	vmul.f32 v55, v52  }
0x42c: {  	v59 =	vld [tilespmem:s19+$0xFFFFFEE0]  }
0x42d: {  	[tilespmem:s19+$0xFFFFFEB0] =	vst v4;
	v4 =	vmul.f32 v56, v57  }
0x42e: {  	v60 =	vld [tilespmem:s19+$0xFFFFFEF0]  }
0x42f: {  	[tilespmem:s19+$0xFFFFFEC0] =	vst v4;
	v4 =	vmul.f32 v58, v57  }
0x430: {  	v61 =	vld [tilespmem:s19+$0xFFFFFF00]  }
0x431: {  	[tilespmem:s19+$0xFFFFFED0] =	vst v4;
	v4 =	vmul.f32 v59, v57  }
0x432: {  	v63 =	vld [tilespmem:s19+$0xFFFFFF10]  }
0x433: {  	v62 =	vbroadcast v3, $0x4;
	[tilespmem:s19+$0xFFFFFEE0] =	vst v4;
	v4 =	vmul.f32 v60, v57  }
0x434: {  	v8 =	vld [tilespmem:s19+$0xFFFFFF20]  }
0x435: {  	[tilespmem:s19+$0xFFFFFEF0] =	vst v4;
	v4 =	vmul.f32 v61, v62  }
0x436: {  	v9 =	vld [tilespmem:s19+$0xFFFFFF30]  }
0x437: {  	[tilespmem:s19+$0xFFFFFF00] =	vst v4;
	v4 =	vmul.f32 v63, v62  }
0x438: {  	v10 =	vld [tilespmem:s19+$0xFFFFFF40]  }
0x439: {  	[tilespmem:s19+$0xFFFFFF10] =	vst v4;
	v4 =	vmul.f32 v8, v62  }
0x43a: {  	v12 =	vld [tilespmem:s19+$0xFFFFFF50]  }
0x43b: {  	v11 =	vbroadcast v3, $0x5;
	[tilespmem:s19+$0xFFFFFF20] =	vst v4;
	v4 =	vmul.f32 v9, v62  }
0x43c: {  	v13 =	vld [tilespmem:s19+$0xFFFFFF60]  }
0x43d: {  	[tilespmem:s19+$0xFFFFFF30] =	vst v4;
	v4 =	vmul.f32 v10, v11  }
0x43e: {  	v14 =	vld [tilespmem:s19+$0xFFFFFF70]  }
0x43f: {  	[tilespmem:s19+$0xFFFFFF40] =	vst v4;
	v4 =	vmul.f32 v12, v11  }
0x440: {  	v15 =	vld [tilespmem:s19+$0xFFFFFF80]  }
0x441: {  	[tilespmem:s19+$0xFFFFFF50] =	vst v4;
	v4 =	vmul.f32 v13, v11  }
0x442: {  	v17 =	vld [tilespmem:s19+$0xFFFFFF90]  }
0x443: {  	v16 =	vbroadcast v3, $0x6;
	[tilespmem:s19+$0xFFFFFF60] =	vst v4;
	v4 =	vmul.f32 v14, v11  }
0x444: {  	v18 =	vld [tilespmem:s19+$0xFFFFFFA0]  }
0x445: {  	[tilespmem:s19+$0xFFFFFF70] =	vst v4;
	v4 =	vmul.f32 v15, v16  }
0x446: {  	v19 =	vld [tilespmem:s19+$0xFFFFFFB0]  }
0x447: {  	[tilespmem:s19+$0xFFFFFF80] =	vst v4;
	v4 =	vmul.f32 v17, v16  }
0x448: {  	v20 =	vld [tilespmem:s19+$0xFFFFFFC0]  }
0x449: {  	[tilespmem:s19+$0xFFFFFF90] =	vst v4;
	v4 =	vmul.f32 v18, v16  }
0x44a: {  	v22 =	vld [tilespmem:s19+$0xFFFFFFD0]  }
0x44b: {  	v21 =	vbroadcast v3, $0x7;
	[tilespmem:s19+$0xFFFFFFA0] =	vst v4;
	v4 =	vmul.f32 v19, v16  }
0x44c: {  	v23 =	vld [tilespmem:s19+$0xFFFFFFE0]  }
0x44d: {  	[tilespmem:s19+$0xFFFFFFB0] =	vst v4;
	v4 =	vmul.f32 v20, v21  }
0x44e: {  	v24 =	vld [tilespmem:s19+$0xFFFFFFF0]  }
0x44f: {  	[tilespmem:s19+$0xFFFFFFC0] =	vst v4;
	v4 =	vmul.f32 v22, v21  }
0x450: {  	v25 =	vld [tilespmem:s19+$0x0]  }
0x451: {  	[tilespmem:s19+$0xFFFFFFD0] =	vst v4;
	v4 =	vmul.f32 v23, v21  }
0x452: {  	v27 =	vld [tilespmem:s19+$0x10]  }
0x453: {  	v26 =	vbroadcast v3, $0x8;
	[tilespmem:s19+$0xFFFFFFE0] =	vst v4;
	v4 =	vmul.f32 v24, v21  }
0x454: {  	v28 =	vld [tilespmem:s19+$0x20]  }
0x455: {  	[tilespmem:s19+$0xFFFFFFF0] =	vst v4;
	v4 =	vmul.f32 v25, v26  }
0x456: {  	v29 =	vld [tilespmem:s19+$0x30]  }
0x457: {  	[tilespmem:s19+$0x0] =	vst v4;
	v4 =	vmul.f32 v27, v26  }
0x458: {  	v30 =	vld [tilespmem:s19+$0x40]  }
0x459: {  	[tilespmem:s19+$0x10] =	vst v4;
	v4 =	vmul.f32 v28, v26  }
0x45a: {  	v32 =	vld [tilespmem:s19+$0x50]  }
0x45b: {  	v31 =	vbroadcast v3, $0x9;
	[tilespmem:s19+$0x20] =	vst v4;
	v4 =	vmul.f32 v29, v26  }
0x45c: {  	v33 =	vld [tilespmem:s19+$0x60]  }
0x45d: {  	[tilespmem:s19+$0x30] =	vst v4;
	v4 =	vmul.f32 v30, v31  }
0x45e: {  	v34 =	vld [tilespmem:s19+$0x70]  }
0x45f: {  	[tilespmem:s19+$0x40] =	vst v4;
	v4 =	vmul.f32 v32, v31  }
0x460: {  	v35 =	vld [tilespmem:s19+$0x80]  }
0x461: {  	[tilespmem:s19+$0x50] =	vst v4;
	v4 =	vmul.f32 v33, v31  }
0x462: {  	v37 =	vld [tilespmem:s19+$0x90]  }
0x463: {  	v36 =	vbroadcast v3, $0xA;
	[tilespmem:s19+$0x60] =	vst v4;
	v4 =	vmul.f32 v34, v31  }
0x464: {  	v38 =	vld [tilespmem:s19+$0xA0]  }
0x465: {  	[tilespmem:s19+$0x70] =	vst v4;
	v4 =	vmul.f32 v35, v36  }
0x466: {  	v39 =	vld [tilespmem:s19+$0xB0]  }
0x467: {  	[tilespmem:s19+$0x80] =	vst v4;
	v4 =	vmul.f32 v37, v36  }
0x468: {  	v40 =	vld [tilespmem:s19+$0xC0]  }
0x469: {  	[tilespmem:s19+$0x90] =	vst v4;
	v4 =	vmul.f32 v38, v36  }
0x46a: {  	v42 =	vld [tilespmem:s19+$0xD0]  }
0x46b: {  	v41 =	vbroadcast v3, $0xB;
	[tilespmem:s19+$0xA0] =	vst v4;
	v4 =	vmul.f32 v39, v36  }
0x46c: {  	v43 =	vld [tilespmem:s19+$0xE0]  }
0x46d: {  	[tilespmem:s19+$0xB0] =	vst v4;
	v4 =	vmul.f32 v40, v41  }
0x46e: {  	v44 =	vld [tilespmem:s19+$0xF0]  }
0x46f: {  	[tilespmem:s19+$0xC0] =	vst v4;
	v4 =	vmul.f32 v42, v41  }
0x470: {  	v45 =	vld [tilespmem:s19+$0x100]  }
0x471: {  	[tilespmem:s19+$0xD0] =	vst v4;
	v4 =	vmul.f32 v43, v41  }
0x472: {  	v47 =	vld [tilespmem:s19+$0x110]  }
0x473: {  	v46 =	vbroadcast v3, $0xC;
	[tilespmem:s19+$0xE0] =	vst v4;
	v4 =	vmul.f32 v44, v41  }
0x474: {  	v48 =	vld [tilespmem:s19+$0x120]  }
0x475: {  	[tilespmem:s19+$0xF0] =	vst v4;
	v4 =	vmul.f32 v45, v46  }
0x476: {  	v49 =	vld [tilespmem:s19+$0x130]  }
0x477: {  	[tilespmem:s19+$0x100] =	vst v4;
	v4 =	vmul.f32 v47, v46  }
0x478: {  	v50 =	vld [tilespmem:s19+$0x140]  }
0x479: {  	[tilespmem:s19+$0x110] =	vst v4;
	v4 =	vmul.f32 v48, v46  }
0x47a: {  	v52 =	vld [tilespmem:s19+$0x150]  }
0x47b: {  	v51 =	vbroadcast v3, $0xD;
	[tilespmem:s19+$0x120] =	vst v4;
	v4 =	vmul.f32 v49, v46  }
0x47c: {  	v53 =	vld [tilespmem:s19+$0x160]  }
0x47d: {  	[tilespmem:s19+$0x130] =	vst v4;
	v4 =	vmul.f32 v50, v51  }
0x47e: {  	v54 =	vld [tilespmem:s19+$0x170]  }
0x47f: {  	[tilespmem:s19+$0x140] =	vst v4;
	v4 =	vmul.f32 v52, v51  }
0x480: {  	v55 =	vld [tilespmem:s19+$0x180]  }
0x481: {  	[tilespmem:s19+$0x150] =	vst v4;
	v4 =	vmul.f32 v53, v51  }
0x482: {  	v57 =	vld [tilespmem:s19+$0x190]  }
0x483: {  	v56 =	vbroadcast v3, $0xE;
	[tilespmem:s19+$0x160] =	vst v4;
	v4 =	vmul.f32 v54, v51  }
0x484: {  	v58 =	vld [tilespmem:s19+$0x1A0]  }
0x485: {  	[tilespmem:s19+$0x170] =	vst v4;
	v4 =	vmul.f32 v55, v56  }
0x486: {  	v59 =	vld [tilespmem:s19+$0x1B0]  }
0x487: {  	[tilespmem:s19+$0x180] =	vst v4;
	v4 =	vmul.f32 v57, v56  }
0x488: {  	v60 =	vld [tilespmem:s19+$0x1C0]  }
0x489: {  	[tilespmem:s19+$0x190] =	vst v4;
	v4 =	vmul.f32 v58, v56  }
0x48a: {  	v61 =	vld [tilespmem:s19+$0x1D0]  }
0x48b: {  	v3 =	vbroadcast v3, $0xF;
	[tilespmem:s19+$0x1A0] =	vst v4;
	v4 =	vmul.f32 v59, v56  }
0x48c: {  	v62 =	vld [tilespmem:s19+$0x1E0]  }
0x48d: {  	v63 =	vld [tilespmem:s19+$0x1F0];
	[tilespmem:s19+$0x1B0] =	vst v4;
	v4 =	vmul.f32 v60, v3;
	_ =	sdelay $0x1  }
0x48e: {  	p0 =	sne.s32 s9, $0x1C0;
	[tilespmem:s19+$0x1C0] =	vst v4;
	v4 =	vmul.f32 v61, v3  }
.Ltmp13:
0x48f: {  	_ = 	snop;
	(pc) =	sbr.rel @p0 .LBB2_29-.Ltmp13, $4  }
0x490: {  	[tilespmem:s19+$0x1D0] =	vst v4;
	v4 =	vmul.f32 v62, v3  }
0x491: {  	v3 =	vmul.f32 v63, v3  }
0x492: {  	[tilespmem:s19+$0x1E0] =	vst v4  }
0x493: {  	s9 =	sadd.s32 $0x40, s9;
	[tilespmem:s19+$0x1F0] =	vst v3;
	s19 =	sadd.s32 $0x400, s19  }
0x494: {  	s20 =	sadd.s32 $0x1, s20  }
0x495: {  	p0 =	sne.s32 s20, $0x50  }
.Ltmp14:
0x496: {  	s0 =	sadd.s32 $0x5000, s12;
	(pc) =	sbr.rel @p0 .LBB2_26-.Ltmp14, $4  }
0x497: {  	[spmem:s5] =	stream.indirect.scatter.add.f32 [tilespmem:s15], [sflag:$0x3], $0x40, s0, s1, $0x2000b8;
	[tilespmem:$0x1FF20] =	vst v63  }
0x498: {  	_ =	swait.ge [sflag:s25], $0x2000  }
0x499: {  	[sflag:s25] =	ssyncset.done $0x0  }
0x49a: {  	s21 =	sadd.s32 $0x100, s21;
	s16 =	sadd.s32 $0x100, s16;
	[sflag:s25] =	ssyncadd.s32 $0xFFFFE000  }
0x49b: {  	[bflag:$0x0] =	sbarrier.arrive $0xFFFF  }
0x49c: {  	_ =	strace $0x9000004C  }
0x49d: {  	_ =	strace $0x8000004D  }
0x49e: {  	s0 =	simm.s32 $0x0;
	s19 =	simm.s32 $0x15C50;
	s2 =	rddreg [dreg:$0x10]  }
0x49f: {  	[tilespmem:s19], [sflag:$0x3] =	stream.linear.gather [hbm4b:s2+s0], $0x40, $0x200038;
	[tilespmem:$0x1FF20] =	vst v63  }
0x4a0: {  	_ =	swait.ge [sflag:s25], $0x40  }
0x4a1: {  	[sflag:s25] =	ssyncset.done $0x0  }
0x4a2: {  	[sflag:s25] =	ssyncadd.s32 $0xFFFFFFC0  }
.LBB2_32:
0x4a3: {  	s2 =	sshll.u32 s0, $0x7  }
0x4a4: {  	s9 =	sadd.s32 s14, s2  }
0x4a5: {  	s2 =	sshll.u32 s9, $0x6  }
0x4a6: {  	s2 =	sand.u32 $0x3FFFFFC0, s2  }
0x4a7: {  	s2 =	sadd.s32 s2, s5  }
0x4a8: {  	[tilespmem:s30], [sflag:$0x3] =	stream.linear.gather [spmem:s2], $0x2000, $0x200038;
	[tilespmem:$0x1FF20] =	vst v63  }
0x4a9: {  	_ =	swait.ge [sflag:s25], $0x2000  }
0x4aa: {  	[sflag:s25] =	ssyncset.done $0x0  }
0x4ab: {  	s12 =	simm.s32 $0x0;
	[sflag:s25] =	ssyncadd.s32 $0xFFFFE000  }
0x4ac: {  	s16 =	simm.s32 $0x100;
	v2 =	vld [tilespmem:s12+$0x11C50]  }
.LBB2_33:
0x4ad: {  	p0 =	sne.s32 s16, $0x7F00;
	v3 =	vld [tilespmem:$0x15C50];
	_ =	sdelay $0x4  }
0x4ae: {  	v2 =	vadd.f32 v3, v2;
	_ =	sdelay $0x1  }
0x4af: {  	[tilespmem:s12+$0x11C50] =	vst v2;
	v2 =	vld [tilespmem:s12+$0x11C60]  }
0x4b0: {  	v3 =	vld [tilespmem:$0x15C60];
	_ =	sdelay $0x4  }
0x4b1: {  	v2 =	vadd.f32 v3, v2;
	_ =	sdelay $0x1  }
0x4b2: {  	[tilespmem:s12+$0x11C60] =	vst v2;
	v2 =	vld [tilespmem:s12+$0x11C70]  }
0x4b3: {  	v3 =	vld [tilespmem:$0x15C70];
	_ =	sdelay $0x4  }
0x4b4: {  	v2 =	vadd.f32 v3, v2;
	_ =	sdelay $0x1  }
0x4b5: {  	[tilespmem:s12+$0x11C70] =	vst v2;
	v2 =	vld [tilespmem:s12+$0x11C80]  }
0x4b6: {  	v3 =	vld [tilespmem:$0x15C80];
	_ =	sdelay $0x2  }
.Ltmp15:
0x4b7: {  	(pc) =	sbr.rel @p0 .LBB2_33-.Ltmp15, $4  }
0x4b8: {  	_ = 	snop  }
0x4b9: {  	v3 =	vadd.f32 v3, v2  }
0x4ba: {  	s2 =	sshra.s32 s16, $0x2  }
0x4bb: {  	s16 =	sadd.s32 $0x100, s16;
	v2 =	vld [tilespmem:s2+$0x11C50];
	[tilespmem:s12+$0x11C80] =	vst v3;
	s12 =	smov.u32 s2  }
0x4bc: {  	v3 =	vld [tilespmem:$0x15C50];
	_ =	sdelay $0x4  }
0x4bd: {  	v2 =	vadd.f32 v3, v2;
	_ =	sdelay $0x1  }
0x4be: {  	[tilespmem:s12+$0x11C50] =	vst v2;
	v2 =	vld [tilespmem:s12+$0x11C60]  }
0x4bf: {  	v3 =	vld [tilespmem:$0x15C60];
	_ =	sdelay $0x4  }
0x4c0: {  	v2 =	vadd.f32 v3, v2;
	_ =	sdelay $0x1  }
0x4c1: {  	[tilespmem:s12+$0x11C60] =	vst v2;
	v2 =	vld [tilespmem:s12+$0x11C70]  }
0x4c2: {  	v3 =	vld [tilespmem:$0x15C70];
	_ =	sdelay $0x4  }
0x4c3: {  	v2 =	vadd.f32 v3, v2;
	_ =	sdelay $0x1  }
0x4c4: {  	[tilespmem:s12+$0x11C70] =	vst v2;
	v2 =	vld [tilespmem:s12+$0x11C80]  }
0x4c5: {  	v3 =	vld [tilespmem:$0x15C80];
	_ =	sdelay $0x4  }
0x4c6: {  	s2 =	sadd.s32 s13, s9;
	s0 =	sadd.s32 $0x1, s0;
	v2 =	vadd.f32 v3, v2  }
0x4c7: {  	s2 =	sshll.u32 s2, $0x3;
	p0 =	sne.s32 s0, $0x5  }
.Ltmp16:
0x4c8: {  	s2 =	sadd.s32 s7, s2;
	[tilespmem:s12+$0x11C80] =	vst v2;
	(pc) =	sbr.rel @p0 .LBB2_32-.Ltmp16, $4  }
0x4c9: {  	[hbm4b:s2+s6] =	stream.linear.scatter [tilespmem:s30], [sflag:$0x3], $0x2000, $0x200038;
	[tilespmem:$0x1FF20] =	vst v63  }
0x4ca: {  	_ =	swait.ge [sflag:s25], $0x2000  }
0x4cb: {  	[sflag:s25] =	ssyncset.done $0x0  }
0x4cc: {  	[sflag:s25] =	ssyncadd.s32 $0xFFFFE000  }
0x4cd: {  	[bflag:$0x0] =	sbarrier.arrive $0xFFFF  }
0x4ce: {  	_ =	strace $0x9000004D  }
0x4cf: {  	s0 =	sadd.s32 $0x0, s24;
	_ =	strace $0x8000004E  }
0x4d0: {  	[tilespmem:s10], [sflag:$0x3] =	stream.linear.gather [hbm4b:s0+s6], $0x50, $0x200038;
	[tilespmem:$0x1FF20] =	vst v63  }
0x4d1: {  	_ =	swait.ge [sflag:s25], $0x50  }
0x4d2: {  	[sflag:s25] =	ssyncset.done $0x0  }
0x4d3: {  	[sflag:s25] =	ssyncadd.s32 $0xFFFFFFB0  }
0x4d4: {  	v2 =	vld [tilespmem:$0x11C40]  }
0x4d5: {  	v3 =	vld [tilespmem:$0x11C20]  }
0x4d6: {  	v4 =	vld [tilespmem:$0x11C30]  }
0x4d7: {  	v5 =	vld [tilespmem:$0x11C00]  }
0x4d8: {  	v6 =	vld [tilespmem:$0x11C10]  }
0x4d9: {  	v2 =	vadd.s32 v0, v2  }
0x4da: {  	v3 =	vadd.s32 v0, v3;
	[tilespmem:$0x11C40] =	vst v2  }
0x4db: {  	[tilespmem:$0x11C20] =	vst v3;
	v2 =	vadd.s32 v0, v4  }
0x4dc: {  	v3 =	vadd.s32 v0, v5;
	[tilespmem:$0x11C30] =	vst v2  }
0x4dd: {  	[tilespmem:$0x11C00] =	vst v3;
	v2 =	vadd.s32 v0, v6  }
0x4de: {  	[tilespmem:$0x11C10] =	vst v2  }
0x4df: {  	[tilespmem:s30], [sflag:$0x3] =	stream.indirect.gather [hbm4b:s7+s18], $0x40, s10, s18, $0x2000b8;
	[tilespmem:$0x1FF20] =	vst v63  }
0x4e0: {  	_ =	swait.ge [sflag:s25], $0x1400  }
0x4e1: {  	s12 =	rddreg [dreg:$0x11]  }
0x4e2: {  	s0 =	simm.s32 $0xA;
	[sflag:s25] =	ssyncset.done $0x0;
	s9 =	smov.u32 s12  }
.LBB2_36:
0x4e3: {  	p0 =	sne.s32 s0, $0x5A  }
0x4e4: {  	[sflag:s25] =	ssyncadd.s32 $0xFFFFEC00;
	s9 =	sadd.s32 $0x280, s9;
	s2 =	smov.u32 s0  }
0x4e5: {  	[hbm4b:s12+s6] =	stream.linear.scatter [tilespmem:s30], [sflag:$0x3], $0x1400, $0x200038;
	[tilespmem:$0x1FF20] =	vst v63  }
0x4e6: {  	s0 =	sadd.s32 $0xA, s0;
	s12 =	smov.u32 s9;
	_ =	swait.ge [sflag:s25], $0x1400  }
0x4e7: {  	[sflag:s25] =	ssyncset.done $0x0  }
0x4e8: {  	s2 =	sadd.s32 s2, s24;
	[sflag:s25] =	ssyncadd.s32 $0xFFFFEC00  }
0x4e9: {  	[tilespmem:s10], [sflag:$0x3] =	stream.linear.gather [hbm4b:s2+s6], $0x50, $0x200038;
	[tilespmem:$0x1FF20] =	vst v63  }
0x4ea: {  	_ =	swait.ge [sflag:s25], $0x50  }
0x4eb: {  	[sflag:s25] =	ssyncset.done $0x0  }
0x4ec: {  	[sflag:s25] =	ssyncadd.s32 $0xFFFFFFB0  }
0x4ed: {  	v2 =	vld [tilespmem:$0x11C40]  }
0x4ee: {  	v3 =	vld [tilespmem:$0x11C20]  }
0x4ef: {  	v4 =	vld [tilespmem:$0x11C30]  }
0x4f0: {  	v5 =	vld [tilespmem:$0x11C00]  }
0x4f1: {  	v6 =	vld [tilespmem:$0x11C10]  }
0x4f2: {  	v2 =	vadd.s32 v0, v2  }
0x4f3: {  	v3 =	vadd.s32 v0, v3;
	[tilespmem:$0x11C40] =	vst v2  }
0x4f4: {  	[tilespmem:$0x11C20] =	vst v3;
	v2 =	vadd.s32 v0, v4  }
0x4f5: {  	v3 =	vadd.s32 v0, v5;
	[tilespmem:$0x11C30] =	vst v2  }
.Ltmp17:
0x4f6: {  	[tilespmem:$0x11C00] =	vst v3;
	v2 =	vadd.s32 v0, v6;
	(pc) =	sbr.rel @p0 .LBB2_36-.Ltmp17, $4  }
0x4f7: {  	[tilespmem:$0x11C10] =	vst v2  }
0x4f8: {  	[tilespmem:s30], [sflag:$0x3] =	stream.indirect.gather [hbm4b:s7+s18], $0x40, s10, s18, $0x2000b8;
	[tilespmem:$0x1FF20] =	vst v63  }
0x4f9: {  	_ =	swait.ge [sflag:s25], $0x1400  }
0x4fa: {  	[sflag:s25] =	ssyncset.done $0x0  }
0x4fb: {  	[sflag:s25] =	ssyncadd.s32 $0xFFFFEC00  }
0x4fc: {  	[hbm4b:s12+s6] =	stream.linear.scatter [tilespmem:s30], [sflag:$0x3], $0x1400, $0x200038;
	[tilespmem:$0x1FF20] =	vst v63  }
0x4fd: {  	_ =	swait.ge [sflag:s25], $0x1400  }
0x4fe: {  	s2 =	rddreg [dreg:$0x18]  }
0x4ff: {  	s0 =	rddreg [dreg:$0x12];
	s2 =	sadd.s32 $0x1, s2  }
0x500: {  	p0 =	sne.s32 s2, s0  }
.Ltmp18:
0x501: {  	_ = 	snop;
	(pc) =	sbr.rel @p0 .LBB2_1-.Ltmp18, $4  }
0x502: {  	_ = 	snop  }
0x503: {  	[sflag:s25] =	ssyncset.done $0x0  }
0x504: {  	[sflag:s25] =	ssyncadd.s32 $0xFFFFEC00  }
0x505: {  	_ =	strace $0x9000004E  }
0x506: {  	_ =	sfence.sel $0x180000  }
0x507: {  	[bflag:$0x0] =	sbarrier.arrive $0xFFFF  }
0x508: {  	_ =	strace $0x90000047  }
0x509: {  	s0 =	stileid.u32;
	[bflag:$0x2] =	sbarrier.arrive $0xFFFF  }
0x50a: {  	p0 =	sne.s32 s0, $0x0;
	s0 =	rddreg [dreg:$0xb]  }
0x50b: {  	s0 =	sadd.s32 @!p0 $0x100000, s0  }
0x50c: {  	[sflag:s0] =	ssyncadd.tile.s32 @!p0 $0x1;
	_ =	shalt  }
.Lfunc_end2:
_tile_overlayer_lowered:
.L_overlay_start_2:
0x50d: {  	(tag) =	ssettag $0x2  }
0x50e: {  	s0 =	rddreg [dreg:$0x0];
	s2 =	stileid.u32  }
0x50f: {  	s1 =	rddreg [dreg:$0x1];
	p0 =	sne.s32 s2, $0x0  }
0x510: {  	s3 =	rddreg [dreg:$0x2];
	[bflag:$0x3] =	sbarrier.arrive $0xFFFF;
	s2 =	simm.s32 @!p0 $0x1C03  }
0x511: {  	[timem:s3], [sflag:s2] =	dma.local @!p0 [hbm:s0], s1  }
0x512: {  	s0 =	simm.s32 @!p0 $0x3  }
0x513: {  	_ =	swait.ge @!p0 [sflag:s0], s1  }
0x514: {  	s1 =	ssub.s32 @!p0 $0x0, s1;
	[sflag:s0] =	ssyncset.done @!p0 $0x0  }
0x515: {  	[sflag:s0] =	ssyncadd.s32 @!p0 s1  }
0x516: {  	[bflag:$0x3] =	sbarrier.arrive $0xFFFF  }
0x517: {  	_ =	shalt  }

</sc_bundles>
